<compile_context>
chip_gen: v7x
topology: tpu7x:2x2x1
jax: 0.10.2.dev20260603
libtpu: 0.0.44.dev20260713+nightly
codegen_flags: <defaults>
</compile_context>

<pallas_src>
import functools

import jax
import jax.numpy as jnp
from jax import lax
from jax.experimental import pallas as pl
from jax.experimental.pallas import tpu as pltpu
from jax.experimental.pallas import tpu_sc as plsc

N = 100000
N_GRID = 128
DX = 0.0078125
DT = 0.0001
P_VOL = 1.52587890625e-05
P_RHO = 1.0
INV_DX = float(N_GRID)
P_MASS = P_VOL * P_RHO
E_GUESS = 1000.0
NU_GUESS = 0.2
MU = E_GUESS / (2.0 * (1.0 + NU_GUESS))
LA = E_GUESS * NU_GUESS / ((1.0 + NU_GUESS) * (1.0 - 2.0 * NU_GUESS))

NPAD = 102400
ROWS = NPAD // 128
BLK = 25600
RBLK = BLK // 128
NBLK = NPAD // BLK

NSLICE = 8
PSLICE = NPAD // NSLICE
CH = 3200
NCHUNK = PSLICE // CH
STRESS_K = -DT * P_VOL * 4.0 * INV_DX * INV_DX


def _stage1_body(w_ref, x_ref, v_ref, c_ref, f_ref, b2_ref, w6_ref, q_ref):
    pid = pl.program_id(0)
    x0 = x_ref[0]
    x1 = x_ref[1]
    v0 = v_ref[0]
    v1 = v_ref[1]
    C00 = c_ref[0]
    C01 = c_ref[1]
    C10 = c_ref[2]
    C11 = c_ref[3]
    F00 = f_ref[0]
    F01 = f_ref[1]
    F10 = f_ref[2]
    F11 = f_ref[3]
    W0 = w_ref[0, 0]
    W1 = w_ref[0, 1]

    ii = lax.broadcasted_iota(jnp.int32, (RBLK, 128), 0)
    jj = lax.broadcasted_iota(jnp.int32, (RBLK, 128), 1)
    gid = pid * BLK + ii * 128 + jj
    is_real = gid < N
    maskf = jnp.where(is_real, 1.0, 0.0).astype(jnp.float32)

    xs0 = x0 * INV_DX
    xs1 = x1 * INV_DX
    bx = (xs0 - 0.5).astype(jnp.int32)
    by = (xs1 - 0.5).astype(jnp.int32)
    fx0 = xs0 - bx.astype(jnp.float32)
    fx1 = xs1 - by.astype(jnp.float32)
    bx = jnp.where(is_real, bx, 0)
    by = jnp.where(is_real, by, jj % 32)

    wx0 = 0.5 * (1.5 - fx0) ** 2 * maskf
    wx1 = (0.75 - (fx0 - 1.0) ** 2) * maskf
    wx2 = 0.5 * (fx0 - 0.5) ** 2 * maskf
    wy0 = 0.5 * (1.5 - fx1) ** 2
    wy1 = 0.75 - (fx1 - 1.0) ** 2
    wy2 = 0.5 * (fx1 - 0.5) ** 2

    C00r = C00.astype(jnp.bfloat16).astype(jnp.float32)
    C01r = C01.astype(jnp.bfloat16).astype(jnp.float32)
    C10r = C10.astype(jnp.bfloat16).astype(jnp.float32)
    C11r = C11.astype(jnp.bfloat16).astype(jnp.float32)
    F00r = F00.astype(jnp.bfloat16).astype(jnp.float32)
    F01r = F01.astype(jnp.bfloat16).astype(jnp.float32)
    F10r = F10.astype(jnp.bfloat16).astype(jnp.float32)
    F11r = F11.astype(jnp.bfloat16).astype(jnp.float32)
    a = F00 + DT * (C00r * F00r + C01r * F10r)
    b = F01 + DT * (C00r * F01r + C01r * F11r)
    c = F10 + DT * (C10r * F00r + C11r * F10r)
    d = F11 + DT * (C10r * F01r + C11r * F11r)

    def rt(t):
        return t.astype(jnp.bfloat16).astype(jnp.float32)

    ar = rt(a)
    br = rt(b)
    cr = rt(c)
    dr = rt(d)
    Cm00 = ar * ar + cr * cr
    Cm01 = ar * br + cr * dr
    Cm10 = br * ar + dr * cr
    Cm11 = br * br + dr * dr
    tr = Cm00 + Cm11
    det = Cm00 * Cm11 - Cm01 * Cm10
    raw = tr * tr - 4.0 * det
    delta = jnp.sqrt(jnp.maximum(raw, 1e-8))
    u1 = 0.5 * (tr + delta)
    s1 = jnp.sqrt(jnp.maximum(u1, 1e-8))
    u2 = 0.5 * (tr - delta)
    s2 = jnp.sqrt(jnp.maximum(u2, 1e-8))
    g1 = rt(W0) + 2.0 * MU * (s1 - 1.0) + LA * (s1 * s2 - 1.0) * s2
    g2 = rt(W1) + 2.0 * MU * (s2 - 1.0) + LA * (s1 * s2 - 1.0) * s1
    a1 = jnp.where(u1 > 1e-8, 1.0, 0.0) / (2.0 * s1)
    a2 = jnp.where(u2 > 1e-8, 1.0, 0.0) / (2.0 * s2)
    p_tr = 0.5 * (g1 * a1 + g2 * a2)
    p_raw = 0.5 * (g1 * a1 - g2 * a2) * jnp.where(raw > 1e-8, 1.0, 0.0) / (2.0 * delta)
    dtr = p_tr + p_raw * 2.0 * tr
    ddet = -4.0 * p_raw
    ct00 = rt(dtr + ddet * Cm11)
    ct01 = rt(-ddet * Cm10)
    ct10 = rt(-ddet * Cm01)
    ct11 = rt(dtr + ddet * Cm00)
    G00 = (ar * ct00 + br * ct01) + (ar * ct00 + br * ct10)
    G01 = (ar * ct10 + br * ct11) + (ar * ct01 + br * ct11)
    G10 = (cr * ct00 + dr * ct01) + (cr * ct00 + dr * ct10)
    G11 = (cr * ct10 + dr * ct11) + (cr * ct01 + dr * ct11)
    Gr00 = rt(G00)
    Gr01 = rt(G01)
    Gr10 = rt(G10)
    Gr11 = rt(G11)
    aff00 = STRESS_K * (Gr00 * ar + Gr01 * br) + P_MASS * C00
    aff01 = STRESS_K * (Gr00 * cr + Gr01 * dr) + P_MASS * C01
    aff10 = STRESS_K * (Gr10 * ar + Gr11 * br) + P_MASS * C10
    aff11 = STRESS_K * (Gr10 * cr + Gr11 * dr) + P_MASS * C11
    mv0 = P_MASS * v0 - (aff00 * x0 + aff01 * x1)
    mv1 = P_MASS * v1 - (aff10 * x0 + aff11 * x1)

    b2_ref[0] = bx.reshape(BLK)
    b2_ref[1] = by.reshape(BLK)
    w6_ref[0] = wx0.reshape(BLK)
    w6_ref[1] = wx1.reshape(BLK)
    w6_ref[2] = wx2.reshape(BLK)
    w6_ref[3] = wy0.reshape(BLK)
    w6_ref[4] = wy1.reshape(BLK)
    w6_ref[5] = wy2.reshape(BLK)
    q_ref[0] = mv0.reshape(BLK)
    q_ref[1] = mv1.reshape(BLK)
    q_ref[2] = aff00.reshape(BLK)
    q_ref[3] = aff01.reshape(BLK)
    q_ref[4] = aff10.reshape(BLK)
    q_ref[5] = aff11.reshape(BLK)
    q_ref[6] = jnp.full((BLK,), P_MASS, jnp.float32)
    q_ref[7] = jnp.zeros((BLK,), jnp.float32)


def _stage1(x, v, C, F, W):
    pad = NPAD - N
    xT = jnp.pad(x, ((0, pad), (0, 0))).T.reshape(2, ROWS, 128)
    vT = jnp.pad(v, ((0, pad), (0, 0))).T.reshape(2, ROWS, 128)
    CT = jnp.pad(C, ((0, pad), (0, 0), (0, 0))).transpose(1, 2, 0).reshape(4, ROWS, 128)
    FT = jnp.pad(F, ((0, pad), (0, 0), (0, 0))).transpose(1, 2, 0).reshape(4, ROWS, 128)
    b2, w6, q = pl.pallas_call(
        _stage1_body,
        grid=(NBLK,),
        in_specs=[
            pl.BlockSpec(memory_space=pltpu.SMEM),
            pl.BlockSpec((2, RBLK, 128), lambda i: (0, i, 0)),
            pl.BlockSpec((2, RBLK, 128), lambda i: (0, i, 0)),
            pl.BlockSpec((4, RBLK, 128), lambda i: (0, i, 0)),
            pl.BlockSpec((4, RBLK, 128), lambda i: (0, i, 0)),
        ],
        out_specs=[
            pl.BlockSpec((2, BLK), lambda i: (0, i)),
            pl.BlockSpec((6, BLK), lambda i: (0, i)),
            pl.BlockSpec((8, BLK), lambda i: (0, i)),
        ],
        out_shape=[
            jax.ShapeDtypeStruct((2, NPAD), jnp.int32),
            jax.ShapeDtypeStruct((6, NPAD), jnp.float32),
            jax.ShapeDtypeStruct((8, NPAD), jnp.float32),
        ],
    )(W, xT, vT, CT, FT)
    return b2, w6, q


@functools.cache
def _make_sc_scatter():
  mesh = plsc.VectorSubcoreMesh(core_axis_name="c", subcore_axis_name="s")

  buf_dtypes = [jnp.int32, jnp.int32] + [jnp.float32] * 8
  @functools.partial(
    pl.kernel,
    mesh=mesh,
    compiler_params=pltpu.CompilerParams(needs_layout_passes=False),
    out_type=jax.ShapeDtypeStruct((32, 2, 16384), jnp.float32),
    scratch_types=[
        pltpu.VMEM((16384,), jnp.float32),
        pltpu.VMEM((16384,), jnp.float32),
    ] + [pltpu.VMEM((CH,), dt) for dt in buf_dtypes * 2] + [
        pltpu.SemaphoreType.DMA,
        pltpu.SemaphoreType.DMA,
    ],
  )
  def _sc_scatter(zeros_hbm, b2, w6, q, out, g0, g1, *rest):
    bufs = (rest[0:10], rest[10:20])
    sems = (rest[20], rest[21])
    cid = lax.axis_index("c")
    sid = lax.axis_index("s")
    wid = cid * 16 + sid
    pair = lax.rem(sid, 4)
    grp = cid * 4 + lax.div(sid, 4)
    ch0 = pair * 2
    ch1 = ch0 + 1
    iota16 = lax.iota(jnp.int32, 16)

    z0 = pltpu.async_copy(zeros_hbm, g0, sems[0])
    z1 = pltpu.async_copy(zeros_hbm, g1, sems[0])

    def issue(chunk):
      p = chunk % 2
      off = grp * PSLICE + chunk * CH
      rows = [(b2, 0), (b2, 1), (w6, 0), (w6, 1), (w6, 2), (w6, 3),
              (w6, 4), (w6, 5), (q, ch0), (q, ch1)]
      cps = []
      for buf, (arr, r) in zip(bufs[p], rows):
        cps.append(pltpu.async_copy(arr.at[r, pl.ds(off, CH)], buf, sems[p]))
      return cps

    z0.wait()
    z1.wait()
    pending = issue(0)

    for chunk in range(NCHUNK):
      p = chunk % 2
      nxt = issue(chunk + 1) if chunk + 1 < NCHUNK else None
      for cp in pending:
        cp.wait()
      pending = nxt
      bxv, byv, w0v, w1v, w2v, w3v, w4v, w5v, qav, qbv = bufs[p]

      @plsc.parallel_loop(0, CH // 16, unroll=4)
      def _group(g):
        o = g * 16
        cx = bxv[pl.ds(o, 16)]
        cy = byv[pl.ds(o, 16)]
        wx = [w0v[pl.ds(o, 16)], w1v[pl.ds(o, 16)], w2v[pl.ds(o, 16)]]
        wy = [w3v[pl.ds(o, 16)], w4v[pl.ds(o, 16)], w5v[pl.ds(o, 16)]]
        qa = qav[pl.ds(o, 16)]
        qb = qbv[pl.ds(o, 16)]
        cell = cx * 128 + cy
        occ, _ = plsc.scan_count(cell)
        lo = jnp.min(occ)
        hi = jnp.max(occ)

        @pl.when(hi == lo)
        def _fast():
          for i in range(3):
            wqa = wx[i] * qa
            wqb = wx[i] * qb
            for j in range(3):
              idx = cell + (i * 128 + j)
              plsc.addupdate_scatter(g0, [idx], wqa * wy[j])
              plsc.addupdate_scatter(g1, [idx], wqb * wy[j])

        @pl.when(hi != lo)
        def _slow():
          def _mpass(m, c2):
            msk = occ == m
            for i in range(3):
              for j in range(3):
                wp = wx[i] * wy[j]
                idx = cell + (i * 128 + j)
                plsc.addupdate_scatter(g0, [idx], wp * qa, mask=msk)
                plsc.addupdate_scatter(g1, [idx], wp * qb, mask=msk)
            return c2

          lax.fori_loop(lo, hi + 1, _mpass, 0)


    pltpu.sync_copy(g0, out.at[wid, 0])
    pltpu.sync_copy(g1, out.at[wid, 1])

  return _sc_scatter


def _combine_body(p_ref, gv_ref, gm_ref, ga_ref):
    def chan(c):
        pair = c // 2
        slot = c % 2
        acc = None
        for cid2 in range(2):
            for u in range(4):
                wid = cid2 * 16 + pair + 4 * u
                t = p_ref[wid, slot]
                acc = t if acc is None else acc + t
        return acc

    gv_ref[0] = chan(0)
    gv_ref[1] = chan(1)
    gm_ref[...] = chan(6)
    for c in range(2, 6):
        ga_ref[c - 2] = chan(c)


def _combine(partials):
    gv2, gm, ga4 = pl.pallas_call(
        _combine_body,
        out_shape=[
            jax.ShapeDtypeStruct((2, 128, 128), jnp.float32),
            jax.ShapeDtypeStruct((128, 128), jnp.float32),
            jax.ShapeDtypeStruct((4, 128, 128), jnp.float32),
        ],
    )(partials.reshape(32, 2, 128, 128))
    grid_v = jnp.moveaxis(gv2, 0, -1)
    grid_affine = jnp.moveaxis(ga4, 0, -1).reshape(128, 128, 2, 2)
    return grid_v, gm, grid_affine


@jax.jit
def kernel(x, v, C, F, material, Jp, W, b):
    b2, w6, q = _stage1(x, v, C, F, W)
    zeros = jnp.zeros((16384,), jnp.float32)
    partials = _make_sc_scatter()(zeros, b2, w6, q)
    return _combine(partials)

# --- scband reference (transcript-rebuilt; emitter-appended) ---
"""Pipeline reference for scband-mpmmodel-learned-phi-70944269796238 (READ-ONLY COPY).

The authoritative reference and input builder live on the scoring server;
editing this copy changes nothing except your own understanding.
"""

import jax, jax.numpy as jnp
import numpy as np

N = 100000
N_GRID = 128
DX = 0.0078125
DT = 0.0001
P_VOL = 1.52587890625e-05
P_RHO = 1.0
INV_DX = float(N_GRID)
P_MASS = P_VOL * P_RHO
E_GUESS = 1000.0
NU_GUESS = 0.2
MU = E_GUESS / (2.0 * (1.0 + NU_GUESS))
LA = E_GUESS * NU_GUESS / ((1.0 + NU_GUESS) * (1.0 - 2.0 * NU_GUESS))


def setup_inputs(seed: int = 0) -> dict:
    key = jax.random.key(seed)
    ks = jax.random.split(key, 8)
    # positions scaled into [0.05, 0.95) so that base+offset stays inside the grid
    x = 0.05 + 0.9 * jax.random.uniform(ks[0], (N, 2), dtype=jnp.float32)
    v = jax.random.normal(ks[1], (N, 2), dtype=jnp.float32)
    C = 0.1 * jax.random.normal(ks[2], (N, 2, 2), dtype=jnp.float32)
    F = jnp.eye(2, dtype=jnp.float32)[None, :, :] + 0.05 * jax.random.normal(ks[3], (N, 2, 2), dtype=jnp.float32)
    material = jax.random.randint(ks[4], (N,), 0, 3, dtype=jnp.int64 if jax.config.jax_enable_x64 else jnp.int32)
    Jp = jnp.ones((N,), dtype=jnp.float32)
    # learned PsiModel2d params: nn.Linear(2, 1)
    W = 0.1 * jax.random.normal(ks[5], (1, 2), dtype=jnp.float32)
    b = jnp.zeros((1,), dtype=jnp.float32)
    return {"x": x, "v": v, "C": C, "F": F, "material": material, "Jp": Jp, "W": W, "b": b}


def _psi(Fn, W, b):
    # PsiModel2d, input_type='eigen', correcting=True, learn=True, base_model='fixed_corotated'
    Cm = jnp.einsum('nki,nkj->nij', Fn, Fn)  # F^T F
    tr_C = Cm[:, 0, 0] + Cm[:, 1, 1]
    det_C = Cm[:, 0, 0] * Cm[:, 1, 1] - Cm[:, 0, 1] * Cm[:, 1, 0]
    delta = jnp.clip(tr_C ** 2 - 4.0 * det_C, 1e-8, None)
    delta = jnp.sqrt(delta)
    sigma_1 = jnp.sqrt(jnp.clip(0.5 * (tr_C + delta), 1e-8, None))
    sigma_2 = jnp.sqrt(jnp.clip(0.5 * (tr_C - delta), 1e-8, None))
    feat = jnp.stack([sigma_1, sigma_2], axis=1)
    Psi_est = MU * ((sigma_1 - 1.0) ** 2 + (sigma_2 - 1.0) ** 2) + LA / 2.0 * (sigma_1 * sigma_2 - 1.0) ** 2
    out = (feat @ W.T + b[None, :]).squeeze(-1)
    return out + Psi_est


def reference(x, v, C, F, material, Jp, W, b):
    base = (x * INV_DX - 0.5).astype(jnp.int32)
    fx = x * INV_DX - base.astype(jnp.float32)
    w = [0.5 * (1.5 - fx) ** 2, 0.75 - (fx - 1.0) ** 2, 0.5 * (fx - 0.5) ** 2]
    F_new = F + DT * jnp.einsum('nij,njk->nik', C, F)
    # stress = d(sum Psi)/dF (torch.autograd.grad equivalent)
    stress = jax.grad(lambda Fn: jnp.sum(_psi(Fn, W, b)))(F_new)
    stress = jnp.einsum('nij,nkj->nik', stress, F_new)  # stress @ F^T
    stress = (-DT * P_VOL * 4.0 * INV_DX ** 2) * stress
    affine = stress + P_MASS * C
    mv = P_MASS * v - jnp.einsum('nij,nj->ni', affine, x)
    grid_v = jnp.zeros((N_GRID * N_GRID, 2), dtype=jnp.float32)
    grid_m = jnp.zeros((N_GRID * N_GRID,), dtype=jnp.float32)
    grid_affine = jnp.zeros((N_GRID * N_GRID, 2, 2), dtype=jnp.float32)
    for i in range(3):
        for j in range(3):
            weight = w[i][:, 0] * w[j][:, 1]
            target = base + jnp.array([i, j], dtype=jnp.int32)
            idx = target[:, 0] * N_GRID + target[:, 1]
            grid_v = grid_v.at[idx].add(weight[:, None] * mv)
            grid_affine = grid_affine.at[idx].add(weight[:, None, None] * affine)
            grid_m = grid_m.at[idx].add(weight * P_MASS)
    return (grid_v.reshape(N_GRID, N_GRID, 2),
            grid_m.reshape(N_GRID, N_GRID),
            grid_affine.reshape(N_GRID, N_GRID, 2, 2))


if False:  # reference __main__ guard neutralized (emitter)
    out = reference(**setup_inputs())
    print([o.shape for o in out])

if __name__ == "__main__":
    import jax
    _d = setup_inputs()
    print(jax.jit(kernel)(*tuple(_d.values())))

</pallas_src>

<mosaic_0001>
#map = affine_map<(d0, d1) -> (0)>
#map1 = affine_map<(d0, d1) -> (0, 0)>
#map2 = affine_map<(d0, d1) -> (0, 0, 0)>
module attributes {stable_mosaic.version = 14 : i64} {
  func.func @_sc_scatter(%arg0: i32, %arg1: i32, %arg2: memref<16384xf32, #tpu.memory_space<hbm>>, %arg3: memref<2x102400xi32, #tpu.memory_space<hbm>>, %arg4: memref<6x102400xf32, #tpu.memory_space<hbm>>, %arg5: memref<8x102400xf32, #tpu.memory_space<hbm>>, %arg6: memref<32x2x16384xf32, #tpu.memory_space<hbm>>, %arg7: memref<16384xf32, #tpu.memory_space<vmem>>, %arg8: memref<16384xf32, #tpu.memory_space<vmem>>, %arg9: memref<3200xi32, #tpu.memory_space<vmem>>, %arg10: memref<3200xi32, #tpu.memory_space<vmem>>, %arg11: memref<3200xf32, #tpu.memory_space<vmem>>, %arg12: memref<3200xf32, #tpu.memory_space<vmem>>, %arg13: memref<3200xf32, #tpu.memory_space<vmem>>, %arg14: memref<3200xf32, #tpu.memory_space<vmem>>, %arg15: memref<3200xf32, #tpu.memory_space<vmem>>, %arg16: memref<3200xf32, #tpu.memory_space<vmem>>, %arg17: memref<3200xf32, #tpu.memory_space<vmem>>, %arg18: memref<3200xf32, #tpu.memory_space<vmem>>, %arg19: memref<3200xi32, #tpu.memory_space<vmem>>, %arg20: memref<3200xi32, #tpu.memory_space<vmem>>, %arg21: memref<3200xf32, #tpu.memory_space<vmem>>, %arg22: memref<3200xf32, #tpu.memory_space<vmem>>, %arg23: memref<3200xf32, #tpu.memory_space<vmem>>, %arg24: memref<3200xf32, #tpu.memory_space<vmem>>, %arg25: memref<3200xf32, #tpu.memory_space<vmem>>, %arg26: memref<3200xf32, #tpu.memory_space<vmem>>, %arg27: memref<3200xf32, #tpu.memory_space<vmem>>, %arg28: memref<3200xf32, #tpu.memory_space<vmem>>, %arg29: memref<!tpu.dma_semaphore, #tpu.memory_space<semaphore_mem>>, %arg30: memref<!tpu.dma_semaphore, #tpu.memory_space<semaphore_mem>>) attributes {dimension_semantics = [#tpu.dimension_semantics<core_parallel>, #tpu.dimension_semantics<subcore_parallel>], iteration_bounds = array<i64: 2, 16>, scalar_prefetch = 0 : i64, scratch_operands = 24 : i64, tpu.core_type = #tpu.core_type<sc_vector_subcore>, window_params = [{transform_indices = #map}, {transform_indices = #map1}, {transform_indices = #map1}, {transform_indices = #map1}, {transform_indices = #map2}]} {
    %mul3A = arith.constant 16 : i32
    %mul3A_0 = arith.muli %arg0, %mul3A : i32
    %add3A = arith.addi %mul3A_0, %arg1 : i32
    %rem3A = arith.constant 4 : i32
    %rem3A_1 = arith.remsi %arg1, %rem3A : i32
    %mul3A_2 = arith.constant 4 : i32
    %mul3A_3 = arith.muli %arg0, %mul3A_2 : i32
    %div3A = arith.constant 4 : i32
    %div3A_4 = arith.divsi %arg1, %div3A : i32
    %add3A_5 = arith.addi %mul3A_3, %div3A_4 : i32
    %mul3A_6 = arith.constant 2 : i32
    %mul3A_7 = arith.muli %rem3A_1, %mul3A_6 : i32
    %add3A_8 = arith.constant 1 : i32
    %add3A_9 = arith.addi %mul3A_7, %add3A_8 : i32
    %iota3A = tpu.iota {dimensions = array<i32: 0>} : vector<16xi32>
    tpu.enqueue_dma source(%arg2 : memref<16384xf32, #tpu.memory_space<hbm>>) target(%arg7 : memref<16384xf32, #tpu.memory_space<vmem>>) target_semaphore(%arg29 : memref<!tpu.dma_semaphore, #tpu.memory_space<semaphore_mem>>)
    tpu.enqueue_dma source(%arg2 : memref<16384xf32, #tpu.memory_space<hbm>>) target(%arg8 : memref<16384xf32, #tpu.memory_space<vmem>>) target_semaphore(%arg29 : memref<!tpu.dma_semaphore, #tpu.memory_space<semaphore_mem>>)
    tpu.wait_dma2 semaphore(%arg29 : memref<!tpu.dma_semaphore, #tpu.memory_space<semaphore_mem>>) src(%arg2 : memref<16384xf32, #tpu.memory_space<hbm>>) dst(%arg7 : memref<16384xf32, #tpu.memory_space<vmem>>)
    tpu.wait_dma2 semaphore(%arg29 : memref<!tpu.dma_semaphore, #tpu.memory_space<semaphore_mem>>) src(%arg2 : memref<16384xf32, #tpu.memory_space<hbm>>) dst(%arg8 : memref<16384xf32, #tpu.memory_space<vmem>>)
    %mul3A_10 = arith.constant 12800 : i32
    %mul3A_11 = arith.muli %add3A_5, %mul3A_10 : i32
    %add3A_12 = arith.constant 0 : i32
    %add3A_13 = arith.addi %mul3A_11, %add3A_12 : i32
    %dma_start3A = arith.constant 0 : i32
    %dma_start3A_14 = tpu.memref_slice %arg3[%dma_start3A, %add3A_13] : memref<2x102400xi32, #tpu.memory_space<hbm>> -> memref<1x3200xi32, #tpu.memory_space<hbm>>
    %dma_start3A_15 = tpu.memref_squeeze %dma_start3A_14 : memref<1x3200xi32, #tpu.memory_space<hbm>> -> memref<3200xi32, #tpu.memory_space<hbm>>
    %dma_start3A_16 = tpu.memref_slice %arg3[%dma_start3A, %add3A_13] : memref<2x102400xi32, #tpu.memory_space<hbm>> -> memref<1x3200xi32, #tpu.memory_space<hbm>>
    %dma_start3A_17 = tpu.memref_squeeze %dma_start3A_16 : memref<1x3200xi32, #tpu.memory_space<hbm>> -> memref<3200xi32, #tpu.memory_space<hbm>>
    tpu.enqueue_dma source(%dma_start3A_17 : memref<3200xi32, #tpu.memory_space<hbm>>) target(%arg9 : memref<3200xi32, #tpu.memory_space<vmem>>) target_semaphore(%arg29 : memref<!tpu.dma_semaphore, #tpu.memory_space<semaphore_mem>>)
    %dma_start3A_18 = arith.constant 1 : i32
    %dma_start3A_19 = tpu.memref_slice %arg3[%dma_start3A_18, %add3A_13] : memref<2x102400xi32, #tpu.memory_space<hbm>> -> memref<1x3200xi32, #tpu.memory_space<hbm>>
    %dma_start3A_20 = tpu.memref_squeeze %dma_start3A_19 : memref<1x3200xi32, #tpu.memory_space<hbm>> -> memref<3200xi32, #tpu.memory_space<hbm>>
    %dma_start3A_21 = tpu.memref_slice %arg3[%dma_start3A_18, %add3A_13] : memref<2x102400xi32, #tpu.memory_space<hbm>> -> memref<1x3200xi32, #tpu.memory_space<hbm>>
    %dma_start3A_22 = tpu.memref_squeeze %dma_start3A_21 : memref<1x3200xi32, #tpu.memory_space<hbm>> -> memref<3200xi32, #tpu.memory_space<hbm>>
    tpu.enqueue_dma source(%dma_start3A_22 : memref<3200xi32, #tpu.memory_space<hbm>>) target(%arg10 : memref<3200xi32, #tpu.memory_space<vmem>>) target_semaphore(%arg29 : memref<!tpu.dma_semaphore, #tpu.memory_space<semaphore_mem>>)
    %dma_start3A_23 = arith.constant 0 : i32
    %dma_start3A_24 = tpu.memref_slice %arg4[%dma_start3A_23, %add3A_13] : memref<6x102400xf32, #tpu.memory_space<hbm>> -> memref<1x3200xf32, #tpu.memory_space<hbm>>
    %dma_start3A_25 = tpu.memref_squeeze %dma_start3A_24 : memref<1x3200xf32, #tpu.memory_space<hbm>> -> memref<3200xf32, #tpu.memory_space<hbm>>
    %dma_start3A_26 = tpu.memref_slice %arg4[%dma_start3A_23, %add3A_13] : memref<6x102400xf32, #tpu.memory_space<hbm>> -> memref<1x3200xf32, #tpu.memory_space<hbm>>
    %dma_start3A_27 = tpu.memref_squeeze %dma_start3A_26 : memref<1x3200xf32, #tpu.memory_space<hbm>> -> memref<3200xf32, #tpu.memory_space<hbm>>
    tpu.enqueue_dma source(%dma_start3A_27 : memref<3200xf32, #tpu.memory_space<hbm>>) target(%arg11 : memref<3200xf32, #tpu.memory_space<vmem>>) target_semaphore(%arg29 : memref<!tpu.dma_semaphore, #tpu.memory_space<semaphore_mem>>)
    %dma_start3A_28 = arith.constant 1 : i32
    %dma_start3A_29 = tpu.memref_slice %arg4[%dma_start3A_28, %add3A_13] : memref<6x102400xf32, #tpu.memory_space<hbm>> -> memref<1x3200xf32, #tpu.memory_space<hbm>>
    %dma_start3A_30 = tpu.memref_squeeze %dma_start3A_29 : memref<1x3200xf32, #tpu.memory_space<hbm>> -> memref<3200xf32, #tpu.memory_space<hbm>>
    %dma_start3A_31 = tpu.memref_slice %arg4[%dma_start3A_28, %add3A_13] : memref<6x102400xf32, #tpu.memory_space<hbm>> -> memref<1x3200xf32, #tpu.memory_space<hbm>>
    %dma_start3A_32 = tpu.memref_squeeze %dma_start3A_31 : memref<1x3200xf32, #tpu.memory_space<hbm>> -> memref<3200xf32, #tpu.memory_space<hbm>>
    tpu.enqueue_dma source(%dma_start3A_32 : memref<3200xf32, #tpu.memory_space<hbm>>) target(%arg12 : memref<3200xf32, #tpu.memory_space<vmem>>) target_semaphore(%arg29 : memref<!tpu.dma_semaphore, #tpu.memory_space<semaphore_mem>>)
    %dma_start3A_33 = arith.constant 2 : i32
    %dma_start3A_34 = tpu.memref_slice %arg4[%dma_start3A_33, %add3A_13] : memref<6x102400xf32, #tpu.memory_space<hbm>> -> memref<1x3200xf32, #tpu.memory_space<hbm>>
    %dma_start3A_35 = tpu.memref_squeeze %dma_start3A_34 : memref<1x3200xf32, #tpu.memory_space<hbm>> -> memref<3200xf32, #tpu.memory_space<hbm>>
    %dma_start3A_36 = tpu.memref_slice %arg4[%dma_start3A_33, %add3A_13] : memref<6x102400xf32, #tpu.memory_space<hbm>> -> memref<1x3200xf32, #tpu.memory_space<hbm>>
    %dma_start3A_37 = tpu.memref_squeeze %dma_start3A_36 : memref<1x3200xf32, #tpu.memory_space<hbm>> -> memref<3200xf32, #tpu.memory_space<hbm>>
    tpu.enqueue_dma source(%dma_start3A_37 : memref<3200xf32, #tpu.memory_space<hbm>>) target(%arg13 : memref<3200xf32, #tpu.memory_space<vmem>>) target_semaphore(%arg29 : memref<!tpu.dma_semaphore, #tpu.memory_space<semaphore_mem>>)
    %dma_start3A_38 = arith.constant 3 : i32
    %dma_start3A_39 = tpu.memref_slice %arg4[%dma_start3A_38, %add3A_13] : memref<6x102400xf32, #tpu.memory_space<hbm>> -> memref<1x3200xf32, #tpu.memory_space<hbm>>
    %dma_start3A_40 = tpu.memref_squeeze %dma_start3A_39 : memref<1x3200xf32, #tpu.memory_space<hbm>> -> memref<3200xf32, #tpu.memory_space<hbm>>
    %dma_start3A_41 = tpu.memref_slice %arg4[%dma_start3A_38, %add3A_13] : memref<6x102400xf32, #tpu.memory_space<hbm>> -> memref<1x3200xf32, #tpu.memory_space<hbm>>
    %dma_start3A_42 = tpu.memref_squeeze %dma_start3A_41 : memref<1x3200xf32, #tpu.memory_space<hbm>> -> memref<3200xf32, #tpu.memory_space<hbm>>
    tpu.enqueue_dma source(%dma_start3A_42 : memref<3200xf32, #tpu.memory_space<hbm>>) target(%arg14 : memref<3200xf32, #tpu.memory_space<vmem>>) target_semaphore(%arg29 : memref<!tpu.dma_semaphore, #tpu.memory_space<semaphore_mem>>)
    %dma_start3A_43 = arith.constant 4 : i32
    %dma_start3A_44 = tpu.memref_slice %arg4[%dma_start3A_43, %add3A_13] : memref<6x102400xf32, #tpu.memory_space<hbm>> -> memref<1x3200xf32, #tpu.memory_space<hbm>>
    %dma_start3A_45 = tpu.memref_squeeze %dma_start3A_44 : memref<1x3200xf32, #tpu.memory_space<hbm>> -> memref<3200xf32, #tpu.memory_space<hbm>>
    %dma_start3A_46 = tpu.memref_slice %arg4[%dma_start3A_43, %add3A_13] : memref<6x102400xf32, #tpu.memory_space<hbm>> -> memref<1x3200xf32, #tpu.memory_space<hbm>>
    %dma_start3A_47 = tpu.memref_squeeze %dma_start3A_46 : memref<1x3200xf32, #tpu.memory_space<hbm>> -> memref<3200xf32, #tpu.memory_space<hbm>>
    tpu.enqueue_dma source(%dma_start3A_47 : memref<3200xf32, #tpu.memory_space<hbm>>) target(%arg15 : memref<3200xf32, #tpu.memory_space<vmem>>) target_semaphore(%arg29 : memref<!tpu.dma_semaphore, #tpu.memory_space<semaphore_mem>>)
    %dma_start3A_48 = arith.constant 5 : i32
    %dma_start3A_49 = tpu.memref_slice %arg4[%dma_start3A_48, %add3A_13] : memref<6x102400xf32, #tpu.memory_space<hbm>> -> memref<1x3200xf32, #tpu.memory_space<hbm>>
    %dma_start3A_50 = tpu.memref_squeeze %dma_start3A_49 : memref<1x3200xf32, #tpu.memory_space<hbm>> -> memref<3200xf32, #tpu.memory_space<hbm>>
    %dma_start3A_51 = tpu.memref_slice %arg4[%dma_start3A_48, %add3A_13] : memref<6x102400xf32, #tpu.memory_space<hbm>> -> memref<1x3200xf32, #tpu.memory_space<hbm>>
    %dma_start3A_52 = tpu.memref_squeeze %dma_start3A_51 : memref<1x3200xf32, #tpu.memory_space<hbm>> -> memref<3200xf32, #tpu.memory_space<hbm>>
    tpu.enqueue_dma source(%dma_start3A_52 : memref<3200xf32, #tpu.memory_space<hbm>>) target(%arg16 : memref<3200xf32, #tpu.memory_space<vmem>>) target_semaphore(%arg29 : memref<!tpu.dma_semaphore, #tpu.memory_space<semaphore_mem>>)
    %dma_start3A_53 = tpu.memref_slice %arg5[%mul3A_7, %add3A_13] : memref<8x102400xf32, #tpu.memory_space<hbm>> -> memref<1x3200xf32, #tpu.memory_space<hbm>>
    %dma_start3A_54 = tpu.memref_squeeze %dma_start3A_53 : memref<1x3200xf32, #tpu.memory_space<hbm>> -> memref<3200xf32, #tpu.memory_space<hbm>>
    %dma_start3A_55 = tpu.memref_slice %arg5[%mul3A_7, %add3A_13] : memref<8x102400xf32, #tpu.memory_space<hbm>> -> memref<1x3200xf32, #tpu.memory_space<hbm>>
    %dma_start3A_56 = tpu.memref_squeeze %dma_start3A_55 : memref<1x3200xf32, #tpu.memory_space<hbm>> -> memref<3200xf32, #tpu.memory_space<hbm>>
    tpu.enqueue_dma source(%dma_start3A_56 : memref<3200xf32, #tpu.memory_space<hbm>>) target(%arg17 : memref<3200xf32, #tpu.memory_space<vmem>>) target_semaphore(%arg29 : memref<!tpu.dma_semaphore, #tpu.memory_space<semaphore_mem>>)
    %dma_start3A_57 = tpu.memref_slice %arg5[%add3A_9, %add3A_13] : memref<8x102400xf32, #tpu.memory_space<hbm>> -> memref<1x3200xf32, #tpu.memory_space<hbm>>
    %dma_start3A_58 = tpu.memref_squeeze %dma_start3A_57 : memref<1x3200xf32, #tpu.memory_space<hbm>> -> memref<3200xf32, #tpu.memory_space<hbm>>
    %dma_start3A_59 = tpu.memref_slice %arg5[%add3A_9, %add3A_13] : memref<8x102400xf32, #tpu.memory_space<hbm>> -> memref<1x3200xf32, #tpu.memory_space<hbm>>
    %dma_start3A_60 = tpu.memref_squeeze %dma_start3A_59 : memref<1x3200xf32, #tpu.memory_space<hbm>> -> memref<3200xf32, #tpu.memory_space<hbm>>
    tpu.enqueue_dma source(%dma_start3A_60 : memref<3200xf32, #tpu.memory_space<hbm>>) target(%arg18 : memref<3200xf32, #tpu.memory_space<vmem>>) target_semaphore(%arg29 : memref<!tpu.dma_semaphore, #tpu.memory_space<semaphore_mem>>)
    %mul3A_61 = arith.constant 12800 : i32
    %mul3A_62 = arith.muli %add3A_5, %mul3A_61 : i32
    %add3A_63 = arith.constant 3200 : i32
    %add3A_64 = arith.addi %mul3A_62, %add3A_63 : i32
    %dma_start3A_65 = arith.constant 0 : i32
    %dma_start3A_66 = tpu.memref_slice %arg3[%dma_start3A_65, %add3A_64] : memref<2x102400xi32, #tpu.memory_space<hbm>> -> memref<1x3200xi32, #tpu.memory_space<hbm>>
    %dma_start3A_67 = tpu.memref_squeeze %dma_start3A_66 : memref<1x3200xi32, #tpu.memory_space<hbm>> -> memref<3200xi32, #tpu.memory_space<hbm>>
    %dma_start3A_68 = tpu.memref_slice %arg3[%dma_start3A_65, %add3A_64] : memref<2x102400xi32, #tpu.memory_space<hbm>> -> memref<1x3200xi32, #tpu.memory_space<hbm>>
    %dma_start3A_69 = tpu.memref_squeeze %dma_start3A_68 : memref<1x3200xi32, #tpu.memory_space<hbm>> -> memref<3200xi32, #tpu.memory_space<hbm>>
    tpu.enqueue_dma source(%dma_start3A_69 : memref<3200xi32, #tpu.memory_space<hbm>>) target(%arg19 : memref<3200xi32, #tpu.memory_space<vmem>>) target_semaphore(%arg30 : memref<!tpu.dma_semaphore, #tpu.memory_space<semaphore_mem>>)
    %dma_start3A_70 = arith.constant 1 : i32
    %dma_start3A_71 = tpu.memref_slice %arg3[%dma_start3A_70, %add3A_64] : memref<2x102400xi32, #tpu.memory_space<hbm>> -> memref<1x3200xi32, #tpu.memory_space<hbm>>
    %dma_start3A_72 = tpu.memref_squeeze %dma_start3A_71 : memref<1x3200xi32, #tpu.memory_space<hbm>> -> memref<3200xi32, #tpu.memory_space<hbm>>
    %dma_start3A_73 = tpu.memref_slice %arg3[%dma_start3A_70, %add3A_64] : memref<2x102400xi32, #tpu.memory_space<hbm>> -> memref<1x3200xi32, #tpu.memory_space<hbm>>
    %dma_start3A_74 = tpu.memref_squeeze %dma_start3A_73 : memref<1x3200xi32, #tpu.memory_space<hbm>> -> memref<3200xi32, #tpu.memory_space<hbm>>
    tpu.enqueue_dma source(%dma_start3A_74 : memref<3200xi32, #tpu.memory_space<hbm>>) target(%arg20 : memref<3200xi32, #tpu.memory_space<vmem>>) target_semaphore(%arg30 : memref<!tpu.dma_semaphore, #tpu.memory_space<semaphore_mem>>)
    %dma_start3A_75 = arith.constant 0 : i32
    %dma_start3A_76 = tpu.memref_slice %arg4[%dma_start3A_75, %add3A_64] : memref<6x102400xf32, #tpu.memory_space<hbm>> -> memref<1x3200xf32, #tpu.memory_space<hbm>>
    %dma_start3A_77 = tpu.memref_squeeze %dma_start3A_76 : memref<1x3200xf32, #tpu.memory_space<hbm>> -> memref<3200xf32, #tpu.memory_space<hbm>>
    %dma_start3A_78 = tpu.memref_slice %arg4[%dma_start3A_75, %add3A_64] : memref<6x102400xf32, #tpu.memory_space<hbm>> -> memref<1x3200xf32, #tpu.memory_space<hbm>>
    %dma_start3A_79 = tpu.memref_squeeze %dma_start3A_78 : memref<1x3200xf32, #tpu.memory_space<hbm>> -> memref<3200xf32, #tpu.memory_space<hbm>>
    tpu.enqueue_dma source(%dma_start3A_79 : memref<3200xf32, #tpu.memory_space<hbm>>) target(%arg21 : memref<3200xf32, #tpu.memory_space<vmem>>) target_semaphore(%arg30 : memref<!tpu.dma_semaphore, #tpu.memory_space<semaphore_mem>>)
    %dma_start3A_80 = arith.constant 1 : i32
    %dma_start3A_81 = tpu.memref_slice %arg4[%dma_start3A_80, %add3A_64] : memref<6x102400xf32, #tpu.memory_space<hbm>> -> memref<1x3200xf32, #tpu.memory_space<hbm>>
    %dma_start3A_82 = tpu.memref_squeeze %dma_start3A_81 : memref<1x3200xf32, #tpu.memory_space<hbm>> -> memref<3200xf32, #tpu.memory_space<hbm>>
    %dma_start3A_83 = tpu.memref_slice %arg4[%dma_start3A_80, %add3A_64] : memref<6x102400xf32, #tpu.memory_space<hbm>> -> memref<1x3200xf32, #tpu.memory_space<hbm>>
    %dma_start3A_84 = tpu.memref_squeeze %dma_start3A_83 : memref<1x3200xf32, #tpu.memory_space<hbm>> -> memref<3200xf32, #tpu.memory_space<hbm>>
    tpu.enqueue_dma source(%dma_start3A_84 : memref<3200xf32, #tpu.memory_space<hbm>>) target(%arg22 : memref<3200xf32, #tpu.memory_space<vmem>>) target_semaphore(%arg30 : memref<!tpu.dma_semaphore, #tpu.memory_space<semaphore_mem>>)
    %dma_start3A_85 = arith.constant 2 : i32
    %dma_start3A_86 = tpu.memref_slice %arg4[%dma_start3A_85, %add3A_64] : memref<6x102400xf32, #tpu.memory_space<hbm>> -> memref<1x3200xf32, #tpu.memory_space<hbm>>
    %dma_start3A_87 = tpu.memref_squeeze %dma_start3A_86 : memref<1x3200xf32, #tpu.memory_space<hbm>> -> memref<3200xf32, #tpu.memory_space<hbm>>
    %dma_start3A_88 = tpu.memref_slice %arg4[%dma_start3A_85, %add3A_64] : memref<6x102400xf32, #tpu.memory_space<hbm>> -> memref<1x3200xf32, #tpu.memory_space<hbm>>
    %dma_start3A_89 = tpu.memref_squeeze %dma_start3A_88 : memref<1x3200xf32, #tpu.memory_space<hbm>> -> memref<3200xf32, #tpu.memory_space<hbm>>
    tpu.enqueue_dma source(%dma_start3A_89 : memref<3200xf32, #tpu.memory_space<hbm>>) target(%arg23 : memref<3200xf32, #tpu.memory_space<vmem>>) target_semaphore(%arg30 : memref<!tpu.dma_semaphore, #tpu.memory_space<semaphore_mem>>)
    %dma_start3A_90 = arith.constant 3 : i32
    %dma_start3A_91 = tpu.memref_slice %arg4[%dma_start3A_90, %add3A_64] : memref<6x102400xf32, #tpu.memory_space<hbm>> -> memref<1x3200xf32, #tpu.memory_space<hbm>>
    %dma_start3A_92 = tpu.memref_squeeze %dma_start3A_91 : memref<1x3200xf32, #tpu.memory_space<hbm>> -> memref<3200xf32, #tpu.memory_space<hbm>>
    %dma_start3A_93 = tpu.memref_slice %arg4[%dma_start3A_90, %add3A_64] : memref<6x102400xf32, #tpu.memory_space<hbm>> -> memref<1x3200xf32, #tpu.memory_space<hbm>>
    %dma_start3A_94 = tpu.memref_squeeze %dma_start3A_93 : memref<1x3200xf32, #tpu.memory_space<hbm>> -> memref<3200xf32, #tpu.memory_space<hbm>>
    tpu.enqueue_dma source(%dma_start3A_94 : memref<3200xf32, #tpu.memory_space<hbm>>) target(%arg24 : memref<3200xf32, #tpu.memory_space<vmem>>) target_semaphore(%arg30 : memref<!tpu.dma_semaphore, #tpu.memory_space<semaphore_mem>>)
    %dma_start3A_95 = arith.constant 4 : i32
    %dma_start3A_96 = tpu.memref_slice %arg4[%dma_start3A_95, %add3A_64] : memref<6x102400xf32, #tpu.memory_space<hbm>> -> memref<1x3200xf32, #tpu.memory_space<hbm>>
    %dma_start3A_97 = tpu.memref_squeeze %dma_start3A_96 : memref<1x3200xf32, #tpu.memory_space<hbm>> -> memref<3200xf32, #tpu.memory_space<hbm>>
    %dma_start3A_98 = tpu.memref_slice %arg4[%dma_start3A_95, %add3A_64] : memref<6x102400xf32, #tpu.memory_space<hbm>> -> memref<1x3200xf32, #tpu.memory_space<hbm>>
    %dma_start3A_99 = tpu.memref_squeeze %dma_start3A_98 : memref<1x3200xf32, #tpu.memory_space<hbm>> -> memref<3200xf32, #tpu.memory_space<hbm>>
    tpu.enqueue_dma source(%dma_start3A_99 : memref<3200xf32, #tpu.memory_space<hbm>>) target(%arg25 : memref<3200xf32, #tpu.memory_space<vmem>>) target_semaphore(%arg30 : memref<!tpu.dma_semaphore, #tpu.memory_space<semaphore_mem>>)
    %dma_start3A_100 = arith.constant 5 : i32
    %dma_start3A_101 = tpu.memref_slice %arg4[%dma_start3A_100, %add3A_64] : memref<6x102400xf32, #tpu.memory_space<hbm>> -> memref<1x3200xf32, #tpu.memory_space<hbm>>
    %dma_start3A_102 = tpu.memref_squeeze %dma_start3A_101 : memref<1x3200xf32, #tpu.memory_space<hbm>> -> memref<3200xf32, #tpu.memory_space<hbm>>
    %dma_start3A_103 = tpu.memref_slice %arg4[%dma_start3A_100, %add3A_64] : memref<6x102400xf32, #tpu.memory_space<hbm>> -> memref<1x3200xf32, #tpu.memory_space<hbm>>
    %dma_start3A_104 = tpu.memref_squeeze %dma_start3A_103 : memref<1x3200xf32, #tpu.memory_space<hbm>> -> memref<3200xf32, #tpu.memory_space<hbm>>
    tpu.enqueue_dma source(%dma_start3A_104 : memref<3200xf32, #tpu.memory_space<hbm>>) target(%arg26 : memref<3200xf32, #tpu.memory_space<vmem>>) target_semaphore(%arg30 : memref<!tpu.dma_semaphore, #tpu.memory_space<semaphore_mem>>)
    %dma_start3A_105 = tpu.memref_slice %arg5[%mul3A_7, %add3A_64] : memref<8x102400xf32, #tpu.memory_space<hbm>> -> memref<1x3200xf32, #tpu.memory_space<hbm>>
    %dma_start3A_106 = tpu.memref_squeeze %dma_start3A_105 : memref<1x3200xf32, #tpu.memory_space<hbm>> -> memref<3200xf32, #tpu.memory_space<hbm>>
    %dma_start3A_107 = tpu.memref_slice %arg5[%mul3A_7, %add3A_64] : memref<8x102400xf32, #tpu.memory_space<hbm>> -> memref<1x3200xf32, #tpu.memory_space<hbm>>
    %dma_start3A_108 = tpu.memref_squeeze %dma_start3A_107 : memref<1x3200xf32, #tpu.memory_space<hbm>> -> memref<3200xf32, #tpu.memory_space<hbm>>
    tpu.enqueue_dma source(%dma_start3A_108 : memref<3200xf32, #tpu.memory_space<hbm>>) target(%arg27 : memref<3200xf32, #tpu.memory_space<vmem>>) target_semaphore(%arg30 : memref<!tpu.dma_semaphore, #tpu.memory_space<semaphore_mem>>)
    %dma_start3A_109 = tpu.memref_slice %arg5[%add3A_9, %add3A_64] : memref<8x102400xf32, #tpu.memory_space<hbm>> -> memref<1x3200xf32, #tpu.memory_space<hbm>>
    %dma_start3A_110 = tpu.memref_squeeze %dma_start3A_109 : memref<1x3200xf32, #tpu.memory_space<hbm>> -> memref<3200xf32, #tpu.memory_space<hbm>>
    %dma_start3A_111 = tpu.memref_slice %arg5[%add3A_9, %add3A_64] : memref<8x102400xf32, #tpu.memory_space<hbm>> -> memref<1x3200xf32, #tpu.memory_space<hbm>>
    %dma_start3A_112 = tpu.memref_squeeze %dma_start3A_111 : memref<1x3200xf32, #tpu.memory_space<hbm>> -> memref<3200xf32, #tpu.memory_space<hbm>>
    tpu.enqueue_dma source(%dma_start3A_112 : memref<3200xf32, #tpu.memory_space<hbm>>) target(%arg28 : memref<3200xf32, #tpu.memory_space<vmem>>) target_semaphore(%arg30 : memref<!tpu.dma_semaphore, #tpu.memory_space<semaphore_mem>>)
    %dma_wait3A = arith.constant 0 : i32
    %dma_wait3A_113 = tpu.memref_slice %arg3[%dma_wait3A, %add3A_13] : memref<2x102400xi32, #tpu.memory_space<hbm>> -> memref<1x3200xi32, #tpu.memory_space<hbm>>
    %dma_wait3A_114 = tpu.memref_squeeze %dma_wait3A_113 : memref<1x3200xi32, #tpu.memory_space<hbm>> -> memref<3200xi32, #tpu.memory_space<hbm>>
    %dma_wait3A_115 = tpu.memref_slice %arg3[%dma_wait3A, %add3A_13] : memref<2x102400xi32, #tpu.memory_space<hbm>> -> memref<1x3200xi32, #tpu.memory_space<hbm>>
    %dma_wait3A_116 = tpu.memref_squeeze %dma_wait3A_115 : memref<1x3200xi32, #tpu.memory_space<hbm>> -> memref<3200xi32, #tpu.memory_space<hbm>>
    tpu.wait_dma2 semaphore(%arg29 : memref<!tpu.dma_semaphore, #tpu.memory_space<semaphore_mem>>) src(%dma_wait3A_116 : memref<3200xi32, #tpu.memory_space<hbm>>) dst(%arg9 : memref<3200xi32, #tpu.memory_space<vmem>>)
    %dma_wait3A_117 = arith.constant 1 : i32
    %dma_wait3A_118 = tpu.memref_slice %arg3[%dma_wait3A_117, %add3A_13] : memref<2x102400xi32, #tpu.memory_space<hbm>> -> memref<1x3200xi32, #tpu.memory_space<hbm>>
    %dma_wait3A_119 = tpu.memref_squeeze %dma_wait3A_118 : memref<1x3200xi32, #tpu.memory_space<hbm>> -> memref<3200xi32, #tpu.memory_space<hbm>>
    %dma_wait3A_120 = tpu.memref_slice %arg3[%dma_wait3A_117, %add3A_13] : memref<2x102400xi32, #tpu.memory_space<hbm>> -> memref<1x3200xi32, #tpu.memory_space<hbm>>
    %dma_wait3A_121 = tpu.memref_squeeze %dma_wait3A_120 : memref<1x3200xi32, #tpu.memory_space<hbm>> -> memref<3200xi32, #tpu.memory_space<hbm>>
    tpu.wait_dma2 semaphore(%arg29 : memref<!tpu.dma_semaphore, #tpu.memory_space<semaphore_mem>>) src(%dma_wait3A_121 : memref<3200xi32, #tpu.memory_space<hbm>>) dst(%arg10 : memref<3200xi32, #tpu.memory_space<vmem>>)
    %dma_wait3A_122 = arith.constant 0 : i32
    %dma_wait3A_123 = tpu.memref_slice %arg4[%dma_wait3A_122, %add3A_13] : memref<6x102400xf32, #tpu.memory_space<hbm>> -> memref<1x3200xf32, #tpu.memory_space<hbm>>
    %dma_wait3A_124 = tpu.memref_squeeze %dma_wait3A_123 : memref<1x3200xf32, #tpu.memory_space<hbm>> -> memref<3200xf32, #tpu.memory_space<hbm>>
    %dma_wait3A_125 = tpu.memref_slice %arg4[%dma_wait3A_122, %add3A_13] : memref<6x102400xf32, #tpu.memory_space<hbm>> -> memref<1x3200xf32, #tpu.memory_space<hbm>>
    %dma_wait3A_126 = tpu.memref_squeeze %dma_wait3A_125 : memref<1x3200xf32, #tpu.memory_space<hbm>> -> memref<3200xf32, #tpu.memory_space<hbm>>
    tpu.wait_dma2 semaphore(%arg29 : memref<!tpu.dma_semaphore, #tpu.memory_space<semaphore_mem>>) src(%dma_wait3A_126 : memref<3200xf32, #tpu.memory_space<hbm>>) dst(%arg11 : memref<3200xf32, #tpu.memory_space<vmem>>)
    %dma_wait3A_127 = arith.constant 1 : i32
    %dma_wait3A_128 = tpu.memref_slice %arg4[%dma_wait3A_127, %add3A_13] : memref<6x102400xf32, #tpu.memory_space<hbm>> -> memref<1x3200xf32, #tpu.memory_space<hbm>>
    %dma_wait3A_129 = tpu.memref_squeeze %dma_wait3A_128 : memref<1x3200xf32, #tpu.memory_space<hbm>> -> memref<3200xf32, #tpu.memory_space<hbm>>
    %dma_wait3A_130 = tpu.memref_slice %arg4[%dma_wait3A_127, %add3A_13] : memref<6x102400xf32, #tpu.memory_space<hbm>> -> memref<1x3200xf32, #tpu.memory_space<hbm>>
    %dma_wait3A_131 = tpu.memref_squeeze %dma_wait3A_130 : memref<1x3200xf32, #tpu.memory_space<hbm>> -> memref<3200xf32, #tpu.memory_space<hbm>>
    tpu.wait_dma2 semaphore(%arg29 : memref<!tpu.dma_semaphore, #tpu.memory_space<semaphore_mem>>) src(%dma_wait3A_131 : memref<3200xf32, #tpu.memory_space<hbm>>) dst(%arg12 : memref<3200xf32, #tpu.memory_space<vmem>>)
    %dma_wait3A_132 = arith.constant 2 : i32
    %dma_wait3A_133 = tpu.memref_slice %arg4[%dma_wait3A_132, %add3A_13] : memref<6x102400xf32, #tpu.memory_space<hbm>> -> memref<1x3200xf32, #tpu.memory_space<hbm>>
    %dma_wait3A_134 = tpu.memref_squeeze %dma_wait3A_133 : memref<1x3200xf32, #tpu.memory_space<hbm>> -> memref<3200xf32, #tpu.memory_space<hbm>>
    %dma_wait3A_135 = tpu.memref_slice %arg4[%dma_wait3A_132, %add3A_13] : memref<6x102400xf32, #tpu.memory_space<hbm>> -> memref<1x3200xf32, #tpu.memory_space<hbm>>
    %dma_wait3A_136 = tpu.memref_squeeze %dma_wait3A_135 : memref<1x3200xf32, #tpu.memory_space<hbm>> -> memref<3200xf32, #tpu.memory_space<hbm>>
    tpu.wait_dma2 semaphore(%arg29 : memref<!tpu.dma_semaphore, #tpu.memory_space<semaphore_mem>>) src(%dma_wait3A_136 : memref<3200xf32, #tpu.memory_space<hbm>>) dst(%arg13 : memref<3200xf32, #tpu.memory_space<vmem>>)
    %dma_wait3A_137 = arith.constant 3 : i32
    %dma_wait3A_138 = tpu.memref_slice %arg4[%dma_wait3A_137, %add3A_13] : memref<6x102400xf32, #tpu.memory_space<hbm>> -> memref<1x3200xf32, #tpu.memory_space<hbm>>
    %dma_wait3A_139 = tpu.memref_squeeze %dma_wait3A_138 : memref<1x3200xf32, #tpu.memory_space<hbm>> -> memref<3200xf32, #tpu.memory_space<hbm>>
    %dma_wait3A_140 = tpu.memref_slice %arg4[%dma_wait3A_137, %add3A_13] : memref<6x102400xf32, #tpu.memory_space<hbm>> -> memref<1x3200xf32, #tpu.memory_space<hbm>>
    %dma_wait3A_141 = tpu.memref_squeeze %dma_wait3A_140 : memref<1x3200xf32, #tpu.memory_space<hbm>> -> memref<3200xf32, #tpu.memory_space<hbm>>
    tpu.wait_dma2 semaphore(%arg29 : memref<!tpu.dma_semaphore, #tpu.memory_space<semaphore_mem>>) src(%dma_wait3A_141 : memref<3200xf32, #tpu.memory_space<hbm>>) dst(%arg14 : memref<3200xf32, #tpu.memory_space<vmem>>)
    %dma_wait3A_142 = arith.constant 4 : i32
    %dma_wait3A_143 = tpu.memref_slice %arg4[%dma_wait3A_142, %add3A_13] : memref<6x102400xf32, #tpu.memory_space<hbm>> -> memref<1x3200xf32, #tpu.memory_space<hbm>>
    %dma_wait3A_144 = tpu.memref_squeeze %dma_wait3A_143 : memref<1x3200xf32, #tpu.memory_space<hbm>> -> memref<3200xf32, #tpu.memory_space<hbm>>
    %dma_wait3A_145 = tpu.memref_slice %arg4[%dma_wait3A_142, %add3A_13] : memref<6x102400xf32, #tpu.memory_space<hbm>> -> memref<1x3200xf32, #tpu.memory_space<hbm>>
    %dma_wait3A_146 = tpu.memref_squeeze %dma_wait3A_145 : memref<1x3200xf32, #tpu.memory_space<hbm>> -> memref<3200xf32, #tpu.memory_space<hbm>>
    tpu.wait_dma2 semaphore(%arg29 : memref<!tpu.dma_semaphore, #tpu.memory_space<semaphore_mem>>) src(%dma_wait3A_146 : memref<3200xf32, #tpu.memory_space<hbm>>) dst(%arg15 : memref<3200xf32, #tpu.memory_space<vmem>>)
    %dma_wait3A_147 = arith.constant 5 : i32
    %dma_wait3A_148 = tpu.memref_slice %arg4[%dma_wait3A_147, %add3A_13] : memref<6x102400xf32, #tpu.memory_space<hbm>> -> memref<1x3200xf32, #tpu.memory_space<hbm>>
    %dma_wait3A_149 = tpu.memref_squeeze %dma_wait3A_148 : memref<1x3200xf32, #tpu.memory_space<hbm>> -> memref<3200xf32, #tpu.memory_space<hbm>>
    %dma_wait3A_150 = tpu.memref_slice %arg4[%dma_wait3A_147, %add3A_13] : memref<6x102400xf32, #tpu.memory_space<hbm>> -> memref<1x3200xf32, #tpu.memory_space<hbm>>
    %dma_wait3A_151 = tpu.memref_squeeze %dma_wait3A_150 : memref<1x3200xf32, #tpu.memory_space<hbm>> -> memref<3200xf32, #tpu.memory_space<hbm>>
    tpu.wait_dma2 semaphore(%arg29 : memref<!tpu.dma_semaphore, #tpu.memory_space<semaphore_mem>>) src(%dma_wait3A_151 : memref<3200xf32, #tpu.memory_space<hbm>>) dst(%arg16 : memref<3200xf32, #tpu.memory_space<vmem>>)
    %dma_wait3A_152 = tpu.memref_slice %arg5[%mul3A_7, %add3A_13] : memref<8x102400xf32, #tpu.memory_space<hbm>> -> memref<1x3200xf32, #tpu.memory_space<hbm>>
    %dma_wait3A_153 = tpu.memref_squeeze %dma_wait3A_152 : memref<1x3200xf32, #tpu.memory_space<hbm>> -> memref<3200xf32, #tpu.memory_space<hbm>>
    %dma_wait3A_154 = tpu.memref_slice %arg5[%mul3A_7, %add3A_13] : memref<8x102400xf32, #tpu.memory_space<hbm>> -> memref<1x3200xf32, #tpu.memory_space<hbm>>
    %dma_wait3A_155 = tpu.memref_squeeze %dma_wait3A_154 : memref<1x3200xf32, #tpu.memory_space<hbm>> -> memref<3200xf32, #tpu.memory_space<hbm>>
    tpu.wait_dma2 semaphore(%arg29 : memref<!tpu.dma_semaphore, #tpu.memory_space<semaphore_mem>>) src(%dma_wait3A_155 : memref<3200xf32, #tpu.memory_space<hbm>>) dst(%arg17 : memref<3200xf32, #tpu.memory_space<vmem>>)
    %dma_wait3A_156 = tpu.memref_slice %arg5[%add3A_9, %add3A_13] : memref<8x102400xf32, #tpu.memory_space<hbm>> -> memref<1x3200xf32, #tpu.memory_space<hbm>>
    %dma_wait3A_157 = tpu.memref_squeeze %dma_wait3A_156 : memref<1x3200xf32, #tpu.memory_space<hbm>> -> memref<3200xf32, #tpu.memory_space<hbm>>
    %dma_wait3A_158 = tpu.memref_slice %arg5[%add3A_9, %add3A_13] : memref<8x102400xf32, #tpu.memory_space<hbm>> -> memref<1x3200xf32, #tpu.memory_space<hbm>>
    %dma_wait3A_159 = tpu.memref_squeeze %dma_wait3A_158 : memref<1x3200xf32, #tpu.memory_space<hbm>> -> memref<3200xf32, #tpu.memory_space<hbm>>
    tpu.wait_dma2 semaphore(%arg29 : memref<!tpu.dma_semaphore, #tpu.memory_space<semaphore_mem>>) src(%dma_wait3A_159 : memref<3200xf32, #tpu.memory_space<hbm>>) dst(%arg18 : memref<3200xf32, #tpu.memory_space<vmem>>)
    %parallel_loop3A = arith.constant 0 : i32
    %parallel_loop3A_160 = arith.constant 200 : i32
    %parallel_loop3A_161 = arith.constant 1 : i32
    scf.for %parallel_loop3A_420 = %parallel_loop3A to %parallel_loop3A_160 step %parallel_loop3A_161  : i32 {
      %parallel_loop3A_421 = arith.constant 16 : i32
      %parallel_loop3A_422 = arith.muli %parallel_loop3A_420, %parallel_loop3A_421 : i32
      %parallel_loop3A_423 = arith.index_cast %parallel_loop3A_422 : i32 to index
      %parallel_loop3A_424 = tpu.vector_load %arg9[%parallel_loop3A_423] {strides = array<i32>} : memref<3200xi32, #tpu.memory_space<vmem>>, vector<16xi32>,
      %parallel_loop3A_425 = arith.index_cast %parallel_loop3A_422 : i32 to index
      %parallel_loop3A_426 = tpu.vector_load %arg10[%parallel_loop3A_425] {strides = array<i32>} : memref<3200xi32, #tpu.memory_space<vmem>>, vector<16xi32>,
      %parallel_loop3A_427 = arith.index_cast %parallel_loop3A_422 : i32 to index
      %parallel_loop3A_428 = tpu.vector_load %arg11[%parallel_loop3A_427] {strides = array<i32>} : memref<3200xf32, #tpu.memory_space<vmem>>, vector<16xf32>,
      %parallel_loop3A_429 = arith.index_cast %parallel_loop3A_422 : i32 to index
      %parallel_loop3A_430 = tpu.vector_load %arg12[%parallel_loop3A_429] {strides = array<i32>} : memref<3200xf32, #tpu.memory_space<vmem>>, vector<16xf32>,
      %parallel_loop3A_431 = arith.index_cast %parallel_loop3A_422 : i32 to index
      %parallel_loop3A_432 = tpu.vector_load %arg13[%parallel_loop3A_431] {strides = array<i32>} : memref<3200xf32, #tpu.memory_space<vmem>>, vector<16xf32>,
      %parallel_loop3A_433 = arith.index_cast %parallel_loop3A_422 : i32 to index
      %parallel_loop3A_434 = tpu.vector_load %arg14[%parallel_loop3A_433] {strides = array<i32>} : memref<3200xf32, #tpu.memory_space<vmem>>, vector<16xf32>,
      %parallel_loop3A_435 = arith.index_cast %parallel_loop3A_422 : i32 to index
      %parallel_loop3A_436 = tpu.vector_load %arg15[%parallel_loop3A_435] {strides = array<i32>} : memref<3200xf32, #tpu.memory_space<vmem>>, vector<16xf32>,
      %parallel_loop3A_437 = arith.index_cast %parallel_loop3A_422 : i32 to index
      %parallel_loop3A_438 = tpu.vector_load %arg16[%parallel_loop3A_437] {strides = array<i32>} : memref<3200xf32, #tpu.memory_space<vmem>>, vector<16xf32>,
      %parallel_loop3A_439 = arith.index_cast %parallel_loop3A_422 : i32 to index
      %parallel_loop3A_440 = tpu.vector_load %arg17[%parallel_loop3A_439] {strides = array<i32>} : memref<3200xf32, #tpu.memory_space<vmem>>, vector<16xf32>,
      %parallel_loop3A_441 = arith.index_cast %parallel_loop3A_422 : i32 to index
      %parallel_loop3A_442 = tpu.vector_load %arg18[%parallel_loop3A_441] {strides = array<i32>} : memref<3200xf32, #tpu.memory_space<vmem>>, vector<16xf32>,
      %parallel_loop3A_443 = arith.constant 128 : i32
      %parallel_loop3A_444 = vector.broadcast %parallel_loop3A_443 : i32 to vector<16xi32>
      %parallel_loop3A_445 = arith.muli %parallel_loop3A_424, %parallel_loop3A_444 : vector<16xi32>
      %parallel_loop3A_446 = arith.addi %parallel_loop3A_445, %parallel_loop3A_426 : vector<16xi32>
      %parallel_loop3A_447 = arith.constant true
      %parallel_loop3A_448 = vector.broadcast %parallel_loop3A_447 : i1 to vector<16xi1>
      %parallel_loop3A_449, %parallel_loop3A_450 = tpu.scan_count mask(%parallel_loop3A_448 : vector<16xi1>) value(%parallel_loop3A_446 : vector<16xi32>) : vector<16xi1>, vector<16xi32>
      %parallel_loop3A_451 = arith.constant true
      %parallel_loop3A_452 = vector.broadcast %parallel_loop3A_451 : i1 to vector<16xi1>
      %parallel_loop3A_453 = arith.constant -2147483648 : i32
      %parallel_loop3A_454 = vector.broadcast %parallel_loop3A_453 : i32 to vector<16xi32>
      %parallel_loop3A_455 = arith.xori %parallel_loop3A_450, %parallel_loop3A_454 : vector<16xi32>
      %parallel_loop3A_456 = tpu.scan <min>, %parallel_loop3A_455 masked %parallel_loop3A_452 : vector<16xi32>, vector<16xi1> -> vector<16xi32>
      %parallel_loop3A_457 = arith.xori %parallel_loop3A_456, %parallel_loop3A_454 : vector<16xi32>
      %parallel_loop3A_458 = vector.extract %parallel_loop3A_457[15] : i32 from vector<16xi32>
      %parallel_loop3A_459 = arith.constant true
      %parallel_loop3A_460 = vector.broadcast %parallel_loop3A_459 : i1 to vector<16xi1>
      %parallel_loop3A_461 = arith.constant -2147483648 : i32
      %parallel_loop3A_462 = vector.broadcast %parallel_loop3A_461 : i32 to vector<16xi32>
      %parallel_loop3A_463 = arith.xori %parallel_loop3A_450, %parallel_loop3A_462 : vector<16xi32>
      %parallel_loop3A_464 = tpu.scan <max>, %parallel_loop3A_463 masked %parallel_loop3A_460 : vector<16xi32>, vector<16xi1> -> vector<16xi32>
      %parallel_loop3A_465 = arith.xori %parallel_loop3A_464, %parallel_loop3A_462 : vector<16xi32>
      %parallel_loop3A_466 = vector.extract %parallel_loop3A_465[15] : i32 from vector<16xi32>
      %parallel_loop3A_467 = arith.cmpi eq, %parallel_loop3A_466, %parallel_loop3A_458 : i32
      %parallel_loop3A_468 = arith.extui %parallel_loop3A_467 : i1 to i32
      %parallel_loop3A_469 = arith.constant 0 : i32
      %parallel_loop3A_470 = arith.cmpi ne, %parallel_loop3A_468, %parallel_loop3A_469 : i32
      scf.if %parallel_loop3A_470 {
        %parallel_loop3A_475 = arith.mulf %parallel_loop3A_428, %parallel_loop3A_440 : vector<16xf32>
        %parallel_loop3A_476 = arith.mulf %parallel_loop3A_428, %parallel_loop3A_442 : vector<16xf32>
        %parallel_loop3A_477 = arith.constant 0 : i32
        %parallel_loop3A_478 = vector.broadcast %parallel_loop3A_477 : i32 to vector<16xi32>
        %parallel_loop3A_479 = arith.addi %parallel_loop3A_446, %parallel_loop3A_478 : vector<16xi32>
        %parallel_loop3A_480 = arith.mulf %parallel_loop3A_475, %parallel_loop3A_434 : vector<16xf32>
        tpu.vector_store_idx %arg7[%parallel_loop3A_479], %parallel_loop3A_480 {add = true} : memref<16384xf32, #tpu.memory_space<vmem>>[vector<16xi32>], vector<16xf32>,
        %parallel_loop3A_481 = arith.mulf %parallel_loop3A_476, %parallel_loop3A_434 : vector<16xf32>
        tpu.vector_store_idx %arg8[%parallel_loop3A_479], %parallel_loop3A_481 {add = true} : memref<16384xf32, #tpu.memory_space<vmem>>[vector<16xi32>], vector<16xf32>,
        %parallel_loop3A_482 = arith.constant 1 : i32
        %parallel_loop3A_483 = vector.broadcast %parallel_loop3A_482 : i32 to vector<16xi32>
        %parallel_loop3A_484 = arith.addi %parallel_loop3A_446, %parallel_loop3A_483 : vector<16xi32>
        %parallel_loop3A_485 = arith.mulf %parallel_loop3A_475, %parallel_loop3A_436 : vector<16xf32>
        tpu.vector_store_idx %arg7[%parallel_loop3A_484], %parallel_loop3A_485 {add = true} : memref<16384xf32, #tpu.memory_space<vmem>>[vector<16xi32>], vector<16xf32>,
        %parallel_loop3A_486 = arith.mulf %parallel_loop3A_476, %parallel_loop3A_436 : vector<16xf32>
        tpu.vector_store_idx %arg8[%parallel_loop3A_484], %parallel_loop3A_486 {add = true} : memref<16384xf32, #tpu.memory_space<vmem>>[vector<16xi32>], vector<16xf32>,
        %parallel_loop3A_487 = arith.constant 2 : i32
        %parallel_loop3A_488 = vector.broadcast %parallel_loop3A_487 : i32 to vector<16xi32>
        %parallel_loop3A_489 = arith.addi %parallel_loop3A_446, %parallel_loop3A_488 : vector<16xi32>
        %parallel_loop3A_490 = arith.mulf %parallel_loop3A_475, %parallel_loop3A_438 : vector<16xf32>
        tpu.vector_store_idx %arg7[%parallel_loop3A_489], %parallel_loop3A_490 {add = true} : memref<16384xf32, #tpu.memory_space<vmem>>[vector<16xi32>], vector<16xf32>,
        %parallel_loop3A_491 = arith.mulf %parallel_loop3A_476, %parallel_loop3A_438 : vector<16xf32>
        tpu.vector_store_idx %arg8[%parallel_loop3A_489], %parallel_loop3A_491 {add = true} : memref<16384xf32, #tpu.memory_space<vmem>>[vector<16xi32>], vector<16xf32>,
        %parallel_loop3A_492 = arith.mulf %parallel_loop3A_430, %parallel_loop3A_440 : vector<16xf32>
        %parallel_loop3A_493 = arith.mulf %parallel_loop3A_430, %parallel_loop3A_442 : vector<16xf32>
        %parallel_loop3A_494 = arith.constant 128 : i32
        %parallel_loop3A_495 = vector.broadcast %parallel_loop3A_494 : i32 to vector<16xi32>
        %parallel_loop3A_496 = arith.addi %parallel_loop3A_446, %parallel_loop3A_495 : vector<16xi32>
        %parallel_loop3A_497 = arith.mulf %parallel_loop3A_492, %parallel_loop3A_434 : vector<16xf32>
        tpu.vector_store_idx %arg7[%parallel_loop3A_496], %parallel_loop3A_497 {add = true} : memref<16384xf32, #tpu.memory_space<vmem>>[vector<16xi32>], vector<16xf32>,
        %parallel_loop3A_498 = arith.mulf %parallel_loop3A_493, %parallel_loop3A_434 : vector<16xf32>
        tpu.vector_store_idx %arg8[%parallel_loop3A_496], %parallel_loop3A_498 {add = true} : memref<16384xf32, #tpu.memory_space<vmem>>[vector<16xi32>], vector<16xf32>,
        %parallel_loop3A_499 = arith.constant 129 : i32
        %parallel_loop3A_500 = vector.broadcast %parallel_loop3A_499 : i32 to vector<16xi32>
        %parallel_loop3A_501 = arith.addi %parallel_loop3A_446, %parallel_loop3A_500 : vector<16xi32>
        %parallel_loop3A_502 = arith.mulf %parallel_loop3A_492, %parallel_loop3A_436 : vector<16xf32>
        tpu.vector_store_idx %arg7[%parallel_loop3A_501], %parallel_loop3A_502 {add = true} : memref<16384xf32, #tpu.memory_space<vmem>>[vector<16xi32>], vector<16xf32>,
        %parallel_loop3A_503 = arith.mulf %parallel_loop3A_493, %parallel_loop3A_436 : vector<16xf32>
        tpu.vector_store_idx %arg8[%parallel_loop3A_501], %parallel_loop3A_503 {add = true} : memref<16384xf32, #tpu.memory_space<vmem>>[vector<16xi32>], vector<16xf32>,
        %parallel_loop3A_504 = arith.constant 130 : i32
        %parallel_loop3A_505 = vector.broadcast %parallel_loop3A_504 : i32 to vector<16xi32>
        %parallel_loop3A_506 = arith.addi %parallel_loop3A_446, %parallel_loop3A_505 : vector<16xi32>
        %parallel_loop3A_507 = arith.mulf %parallel_loop3A_492, %parallel_loop3A_438 : vector<16xf32>
        tpu.vector_store_idx %arg7[%parallel_loop3A_506], %parallel_loop3A_507 {add = true} : memref<16384xf32, #tpu.memory_space<vmem>>[vector<16xi32>], vector<16xf32>,
        %parallel_loop3A_508 = arith.mulf %parallel_loop3A_493, %parallel_loop3A_438 : vector<16xf32>
        tpu.vector_store_idx %arg8[%parallel_loop3A_506], %parallel_loop3A_508 {add = true} : memref<16384xf32, #tpu.memory_space<vmem>>[vector<16xi32>], vector<16xf32>,
        %parallel_loop3A_509 = arith.mulf %parallel_loop3A_432, %parallel_loop3A_440 : vector<16xf32>
        %parallel_loop3A_510 = arith.mulf %parallel_loop3A_432, %parallel_loop3A_442 : vector<16xf32>
        %parallel_loop3A_511 = arith.constant 256 : i32
        %parallel_loop3A_512 = vector.broadcast %parallel_loop3A_511 : i32 to vector<16xi32>
        %parallel_loop3A_513 = arith.addi %parallel_loop3A_446, %parallel_loop3A_512 : vector<16xi32>
        %parallel_loop3A_514 = arith.mulf %parallel_loop3A_509, %parallel_loop3A_434 : vector<16xf32>
        tpu.vector_store_idx %arg7[%parallel_loop3A_513], %parallel_loop3A_514 {add = true} : memref<16384xf32, #tpu.memory_space<vmem>>[vector<16xi32>], vector<16xf32>,
        %parallel_loop3A_515 = arith.mulf %parallel_loop3A_510, %parallel_loop3A_434 : vector<16xf32>
        tpu.vector_store_idx %arg8[%parallel_loop3A_513], %parallel_loop3A_515 {add = true} : memref<16384xf32, #tpu.memory_space<vmem>>[vector<16xi32>], vector<16xf32>,
        %parallel_loop3A_516 = arith.constant 257 : i32
        %parallel_loop3A_517 = vector.broadcast %parallel_loop3A_516 : i32 to vector<16xi32>
        %parallel_loop3A_518 = arith.addi %parallel_loop3A_446, %parallel_loop3A_517 : vector<16xi32>
        %parallel_loop3A_519 = arith.mulf %parallel_loop3A_509, %parallel_loop3A_436 : vector<16xf32>
        tpu.vector_store_idx %arg7[%parallel_loop3A_518], %parallel_loop3A_519 {add = true} : memref<16384xf32, #tpu.memory_space<vmem>>[vector<16xi32>], vector<16xf32>,
        %parallel_loop3A_520 = arith.mulf %parallel_loop3A_510, %parallel_loop3A_436 : vector<16xf32>
        tpu.vector_store_idx %arg8[%parallel_loop3A_518], %parallel_loop3A_520 {add = true} : memref<16384xf32, #tpu.memory_space<vmem>>[vector<16xi32>], vector<16xf32>,
        %parallel_loop3A_521 = arith.constant 258 : i32
        %parallel_loop3A_522 = vector.broadcast %parallel_loop3A_521 : i32 to vector<16xi32>
        %parallel_loop3A_523 = arith.addi %parallel_loop3A_446, %parallel_loop3A_522 : vector<16xi32>
        %parallel_loop3A_524 = arith.mulf %parallel_loop3A_509, %parallel_loop3A_438 : vector<16xf32>
        tpu.vector_store_idx %arg7[%parallel_loop3A_523], %parallel_loop3A_524 {add = true} : memref<16384xf32, #tpu.memory_space<vmem>>[vector<16xi32>], vector<16xf32>,
        %parallel_loop3A_525 = arith.mulf %parallel_loop3A_510, %parallel_loop3A_438 : vector<16xf32>
        tpu.vector_store_idx %arg8[%parallel_loop3A_523], %parallel_loop3A_525 {add = true} : memref<16384xf32, #tpu.memory_space<vmem>>[vector<16xi32>], vector<16xf32>,
      } else {
      }
      %parallel_loop3A_471 = arith.cmpi ne, %parallel_loop3A_466, %parallel_loop3A_458 : i32
      %parallel_loop3A_472 = arith.extui %parallel_loop3A_471 : i1 to i32
      %parallel_loop3A_473 = arith.constant 0 : i32
      %parallel_loop3A_474 = arith.cmpi ne, %parallel_loop3A_472, %parallel_loop3A_473 : i32
      scf.if %parallel_loop3A_474 {
        %parallel_loop3A_475 = arith.constant 1 : i32
        %parallel_loop3A_476 = arith.addi %parallel_loop3A_466, %parallel_loop3A_475 : i32
        %parallel_loop3A_477 = arith.constant 0 : i32
        %parallel_loop3A_478 = arith.subi %parallel_loop3A_476, %parallel_loop3A_458 : i32
        %parallel_loop3A_479 = arith.addi %parallel_loop3A_458, %parallel_loop3A_478 : i32
        %parallel_loop3A_480 = arith.constant 1 : i32
        %parallel_loop3A_481 = arith.divsi %parallel_loop3A_478, %parallel_loop3A_480 : i32
        %parallel_loop3A_482 = arith.muli %parallel_loop3A_481, %parallel_loop3A_480 : i32
        %parallel_loop3A_483 = arith.addi %parallel_loop3A_458, %parallel_loop3A_482 : i32
        %parallel_loop3A_484 = arith.constant 1 : i32
        scf.for %while3A = %parallel_loop3A_458 to %parallel_loop3A_483 step %parallel_loop3A_484  : i32 {
          %parallel_loop3A_486 = vector.broadcast %while3A : i32 to vector<16xi32>
          %parallel_loop3A_487 = arith.cmpi eq, %parallel_loop3A_450, %parallel_loop3A_486 : vector<16xi32>
          %parallel_loop3A_488 = arith.mulf %parallel_loop3A_428, %parallel_loop3A_434 : vector<16xf32>
          %parallel_loop3A_489 = arith.constant 0 : i32
          %parallel_loop3A_490 = vector.broadcast %parallel_loop3A_489 : i32 to vector<16xi32>
          %parallel_loop3A_491 = arith.addi %parallel_loop3A_446, %parallel_loop3A_490 : vector<16xi32>
          %parallel_loop3A_492 = arith.mulf %parallel_loop3A_488, %parallel_loop3A_440 : vector<16xf32>
          tpu.vector_store_idx %arg7[%parallel_loop3A_491], %parallel_loop3A_492 masked %parallel_loop3A_487 {add = true} : memref<16384xf32, #tpu.memory_space<vmem>>[vector<16xi32>], vector<16xf32>, vector<16xi1>
          %parallel_loop3A_493 = arith.mulf %parallel_loop3A_488, %parallel_loop3A_442 : vector<16xf32>
          tpu.vector_store_idx %arg8[%parallel_loop3A_491], %parallel_loop3A_493 masked %parallel_loop3A_487 {add = true} : memref<16384xf32, #tpu.memory_space<vmem>>[vector<16xi32>], vector<16xf32>, vector<16xi1>
          %parallel_loop3A_494 = arith.mulf %parallel_loop3A_428, %parallel_loop3A_436 : vector<16xf32>
          %parallel_loop3A_495 = arith.constant 1 : i32
          %parallel_loop3A_496 = vector.broadcast %parallel_loop3A_495 : i32 to vector<16xi32>
          %parallel_loop3A_497 = arith.addi %parallel_loop3A_446, %parallel_loop3A_496 : vector<16xi32>
          %parallel_loop3A_498 = arith.mulf %parallel_loop3A_494, %parallel_loop3A_440 : vector<16xf32>
          tpu.vector_store_idx %arg7[%parallel_loop3A_497], %parallel_loop3A_498 masked %parallel_loop3A_487 {add = true} : memref<16384xf32, #tpu.memory_space<vmem>>[vector<16xi32>], vector<16xf32>, vector<16xi1>
          %parallel_loop3A_499 = arith.mulf %parallel_loop3A_494, %parallel_loop3A_442 : vector<16xf32>
          tpu.vector_store_idx %arg8[%parallel_loop3A_497], %parallel_loop3A_499 masked %parallel_loop3A_487 {add = true} : memref<16384xf32, #tpu.memory_space<vmem>>[vector<16xi32>], vector<16xf32>, vector<16xi1>
          %parallel_loop3A_500 = arith.mulf %parallel_loop3A_428, %parallel_loop3A_438 : vector<16xf32>
          %parallel_loop3A_501 = arith.constant 2 : i32
          %parallel_loop3A_502 = vector.broadcast %parallel_loop3A_501 : i32 to vector<16xi32>
          %parallel_loop3A_503 = arith.addi %parallel_loop3A_446, %parallel_loop3A_502 : vector<16xi32>
          %parallel_loop3A_504 = arith.mulf %parallel_loop3A_500, %parallel_loop3A_440 : vector<16xf32>
          tpu.vector_store_idx %arg7[%parallel_loop3A_503], %parallel_loop3A_504 masked %parallel_loop3A_487 {add = true} : memref<16384xf32, #tpu.memory_space<vmem>>[vector<16xi32>], vector<16xf32>, vector<16xi1>
          %parallel_loop3A_505 = arith.mulf %parallel_loop3A_500, %parallel_loop3A_442 : vector<16xf32>
          tpu.vector_store_idx %arg8[%parallel_loop3A_503], %parallel_loop3A_505 masked %parallel_loop3A_487 {add = true} : memref<16384xf32, #tpu.memory_space<vmem>>[vector<16xi32>], vector<16xf32>, vector<16xi1>
          %parallel_loop3A_506 = arith.mulf %parallel_loop3A_430, %parallel_loop3A_434 : vector<16xf32>
          %parallel_loop3A_507 = arith.constant 128 : i32
          %parallel_loop3A_508 = vector.broadcast %parallel_loop3A_507 : i32 to vector<16xi32>
          %parallel_loop3A_509 = arith.addi %parallel_loop3A_446, %parallel_loop3A_508 : vector<16xi32>
          %parallel_loop3A_510 = arith.mulf %parallel_loop3A_506, %parallel_loop3A_440 : vector<16xf32>
          tpu.vector_store_idx %arg7[%parallel_loop3A_509], %parallel_loop3A_510 masked %parallel_loop3A_487 {add = true} : memref<16384xf32, #tpu.memory_space<vmem>>[vector<16xi32>], vector<16xf32>, vector<16xi1>
          %parallel_loop3A_511 = arith.mulf %parallel_loop3A_506, %parallel_loop3A_442 : vector<16xf32>
          tpu.vector_store_idx %arg8[%parallel_loop3A_509], %parallel_loop3A_511 masked %parallel_loop3A_487 {add = true} : memref<16384xf32, #tpu.memory_space<vmem>>[vector<16xi32>], vector<16xf32>, vector<16xi1>
          %parallel_loop3A_512 = arith.mulf %parallel_loop3A_430, %parallel_loop3A_436 : vector<16xf32>
          %parallel_loop3A_513 = arith.constant 129 : i32
          %parallel_loop3A_514 = vector.broadcast %parallel_loop3A_513 : i32 to vector<16xi32>
          %parallel_loop3A_515 = arith.addi %parallel_loop3A_446, %parallel_loop3A_514 : vector<16xi32>
          %parallel_loop3A_516 = arith.mulf %parallel_loop3A_512, %parallel_loop3A_440 : vector<16xf32>
          tpu.vector_store_idx %arg7[%parallel_loop3A_515], %parallel_loop3A_516 masked %parallel_loop3A_487 {add = true} : memref<16384xf32, #tpu.memory_space<vmem>>[vector<16xi32>], vector<16xf32>, vector<16xi1>
          %parallel_loop3A_517 = arith.mulf %parallel_loop3A_512, %parallel_loop3A_442 : vector<16xf32>
          tpu.vector_store_idx %arg8[%parallel_loop3A_515], %parallel_loop3A_517 masked %parallel_loop3A_487 {add = true} : memref<16384xf32, #tpu.memory_space<vmem>>[vector<16xi32>], vector<16xf32>, vector<16xi1>
          %parallel_loop3A_518 = arith.mulf %parallel_loop3A_430, %parallel_loop3A_438 : vector<16xf32>
          %parallel_loop3A_519 = arith.constant 130 : i32
          %parallel_loop3A_520 = vector.broadcast %parallel_loop3A_519 : i32 to vector<16xi32>
          %parallel_loop3A_521 = arith.addi %parallel_loop3A_446, %parallel_loop3A_520 : vector<16xi32>
          %parallel_loop3A_522 = arith.mulf %parallel_loop3A_518, %parallel_loop3A_440 : vector<16xf32>
          tpu.vector_store_idx %arg7[%parallel_loop3A_521], %parallel_loop3A_522 masked %parallel_loop3A_487 {add = true} : memref<16384xf32, #tpu.memory_space<vmem>>[vector<16xi32>], vector<16xf32>, vector<16xi1>
          %parallel_loop3A_523 = arith.mulf %parallel_loop3A_518, %parallel_loop3A_442 : vector<16xf32>
          tpu.vector_store_idx %arg8[%parallel_loop3A_521], %parallel_loop3A_523 masked %parallel_loop3A_487 {add = true} : memref<16384xf32, #tpu.memory_space<vmem>>[vector<16xi32>], vector<16xf32>, vector<16xi1>
          %parallel_loop3A_524 = arith.mulf %parallel_loop3A_432, %parallel_loop3A_434 : vector<16xf32>
          %parallel_loop3A_525 = arith.constant 256 : i32
          %parallel_loop3A_526 = vector.broadcast %parallel_loop3A_525 : i32 to vector<16xi32>
          %parallel_loop3A_527 = arith.addi %parallel_loop3A_446, %parallel_loop3A_526 : vector<16xi32>
          %parallel_loop3A_528 = arith.mulf %parallel_loop3A_524, %parallel_loop3A_440 : vector<16xf32>
          tpu.vector_store_idx %arg7[%parallel_loop3A_527], %parallel_loop3A_528 masked %parallel_loop3A_487 {add = true} : memref<16384xf32, #tpu.memory_space<vmem>>[vector<16xi32>], vector<16xf32>, vector<16xi1>
          %parallel_loop3A_529 = arith.mulf %parallel_loop3A_524, %parallel_loop3A_442 : vector<16xf32>
          tpu.vector_store_idx %arg8[%parallel_loop3A_527], %parallel_loop3A_529 masked %parallel_loop3A_487 {add = true} : memref<16384xf32, #tpu.memory_space<vmem>>[vector<16xi32>], vector<16xf32>, vector<16xi1>
          %parallel_loop3A_530 = arith.mulf %parallel_loop3A_432, %parallel_loop3A_436 : vector<16xf32>
          %parallel_loop3A_531 = arith.constant 257 : i32
          %parallel_loop3A_532 = vector.broadcast %parallel_loop3A_531 : i32 to vector<16xi32>
          %parallel_loop3A_533 = arith.addi %parallel_loop3A_446, %parallel_loop3A_532 : vector<16xi32>
          %parallel_loop3A_534 = arith.mulf %parallel_loop3A_530, %parallel_loop3A_440 : vector<16xf32>
          tpu.vector_store_idx %arg7[%parallel_loop3A_533], %parallel_loop3A_534 masked %parallel_loop3A_487 {add = true} : memref<16384xf32, #tpu.memory_space<vmem>>[vector<16xi32>], vector<16xf32>, vector<16xi1>
          %parallel_loop3A_535 = arith.mulf %parallel_loop3A_530, %parallel_loop3A_442 : vector<16xf32>
          tpu.vector_store_idx %arg8[%parallel_loop3A_533], %parallel_loop3A_535 masked %parallel_loop3A_487 {add = true} : memref<16384xf32, #tpu.memory_space<vmem>>[vector<16xi32>], vector<16xf32>, vector<16xi1>
          %parallel_loop3A_536 = arith.mulf %parallel_loop3A_432, %parallel_loop3A_438 : vector<16xf32>
          %parallel_loop3A_537 = arith.constant 258 : i32
          %parallel_loop3A_538 = vector.broadcast %parallel_loop3A_537 : i32 to vector<16xi32>
          %parallel_loop3A_539 = arith.addi %parallel_loop3A_446, %parallel_loop3A_538 : vector<16xi32>
          %parallel_loop3A_540 = arith.mulf %parallel_loop3A_536, %parallel_loop3A_440 : vector<16xf32>
          tpu.vector_store_idx %arg7[%parallel_loop3A_539], %parallel_loop3A_540 masked %parallel_loop3A_487 {add = true} : memref<16384xf32, #tpu.memory_space<vmem>>[vector<16xi32>], vector<16xf32>, vector<16xi1>
          %parallel_loop3A_541 = arith.mulf %parallel_loop3A_536, %parallel_loop3A_442 : vector<16xf32>
          tpu.vector_store_idx %arg8[%parallel_loop3A_539], %parallel_loop3A_541 masked %parallel_loop3A_487 {add = true} : memref<16384xf32, #tpu.memory_space<vmem>>[vector<16xi32>], vector<16xf32>, vector<16xi1>
        }
        %parallel_loop3A_485 = arith.constant 1 : i32
        scf.for %while3A = %parallel_loop3A_483 to %parallel_loop3A_479 step %parallel_loop3A_485  : i32 {
          %parallel_loop3A_486 = vector.broadcast %while3A : i32 to vector<16xi32>
          %parallel_loop3A_487 = arith.cmpi eq, %parallel_loop3A_450, %parallel_loop3A_486 : vector<16xi32>
          %parallel_loop3A_488 = arith.mulf %parallel_loop3A_428, %parallel_loop3A_434 : vector<16xf32>
          %parallel_loop3A_489 = arith.constant 0 : i32
          %parallel_loop3A_490 = vector.broadcast %parallel_loop3A_489 : i32 to vector<16xi32>
          %parallel_loop3A_491 = arith.addi %parallel_loop3A_446, %parallel_loop3A_490 : vector<16xi32>
          %parallel_loop3A_492 = arith.mulf %parallel_loop3A_488, %parallel_loop3A_440 : vector<16xf32>
          tpu.vector_store_idx %arg7[%parallel_loop3A_491], %parallel_loop3A_492 masked %parallel_loop3A_487 {add = true} : memref<16384xf32, #tpu.memory_space<vmem>>[vector<16xi32>], vector<16xf32>, vector<16xi1>
          %parallel_loop3A_493 = arith.mulf %parallel_loop3A_488, %parallel_loop3A_442 : vector<16xf32>
          tpu.vector_store_idx %arg8[%parallel_loop3A_491], %parallel_loop3A_493 masked %parallel_loop3A_487 {add = true} : memref<16384xf32, #tpu.memory_space<vmem>>[vector<16xi32>], vector<16xf32>, vector<16xi1>
          %parallel_loop3A_494 = arith.mulf %parallel_loop3A_428, %parallel_loop3A_436 : vector<16xf32>
          %parallel_loop3A_495 = arith.constant 1 : i32
          %parallel_loop3A_496 = vector.broadcast %parallel_loop3A_495 : i32 to vector<16xi32>
          %parallel_loop3A_497 = arith.addi %parallel_loop3A_446, %parallel_loop3A_496 : vector<16xi32>
          %parallel_loop3A_498 = arith.mulf %parallel_loop3A_494, %parallel_loop3A_440 : vector<16xf32>
          tpu.vector_store_idx %arg7[%parallel_loop3A_497], %parallel_loop3A_498 masked %parallel_loop3A_487 {add = true} : memref<16384xf32, #tpu.memory_space<vmem>>[vector<16xi32>], vector<16xf32>, vector<16xi1>
          %parallel_loop3A_499 = arith.mulf %parallel_loop3A_494, %parallel_loop3A_442 : vector<16xf32>
          tpu.vector_store_idx %arg8[%parallel_loop3A_497], %parallel_loop3A_499 masked %parallel_loop3A_487 {add = true} : memref<16384xf32, #tpu.memory_space<vmem>>[vector<16xi32>], vector<16xf32>, vector<16xi1>
          %parallel_loop3A_500 = arith.mulf %parallel_loop3A_428, %parallel_loop3A_438 : vector<16xf32>
          %parallel_loop3A_501 = arith.constant 2 : i32
          %parallel_loop3A_502 = vector.broadcast %parallel_loop3A_501 : i32 to vector<16xi32>
          %parallel_loop3A_503 = arith.addi %parallel_loop3A_446, %parallel_loop3A_502 : vector<16xi32>
          %parallel_loop3A_504 = arith.mulf %parallel_loop3A_500, %parallel_loop3A_440 : vector<16xf32>
          tpu.vector_store_idx %arg7[%parallel_loop3A_503], %parallel_loop3A_504 masked %parallel_loop3A_487 {add = true} : memref<16384xf32, #tpu.memory_space<vmem>>[vector<16xi32>], vector<16xf32>, vector<16xi1>
          %parallel_loop3A_505 = arith.mulf %parallel_loop3A_500, %parallel_loop3A_442 : vector<16xf32>
          tpu.vector_store_idx %arg8[%parallel_loop3A_503], %parallel_loop3A_505 masked %parallel_loop3A_487 {add = true} : memref<16384xf32, #tpu.memory_space<vmem>>[vector<16xi32>], vector<16xf32>, vector<16xi1>
          %parallel_loop3A_506 = arith.mulf %parallel_loop3A_430, %parallel_loop3A_434 : vector<16xf32>
          %parallel_loop3A_507 = arith.constant 128 : i32
          %parallel_loop3A_508 = vector.broadcast %parallel_loop3A_507 : i32 to vector<16xi32>
          %parallel_loop3A_509 = arith.addi %parallel_loop3A_446, %parallel_loop3A_508 : vector<16xi32>
          %parallel_loop3A_510 = arith.mulf %parallel_loop3A_506, %parallel_loop3A_440 : vector<16xf32>
          tpu.vector_store_idx %arg7[%parallel_loop3A_509], %parallel_loop3A_510 masked %parallel_loop3A_487 {add = true} : memref<16384xf32, #tpu.memory_space<vmem>>[vector<16xi32>], vector<16xf32>, vector<16xi1>
          %parallel_loop3A_511 = arith.mulf %parallel_loop3A_506, %parallel_loop3A_442 : vector<16xf32>
          tpu.vector_store_idx %arg8[%parallel_loop3A_509], %parallel_loop3A_511 masked %parallel_loop3A_487 {add = true} : memref<16384xf32, #tpu.memory_space<vmem>>[vector<16xi32>], vector<16xf32>, vector<16xi1>
          %parallel_loop3A_512 = arith.mulf %parallel_loop3A_430, %parallel_loop3A_436 : vector<16xf32>
          %parallel_loop3A_513 = arith.constant 129 : i32
          %parallel_loop3A_514 = vector.broadcast %parallel_loop3A_513 : i32 to vector<16xi32>
          %parallel_loop3A_515 = arith.addi %parallel_loop3A_446, %parallel_loop3A_514 : vector<16xi32>
          %parallel_loop3A_516 = arith.mulf %parallel_loop3A_512, %parallel_loop3A_440 : vector<16xf32>
          tpu.vector_store_idx %arg7[%parallel_loop3A_515], %parallel_loop3A_516 masked %parallel_loop3A_487 {add = true} : memref<16384xf32, #tpu.memory_space<vmem>>[vector<16xi32>], vector<16xf32>, vector<16xi1>
          %parallel_loop3A_517 = arith.mulf %parallel_loop3A_512, %parallel_loop3A_442 : vector<16xf32>
          tpu.vector_store_idx %arg8[%parallel_loop3A_515], %parallel_loop3A_517 masked %parallel_loop3A_487 {add = true} : memref<16384xf32, #tpu.memory_space<vmem>>[vector<16xi32>], vector<16xf32>, vector<16xi1>
          %parallel_loop3A_518 = arith.mulf %parallel_loop3A_430, %parallel_loop3A_438 : vector<16xf32>
          %parallel_loop3A_519 = arith.constant 130 : i32
          %parallel_loop3A_520 = vector.broadcast %parallel_loop3A_519 : i32 to vector<16xi32>
          %parallel_loop3A_521 = arith.addi %parallel_loop3A_446, %parallel_loop3A_520 : vector<16xi32>
          %parallel_loop3A_522 = arith.mulf %parallel_loop3A_518, %parallel_loop3A_440 : vector<16xf32>
          tpu.vector_store_idx %arg7[%parallel_loop3A_521], %parallel_loop3A_522 masked %parallel_loop3A_487 {add = true} : memref<16384xf32, #tpu.memory_space<vmem>>[vector<16xi32>], vector<16xf32>, vector<16xi1>
          %parallel_loop3A_523 = arith.mulf %parallel_loop3A_518, %parallel_loop3A_442 : vector<16xf32>
          tpu.vector_store_idx %arg8[%parallel_loop3A_521], %parallel_loop3A_523 masked %parallel_loop3A_487 {add = true} : memref<16384xf32, #tpu.memory_space<vmem>>[vector<16xi32>], vector<16xf32>, vector<16xi1>
          %parallel_loop3A_524 = arith.mulf %parallel_loop3A_432, %parallel_loop3A_434 : vector<16xf32>
          %parallel_loop3A_525 = arith.constant 256 : i32
          %parallel_loop3A_526 = vector.broadcast %parallel_loop3A_525 : i32 to vector<16xi32>
          %parallel_loop3A_527 = arith.addi %parallel_loop3A_446, %parallel_loop3A_526 : vector<16xi32>
          %parallel_loop3A_528 = arith.mulf %parallel_loop3A_524, %parallel_loop3A_440 : vector<16xf32>
          tpu.vector_store_idx %arg7[%parallel_loop3A_527], %parallel_loop3A_528 masked %parallel_loop3A_487 {add = true} : memref<16384xf32, #tpu.memory_space<vmem>>[vector<16xi32>], vector<16xf32>, vector<16xi1>
          %parallel_loop3A_529 = arith.mulf %parallel_loop3A_524, %parallel_loop3A_442 : vector<16xf32>
          tpu.vector_store_idx %arg8[%parallel_loop3A_527], %parallel_loop3A_529 masked %parallel_loop3A_487 {add = true} : memref<16384xf32, #tpu.memory_space<vmem>>[vector<16xi32>], vector<16xf32>, vector<16xi1>
          %parallel_loop3A_530 = arith.mulf %parallel_loop3A_432, %parallel_loop3A_436 : vector<16xf32>
          %parallel_loop3A_531 = arith.constant 257 : i32
          %parallel_loop3A_532 = vector.broadcast %parallel_loop3A_531 : i32 to vector<16xi32>
          %parallel_loop3A_533 = arith.addi %parallel_loop3A_446, %parallel_loop3A_532 : vector<16xi32>
          %parallel_loop3A_534 = arith.mulf %parallel_loop3A_530, %parallel_loop3A_440 : vector<16xf32>
          tpu.vector_store_idx %arg7[%parallel_loop3A_533], %parallel_loop3A_534 masked %parallel_loop3A_487 {add = true} : memref<16384xf32, #tpu.memory_space<vmem>>[vector<16xi32>], vector<16xf32>, vector<16xi1>
          %parallel_loop3A_535 = arith.mulf %parallel_loop3A_530, %parallel_loop3A_442 : vector<16xf32>
          tpu.vector_store_idx %arg8[%parallel_loop3A_533], %parallel_loop3A_535 masked %parallel_loop3A_487 {add = true} : memref<16384xf32, #tpu.memory_space<vmem>>[vector<16xi32>], vector<16xf32>, vector<16xi1>
          %parallel_loop3A_536 = arith.mulf %parallel_loop3A_432, %parallel_loop3A_438 : vector<16xf32>
          %parallel_loop3A_537 = arith.constant 258 : i32
          %parallel_loop3A_538 = vector.broadcast %parallel_loop3A_537 : i32 to vector<16xi32>
          %parallel_loop3A_539 = arith.addi %parallel_loop3A_446, %parallel_loop3A_538 : vector<16xi32>
          %parallel_loop3A_540 = arith.mulf %parallel_loop3A_536, %parallel_loop3A_440 : vector<16xf32>
          tpu.vector_store_idx %arg7[%parallel_loop3A_539], %parallel_loop3A_540 masked %parallel_loop3A_487 {add = true} : memref<16384xf32, #tpu.memory_space<vmem>>[vector<16xi32>], vector<16xf32>, vector<16xi1>
          %parallel_loop3A_541 = arith.mulf %parallel_loop3A_536, %parallel_loop3A_442 : vector<16xf32>
          tpu.vector_store_idx %arg8[%parallel_loop3A_539], %parallel_loop3A_541 masked %parallel_loop3A_487 {add = true} : memref<16384xf32, #tpu.memory_space<vmem>>[vector<16xi32>], vector<16xf32>, vector<16xi1>
        }
      } else {
      }
    } {sc.loop_unroll_factor = 4 : i64, sc.parallel_access}
    %mul3A_162 = arith.constant 12800 : i32
    %mul3A_163 = arith.muli %add3A_5, %mul3A_162 : i32
    %add3A_164 = arith.constant 6400 : i32
    %add3A_165 = arith.addi %mul3A_163, %add3A_164 : i32
    %dma_start3A_166 = arith.constant 0 : i32
    %dma_start3A_167 = tpu.memref_slice %arg3[%dma_start3A_166, %add3A_165] : memref<2x102400xi32, #tpu.memory_space<hbm>> -> memref<1x3200xi32, #tpu.memory_space<hbm>>
    %dma_start3A_168 = tpu.memref_squeeze %dma_start3A_167 : memref<1x3200xi32, #tpu.memory_space<hbm>> -> memref<3200xi32, #tpu.memory_space<hbm>>
    %dma_start3A_169 = tpu.memref_slice %arg3[%dma_start3A_166, %add3A_165] : memref<2x102400xi32, #tpu.memory_space<hbm>> -> memref<1x3200xi32, #tpu.memory_space<hbm>>
    %dma_start3A_170 = tpu.memref_squeeze %dma_start3A_169 : memref<1x3200xi32, #tpu.memory_space<hbm>> -> memref<3200xi32, #tpu.memory_space<hbm>>
    tpu.enqueue_dma source(%dma_start3A_170 : memref<3200xi32, #tpu.memory_space<hbm>>) target(%arg9 : memref<3200xi32, #tpu.memory_space<vmem>>) target_semaphore(%arg29 : memref<!tpu.dma_semaphore, #tpu.memory_space<semaphore_mem>>)
    %dma_start3A_171 = arith.constant 1 : i32
    %dma_start3A_172 = tpu.memref_slice %arg3[%dma_start3A_171, %add3A_165] : memref<2x102400xi32, #tpu.memory_space<hbm>> -> memref<1x3200xi32, #tpu.memory_space<hbm>>
    %dma_start3A_173 = tpu.memref_squeeze %dma_start3A_172 : memref<1x3200xi32, #tpu.memory_space<hbm>> -> memref<3200xi32, #tpu.memory_space<hbm>>
    %dma_start3A_174 = tpu.memref_slice %arg3[%dma_start3A_171, %add3A_165] : memref<2x102400xi32, #tpu.memory_space<hbm>> -> memref<1x3200xi32, #tpu.memory_space<hbm>>
    %dma_start3A_175 = tpu.memref_squeeze %dma_start3A_174 : memref<1x3200xi32, #tpu.memory_space<hbm>> -> memref<3200xi32, #tpu.memory_space<hbm>>
    tpu.enqueue_dma source(%dma_start3A_175 : memref<3200xi32, #tpu.memory_space<hbm>>) target(%arg10 : memref<3200xi32, #tpu.memory_space<vmem>>) target_semaphore(%arg29 : memref<!tpu.dma_semaphore, #tpu.memory_space<semaphore_mem>>)
    %dma_start3A_176 = arith.constant 0 : i32
    %dma_start3A_177 = tpu.memref_slice %arg4[%dma_start3A_176, %add3A_165] : memref<6x102400xf32, #tpu.memory_space<hbm>> -> memref<1x3200xf32, #tpu.memory_space<hbm>>
    %dma_start3A_178 = tpu.memref_squeeze %dma_start3A_177 : memref<1x3200xf32, #tpu.memory_space<hbm>> -> memref<3200xf32, #tpu.memory_space<hbm>>
    %dma_start3A_179 = tpu.memref_slice %arg4[%dma_start3A_176, %add3A_165] : memref<6x102400xf32, #tpu.memory_space<hbm>> -> memref<1x3200xf32, #tpu.memory_space<hbm>>
    %dma_start3A_180 = tpu.memref_squeeze %dma_start3A_179 : memref<1x3200xf32, #tpu.memory_space<hbm>> -> memref<3200xf32, #tpu.memory_space<hbm>>
    tpu.enqueue_dma source(%dma_start3A_180 : memref<3200xf32, #tpu.memory_space<hbm>>) target(%arg11 : memref<3200xf32, #tpu.memory_space<vmem>>) target_semaphore(%arg29 : memref<!tpu.dma_semaphore, #tpu.memory_space<semaphore_mem>>)
    %dma_start3A_181 = arith.constant 1 : i32
    %dma_start3A_182 = tpu.memref_slice %arg4[%dma_start3A_181, %add3A_165] : memref<6x102400xf32, #tpu.memory_space<hbm>> -> memref<1x3200xf32, #tpu.memory_space<hbm>>
    %dma_start3A_183 = tpu.memref_squeeze %dma_start3A_182 : memref<1x3200xf32, #tpu.memory_space<hbm>> -> memref<3200xf32, #tpu.memory_space<hbm>>
    %dma_start3A_184 = tpu.memref_slice %arg4[%dma_start3A_181, %add3A_165] : memref<6x102400xf32, #tpu.memory_space<hbm>> -> memref<1x3200xf32, #tpu.memory_space<hbm>>
    %dma_start3A_185 = tpu.memref_squeeze %dma_start3A_184 : memref<1x3200xf32, #tpu.memory_space<hbm>> -> memref<3200xf32, #tpu.memory_space<hbm>>
    tpu.enqueue_dma source(%dma_start3A_185 : memref<3200xf32, #tpu.memory_space<hbm>>) target(%arg12 : memref<3200xf32, #tpu.memory_space<vmem>>) target_semaphore(%arg29 : memref<!tpu.dma_semaphore, #tpu.memory_space<semaphore_mem>>)
    %dma_start3A_186 = arith.constant 2 : i32
    %dma_start3A_187 = tpu.memref_slice %arg4[%dma_start3A_186, %add3A_165] : memref<6x102400xf32, #tpu.memory_space<hbm>> -> memref<1x3200xf32, #tpu.memory_space<hbm>>
    %dma_start3A_188 = tpu.memref_squeeze %dma_start3A_187 : memref<1x3200xf32, #tpu.memory_space<hbm>> -> memref<3200xf32, #tpu.memory_space<hbm>>
    %dma_start3A_189 = tpu.memref_slice %arg4[%dma_start3A_186, %add3A_165] : memref<6x102400xf32, #tpu.memory_space<hbm>> -> memref<1x3200xf32, #tpu.memory_space<hbm>>
    %dma_start3A_190 = tpu.memref_squeeze %dma_start3A_189 : memref<1x3200xf32, #tpu.memory_space<hbm>> -> memref<3200xf32, #tpu.memory_space<hbm>>
    tpu.enqueue_dma source(%dma_start3A_190 : memref<3200xf32, #tpu.memory_space<hbm>>) target(%arg13 : memref<3200xf32, #tpu.memory_space<vmem>>) target_semaphore(%arg29 : memref<!tpu.dma_semaphore, #tpu.memory_space<semaphore_mem>>)
    %dma_start3A_191 = arith.constant 3 : i32
    %dma_start3A_192 = tpu.memref_slice %arg4[%dma_start3A_191, %add3A_165] : memref<6x102400xf32, #tpu.memory_space<hbm>> -> memref<1x3200xf32, #tpu.memory_space<hbm>>
    %dma_start3A_193 = tpu.memref_squeeze %dma_start3A_192 : memref<1x3200xf32, #tpu.memory_space<hbm>> -> memref<3200xf32, #tpu.memory_space<hbm>>
    %dma_start3A_194 = tpu.memref_slice %arg4[%dma_start3A_191, %add3A_165] : memref<6x102400xf32, #tpu.memory_space<hbm>> -> memref<1x3200xf32, #tpu.memory_space<hbm>>
    %dma_start3A_195 = tpu.memref_squeeze %dma_start3A_194 : memref<1x3200xf32, #tpu.memory_space<hbm>> -> memref<3200xf32, #tpu.memory_space<hbm>>
    tpu.enqueue_dma source(%dma_start3A_195 : memref<3200xf32, #tpu.memory_space<hbm>>) target(%arg14 : memref<3200xf32, #tpu.memory_space<vmem>>) target_semaphore(%arg29 : memref<!tpu.dma_semaphore, #tpu.memory_space<semaphore_mem>>)
    %dma_start3A_196 = arith.constant 4 : i32
    %dma_start3A_197 = tpu.memref_slice %arg4[%dma_start3A_196, %add3A_165] : memref<6x102400xf32, #tpu.memory_space<hbm>> -> memref<1x3200xf32, #tpu.memory_space<hbm>>
    %dma_start3A_198 = tpu.memref_squeeze %dma_start3A_197 : memref<1x3200xf32, #tpu.memory_space<hbm>> -> memref<3200xf32, #tpu.memory_space<hbm>>
    %dma_start3A_199 = tpu.memref_slice %arg4[%dma_start3A_196, %add3A_165] : memref<6x102400xf32, #tpu.memory_space<hbm>> -> memref<1x3200xf32, #tpu.memory_space<hbm>>
    %dma_start3A_200 = tpu.memref_squeeze %dma_start3A_199 : memref<1x3200xf32, #tpu.memory_space<hbm>> -> memref<3200xf32, #tpu.memory_space<hbm>>
    tpu.enqueue_dma source(%dma_start3A_200 : memref<3200xf32, #tpu.memory_space<hbm>>) target(%arg15 : memref<3200xf32, #tpu.memory_space<vmem>>) target_semaphore(%arg29 : memref<!tpu.dma_semaphore, #tpu.memory_space<semaphore_mem>>)
    %dma_start3A_201 = arith.constant 5 : i32
    %dma_start3A_202 = tpu.memref_slice %arg4[%dma_start3A_201, %add3A_165] : memref<6x102400xf32, #tpu.memory_space<hbm>> -> memref<1x3200xf32, #tpu.memory_space<hbm>>
    %dma_start3A_203 = tpu.memref_squeeze %dma_start3A_202 : memref<1x3200xf32, #tpu.memory_space<hbm>> -> memref<3200xf32, #tpu.memory_space<hbm>>
    %dma_start3A_204 = tpu.memref_slice %arg4[%dma_start3A_201, %add3A_165] : memref<6x102400xf32, #tpu.memory_space<hbm>> -> memref<1x3200xf32, #tpu.memory_space<hbm>>
    %dma_start3A_205 = tpu.memref_squeeze %dma_start3A_204 : memref<1x3200xf32, #tpu.memory_space<hbm>> -> memref<3200xf32, #tpu.memory_space<hbm>>
    tpu.enqueue_dma source(%dma_start3A_205 : memref<3200xf32, #tpu.memory_space<hbm>>) target(%arg16 : memref<3200xf32, #tpu.memory_space<vmem>>) target_semaphore(%arg29 : memref<!tpu.dma_semaphore, #tpu.memory_space<semaphore_mem>>)
    %dma_start3A_206 = tpu.memref_slice %arg5[%mul3A_7, %add3A_165] : memref<8x102400xf32, #tpu.memory_space<hbm>> -> memref<1x3200xf32, #tpu.memory_space<hbm>>
    %dma_start3A_207 = tpu.memref_squeeze %dma_start3A_206 : memref<1x3200xf32, #tpu.memory_space<hbm>> -> memref<3200xf32, #tpu.memory_space<hbm>>
    %dma_start3A_208 = tpu.memref_slice %arg5[%mul3A_7, %add3A_165] : memref<8x102400xf32, #tpu.memory_space<hbm>> -> memref<1x3200xf32, #tpu.memory_space<hbm>>
    %dma_start3A_209 = tpu.memref_squeeze %dma_start3A_208 : memref<1x3200xf32, #tpu.memory_space<hbm>> -> memref<3200xf32, #tpu.memory_space<hbm>>
    tpu.enqueue_dma source(%dma_start3A_209 : memref<3200xf32, #tpu.memory_space<hbm>>) target(%arg17 : memref<3200xf32, #tpu.memory_space<vmem>>) target_semaphore(%arg29 : memref<!tpu.dma_semaphore, #tpu.memory_space<semaphore_mem>>)
    %dma_start3A_210 = tpu.memref_slice %arg5[%add3A_9, %add3A_165] : memref<8x102400xf32, #tpu.memory_space<hbm>> -> memref<1x3200xf32, #tpu.memory_space<hbm>>
    %dma_start3A_211 = tpu.memref_squeeze %dma_start3A_210 : memref<1x3200xf32, #tpu.memory_space<hbm>> -> memref<3200xf32, #tpu.memory_space<hbm>>
    %dma_start3A_212 = tpu.memref_slice %arg5[%add3A_9, %add3A_165] : memref<8x102400xf32, #tpu.memory_space<hbm>> -> memref<1x3200xf32, #tpu.memory_space<hbm>>
    %dma_start3A_213 = tpu.memref_squeeze %dma_start3A_212 : memref<1x3200xf32, #tpu.memory_space<hbm>> -> memref<3200xf32, #tpu.memory_space<hbm>>
    tpu.enqueue_dma source(%dma_start3A_213 : memref<3200xf32, #tpu.memory_space<hbm>>) target(%arg18 : memref<3200xf32, #tpu.memory_space<vmem>>) target_semaphore(%arg29 : memref<!tpu.dma_semaphore, #tpu.memory_space<semaphore_mem>>)
    %dma_wait3A_214 = arith.constant 0 : i32
    %dma_wait3A_215 = tpu.memref_slice %arg3[%dma_wait3A_214, %add3A_64] : memref<2x102400xi32, #tpu.memory_space<hbm>> -> memref<1x3200xi32, #tpu.memory_space<hbm>>
    %dma_wait3A_216 = tpu.memref_squeeze %dma_wait3A_215 : memref<1x3200xi32, #tpu.memory_space<hbm>> -> memref<3200xi32, #tpu.memory_space<hbm>>
    %dma_wait3A_217 = tpu.memref_slice %arg3[%dma_wait3A_214, %add3A_64] : memref<2x102400xi32, #tpu.memory_space<hbm>> -> memref<1x3200xi32, #tpu.memory_space<hbm>>
    %dma_wait3A_218 = tpu.memref_squeeze %dma_wait3A_217 : memref<1x3200xi32, #tpu.memory_space<hbm>> -> memref<3200xi32, #tpu.memory_space<hbm>>
    tpu.wait_dma2 semaphore(%arg30 : memref<!tpu.dma_semaphore, #tpu.memory_space<semaphore_mem>>) src(%dma_wait3A_218 : memref<3200xi32, #tpu.memory_space<hbm>>) dst(%arg19 : memref<3200xi32, #tpu.memory_space<vmem>>)
    %dma_wait3A_219 = arith.constant 1 : i32
    %dma_wait3A_220 = tpu.memref_slice %arg3[%dma_wait3A_219, %add3A_64] : memref<2x102400xi32, #tpu.memory_space<hbm>> -> memref<1x3200xi32, #tpu.memory_space<hbm>>
    %dma_wait3A_221 = tpu.memref_squeeze %dma_wait3A_220 : memref<1x3200xi32, #tpu.memory_space<hbm>> -> memref<3200xi32, #tpu.memory_space<hbm>>
    %dma_wait3A_222 = tpu.memref_slice %arg3[%dma_wait3A_219, %add3A_64] : memref<2x102400xi32, #tpu.memory_space<hbm>> -> memref<1x3200xi32, #tpu.memory_space<hbm>>
    %dma_wait3A_223 = tpu.memref_squeeze %dma_wait3A_222 : memref<1x3200xi32, #tpu.memory_space<hbm>> -> memref<3200xi32, #tpu.memory_space<hbm>>
    tpu.wait_dma2 semaphore(%arg30 : memref<!tpu.dma_semaphore, #tpu.memory_space<semaphore_mem>>) src(%dma_wait3A_223 : memref<3200xi32, #tpu.memory_space<hbm>>) dst(%arg20 : memref<3200xi32, #tpu.memory_space<vmem>>)
    %dma_wait3A_224 = arith.constant 0 : i32
    %dma_wait3A_225 = tpu.memref_slice %arg4[%dma_wait3A_224, %add3A_64] : memref<6x102400xf32, #tpu.memory_space<hbm>> -> memref<1x3200xf32, #tpu.memory_space<hbm>>
    %dma_wait3A_226 = tpu.memref_squeeze %dma_wait3A_225 : memref<1x3200xf32, #tpu.memory_space<hbm>> -> memref<3200xf32, #tpu.memory_space<hbm>>
    %dma_wait3A_227 = tpu.memref_slice %arg4[%dma_wait3A_224, %add3A_64] : memref<6x102400xf32, #tpu.memory_space<hbm>> -> memref<1x3200xf32, #tpu.memory_space<hbm>>
    %dma_wait3A_228 = tpu.memref_squeeze %dma_wait3A_227 : memref<1x3200xf32, #tpu.memory_space<hbm>> -> memref<3200xf32, #tpu.memory_space<hbm>>
    tpu.wait_dma2 semaphore(%arg30 : memref<!tpu.dma_semaphore, #tpu.memory_space<semaphore_mem>>) src(%dma_wait3A_228 : memref<3200xf32, #tpu.memory_space<hbm>>) dst(%arg21 : memref<3200xf32, #tpu.memory_space<vmem>>)
    %dma_wait3A_229 = arith.constant 1 : i32
    %dma_wait3A_230 = tpu.memref_slice %arg4[%dma_wait3A_229, %add3A_64] : memref<6x102400xf32, #tpu.memory_space<hbm>> -> memref<1x3200xf32, #tpu.memory_space<hbm>>
    %dma_wait3A_231 = tpu.memref_squeeze %dma_wait3A_230 : memref<1x3200xf32, #tpu.memory_space<hbm>> -> memref<3200xf32, #tpu.memory_space<hbm>>
    %dma_wait3A_232 = tpu.memref_slice %arg4[%dma_wait3A_229, %add3A_64] : memref<6x102400xf32, #tpu.memory_space<hbm>> -> memref<1x3200xf32, #tpu.memory_space<hbm>>
    %dma_wait3A_233 = tpu.memref_squeeze %dma_wait3A_232 : memref<1x3200xf32, #tpu.memory_space<hbm>> -> memref<3200xf32, #tpu.memory_space<hbm>>
    tpu.wait_dma2 semaphore(%arg30 : memref<!tpu.dma_semaphore, #tpu.memory_space<semaphore_mem>>) src(%dma_wait3A_233 : memref<3200xf32, #tpu.memory_space<hbm>>) dst(%arg22 : memref<3200xf32, #tpu.memory_space<vmem>>)
    %dma_wait3A_234 = arith.constant 2 : i32
    %dma_wait3A_235 = tpu.memref_slice %arg4[%dma_wait3A_234, %add3A_64] : memref<6x102400xf32, #tpu.memory_space<hbm>> -> memref<1x3200xf32, #tpu.memory_space<hbm>>
    %dma_wait3A_236 = tpu.memref_squeeze %dma_wait3A_235 : memref<1x3200xf32, #tpu.memory_space<hbm>> -> memref<3200xf32, #tpu.memory_space<hbm>>
    %dma_wait3A_237 = tpu.memref_slice %arg4[%dma_wait3A_234, %add3A_64] : memref<6x102400xf32, #tpu.memory_space<hbm>> -> memref<1x3200xf32, #tpu.memory_space<hbm>>
    %dma_wait3A_238 = tpu.memref_squeeze %dma_wait3A_237 : memref<1x3200xf32, #tpu.memory_space<hbm>> -> memref<3200xf32, #tpu.memory_space<hbm>>
    tpu.wait_dma2 semaphore(%arg30 : memref<!tpu.dma_semaphore, #tpu.memory_space<semaphore_mem>>) src(%dma_wait3A_238 : memref<3200xf32, #tpu.memory_space<hbm>>) dst(%arg23 : memref<3200xf32, #tpu.memory_space<vmem>>)
    %dma_wait3A_239 = arith.constant 3 : i32
    %dma_wait3A_240 = tpu.memref_slice %arg4[%dma_wait3A_239, %add3A_64] : memref<6x102400xf32, #tpu.memory_space<hbm>> -> memref<1x3200xf32, #tpu.memory_space<hbm>>
    %dma_wait3A_241 = tpu.memref_squeeze %dma_wait3A_240 : memref<1x3200xf32, #tpu.memory_space<hbm>> -> memref<3200xf32, #tpu.memory_space<hbm>>
    %dma_wait3A_242 = tpu.memref_slice %arg4[%dma_wait3A_239, %add3A_64] : memref<6x102400xf32, #tpu.memory_space<hbm>> -> memref<1x3200xf32, #tpu.memory_space<hbm>>
    %dma_wait3A_243 = tpu.memref_squeeze %dma_wait3A_242 : memref<1x3200xf32, #tpu.memory_space<hbm>> -> memref<3200xf32, #tpu.memory_space<hbm>>
    tpu.wait_dma2 semaphore(%arg30 : memref<!tpu.dma_semaphore, #tpu.memory_space<semaphore_mem>>) src(%dma_wait3A_243 : memref<3200xf32, #tpu.memory_space<hbm>>) dst(%arg24 : memref<3200xf32, #tpu.memory_space<vmem>>)
    %dma_wait3A_244 = arith.constant 4 : i32
    %dma_wait3A_245 = tpu.memref_slice %arg4[%dma_wait3A_244, %add3A_64] : memref<6x102400xf32, #tpu.memory_space<hbm>> -> memref<1x3200xf32, #tpu.memory_space<hbm>>
    %dma_wait3A_246 = tpu.memref_squeeze %dma_wait3A_245 : memref<1x3200xf32, #tpu.memory_space<hbm>> -> memref<3200xf32, #tpu.memory_space<hbm>>
    %dma_wait3A_247 = tpu.memref_slice %arg4[%dma_wait3A_244, %add3A_64] : memref<6x102400xf32, #tpu.memory_space<hbm>> -> memref<1x3200xf32, #tpu.memory_space<hbm>>
    %dma_wait3A_248 = tpu.memref_squeeze %dma_wait3A_247 : memref<1x3200xf32, #tpu.memory_space<hbm>> -> memref<3200xf32, #tpu.memory_space<hbm>>
    tpu.wait_dma2 semaphore(%arg30 : memref<!tpu.dma_semaphore, #tpu.memory_space<semaphore_mem>>) src(%dma_wait3A_248 : memref<3200xf32, #tpu.memory_space<hbm>>) dst(%arg25 : memref<3200xf32, #tpu.memory_space<vmem>>)
    %dma_wait3A_249 = arith.constant 5 : i32
    %dma_wait3A_250 = tpu.memref_slice %arg4[%dma_wait3A_249, %add3A_64] : memref<6x102400xf32, #tpu.memory_space<hbm>> -> memref<1x3200xf32, #tpu.memory_space<hbm>>
    %dma_wait3A_251 = tpu.memref_squeeze %dma_wait3A_250 : memref<1x3200xf32, #tpu.memory_space<hbm>> -> memref<3200xf32, #tpu.memory_space<hbm>>
    %dma_wait3A_252 = tpu.memref_slice %arg4[%dma_wait3A_249, %add3A_64] : memref<6x102400xf32, #tpu.memory_space<hbm>> -> memref<1x3200xf32, #tpu.memory_space<hbm>>
    %dma_wait3A_253 = tpu.memref_squeeze %dma_wait3A_252 : memref<1x3200xf32, #tpu.memory_space<hbm>> -> memref<3200xf32, #tpu.memory_space<hbm>>
    tpu.wait_dma2 semaphore(%arg30 : memref<!tpu.dma_semaphore, #tpu.memory_space<semaphore_mem>>) src(%dma_wait3A_253 : memref<3200xf32, #tpu.memory_space<hbm>>) dst(%arg26 : memref<3200xf32, #tpu.memory_space<vmem>>)
    %dma_wait3A_254 = tpu.memref_slice %arg5[%mul3A_7, %add3A_64] : memref<8x102400xf32, #tpu.memory_space<hbm>> -> memref<1x3200xf32, #tpu.memory_space<hbm>>
    %dma_wait3A_255 = tpu.memref_squeeze %dma_wait3A_254 : memref<1x3200xf32, #tpu.memory_space<hbm>> -> memref<3200xf32, #tpu.memory_space<hbm>>
    %dma_wait3A_256 = tpu.memref_slice %arg5[%mul3A_7, %add3A_64] : memref<8x102400xf32, #tpu.memory_space<hbm>> -> memref<1x3200xf32, #tpu.memory_space<hbm>>
    %dma_wait3A_257 = tpu.memref_squeeze %dma_wait3A_256 : memref<1x3200xf32, #tpu.memory_space<hbm>> -> memref<3200xf32, #tpu.memory_space<hbm>>
    tpu.wait_dma2 semaphore(%arg30 : memref<!tpu.dma_semaphore, #tpu.memory_space<semaphore_mem>>) src(%dma_wait3A_257 : memref<3200xf32, #tpu.memory_space<hbm>>) dst(%arg27 : memref<3200xf32, #tpu.memory_space<vmem>>)
    %dma_wait3A_258 = tpu.memref_slice %arg5[%add3A_9, %add3A_64] : memref<8x102400xf32, #tpu.memory_space<hbm>> -> memref<1x3200xf32, #tpu.memory_space<hbm>>
    %dma_wait3A_259 = tpu.memref_squeeze %dma_wait3A_258 : memref<1x3200xf32, #tpu.memory_space<hbm>> -> memref<3200xf32, #tpu.memory_space<hbm>>
    %dma_wait3A_260 = tpu.memref_slice %arg5[%add3A_9, %add3A_64] : memref<8x102400xf32, #tpu.memory_space<hbm>> -> memref<1x3200xf32, #tpu.memory_space<hbm>>
    %dma_wait3A_261 = tpu.memref_squeeze %dma_wait3A_260 : memref<1x3200xf32, #tpu.memory_space<hbm>> -> memref<3200xf32, #tpu.memory_space<hbm>>
    tpu.wait_dma2 semaphore(%arg30 : memref<!tpu.dma_semaphore, #tpu.memory_space<semaphore_mem>>) src(%dma_wait3A_261 : memref<3200xf32, #tpu.memory_space<hbm>>) dst(%arg28 : memref<3200xf32, #tpu.memory_space<vmem>>)
    %parallel_loop3A_262 = arith.constant 0 : i32
    %parallel_loop3A_263 = arith.constant 200 : i32
    %parallel_loop3A_264 = arith.constant 1 : i32
    scf.for %parallel_loop3A_420 = %parallel_loop3A_262 to %parallel_loop3A_263 step %parallel_loop3A_264  : i32 {
      %parallel_loop3A_421 = arith.constant 16 : i32
      %parallel_loop3A_422 = arith.muli %parallel_loop3A_420, %parallel_loop3A_421 : i32
      %parallel_loop3A_423 = arith.index_cast %parallel_loop3A_422 : i32 to index
      %parallel_loop3A_424 = tpu.vector_load %arg19[%parallel_loop3A_423] {strides = array<i32>} : memref<3200xi32, #tpu.memory_space<vmem>>, vector<16xi32>,
      %parallel_loop3A_425 = arith.index_cast %parallel_loop3A_422 : i32 to index
      %parallel_loop3A_426 = tpu.vector_load %arg20[%parallel_loop3A_425] {strides = array<i32>} : memref<3200xi32, #tpu.memory_space<vmem>>, vector<16xi32>,
      %parallel_loop3A_427 = arith.index_cast %parallel_loop3A_422 : i32 to index
      %parallel_loop3A_428 = tpu.vector_load %arg21[%parallel_loop3A_427] {strides = array<i32>} : memref<3200xf32, #tpu.memory_space<vmem>>, vector<16xf32>,
      %parallel_loop3A_429 = arith.index_cast %parallel_loop3A_422 : i32 to index
      %parallel_loop3A_430 = tpu.vector_load %arg22[%parallel_loop3A_429] {strides = array<i32>} : memref<3200xf32, #tpu.memory_space<vmem>>, vector<16xf32>,
      %parallel_loop3A_431 = arith.index_cast %parallel_loop3A_422 : i32 to index
      %parallel_loop3A_432 = tpu.vector_load %arg23[%parallel_loop3A_431] {strides = array<i32>} : memref<3200xf32, #tpu.memory_space<vmem>>, vector<16xf32>,
      %parallel_loop3A_433 = arith.index_cast %parallel_loop3A_422 : i32 to index
      %parallel_loop3A_434 = tpu.vector_load %arg24[%parallel_loop3A_433] {strides = array<i32>} : memref<3200xf32, #tpu.memory_space<vmem>>, vector<16xf32>,
      %parallel_loop3A_435 = arith.index_cast %parallel_loop3A_422 : i32 to index
      %parallel_loop3A_436 = tpu.vector_load %arg25[%parallel_loop3A_435] {strides = array<i32>} : memref<3200xf32, #tpu.memory_space<vmem>>, vector<16xf32>,
      %parallel_loop3A_437 = arith.index_cast %parallel_loop3A_422 : i32 to index
      %parallel_loop3A_438 = tpu.vector_load %arg26[%parallel_loop3A_437] {strides = array<i32>} : memref<3200xf32, #tpu.memory_space<vmem>>, vector<16xf32>,
      %parallel_loop3A_439 = arith.index_cast %parallel_loop3A_422 : i32 to index
      %parallel_loop3A_440 = tpu.vector_load %arg27[%parallel_loop3A_439] {strides = array<i32>} : memref<3200xf32, #tpu.memory_space<vmem>>, vector<16xf32>,
      %parallel_loop3A_441 = arith.index_cast %parallel_loop3A_422 : i32 to index
      %parallel_loop3A_442 = tpu.vector_load %arg28[%parallel_loop3A_441] {strides = array<i32>} : memref<3200xf32, #tpu.memory_space<vmem>>, vector<16xf32>,
      %parallel_loop3A_443 = arith.constant 128 : i32
      %parallel_loop3A_444 = vector.broadcast %parallel_loop3A_443 : i32 to vector<16xi32>
      %parallel_loop3A_445 = arith.muli %parallel_loop3A_424, %parallel_loop3A_444 : vector<16xi32>
      %parallel_loop3A_446 = arith.addi %parallel_loop3A_445, %parallel_loop3A_426 : vector<16xi32>
      %parallel_loop3A_447 = arith.constant true
      %parallel_loop3A_448 = vector.broadcast %parallel_loop3A_447 : i1 to vector<16xi1>
      %parallel_loop3A_449, %parallel_loop3A_450 = tpu.scan_count mask(%parallel_loop3A_448 : vector<16xi1>) value(%parallel_loop3A_446 : vector<16xi32>) : vector<16xi1>, vector<16xi32>
      %parallel_loop3A_451 = arith.constant true
      %parallel_loop3A_452 = vector.broadcast %parallel_loop3A_451 : i1 to vector<16xi1>
      %parallel_loop3A_453 = arith.constant -2147483648 : i32
      %parallel_loop3A_454 = vector.broadcast %parallel_loop3A_453 : i32 to vector<16xi32>
      %parallel_loop3A_455 = arith.xori %parallel_loop3A_450, %parallel_loop3A_454 : vector<16xi32>
      %parallel_loop3A_456 = tpu.scan <min>, %parallel_loop3A_455 masked %parallel_loop3A_452 : vector<16xi32>, vector<16xi1> -> vector<16xi32>
      %parallel_loop3A_457 = arith.xori %parallel_loop3A_456, %parallel_loop3A_454 : vector<16xi32>
      %parallel_loop3A_458 = vector.extract %parallel_loop3A_457[15] : i32 from vector<16xi32>
      %parallel_loop3A_459 = arith.constant true
      %parallel_loop3A_460 = vector.broadcast %parallel_loop3A_459 : i1 to vector<16xi1>
      %parallel_loop3A_461 = arith.constant -2147483648 : i32
      %parallel_loop3A_462 = vector.broadcast %parallel_loop3A_461 : i32 to vector<16xi32>
      %parallel_loop3A_463 = arith.xori %parallel_loop3A_450, %parallel_loop3A_462 : vector<16xi32>
      %parallel_loop3A_464 = tpu.scan <max>, %parallel_loop3A_463 masked %parallel_loop3A_460 : vector<16xi32>, vector<16xi1> -> vector<16xi32>
      %parallel_loop3A_465 = arith.xori %parallel_loop3A_464, %parallel_loop3A_462 : vector<16xi32>
      %parallel_loop3A_466 = vector.extract %parallel_loop3A_465[15] : i32 from vector<16xi32>
      %parallel_loop3A_467 = arith.cmpi eq, %parallel_loop3A_466, %parallel_loop3A_458 : i32
      %parallel_loop3A_468 = arith.extui %parallel_loop3A_467 : i1 to i32
      %parallel_loop3A_469 = arith.constant 0 : i32
      %parallel_loop3A_470 = arith.cmpi ne, %parallel_loop3A_468, %parallel_loop3A_469 : i32
      scf.if %parallel_loop3A_470 {
        %parallel_loop3A_475 = arith.mulf %parallel_loop3A_428, %parallel_loop3A_440 : vector<16xf32>
        %parallel_loop3A_476 = arith.mulf %parallel_loop3A_428, %parallel_loop3A_442 : vector<16xf32>
        %parallel_loop3A_477 = arith.constant 0 : i32
        %parallel_loop3A_478 = vector.broadcast %parallel_loop3A_477 : i32 to vector<16xi32>
        %parallel_loop3A_479 = arith.addi %parallel_loop3A_446, %parallel_loop3A_478 : vector<16xi32>
        %parallel_loop3A_480 = arith.mulf %parallel_loop3A_475, %parallel_loop3A_434 : vector<16xf32>
        tpu.vector_store_idx %arg7[%parallel_loop3A_479], %parallel_loop3A_480 {add = true} : memref<16384xf32, #tpu.memory_space<vmem>>[vector<16xi32>], vector<16xf32>,
        %parallel_loop3A_481 = arith.mulf %parallel_loop3A_476, %parallel_loop3A_434 : vector<16xf32>
        tpu.vector_store_idx %arg8[%parallel_loop3A_479], %parallel_loop3A_481 {add = true} : memref<16384xf32, #tpu.memory_space<vmem>>[vector<16xi32>], vector<16xf32>,
        %parallel_loop3A_482 = arith.constant 1 : i32
        %parallel_loop3A_483 = vector.broadcast %parallel_loop3A_482 : i32 to vector<16xi32>
        %parallel_loop3A_484 = arith.addi %parallel_loop3A_446, %parallel_loop3A_483 : vector<16xi32>
        %parallel_loop3A_485 = arith.mulf %parallel_loop3A_475, %parallel_loop3A_436 : vector<16xf32>
        tpu.vector_store_idx %arg7[%parallel_loop3A_484], %parallel_loop3A_485 {add = true} : memref<16384xf32, #tpu.memory_space<vmem>>[vector<16xi32>], vector<16xf32>,
        %parallel_loop3A_486 = arith.mulf %parallel_loop3A_476, %parallel_loop3A_436 : vector<16xf32>
        tpu.vector_store_idx %arg8[%parallel_loop3A_484], %parallel_loop3A_486 {add = true} : memref<16384xf32, #tpu.memory_space<vmem>>[vector<16xi32>], vector<16xf32>,
        %parallel_loop3A_487 = arith.constant 2 : i32
        %parallel_loop3A_488 = vector.broadcast %parallel_loop3A_487 : i32 to vector<16xi32>
        %parallel_loop3A_489 = arith.addi %parallel_loop3A_446, %parallel_loop3A_488 : vector<16xi32>
        %parallel_loop3A_490 = arith.mulf %parallel_loop3A_475, %parallel_loop3A_438 : vector<16xf32>
        tpu.vector_store_idx %arg7[%parallel_loop3A_489], %parallel_loop3A_490 {add = true} : memref<16384xf32, #tpu.memory_space<vmem>>[vector<16xi32>], vector<16xf32>,
        %parallel_loop3A_491 = arith.mulf %parallel_loop3A_476, %parallel_loop3A_438 : vector<16xf32>
        tpu.vector_store_idx %arg8[%parallel_loop3A_489], %parallel_loop3A_491 {add = true} : memref<16384xf32, #tpu.memory_space<vmem>>[vector<16xi32>], vector<16xf32>,
        %parallel_loop3A_492 = arith.mulf %parallel_loop3A_430, %parallel_loop3A_440 : vector<16xf32>
        %parallel_loop3A_493 = arith.mulf %parallel_loop3A_430, %parallel_loop3A_442 : vector<16xf32>
        %parallel_loop3A_494 = arith.constant 128 : i32
        %parallel_loop3A_495 = vector.broadcast %parallel_loop3A_494 : i32 to vector<16xi32>
        %parallel_loop3A_496 = arith.addi %parallel_loop3A_446, %parallel_loop3A_495 : vector<16xi32>
        %parallel_loop3A_497 = arith.mulf %parallel_loop3A_492, %parallel_loop3A_434 : vector<16xf32>
        tpu.vector_store_idx %arg7[%parallel_loop3A_496], %parallel_loop3A_497 {add = true} : memref<16384xf32, #tpu.memory_space<vmem>>[vector<16xi32>], vector<16xf32>,
        %parallel_loop3A_498 = arith.mulf %parallel_loop3A_493, %parallel_loop3A_434 : vector<16xf32>
        tpu.vector_store_idx %arg8[%parallel_loop3A_496], %parallel_loop3A_498 {add = true} : memref<16384xf32, #tpu.memory_space<vmem>>[vector<16xi32>], vector<16xf32>,
        %parallel_loop3A_499 = arith.constant 129 : i32
        %parallel_loop3A_500 = vector.broadcast %parallel_loop3A_499 : i32 to vector<16xi32>
        %parallel_loop3A_501 = arith.addi %parallel_loop3A_446, %parallel_loop3A_500 : vector<16xi32>
        %parallel_loop3A_502 = arith.mulf %parallel_loop3A_492, %parallel_loop3A_436 : vector<16xf32>
        tpu.vector_store_idx %arg7[%parallel_loop3A_501], %parallel_loop3A_502 {add = true} : memref<16384xf32, #tpu.memory_space<vmem>>[vector<16xi32>], vector<16xf32>,
        %parallel_loop3A_503 = arith.mulf %parallel_loop3A_493, %parallel_loop3A_436 : vector<16xf32>
        tpu.vector_store_idx %arg8[%parallel_loop3A_501], %parallel_loop3A_503 {add = true} : memref<16384xf32, #tpu.memory_space<vmem>>[vector<16xi32>], vector<16xf32>,
        %parallel_loop3A_504 = arith.constant 130 : i32
        %parallel_loop3A_505 = vector.broadcast %parallel_loop3A_504 : i32 to vector<16xi32>
        %parallel_loop3A_506 = arith.addi %parallel_loop3A_446, %parallel_loop3A_505 : vector<16xi32>
        %parallel_loop3A_507 = arith.mulf %parallel_loop3A_492, %parallel_loop3A_438 : vector<16xf32>
        tpu.vector_store_idx %arg7[%parallel_loop3A_506], %parallel_loop3A_507 {add = true} : memref<16384xf32, #tpu.memory_space<vmem>>[vector<16xi32>], vector<16xf32>,
        %parallel_loop3A_508 = arith.mulf %parallel_loop3A_493, %parallel_loop3A_438 : vector<16xf32>
        tpu.vector_store_idx %arg8[%parallel_loop3A_506], %parallel_loop3A_508 {add = true} : memref<16384xf32, #tpu.memory_space<vmem>>[vector<16xi32>], vector<16xf32>,
        %parallel_loop3A_509 = arith.mulf %parallel_loop3A_432, %parallel_loop3A_440 : vector<16xf32>
        %parallel_loop3A_510 = arith.mulf %parallel_loop3A_432, %parallel_loop3A_442 : vector<16xf32>
        %parallel_loop3A_511 = arith.constant 256 : i32
        %parallel_loop3A_512 = vector.broadcast %parallel_loop3A_511 : i32 to vector<16xi32>
        %parallel_loop3A_513 = arith.addi %parallel_loop3A_446, %parallel_loop3A_512 : vector<16xi32>
        %parallel_loop3A_514 = arith.mulf %parallel_loop3A_509, %parallel_loop3A_434 : vector<16xf32>
        tpu.vector_store_idx %arg7[%parallel_loop3A_513], %parallel_loop3A_514 {add = true} : memref<16384xf32, #tpu.memory_space<vmem>>[vector<16xi32>], vector<16xf32>,
        %parallel_loop3A_515 = arith.mulf %parallel_loop3A_510, %parallel_loop3A_434 : vector<16xf32>
        tpu.vector_store_idx %arg8[%parallel_loop3A_513], %parallel_loop3A_515 {add = true} : memref<16384xf32, #tpu.memory_space<vmem>>[vector<16xi32>], vector<16xf32>,
        %parallel_loop3A_516 = arith.constant 257 : i32
        %parallel_loop3A_517 = vector.broadcast %parallel_loop3A_516 : i32 to vector<16xi32>
        %parallel_loop3A_518 = arith.addi %parallel_loop3A_446, %parallel_loop3A_517 : vector<16xi32>
        %parallel_loop3A_519 = arith.mulf %parallel_loop3A_509, %parallel_loop3A_436 : vector<16xf32>
        tpu.vector_store_idx %arg7[%parallel_loop3A_518], %parallel_loop3A_519 {add = true} : memref<16384xf32, #tpu.memory_space<vmem>>[vector<16xi32>], vector<16xf32>,
        %parallel_loop3A_520 = arith.mulf %parallel_loop3A_510, %parallel_loop3A_436 : vector<16xf32>
        tpu.vector_store_idx %arg8[%parallel_loop3A_518], %parallel_loop3A_520 {add = true} : memref<16384xf32, #tpu.memory_space<vmem>>[vector<16xi32>], vector<16xf32>,
        %parallel_loop3A_521 = arith.constant 258 : i32
        %parallel_loop3A_522 = vector.broadcast %parallel_loop3A_521 : i32 to vector<16xi32>
        %parallel_loop3A_523 = arith.addi %parallel_loop3A_446, %parallel_loop3A_522 : vector<16xi32>
        %parallel_loop3A_524 = arith.mulf %parallel_loop3A_509, %parallel_loop3A_438 : vector<16xf32>
        tpu.vector_store_idx %arg7[%parallel_loop3A_523], %parallel_loop3A_524 {add = true} : memref<16384xf32, #tpu.memory_space<vmem>>[vector<16xi32>], vector<16xf32>,
        %parallel_loop3A_525 = arith.mulf %parallel_loop3A_510, %parallel_loop3A_438 : vector<16xf32>
        tpu.vector_store_idx %arg8[%parallel_loop3A_523], %parallel_loop3A_525 {add = true} : memref<16384xf32, #tpu.memory_space<vmem>>[vector<16xi32>], vector<16xf32>,
      } else {
      }
      %parallel_loop3A_471 = arith.cmpi ne, %parallel_loop3A_466, %parallel_loop3A_458 : i32
      %parallel_loop3A_472 = arith.extui %parallel_loop3A_471 : i1 to i32
      %parallel_loop3A_473 = arith.constant 0 : i32
      %parallel_loop3A_474 = arith.cmpi ne, %parallel_loop3A_472, %parallel_loop3A_473 : i32
      scf.if %parallel_loop3A_474 {
        %parallel_loop3A_475 = arith.constant 1 : i32
        %parallel_loop3A_476 = arith.addi %parallel_loop3A_466, %parallel_loop3A_475 : i32
        %parallel_loop3A_477 = arith.constant 0 : i32
        %parallel_loop3A_478 = arith.subi %parallel_loop3A_476, %parallel_loop3A_458 : i32
        %parallel_loop3A_479 = arith.addi %parallel_loop3A_458, %parallel_loop3A_478 : i32
        %parallel_loop3A_480 = arith.constant 1 : i32
        %parallel_loop3A_481 = arith.divsi %parallel_loop3A_478, %parallel_loop3A_480 : i32
        %parallel_loop3A_482 = arith.muli %parallel_loop3A_481, %parallel_loop3A_480 : i32
        %parallel_loop3A_483 = arith.addi %parallel_loop3A_458, %parallel_loop3A_482 : i32
        %parallel_loop3A_484 = arith.constant 1 : i32
        scf.for %while3A = %parallel_loop3A_458 to %parallel_loop3A_483 step %parallel_loop3A_484  : i32 {
          %parallel_loop3A_486 = vector.broadcast %while3A : i32 to vector<16xi32>
          %parallel_loop3A_487 = arith.cmpi eq, %parallel_loop3A_450, %parallel_loop3A_486 : vector<16xi32>
          %parallel_loop3A_488 = arith.mulf %parallel_loop3A_428, %parallel_loop3A_434 : vector<16xf32>
          %parallel_loop3A_489 = arith.constant 0 : i32
          %parallel_loop3A_490 = vector.broadcast %parallel_loop3A_489 : i32 to vector<16xi32>
          %parallel_loop3A_491 = arith.addi %parallel_loop3A_446, %parallel_loop3A_490 : vector<16xi32>
          %parallel_loop3A_492 = arith.mulf %parallel_loop3A_488, %parallel_loop3A_440 : vector<16xf32>
          tpu.vector_store_idx %arg7[%parallel_loop3A_491], %parallel_loop3A_492 masked %parallel_loop3A_487 {add = true} : memref<16384xf32, #tpu.memory_space<vmem>>[vector<16xi32>], vector<16xf32>, vector<16xi1>
          %parallel_loop3A_493 = arith.mulf %parallel_loop3A_488, %parallel_loop3A_442 : vector<16xf32>
          tpu.vector_store_idx %arg8[%parallel_loop3A_491], %parallel_loop3A_493 masked %parallel_loop3A_487 {add = true} : memref<16384xf32, #tpu.memory_space<vmem>>[vector<16xi32>], vector<16xf32>, vector<16xi1>
          %parallel_loop3A_494 = arith.mulf %parallel_loop3A_428, %parallel_loop3A_436 : vector<16xf32>
          %parallel_loop3A_495 = arith.constant 1 : i32
          %parallel_loop3A_496 = vector.broadcast %parallel_loop3A_495 : i32 to vector<16xi32>
          %parallel_loop3A_497 = arith.addi %parallel_loop3A_446, %parallel_loop3A_496 : vector<16xi32>
          %parallel_loop3A_498 = arith.mulf %parallel_loop3A_494, %parallel_loop3A_440 : vector<16xf32>
          tpu.vector_store_idx %arg7[%parallel_loop3A_497], %parallel_loop3A_498 masked %parallel_loop3A_487 {add = true} : memref<16384xf32, #tpu.memory_space<vmem>>[vector<16xi32>], vector<16xf32>, vector<16xi1>
          %parallel_loop3A_499 = arith.mulf %parallel_loop3A_494, %parallel_loop3A_442 : vector<16xf32>
          tpu.vector_store_idx %arg8[%parallel_loop3A_497], %parallel_loop3A_499 masked %parallel_loop3A_487 {add = true} : memref<16384xf32, #tpu.memory_space<vmem>>[vector<16xi32>], vector<16xf32>, vector<16xi1>
          %parallel_loop3A_500 = arith.mulf %parallel_loop3A_428, %parallel_loop3A_438 : vector<16xf32>
          %parallel_loop3A_501 = arith.constant 2 : i32
          %parallel_loop3A_502 = vector.broadcast %parallel_loop3A_501 : i32 to vector<16xi32>
          %parallel_loop3A_503 = arith.addi %parallel_loop3A_446, %parallel_loop3A_502 : vector<16xi32>
          %parallel_loop3A_504 = arith.mulf %parallel_loop3A_500, %parallel_loop3A_440 : vector<16xf32>
          tpu.vector_store_idx %arg7[%parallel_loop3A_503], %parallel_loop3A_504 masked %parallel_loop3A_487 {add = true} : memref<16384xf32, #tpu.memory_space<vmem>>[vector<16xi32>], vector<16xf32>, vector<16xi1>
          %parallel_loop3A_505 = arith.mulf %parallel_loop3A_500, %parallel_loop3A_442 : vector<16xf32>
          tpu.vector_store_idx %arg8[%parallel_loop3A_503], %parallel_loop3A_505 masked %parallel_loop3A_487 {add = true} : memref<16384xf32, #tpu.memory_space<vmem>>[vector<16xi32>], vector<16xf32>, vector<16xi1>
          %parallel_loop3A_506 = arith.mulf %parallel_loop3A_430, %parallel_loop3A_434 : vector<16xf32>
          %parallel_loop3A_507 = arith.constant 128 : i32
          %parallel_loop3A_508 = vector.broadcast %parallel_loop3A_507 : i32 to vector<16xi32>
          %parallel_loop3A_509 = arith.addi %parallel_loop3A_446, %parallel_loop3A_508 : vector<16xi32>
          %parallel_loop3A_510 = arith.mulf %parallel_loop3A_506, %parallel_loop3A_440 : vector<16xf32>
          tpu.vector_store_idx %arg7[%parallel_loop3A_509], %parallel_loop3A_510 masked %parallel_loop3A_487 {add = true} : memref<16384xf32, #tpu.memory_space<vmem>>[vector<16xi32>], vector<16xf32>, vector<16xi1>
          %parallel_loop3A_511 = arith.mulf %parallel_loop3A_506, %parallel_loop3A_442 : vector<16xf32>
          tpu.vector_store_idx %arg8[%parallel_loop3A_509], %parallel_loop3A_511 masked %parallel_loop3A_487 {add = true} : memref<16384xf32, #tpu.memory_space<vmem>>[vector<16xi32>], vector<16xf32>, vector<16xi1>
          %parallel_loop3A_512 = arith.mulf %parallel_loop3A_430, %parallel_loop3A_436 : vector<16xf32>
          %parallel_loop3A_513 = arith.constant 129 : i32
          %parallel_loop3A_514 = vector.broadcast %parallel_loop3A_513 : i32 to vector<16xi32>
          %parallel_loop3A_515 = arith.addi %parallel_loop3A_446, %parallel_loop3A_514 : vector<16xi32>
          %parallel_loop3A_516 = arith.mulf %parallel_loop3A_512, %parallel_loop3A_440 : vector<16xf32>
          tpu.vector_store_idx %arg7[%parallel_loop3A_515], %parallel_loop3A_516 masked %parallel_loop3A_487 {add = true} : memref<16384xf32, #tpu.memory_space<vmem>>[vector<16xi32>], vector<16xf32>, vector<16xi1>
          %parallel_loop3A_517 = arith.mulf %parallel_loop3A_512, %parallel_loop3A_442 : vector<16xf32>
          tpu.vector_store_idx %arg8[%parallel_loop3A_515], %parallel_loop3A_517 masked %parallel_loop3A_487 {add = true} : memref<16384xf32, #tpu.memory_space<vmem>>[vector<16xi32>], vector<16xf32>, vector<16xi1>
          %parallel_loop3A_518 = arith.mulf %parallel_loop3A_430, %parallel_loop3A_438 : vector<16xf32>
          %parallel_loop3A_519 = arith.constant 130 : i32
          %parallel_loop3A_520 = vector.broadcast %parallel_loop3A_519 : i32 to vector<16xi32>
          %parallel_loop3A_521 = arith.addi %parallel_loop3A_446, %parallel_loop3A_520 : vector<16xi32>
          %parallel_loop3A_522 = arith.mulf %parallel_loop3A_518, %parallel_loop3A_440 : vector<16xf32>
          tpu.vector_store_idx %arg7[%parallel_loop3A_521], %parallel_loop3A_522 masked %parallel_loop3A_487 {add = true} : memref<16384xf32, #tpu.memory_space<vmem>>[vector<16xi32>], vector<16xf32>, vector<16xi1>
          %parallel_loop3A_523 = arith.mulf %parallel_loop3A_518, %parallel_loop3A_442 : vector<16xf32>
          tpu.vector_store_idx %arg8[%parallel_loop3A_521], %parallel_loop3A_523 masked %parallel_loop3A_487 {add = true} : memref<16384xf32, #tpu.memory_space<vmem>>[vector<16xi32>], vector<16xf32>, vector<16xi1>
          %parallel_loop3A_524 = arith.mulf %parallel_loop3A_432, %parallel_loop3A_434 : vector<16xf32>
          %parallel_loop3A_525 = arith.constant 256 : i32
          %parallel_loop3A_526 = vector.broadcast %parallel_loop3A_525 : i32 to vector<16xi32>
          %parallel_loop3A_527 = arith.addi %parallel_loop3A_446, %parallel_loop3A_526 : vector<16xi32>
          %parallel_loop3A_528 = arith.mulf %parallel_loop3A_524, %parallel_loop3A_440 : vector<16xf32>
          tpu.vector_store_idx %arg7[%parallel_loop3A_527], %parallel_loop3A_528 masked %parallel_loop3A_487 {add = true} : memref<16384xf32, #tpu.memory_space<vmem>>[vector<16xi32>], vector<16xf32>, vector<16xi1>
          %parallel_loop3A_529 = arith.mulf %parallel_loop3A_524, %parallel_loop3A_442 : vector<16xf32>
          tpu.vector_store_idx %arg8[%parallel_loop3A_527], %parallel_loop3A_529 masked %parallel_loop3A_487 {add = true} : memref<16384xf32, #tpu.memory_space<vmem>>[vector<16xi32>], vector<16xf32>, vector<16xi1>
          %parallel_loop3A_530 = arith.mulf %parallel_loop3A_432, %parallel_loop3A_436 : vector<16xf32>
          %parallel_loop3A_531 = arith.constant 257 : i32
          %parallel_loop3A_532 = vector.broadcast %parallel_loop3A_531 : i32 to vector<16xi32>
          %parallel_loop3A_533 = arith.addi %parallel_loop3A_446, %parallel_loop3A_532 : vector<16xi32>
          %parallel_loop3A_534 = arith.mulf %parallel_loop3A_530, %parallel_loop3A_440 : vector<16xf32>
          tpu.vector_store_idx %arg7[%parallel_loop3A_533], %parallel_loop3A_534 masked %parallel_loop3A_487 {add = true} : memref<16384xf32, #tpu.memory_space<vmem>>[vector<16xi32>], vector<16xf32>, vector<16xi1>
          %parallel_loop3A_535 = arith.mulf %parallel_loop3A_530, %parallel_loop3A_442 : vector<16xf32>
          tpu.vector_store_idx %arg8[%parallel_loop3A_533], %parallel_loop3A_535 masked %parallel_loop3A_487 {add = true} : memref<16384xf32, #tpu.memory_space<vmem>>[vector<16xi32>], vector<16xf32>, vector<16xi1>
          %parallel_loop3A_536 = arith.mulf %parallel_loop3A_432, %parallel_loop3A_438 : vector<16xf32>
          %parallel_loop3A_537 = arith.constant 258 : i32
          %parallel_loop3A_538 = vector.broadcast %parallel_loop3A_537 : i32 to vector<16xi32>
          %parallel_loop3A_539 = arith.addi %parallel_loop3A_446, %parallel_loop3A_538 : vector<16xi32>
          %parallel_loop3A_540 = arith.mulf %parallel_loop3A_536, %parallel_loop3A_440 : vector<16xf32>
          tpu.vector_store_idx %arg7[%parallel_loop3A_539], %parallel_loop3A_540 masked %parallel_loop3A_487 {add = true} : memref<16384xf32, #tpu.memory_space<vmem>>[vector<16xi32>], vector<16xf32>, vector<16xi1>
          %parallel_loop3A_541 = arith.mulf %parallel_loop3A_536, %parallel_loop3A_442 : vector<16xf32>
          tpu.vector_store_idx %arg8[%parallel_loop3A_539], %parallel_loop3A_541 masked %parallel_loop3A_487 {add = true} : memref<16384xf32, #tpu.memory_space<vmem>>[vector<16xi32>], vector<16xf32>, vector<16xi1>
        }
        %parallel_loop3A_485 = arith.constant 1 : i32
        scf.for %while3A = %parallel_loop3A_483 to %parallel_loop3A_479 step %parallel_loop3A_485  : i32 {
          %parallel_loop3A_486 = vector.broadcast %while3A : i32 to vector<16xi32>
          %parallel_loop3A_487 = arith.cmpi eq, %parallel_loop3A_450, %parallel_loop3A_486 : vector<16xi32>
          %parallel_loop3A_488 = arith.mulf %parallel_loop3A_428, %parallel_loop3A_434 : vector<16xf32>
          %parallel_loop3A_489 = arith.constant 0 : i32
          %parallel_loop3A_490 = vector.broadcast %parallel_loop3A_489 : i32 to vector<16xi32>
          %parallel_loop3A_491 = arith.addi %parallel_loop3A_446, %parallel_loop3A_490 : vector<16xi32>
          %parallel_loop3A_492 = arith.mulf %parallel_loop3A_488, %parallel_loop3A_440 : vector<16xf32>
          tpu.vector_store_idx %arg7[%parallel_loop3A_491], %parallel_loop3A_492 masked %parallel_loop3A_487 {add = true} : memref<16384xf32, #tpu.memory_space<vmem>>[vector<16xi32>], vector<16xf32>, vector<16xi1>
          %parallel_loop3A_493 = arith.mulf %parallel_loop3A_488, %parallel_loop3A_442 : vector<16xf32>
          tpu.vector_store_idx %arg8[%parallel_loop3A_491], %parallel_loop3A_493 masked %parallel_loop3A_487 {add = true} : memref<16384xf32, #tpu.memory_space<vmem>>[vector<16xi32>], vector<16xf32>, vector<16xi1>
          %parallel_loop3A_494 = arith.mulf %parallel_loop3A_428, %parallel_loop3A_436 : vector<16xf32>
          %parallel_loop3A_495 = arith.constant 1 : i32
          %parallel_loop3A_496 = vector.broadcast %parallel_loop3A_495 : i32 to vector<16xi32>
          %parallel_loop3A_497 = arith.addi %parallel_loop3A_446, %parallel_loop3A_496 : vector<16xi32>
          %parallel_loop3A_498 = arith.mulf %parallel_loop3A_494, %parallel_loop3A_440 : vector<16xf32>
          tpu.vector_store_idx %arg7[%parallel_loop3A_497], %parallel_loop3A_498 masked %parallel_loop3A_487 {add = true} : memref<16384xf32, #tpu.memory_space<vmem>>[vector<16xi32>], vector<16xf32>, vector<16xi1>
          %parallel_loop3A_499 = arith.mulf %parallel_loop3A_494, %parallel_loop3A_442 : vector<16xf32>
          tpu.vector_store_idx %arg8[%parallel_loop3A_497], %parallel_loop3A_499 masked %parallel_loop3A_487 {add = true} : memref<16384xf32, #tpu.memory_space<vmem>>[vector<16xi32>], vector<16xf32>, vector<16xi1>
          %parallel_loop3A_500 = arith.mulf %parallel_loop3A_428, %parallel_loop3A_438 : vector<16xf32>
          %parallel_loop3A_501 = arith.constant 2 : i32
          %parallel_loop3A_502 = vector.broadcast %parallel_loop3A_501 : i32 to vector<16xi32>
          %parallel_loop3A_503 = arith.addi %parallel_loop3A_446, %parallel_loop3A_502 : vector<16xi32>
          %parallel_loop3A_504 = arith.mulf %parallel_loop3A_500, %parallel_loop3A_440 : vector<16xf32>
          tpu.vector_store_idx %arg7[%parallel_loop3A_503], %parallel_loop3A_504 masked %parallel_loop3A_487 {add = true} : memref<16384xf32, #tpu.memory_space<vmem>>[vector<16xi32>], vector<16xf32>, vector<16xi1>
          %parallel_loop3A_505 = arith.mulf %parallel_loop3A_500, %parallel_loop3A_442 : vector<16xf32>
          tpu.vector_store_idx %arg8[%parallel_loop3A_503], %parallel_loop3A_505 masked %parallel_loop3A_487 {add = true} : memref<16384xf32, #tpu.memory_space<vmem>>[vector<16xi32>], vector<16xf32>, vector<16xi1>
          %parallel_loop3A_506 = arith.mulf %parallel_loop3A_430, %parallel_loop3A_434 : vector<16xf32>
          %parallel_loop3A_507 = arith.constant 128 : i32
          %parallel_loop3A_508 = vector.broadcast %parallel_loop3A_507 : i32 to vector<16xi32>
          %parallel_loop3A_509 = arith.addi %parallel_loop3A_446, %parallel_loop3A_508 : vector<16xi32>
          %parallel_loop3A_510 = arith.mulf %parallel_loop3A_506, %parallel_loop3A_440 : vector<16xf32>
          tpu.vector_store_idx %arg7[%parallel_loop3A_509], %parallel_loop3A_510 masked %parallel_loop3A_487 {add = true} : memref<16384xf32, #tpu.memory_space<vmem>>[vector<16xi32>], vector<16xf32>, vector<16xi1>
          %parallel_loop3A_511 = arith.mulf %parallel_loop3A_506, %parallel_loop3A_442 : vector<16xf32>
          tpu.vector_store_idx %arg8[%parallel_loop3A_509], %parallel_loop3A_511 masked %parallel_loop3A_487 {add = true} : memref<16384xf32, #tpu.memory_space<vmem>>[vector<16xi32>], vector<16xf32>, vector<16xi1>
          %parallel_loop3A_512 = arith.mulf %parallel_loop3A_430, %parallel_loop3A_436 : vector<16xf32>
          %parallel_loop3A_513 = arith.constant 129 : i32
          %parallel_loop3A_514 = vector.broadcast %parallel_loop3A_513 : i32 to vector<16xi32>
          %parallel_loop3A_515 = arith.addi %parallel_loop3A_446, %parallel_loop3A_514 : vector<16xi32>
          %parallel_loop3A_516 = arith.mulf %parallel_loop3A_512, %parallel_loop3A_440 : vector<16xf32>
          tpu.vector_store_idx %arg7[%parallel_loop3A_515], %parallel_loop3A_516 masked %parallel_loop3A_487 {add = true} : memref<16384xf32, #tpu.memory_space<vmem>>[vector<16xi32>], vector<16xf32>, vector<16xi1>
          %parallel_loop3A_517 = arith.mulf %parallel_loop3A_512, %parallel_loop3A_442 : vector<16xf32>
          tpu.vector_store_idx %arg8[%parallel_loop3A_515], %parallel_loop3A_517 masked %parallel_loop3A_487 {add = true} : memref<16384xf32, #tpu.memory_space<vmem>>[vector<16xi32>], vector<16xf32>, vector<16xi1>
          %parallel_loop3A_518 = arith.mulf %parallel_loop3A_430, %parallel_loop3A_438 : vector<16xf32>
          %parallel_loop3A_519 = arith.constant 130 : i32
          %parallel_loop3A_520 = vector.broadcast %parallel_loop3A_519 : i32 to vector<16xi32>
          %parallel_loop3A_521 = arith.addi %parallel_loop3A_446, %parallel_loop3A_520 : vector<16xi32>
          %parallel_loop3A_522 = arith.mulf %parallel_loop3A_518, %parallel_loop3A_440 : vector<16xf32>
          tpu.vector_store_idx %arg7[%parallel_loop3A_521], %parallel_loop3A_522 masked %parallel_loop3A_487 {add = true} : memref<16384xf32, #tpu.memory_space<vmem>>[vector<16xi32>], vector<16xf32>, vector<16xi1>
          %parallel_loop3A_523 = arith.mulf %parallel_loop3A_518, %parallel_loop3A_442 : vector<16xf32>
          tpu.vector_store_idx %arg8[%parallel_loop3A_521], %parallel_loop3A_523 masked %parallel_loop3A_487 {add = true} : memref<16384xf32, #tpu.memory_space<vmem>>[vector<16xi32>], vector<16xf32>, vector<16xi1>
          %parallel_loop3A_524 = arith.mulf %parallel_loop3A_432, %parallel_loop3A_434 : vector<16xf32>
          %parallel_loop3A_525 = arith.constant 256 : i32
          %parallel_loop3A_526 = vector.broadcast %parallel_loop3A_525 : i32 to vector<16xi32>
          %parallel_loop3A_527 = arith.addi %parallel_loop3A_446, %parallel_loop3A_526 : vector<16xi32>
          %parallel_loop3A_528 = arith.mulf %parallel_loop3A_524, %parallel_loop3A_440 : vector<16xf32>
          tpu.vector_store_idx %arg7[%parallel_loop3A_527], %parallel_loop3A_528 masked %parallel_loop3A_487 {add = true} : memref<16384xf32, #tpu.memory_space<vmem>>[vector<16xi32>], vector<16xf32>, vector<16xi1>
          %parallel_loop3A_529 = arith.mulf %parallel_loop3A_524, %parallel_loop3A_442 : vector<16xf32>
          tpu.vector_store_idx %arg8[%parallel_loop3A_527], %parallel_loop3A_529 masked %parallel_loop3A_487 {add = true} : memref<16384xf32, #tpu.memory_space<vmem>>[vector<16xi32>], vector<16xf32>, vector<16xi1>
          %parallel_loop3A_530 = arith.mulf %parallel_loop3A_432, %parallel_loop3A_436 : vector<16xf32>
          %parallel_loop3A_531 = arith.constant 257 : i32
          %parallel_loop3A_532 = vector.broadcast %parallel_loop3A_531 : i32 to vector<16xi32>
          %parallel_loop3A_533 = arith.addi %parallel_loop3A_446, %parallel_loop3A_532 : vector<16xi32>
          %parallel_loop3A_534 = arith.mulf %parallel_loop3A_530, %parallel_loop3A_440 : vector<16xf32>
          tpu.vector_store_idx %arg7[%parallel_loop3A_533], %parallel_loop3A_534 masked %parallel_loop3A_487 {add = true} : memref<16384xf32, #tpu.memory_space<vmem>>[vector<16xi32>], vector<16xf32>, vector<16xi1>
          %parallel_loop3A_535 = arith.mulf %parallel_loop3A_530, %parallel_loop3A_442 : vector<16xf32>
          tpu.vector_store_idx %arg8[%parallel_loop3A_533], %parallel_loop3A_535 masked %parallel_loop3A_487 {add = true} : memref<16384xf32, #tpu.memory_space<vmem>>[vector<16xi32>], vector<16xf32>, vector<16xi1>
          %parallel_loop3A_536 = arith.mulf %parallel_loop3A_432, %parallel_loop3A_438 : vector<16xf32>
          %parallel_loop3A_537 = arith.constant 258 : i32
          %parallel_loop3A_538 = vector.broadcast %parallel_loop3A_537 : i32 to vector<16xi32>
          %parallel_loop3A_539 = arith.addi %parallel_loop3A_446, %parallel_loop3A_538 : vector<16xi32>
          %parallel_loop3A_540 = arith.mulf %parallel_loop3A_536, %parallel_loop3A_440 : vector<16xf32>
          tpu.vector_store_idx %arg7[%parallel_loop3A_539], %parallel_loop3A_540 masked %parallel_loop3A_487 {add = true} : memref<16384xf32, #tpu.memory_space<vmem>>[vector<16xi32>], vector<16xf32>, vector<16xi1>
          %parallel_loop3A_541 = arith.mulf %parallel_loop3A_536, %parallel_loop3A_442 : vector<16xf32>
          tpu.vector_store_idx %arg8[%parallel_loop3A_539], %parallel_loop3A_541 masked %parallel_loop3A_487 {add = true} : memref<16384xf32, #tpu.memory_space<vmem>>[vector<16xi32>], vector<16xf32>, vector<16xi1>
        }
      } else {
      }
    } {sc.loop_unroll_factor = 4 : i64, sc.parallel_access}
    %mul3A_265 = arith.constant 12800 : i32
    %mul3A_266 = arith.muli %add3A_5, %mul3A_265 : i32
    %add3A_267 = arith.constant 9600 : i32
    %add3A_268 = arith.addi %mul3A_266, %add3A_267 : i32
    %dma_start3A_269 = arith.constant 0 : i32
    %dma_start3A_270 = tpu.memref_slice %arg3[%dma_start3A_269, %add3A_268] : memref<2x102400xi32, #tpu.memory_space<hbm>> -> memref<1x3200xi32, #tpu.memory_space<hbm>>
    %dma_start3A_271 = tpu.memref_squeeze %dma_start3A_270 : memref<1x3200xi32, #tpu.memory_space<hbm>> -> memref<3200xi32, #tpu.memory_space<hbm>>
    %dma_start3A_272 = tpu.memref_slice %arg3[%dma_start3A_269, %add3A_268] : memref<2x102400xi32, #tpu.memory_space<hbm>> -> memref<1x3200xi32, #tpu.memory_space<hbm>>
    %dma_start3A_273 = tpu.memref_squeeze %dma_start3A_272 : memref<1x3200xi32, #tpu.memory_space<hbm>> -> memref<3200xi32, #tpu.memory_space<hbm>>
    tpu.enqueue_dma source(%dma_start3A_273 : memref<3200xi32, #tpu.memory_space<hbm>>) target(%arg19 : memref<3200xi32, #tpu.memory_space<vmem>>) target_semaphore(%arg30 : memref<!tpu.dma_semaphore, #tpu.memory_space<semaphore_mem>>)
    %dma_start3A_274 = arith.constant 1 : i32
    %dma_start3A_275 = tpu.memref_slice %arg3[%dma_start3A_274, %add3A_268] : memref<2x102400xi32, #tpu.memory_space<hbm>> -> memref<1x3200xi32, #tpu.memory_space<hbm>>
    %dma_start3A_276 = tpu.memref_squeeze %dma_start3A_275 : memref<1x3200xi32, #tpu.memory_space<hbm>> -> memref<3200xi32, #tpu.memory_space<hbm>>
    %dma_start3A_277 = tpu.memref_slice %arg3[%dma_start3A_274, %add3A_268] : memref<2x102400xi32, #tpu.memory_space<hbm>> -> memref<1x3200xi32, #tpu.memory_space<hbm>>
    %dma_start3A_278 = tpu.memref_squeeze %dma_start3A_277 : memref<1x3200xi32, #tpu.memory_space<hbm>> -> memref<3200xi32, #tpu.memory_space<hbm>>
    tpu.enqueue_dma source(%dma_start3A_278 : memref<3200xi32, #tpu.memory_space<hbm>>) target(%arg20 : memref<3200xi32, #tpu.memory_space<vmem>>) target_semaphore(%arg30 : memref<!tpu.dma_semaphore, #tpu.memory_space<semaphore_mem>>)
    %dma_start3A_279 = arith.constant 0 : i32
    %dma_start3A_280 = tpu.memref_slice %arg4[%dma_start3A_279, %add3A_268] : memref<6x102400xf32, #tpu.memory_space<hbm>> -> memref<1x3200xf32, #tpu.memory_space<hbm>>
    %dma_start3A_281 = tpu.memref_squeeze %dma_start3A_280 : memref<1x3200xf32, #tpu.memory_space<hbm>> -> memref<3200xf32, #tpu.memory_space<hbm>>
    %dma_start3A_282 = tpu.memref_slice %arg4[%dma_start3A_279, %add3A_268] : memref<6x102400xf32, #tpu.memory_space<hbm>> -> memref<1x3200xf32, #tpu.memory_space<hbm>>
    %dma_start3A_283 = tpu.memref_squeeze %dma_start3A_282 : memref<1x3200xf32, #tpu.memory_space<hbm>> -> memref<3200xf32, #tpu.memory_space<hbm>>
    tpu.enqueue_dma source(%dma_start3A_283 : memref<3200xf32, #tpu.memory_space<hbm>>) target(%arg21 : memref<3200xf32, #tpu.memory_space<vmem>>) target_semaphore(%arg30 : memref<!tpu.dma_semaphore, #tpu.memory_space<semaphore_mem>>)
    %dma_start3A_284 = arith.constant 1 : i32
    %dma_start3A_285 = tpu.memref_slice %arg4[%dma_start3A_284, %add3A_268] : memref<6x102400xf32, #tpu.memory_space<hbm>> -> memref<1x3200xf32, #tpu.memory_space<hbm>>
    %dma_start3A_286 = tpu.memref_squeeze %dma_start3A_285 : memref<1x3200xf32, #tpu.memory_space<hbm>> -> memref<3200xf32, #tpu.memory_space<hbm>>
    %dma_start3A_287 = tpu.memref_slice %arg4[%dma_start3A_284, %add3A_268] : memref<6x102400xf32, #tpu.memory_space<hbm>> -> memref<1x3200xf32, #tpu.memory_space<hbm>>
    %dma_start3A_288 = tpu.memref_squeeze %dma_start3A_287 : memref<1x3200xf32, #tpu.memory_space<hbm>> -> memref<3200xf32, #tpu.memory_space<hbm>>
    tpu.enqueue_dma source(%dma_start3A_288 : memref<3200xf32, #tpu.memory_space<hbm>>) target(%arg22 : memref<3200xf32, #tpu.memory_space<vmem>>) target_semaphore(%arg30 : memref<!tpu.dma_semaphore, #tpu.memory_space<semaphore_mem>>)
    %dma_start3A_289 = arith.constant 2 : i32
    %dma_start3A_290 = tpu.memref_slice %arg4[%dma_start3A_289, %add3A_268] : memref<6x102400xf32, #tpu.memory_space<hbm>> -> memref<1x3200xf32, #tpu.memory_space<hbm>>
    %dma_start3A_291 = tpu.memref_squeeze %dma_start3A_290 : memref<1x3200xf32, #tpu.memory_space<hbm>> -> memref<3200xf32, #tpu.memory_space<hbm>>
    %dma_start3A_292 = tpu.memref_slice %arg4[%dma_start3A_289, %add3A_268] : memref<6x102400xf32, #tpu.memory_space<hbm>> -> memref<1x3200xf32, #tpu.memory_space<hbm>>
    %dma_start3A_293 = tpu.memref_squeeze %dma_start3A_292 : memref<1x3200xf32, #tpu.memory_space<hbm>> -> memref<3200xf32, #tpu.memory_space<hbm>>
    tpu.enqueue_dma source(%dma_start3A_293 : memref<3200xf32, #tpu.memory_space<hbm>>) target(%arg23 : memref<3200xf32, #tpu.memory_space<vmem>>) target_semaphore(%arg30 : memref<!tpu.dma_semaphore, #tpu.memory_space<semaphore_mem>>)
    %dma_start3A_294 = arith.constant 3 : i32
    %dma_start3A_295 = tpu.memref_slice %arg4[%dma_start3A_294, %add3A_268] : memref<6x102400xf32, #tpu.memory_space<hbm>> -> memref<1x3200xf32, #tpu.memory_space<hbm>>
    %dma_start3A_296 = tpu.memref_squeeze %dma_start3A_295 : memref<1x3200xf32, #tpu.memory_space<hbm>> -> memref<3200xf32, #tpu.memory_space<hbm>>
    %dma_start3A_297 = tpu.memref_slice %arg4[%dma_start3A_294, %add3A_268] : memref<6x102400xf32, #tpu.memory_space<hbm>> -> memref<1x3200xf32, #tpu.memory_space<hbm>>
    %dma_start3A_298 = tpu.memref_squeeze %dma_start3A_297 : memref<1x3200xf32, #tpu.memory_space<hbm>> -> memref<3200xf32, #tpu.memory_space<hbm>>
    tpu.enqueue_dma source(%dma_start3A_298 : memref<3200xf32, #tpu.memory_space<hbm>>) target(%arg24 : memref<3200xf32, #tpu.memory_space<vmem>>) target_semaphore(%arg30 : memref<!tpu.dma_semaphore, #tpu.memory_space<semaphore_mem>>)
    %dma_start3A_299 = arith.constant 4 : i32
    %dma_start3A_300 = tpu.memref_slice %arg4[%dma_start3A_299, %add3A_268] : memref<6x102400xf32, #tpu.memory_space<hbm>> -> memref<1x3200xf32, #tpu.memory_space<hbm>>
    %dma_start3A_301 = tpu.memref_squeeze %dma_start3A_300 : memref<1x3200xf32, #tpu.memory_space<hbm>> -> memref<3200xf32, #tpu.memory_space<hbm>>
    %dma_start3A_302 = tpu.memref_slice %arg4[%dma_start3A_299, %add3A_268] : memref<6x102400xf32, #tpu.memory_space<hbm>> -> memref<1x3200xf32, #tpu.memory_space<hbm>>
    %dma_start3A_303 = tpu.memref_squeeze %dma_start3A_302 : memref<1x3200xf32, #tpu.memory_space<hbm>> -> memref<3200xf32, #tpu.memory_space<hbm>>
    tpu.enqueue_dma source(%dma_start3A_303 : memref<3200xf32, #tpu.memory_space<hbm>>) target(%arg25 : memref<3200xf32, #tpu.memory_space<vmem>>) target_semaphore(%arg30 : memref<!tpu.dma_semaphore, #tpu.memory_space<semaphore_mem>>)
    %dma_start3A_304 = arith.constant 5 : i32
    %dma_start3A_305 = tpu.memref_slice %arg4[%dma_start3A_304, %add3A_268] : memref<6x102400xf32, #tpu.memory_space<hbm>> -> memref<1x3200xf32, #tpu.memory_space<hbm>>
    %dma_start3A_306 = tpu.memref_squeeze %dma_start3A_305 : memref<1x3200xf32, #tpu.memory_space<hbm>> -> memref<3200xf32, #tpu.memory_space<hbm>>
    %dma_start3A_307 = tpu.memref_slice %arg4[%dma_start3A_304, %add3A_268] : memref<6x102400xf32, #tpu.memory_space<hbm>> -> memref<1x3200xf32, #tpu.memory_space<hbm>>
    %dma_start3A_308 = tpu.memref_squeeze %dma_start3A_307 : memref<1x3200xf32, #tpu.memory_space<hbm>> -> memref<3200xf32, #tpu.memory_space<hbm>>
    tpu.enqueue_dma source(%dma_start3A_308 : memref<3200xf32, #tpu.memory_space<hbm>>) target(%arg26 : memref<3200xf32, #tpu.memory_space<vmem>>) target_semaphore(%arg30 : memref<!tpu.dma_semaphore, #tpu.memory_space<semaphore_mem>>)
    %dma_start3A_309 = tpu.memref_slice %arg5[%mul3A_7, %add3A_268] : memref<8x102400xf32, #tpu.memory_space<hbm>> -> memref<1x3200xf32, #tpu.memory_space<hbm>>
    %dma_start3A_310 = tpu.memref_squeeze %dma_start3A_309 : memref<1x3200xf32, #tpu.memory_space<hbm>> -> memref<3200xf32, #tpu.memory_space<hbm>>
    %dma_start3A_311 = tpu.memref_slice %arg5[%mul3A_7, %add3A_268] : memref<8x102400xf32, #tpu.memory_space<hbm>> -> memref<1x3200xf32, #tpu.memory_space<hbm>>
    %dma_start3A_312 = tpu.memref_squeeze %dma_start3A_311 : memref<1x3200xf32, #tpu.memory_space<hbm>> -> memref<3200xf32, #tpu.memory_space<hbm>>
    tpu.enqueue_dma source(%dma_start3A_312 : memref<3200xf32, #tpu.memory_space<hbm>>) target(%arg27 : memref<3200xf32, #tpu.memory_space<vmem>>) target_semaphore(%arg30 : memref<!tpu.dma_semaphore, #tpu.memory_space<semaphore_mem>>)
    %dma_start3A_313 = tpu.memref_slice %arg5[%add3A_9, %add3A_268] : memref<8x102400xf32, #tpu.memory_space<hbm>> -> memref<1x3200xf32, #tpu.memory_space<hbm>>
    %dma_start3A_314 = tpu.memref_squeeze %dma_start3A_313 : memref<1x3200xf32, #tpu.memory_space<hbm>> -> memref<3200xf32, #tpu.memory_space<hbm>>
    %dma_start3A_315 = tpu.memref_slice %arg5[%add3A_9, %add3A_268] : memref<8x102400xf32, #tpu.memory_space<hbm>> -> memref<1x3200xf32, #tpu.memory_space<hbm>>
    %dma_start3A_316 = tpu.memref_squeeze %dma_start3A_315 : memref<1x3200xf32, #tpu.memory_space<hbm>> -> memref<3200xf32, #tpu.memory_space<hbm>>
    tpu.enqueue_dma source(%dma_start3A_316 : memref<3200xf32, #tpu.memory_space<hbm>>) target(%arg28 : memref<3200xf32, #tpu.memory_space<vmem>>) target_semaphore(%arg30 : memref<!tpu.dma_semaphore, #tpu.memory_space<semaphore_mem>>)
    %dma_wait3A_317 = arith.constant 0 : i32
    %dma_wait3A_318 = tpu.memref_slice %arg3[%dma_wait3A_317, %add3A_165] : memref<2x102400xi32, #tpu.memory_space<hbm>> -> memref<1x3200xi32, #tpu.memory_space<hbm>>
    %dma_wait3A_319 = tpu.memref_squeeze %dma_wait3A_318 : memref<1x3200xi32, #tpu.memory_space<hbm>> -> memref<3200xi32, #tpu.memory_space<hbm>>
    %dma_wait3A_320 = tpu.memref_slice %arg3[%dma_wait3A_317, %add3A_165] : memref<2x102400xi32, #tpu.memory_space<hbm>> -> memref<1x3200xi32, #tpu.memory_space<hbm>>
    %dma_wait3A_321 = tpu.memref_squeeze %dma_wait3A_320 : memref<1x3200xi32, #tpu.memory_space<hbm>> -> memref<3200xi32, #tpu.memory_space<hbm>>
    tpu.wait_dma2 semaphore(%arg29 : memref<!tpu.dma_semaphore, #tpu.memory_space<semaphore_mem>>) src(%dma_wait3A_321 : memref<3200xi32, #tpu.memory_space<hbm>>) dst(%arg9 : memref<3200xi32, #tpu.memory_space<vmem>>)
    %dma_wait3A_322 = arith.constant 1 : i32
    %dma_wait3A_323 = tpu.memref_slice %arg3[%dma_wait3A_322, %add3A_165] : memref<2x102400xi32, #tpu.memory_space<hbm>> -> memref<1x3200xi32, #tpu.memory_space<hbm>>
    %dma_wait3A_324 = tpu.memref_squeeze %dma_wait3A_323 : memref<1x3200xi32, #tpu.memory_space<hbm>> -> memref<3200xi32, #tpu.memory_space<hbm>>
    %dma_wait3A_325 = tpu.memref_slice %arg3[%dma_wait3A_322, %add3A_165] : memref<2x102400xi32, #tpu.memory_space<hbm>> -> memref<1x3200xi32, #tpu.memory_space<hbm>>
    %dma_wait3A_326 = tpu.memref_squeeze %dma_wait3A_325 : memref<1x3200xi32, #tpu.memory_space<hbm>> -> memref<3200xi32, #tpu.memory_space<hbm>>
    tpu.wait_dma2 semaphore(%arg29 : memref<!tpu.dma_semaphore, #tpu.memory_space<semaphore_mem>>) src(%dma_wait3A_326 : memref<3200xi32, #tpu.memory_space<hbm>>) dst(%arg10 : memref<3200xi32, #tpu.memory_space<vmem>>)
    %dma_wait3A_327 = arith.constant 0 : i32
    %dma_wait3A_328 = tpu.memref_slice %arg4[%dma_wait3A_327, %add3A_165] : memref<6x102400xf32, #tpu.memory_space<hbm>> -> memref<1x3200xf32, #tpu.memory_space<hbm>>
    %dma_wait3A_329 = tpu.memref_squeeze %dma_wait3A_328 : memref<1x3200xf32, #tpu.memory_space<hbm>> -> memref<3200xf32, #tpu.memory_space<hbm>>
    %dma_wait3A_330 = tpu.memref_slice %arg4[%dma_wait3A_327, %add3A_165] : memref<6x102400xf32, #tpu.memory_space<hbm>> -> memref<1x3200xf32, #tpu.memory_space<hbm>>
    %dma_wait3A_331 = tpu.memref_squeeze %dma_wait3A_330 : memref<1x3200xf32, #tpu.memory_space<hbm>> -> memref<3200xf32, #tpu.memory_space<hbm>>
    tpu.wait_dma2 semaphore(%arg29 : memref<!tpu.dma_semaphore, #tpu.memory_space<semaphore_mem>>) src(%dma_wait3A_331 : memref<3200xf32, #tpu.memory_space<hbm>>) dst(%arg11 : memref<3200xf32, #tpu.memory_space<vmem>>)
    %dma_wait3A_332 = arith.constant 1 : i32
    %dma_wait3A_333 = tpu.memref_slice %arg4[%dma_wait3A_332, %add3A_165] : memref<6x102400xf32, #tpu.memory_space<hbm>> -> memref<1x3200xf32, #tpu.memory_space<hbm>>
    %dma_wait3A_334 = tpu.memref_squeeze %dma_wait3A_333 : memref<1x3200xf32, #tpu.memory_space<hbm>> -> memref<3200xf32, #tpu.memory_space<hbm>>
    %dma_wait3A_335 = tpu.memref_slice %arg4[%dma_wait3A_332, %add3A_165] : memref<6x102400xf32, #tpu.memory_space<hbm>> -> memref<1x3200xf32, #tpu.memory_space<hbm>>
    %dma_wait3A_336 = tpu.memref_squeeze %dma_wait3A_335 : memref<1x3200xf32, #tpu.memory_space<hbm>> -> memref<3200xf32, #tpu.memory_space<hbm>>
    tpu.wait_dma2 semaphore(%arg29 : memref<!tpu.dma_semaphore, #tpu.memory_space<semaphore_mem>>) src(%dma_wait3A_336 : memref<3200xf32, #tpu.memory_space<hbm>>) dst(%arg12 : memref<3200xf32, #tpu.memory_space<vmem>>)
    %dma_wait3A_337 = arith.constant 2 : i32
    %dma_wait3A_338 = tpu.memref_slice %arg4[%dma_wait3A_337, %add3A_165] : memref<6x102400xf32, #tpu.memory_space<hbm>> -> memref<1x3200xf32, #tpu.memory_space<hbm>>
    %dma_wait3A_339 = tpu.memref_squeeze %dma_wait3A_338 : memref<1x3200xf32, #tpu.memory_space<hbm>> -> memref<3200xf32, #tpu.memory_space<hbm>>
    %dma_wait3A_340 = tpu.memref_slice %arg4[%dma_wait3A_337, %add3A_165] : memref<6x102400xf32, #tpu.memory_space<hbm>> -> memref<1x3200xf32, #tpu.memory_space<hbm>>
    %dma_wait3A_341 = tpu.memref_squeeze %dma_wait3A_340 : memref<1x3200xf32, #tpu.memory_space<hbm>> -> memref<3200xf32, #tpu.memory_space<hbm>>
    tpu.wait_dma2 semaphore(%arg29 : memref<!tpu.dma_semaphore, #tpu.memory_space<semaphore_mem>>) src(%dma_wait3A_341 : memref<3200xf32, #tpu.memory_space<hbm>>) dst(%arg13 : memref<3200xf32, #tpu.memory_space<vmem>>)
    %dma_wait3A_342 = arith.constant 3 : i32
    %dma_wait3A_343 = tpu.memref_slice %arg4[%dma_wait3A_342, %add3A_165] : memref<6x102400xf32, #tpu.memory_space<hbm>> -> memref<1x3200xf32, #tpu.memory_space<hbm>>
    %dma_wait3A_344 = tpu.memref_squeeze %dma_wait3A_343 : memref<1x3200xf32, #tpu.memory_space<hbm>> -> memref<3200xf32, #tpu.memory_space<hbm>>
    %dma_wait3A_345 = tpu.memref_slice %arg4[%dma_wait3A_342, %add3A_165] : memref<6x102400xf32, #tpu.memory_space<hbm>> -> memref<1x3200xf32, #tpu.memory_space<hbm>>
    %dma_wait3A_346 = tpu.memref_squeeze %dma_wait3A_345 : memref<1x3200xf32, #tpu.memory_space<hbm>> -> memref<3200xf32, #tpu.memory_space<hbm>>
    tpu.wait_dma2 semaphore(%arg29 : memref<!tpu.dma_semaphore, #tpu.memory_space<semaphore_mem>>) src(%dma_wait3A_346 : memref<3200xf32, #tpu.memory_space<hbm>>) dst(%arg14 : memref<3200xf32, #tpu.memory_space<vmem>>)
    %dma_wait3A_347 = arith.constant 4 : i32
    %dma_wait3A_348 = tpu.memref_slice %arg4[%dma_wait3A_347, %add3A_165] : memref<6x102400xf32, #tpu.memory_space<hbm>> -> memref<1x3200xf32, #tpu.memory_space<hbm>>
    %dma_wait3A_349 = tpu.memref_squeeze %dma_wait3A_348 : memref<1x3200xf32, #tpu.memory_space<hbm>> -> memref<3200xf32, #tpu.memory_space<hbm>>
    %dma_wait3A_350 = tpu.memref_slice %arg4[%dma_wait3A_347, %add3A_165] : memref<6x102400xf32, #tpu.memory_space<hbm>> -> memref<1x3200xf32, #tpu.memory_space<hbm>>
    %dma_wait3A_351 = tpu.memref_squeeze %dma_wait3A_350 : memref<1x3200xf32, #tpu.memory_space<hbm>> -> memref<3200xf32, #tpu.memory_space<hbm>>
    tpu.wait_dma2 semaphore(%arg29 : memref<!tpu.dma_semaphore, #tpu.memory_space<semaphore_mem>>) src(%dma_wait3A_351 : memref<3200xf32, #tpu.memory_space<hbm>>) dst(%arg15 : memref<3200xf32, #tpu.memory_space<vmem>>)
    %dma_wait3A_352 = arith.constant 5 : i32
    %dma_wait3A_353 = tpu.memref_slice %arg4[%dma_wait3A_352, %add3A_165] : memref<6x102400xf32, #tpu.memory_space<hbm>> -> memref<1x3200xf32, #tpu.memory_space<hbm>>
    %dma_wait3A_354 = tpu.memref_squeeze %dma_wait3A_353 : memref<1x3200xf32, #tpu.memory_space<hbm>> -> memref<3200xf32, #tpu.memory_space<hbm>>
    %dma_wait3A_355 = tpu.memref_slice %arg4[%dma_wait3A_352, %add3A_165] : memref<6x102400xf32, #tpu.memory_space<hbm>> -> memref<1x3200xf32, #tpu.memory_space<hbm>>
    %dma_wait3A_356 = tpu.memref_squeeze %dma_wait3A_355 : memref<1x3200xf32, #tpu.memory_space<hbm>> -> memref<3200xf32, #tpu.memory_space<hbm>>
    tpu.wait_dma2 semaphore(%arg29 : memref<!tpu.dma_semaphore, #tpu.memory_space<semaphore_mem>>) src(%dma_wait3A_356 : memref<3200xf32, #tpu.memory_space<hbm>>) dst(%arg16 : memref<3200xf32, #tpu.memory_space<vmem>>)
    %dma_wait3A_357 = tpu.memref_slice %arg5[%mul3A_7, %add3A_165] : memref<8x102400xf32, #tpu.memory_space<hbm>> -> memref<1x3200xf32, #tpu.memory_space<hbm>>
    %dma_wait3A_358 = tpu.memref_squeeze %dma_wait3A_357 : memref<1x3200xf32, #tpu.memory_space<hbm>> -> memref<3200xf32, #tpu.memory_space<hbm>>
    %dma_wait3A_359 = tpu.memref_slice %arg5[%mul3A_7, %add3A_165] : memref<8x102400xf32, #tpu.memory_space<hbm>> -> memref<1x3200xf32, #tpu.memory_space<hbm>>
    %dma_wait3A_360 = tpu.memref_squeeze %dma_wait3A_359 : memref<1x3200xf32, #tpu.memory_space<hbm>> -> memref<3200xf32, #tpu.memory_space<hbm>>
    tpu.wait_dma2 semaphore(%arg29 : memref<!tpu.dma_semaphore, #tpu.memory_space<semaphore_mem>>) src(%dma_wait3A_360 : memref<3200xf32, #tpu.memory_space<hbm>>) dst(%arg17 : memref<3200xf32, #tpu.memory_space<vmem>>)
    %dma_wait3A_361 = tpu.memref_slice %arg5[%add3A_9, %add3A_165] : memref<8x102400xf32, #tpu.memory_space<hbm>> -> memref<1x3200xf32, #tpu.memory_space<hbm>>
    %dma_wait3A_362 = tpu.memref_squeeze %dma_wait3A_361 : memref<1x3200xf32, #tpu.memory_space<hbm>> -> memref<3200xf32, #tpu.memory_space<hbm>>
    %dma_wait3A_363 = tpu.memref_slice %arg5[%add3A_9, %add3A_165] : memref<8x102400xf32, #tpu.memory_space<hbm>> -> memref<1x3200xf32, #tpu.memory_space<hbm>>
    %dma_wait3A_364 = tpu.memref_squeeze %dma_wait3A_363 : memref<1x3200xf32, #tpu.memory_space<hbm>> -> memref<3200xf32, #tpu.memory_space<hbm>>
    tpu.wait_dma2 semaphore(%arg29 : memref<!tpu.dma_semaphore, #tpu.memory_space<semaphore_mem>>) src(%dma_wait3A_364 : memref<3200xf32, #tpu.memory_space<hbm>>) dst(%arg18 : memref<3200xf32, #tpu.memory_space<vmem>>)
    %parallel_loop3A_365 = arith.constant 0 : i32
    %parallel_loop3A_366 = arith.constant 200 : i32
    %parallel_loop3A_367 = arith.constant 1 : i32
    scf.for %parallel_loop3A_420 = %parallel_loop3A_365 to %parallel_loop3A_366 step %parallel_loop3A_367  : i32 {
      %parallel_loop3A_421 = arith.constant 16 : i32
      %parallel_loop3A_422 = arith.muli %parallel_loop3A_420, %parallel_loop3A_421 : i32
      %parallel_loop3A_423 = arith.index_cast %parallel_loop3A_422 : i32 to index
      %parallel_loop3A_424 = tpu.vector_load %arg9[%parallel_loop3A_423] {strides = array<i32>} : memref<3200xi32, #tpu.memory_space<vmem>>, vector<16xi32>,
      %parallel_loop3A_425 = arith.index_cast %parallel_loop3A_422 : i32 to index
      %parallel_loop3A_426 = tpu.vector_load %arg10[%parallel_loop3A_425] {strides = array<i32>} : memref<3200xi32, #tpu.memory_space<vmem>>, vector<16xi32>,
      %parallel_loop3A_427 = arith.index_cast %parallel_loop3A_422 : i32 to index
      %parallel_loop3A_428 = tpu.vector_load %arg11[%parallel_loop3A_427] {strides = array<i32>} : memref<3200xf32, #tpu.memory_space<vmem>>, vector<16xf32>,
      %parallel_loop3A_429 = arith.index_cast %parallel_loop3A_422 : i32 to index
      %parallel_loop3A_430 = tpu.vector_load %arg12[%parallel_loop3A_429] {strides = array<i32>} : memref<3200xf32, #tpu.memory_space<vmem>>, vector<16xf32>,
      %parallel_loop3A_431 = arith.index_cast %parallel_loop3A_422 : i32 to index
      %parallel_loop3A_432 = tpu.vector_load %arg13[%parallel_loop3A_431] {strides = array<i32>} : memref<3200xf32, #tpu.memory_space<vmem>>, vector<16xf32>,
      %parallel_loop3A_433 = arith.index_cast %parallel_loop3A_422 : i32 to index
      %parallel_loop3A_434 = tpu.vector_load %arg14[%parallel_loop3A_433] {strides = array<i32>} : memref<3200xf32, #tpu.memory_space<vmem>>, vector<16xf32>,
      %parallel_loop3A_435 = arith.index_cast %parallel_loop3A_422 : i32 to index
      %parallel_loop3A_436 = tpu.vector_load %arg15[%parallel_loop3A_435] {strides = array<i32>} : memref<3200xf32, #tpu.memory_space<vmem>>, vector<16xf32>,
      %parallel_loop3A_437 = arith.index_cast %parallel_loop3A_422 : i32 to index
      %parallel_loop3A_438 = tpu.vector_load %arg16[%parallel_loop3A_437] {strides = array<i32>} : memref<3200xf32, #tpu.memory_space<vmem>>, vector<16xf32>,
      %parallel_loop3A_439 = arith.index_cast %parallel_loop3A_422 : i32 to index
      %parallel_loop3A_440 = tpu.vector_load %arg17[%parallel_loop3A_439] {strides = array<i32>} : memref<3200xf32, #tpu.memory_space<vmem>>, vector<16xf32>,
      %parallel_loop3A_441 = arith.index_cast %parallel_loop3A_422 : i32 to index
      %parallel_loop3A_442 = tpu.vector_load %arg18[%parallel_loop3A_441] {strides = array<i32>} : memref<3200xf32, #tpu.memory_space<vmem>>, vector<16xf32>,
      %parallel_loop3A_443 = arith.constant 128 : i32
      %parallel_loop3A_444 = vector.broadcast %parallel_loop3A_443 : i32 to vector<16xi32>
      %parallel_loop3A_445 = arith.muli %parallel_loop3A_424, %parallel_loop3A_444 : vector<16xi32>
      %parallel_loop3A_446 = arith.addi %parallel_loop3A_445, %parallel_loop3A_426 : vector<16xi32>
      %parallel_loop3A_447 = arith.constant true
      %parallel_loop3A_448 = vector.broadcast %parallel_loop3A_447 : i1 to vector<16xi1>
      %parallel_loop3A_449, %parallel_loop3A_450 = tpu.scan_count mask(%parallel_loop3A_448 : vector<16xi1>) value(%parallel_loop3A_446 : vector<16xi32>) : vector<16xi1>, vector<16xi32>
      %parallel_loop3A_451 = arith.constant true
      %parallel_loop3A_452 = vector.broadcast %parallel_loop3A_451 : i1 to vector<16xi1>
      %parallel_loop3A_453 = arith.constant -2147483648 : i32
      %parallel_loop3A_454 = vector.broadcast %parallel_loop3A_453 : i32 to vector<16xi32>
      %parallel_loop3A_455 = arith.xori %parallel_loop3A_450, %parallel_loop3A_454 : vector<16xi32>
      %parallel_loop3A_456 = tpu.scan <min>, %parallel_loop3A_455 masked %parallel_loop3A_452 : vector<16xi32>, vector<16xi1> -> vector<16xi32>
      %parallel_loop3A_457 = arith.xori %parallel_loop3A_456, %parallel_loop3A_454 : vector<16xi32>
      %parallel_loop3A_458 = vector.extract %parallel_loop3A_457[15] : i32 from vector<16xi32>
      %parallel_loop3A_459 = arith.constant true
      %parallel_loop3A_460 = vector.broadcast %parallel_loop3A_459 : i1 to vector<16xi1>
      %parallel_loop3A_461 = arith.constant -2147483648 : i32
      %parallel_loop3A_462 = vector.broadcast %parallel_loop3A_461 : i32 to vector<16xi32>
      %parallel_loop3A_463 = arith.xori %parallel_loop3A_450, %parallel_loop3A_462 : vector<16xi32>
      %parallel_loop3A_464 = tpu.scan <max>, %parallel_loop3A_463 masked %parallel_loop3A_460 : vector<16xi32>, vector<16xi1> -> vector<16xi32>
      %parallel_loop3A_465 = arith.xori %parallel_loop3A_464, %parallel_loop3A_462 : vector<16xi32>
      %parallel_loop3A_466 = vector.extract %parallel_loop3A_465[15] : i32 from vector<16xi32>
      %parallel_loop3A_467 = arith.cmpi eq, %parallel_loop3A_466, %parallel_loop3A_458 : i32
      %parallel_loop3A_468 = arith.extui %parallel_loop3A_467 : i1 to i32
      %parallel_loop3A_469 = arith.constant 0 : i32
      %parallel_loop3A_470 = arith.cmpi ne, %parallel_loop3A_468, %parallel_loop3A_469 : i32
      scf.if %parallel_loop3A_470 {
        %parallel_loop3A_475 = arith.mulf %parallel_loop3A_428, %parallel_loop3A_440 : vector<16xf32>
        %parallel_loop3A_476 = arith.mulf %parallel_loop3A_428, %parallel_loop3A_442 : vector<16xf32>
        %parallel_loop3A_477 = arith.constant 0 : i32
        %parallel_loop3A_478 = vector.broadcast %parallel_loop3A_477 : i32 to vector<16xi32>
        %parallel_loop3A_479 = arith.addi %parallel_loop3A_446, %parallel_loop3A_478 : vector<16xi32>
        %parallel_loop3A_480 = arith.mulf %parallel_loop3A_475, %parallel_loop3A_434 : vector<16xf32>
        tpu.vector_store_idx %arg7[%parallel_loop3A_479], %parallel_loop3A_480 {add = true} : memref<16384xf32, #tpu.memory_space<vmem>>[vector<16xi32>], vector<16xf32>,
        %parallel_loop3A_481 = arith.mulf %parallel_loop3A_476, %parallel_loop3A_434 : vector<16xf32>
        tpu.vector_store_idx %arg8[%parallel_loop3A_479], %parallel_loop3A_481 {add = true} : memref<16384xf32, #tpu.memory_space<vmem>>[vector<16xi32>], vector<16xf32>,
        %parallel_loop3A_482 = arith.constant 1 : i32
        %parallel_loop3A_483 = vector.broadcast %parallel_loop3A_482 : i32 to vector<16xi32>
        %parallel_loop3A_484 = arith.addi %parallel_loop3A_446, %parallel_loop3A_483 : vector<16xi32>
        %parallel_loop3A_485 = arith.mulf %parallel_loop3A_475, %parallel_loop3A_436 : vector<16xf32>
        tpu.vector_store_idx %arg7[%parallel_loop3A_484], %parallel_loop3A_485 {add = true} : memref<16384xf32, #tpu.memory_space<vmem>>[vector<16xi32>], vector<16xf32>,
        %parallel_loop3A_486 = arith.mulf %parallel_loop3A_476, %parallel_loop3A_436 : vector<16xf32>
        tpu.vector_store_idx %arg8[%parallel_loop3A_484], %parallel_loop3A_486 {add = true} : memref<16384xf32, #tpu.memory_space<vmem>>[vector<16xi32>], vector<16xf32>,
        %parallel_loop3A_487 = arith.constant 2 : i32
        %parallel_loop3A_488 = vector.broadcast %parallel_loop3A_487 : i32 to vector<16xi32>
        %parallel_loop3A_489 = arith.addi %parallel_loop3A_446, %parallel_loop3A_488 : vector<16xi32>
        %parallel_loop3A_490 = arith.mulf %parallel_loop3A_475, %parallel_loop3A_438 : vector<16xf32>
        tpu.vector_store_idx %arg7[%parallel_loop3A_489], %parallel_loop3A_490 {add = true} : memref<16384xf32, #tpu.memory_space<vmem>>[vector<16xi32>], vector<16xf32>,
        %parallel_loop3A_491 = arith.mulf %parallel_loop3A_476, %parallel_loop3A_438 : vector<16xf32>
        tpu.vector_store_idx %arg8[%parallel_loop3A_489], %parallel_loop3A_491 {add = true} : memref<16384xf32, #tpu.memory_space<vmem>>[vector<16xi32>], vector<16xf32>,
        %parallel_loop3A_492 = arith.mulf %parallel_loop3A_430, %parallel_loop3A_440 : vector<16xf32>
        %parallel_loop3A_493 = arith.mulf %parallel_loop3A_430, %parallel_loop3A_442 : vector<16xf32>
        %parallel_loop3A_494 = arith.constant 128 : i32
        %parallel_loop3A_495 = vector.broadcast %parallel_loop3A_494 : i32 to vector<16xi32>
        %parallel_loop3A_496 = arith.addi %parallel_loop3A_446, %parallel_loop3A_495 : vector<16xi32>
        %parallel_loop3A_497 = arith.mulf %parallel_loop3A_492, %parallel_loop3A_434 : vector<16xf32>
        tpu.vector_store_idx %arg7[%parallel_loop3A_496], %parallel_loop3A_497 {add = true} : memref<16384xf32, #tpu.memory_space<vmem>>[vector<16xi32>], vector<16xf32>,
        %parallel_loop3A_498 = arith.mulf %parallel_loop3A_493, %parallel_loop3A_434 : vector<16xf32>
        tpu.vector_store_idx %arg8[%parallel_loop3A_496], %parallel_loop3A_498 {add = true} : memref<16384xf32, #tpu.memory_space<vmem>>[vector<16xi32>], vector<16xf32>,
        %parallel_loop3A_499 = arith.constant 129 : i32
        %parallel_loop3A_500 = vector.broadcast %parallel_loop3A_499 : i32 to vector<16xi32>
        %parallel_loop3A_501 = arith.addi %parallel_loop3A_446, %parallel_loop3A_500 : vector<16xi32>
        %parallel_loop3A_502 = arith.mulf %parallel_loop3A_492, %parallel_loop3A_436 : vector<16xf32>
        tpu.vector_store_idx %arg7[%parallel_loop3A_501], %parallel_loop3A_502 {add = true} : memref<16384xf32, #tpu.memory_space<vmem>>[vector<16xi32>], vector<16xf32>,
        %parallel_loop3A_503 = arith.mulf %parallel_loop3A_493, %parallel_loop3A_436 : vector<16xf32>
        tpu.vector_store_idx %arg8[%parallel_loop3A_501], %parallel_loop3A_503 {add = true} : memref<16384xf32, #tpu.memory_space<vmem>>[vector<16xi32>], vector<16xf32>,
        %parallel_loop3A_504 = arith.constant 130 : i32
        %parallel_loop3A_505 = vector.broadcast %parallel_loop3A_504 : i32 to vector<16xi32>
        %parallel_loop3A_506 = arith.addi %parallel_loop3A_446, %parallel_loop3A_505 : vector<16xi32>
        %parallel_loop3A_507 = arith.mulf %parallel_loop3A_492, %parallel_loop3A_438 : vector<16xf32>
        tpu.vector_store_idx %arg7[%parallel_loop3A_506], %parallel_loop3A_507 {add = true} : memref<16384xf32, #tpu.memory_space<vmem>>[vector<16xi32>], vector<16xf32>,
        %parallel_loop3A_508 = arith.mulf %parallel_loop3A_493, %parallel_loop3A_438 : vector<16xf32>
        tpu.vector_store_idx %arg8[%parallel_loop3A_506], %parallel_loop3A_508 {add = true} : memref<16384xf32, #tpu.memory_space<vmem>>[vector<16xi32>], vector<16xf32>,
        %parallel_loop3A_509 = arith.mulf %parallel_loop3A_432, %parallel_loop3A_440 : vector<16xf32>
        %parallel_loop3A_510 = arith.mulf %parallel_loop3A_432, %parallel_loop3A_442 : vector<16xf32>
        %parallel_loop3A_511 = arith.constant 256 : i32
        %parallel_loop3A_512 = vector.broadcast %parallel_loop3A_511 : i32 to vector<16xi32>
        %parallel_loop3A_513 = arith.addi %parallel_loop3A_446, %parallel_loop3A_512 : vector<16xi32>
        %parallel_loop3A_514 = arith.mulf %parallel_loop3A_509, %parallel_loop3A_434 : vector<16xf32>
        tpu.vector_store_idx %arg7[%parallel_loop3A_513], %parallel_loop3A_514 {add = true} : memref<16384xf32, #tpu.memory_space<vmem>>[vector<16xi32>], vector<16xf32>,
        %parallel_loop3A_515 = arith.mulf %parallel_loop3A_510, %parallel_loop3A_434 : vector<16xf32>
        tpu.vector_store_idx %arg8[%parallel_loop3A_513], %parallel_loop3A_515 {add = true} : memref<16384xf32, #tpu.memory_space<vmem>>[vector<16xi32>], vector<16xf32>,
        %parallel_loop3A_516 = arith.constant 257 : i32
        %parallel_loop3A_517 = vector.broadcast %parallel_loop3A_516 : i32 to vector<16xi32>
        %parallel_loop3A_518 = arith.addi %parallel_loop3A_446, %parallel_loop3A_517 : vector<16xi32>
        %parallel_loop3A_519 = arith.mulf %parallel_loop3A_509, %parallel_loop3A_436 : vector<16xf32>
        tpu.vector_store_idx %arg7[%parallel_loop3A_518], %parallel_loop3A_519 {add = true} : memref<16384xf32, #tpu.memory_space<vmem>>[vector<16xi32>], vector<16xf32>,
        %parallel_loop3A_520 = arith.mulf %parallel_loop3A_510, %parallel_loop3A_436 : vector<16xf32>
        tpu.vector_store_idx %arg8[%parallel_loop3A_518], %parallel_loop3A_520 {add = true} : memref<16384xf32, #tpu.memory_space<vmem>>[vector<16xi32>], vector<16xf32>,
        %parallel_loop3A_521 = arith.constant 258 : i32
        %parallel_loop3A_522 = vector.broadcast %parallel_loop3A_521 : i32 to vector<16xi32>
        %parallel_loop3A_523 = arith.addi %parallel_loop3A_446, %parallel_loop3A_522 : vector<16xi32>
        %parallel_loop3A_524 = arith.mulf %parallel_loop3A_509, %parallel_loop3A_438 : vector<16xf32>
        tpu.vector_store_idx %arg7[%parallel_loop3A_523], %parallel_loop3A_524 {add = true} : memref<16384xf32, #tpu.memory_space<vmem>>[vector<16xi32>], vector<16xf32>,
        %parallel_loop3A_525 = arith.mulf %parallel_loop3A_510, %parallel_loop3A_438 : vector<16xf32>
        tpu.vector_store_idx %arg8[%parallel_loop3A_523], %parallel_loop3A_525 {add = true} : memref<16384xf32, #tpu.memory_space<vmem>>[vector<16xi32>], vector<16xf32>,
      } else {
      }
      %parallel_loop3A_471 = arith.cmpi ne, %parallel_loop3A_466, %parallel_loop3A_458 : i32
      %parallel_loop3A_472 = arith.extui %parallel_loop3A_471 : i1 to i32
      %parallel_loop3A_473 = arith.constant 0 : i32
      %parallel_loop3A_474 = arith.cmpi ne, %parallel_loop3A_472, %parallel_loop3A_473 : i32
      scf.if %parallel_loop3A_474 {
        %parallel_loop3A_475 = arith.constant 1 : i32
        %parallel_loop3A_476 = arith.addi %parallel_loop3A_466, %parallel_loop3A_475 : i32
        %parallel_loop3A_477 = arith.constant 0 : i32
        %parallel_loop3A_478 = arith.subi %parallel_loop3A_476, %parallel_loop3A_458 : i32
        %parallel_loop3A_479 = arith.addi %parallel_loop3A_458, %parallel_loop3A_478 : i32
        %parallel_loop3A_480 = arith.constant 1 : i32
        %parallel_loop3A_481 = arith.divsi %parallel_loop3A_478, %parallel_loop3A_480 : i32
        %parallel_loop3A_482 = arith.muli %parallel_loop3A_481, %parallel_loop3A_480 : i32
        %parallel_loop3A_483 = arith.addi %parallel_loop3A_458, %parallel_loop3A_482 : i32
        %parallel_loop3A_484 = arith.constant 1 : i32
        scf.for %while3A = %parallel_loop3A_458 to %parallel_loop3A_483 step %parallel_loop3A_484  : i32 {
          %parallel_loop3A_486 = vector.broadcast %while3A : i32 to vector<16xi32>
          %parallel_loop3A_487 = arith.cmpi eq, %parallel_loop3A_450, %parallel_loop3A_486 : vector<16xi32>
          %parallel_loop3A_488 = arith.mulf %parallel_loop3A_428, %parallel_loop3A_434 : vector<16xf32>
          %parallel_loop3A_489 = arith.constant 0 : i32
          %parallel_loop3A_490 = vector.broadcast %parallel_loop3A_489 : i32 to vector<16xi32>
          %parallel_loop3A_491 = arith.addi %parallel_loop3A_446, %parallel_loop3A_490 : vector<16xi32>
          %parallel_loop3A_492 = arith.mulf %parallel_loop3A_488, %parallel_loop3A_440 : vector<16xf32>
          tpu.vector_store_idx %arg7[%parallel_loop3A_491], %parallel_loop3A_492 masked %parallel_loop3A_487 {add = true} : memref<16384xf32, #tpu.memory_space<vmem>>[vector<16xi32>], vector<16xf32>, vector<16xi1>
          %parallel_loop3A_493 = arith.mulf %parallel_loop3A_488, %parallel_loop3A_442 : vector<16xf32>
          tpu.vector_store_idx %arg8[%parallel_loop3A_491], %parallel_loop3A_493 masked %parallel_loop3A_487 {add = true} : memref<16384xf32, #tpu.memory_space<vmem>>[vector<16xi32>], vector<16xf32>, vector<16xi1>
          %parallel_loop3A_494 = arith.mulf %parallel_loop3A_428, %parallel_loop3A_436 : vector<16xf32>
          %parallel_loop3A_495 = arith.constant 1 : i32
          %parallel_loop3A_496 = vector.broadcast %parallel_loop3A_495 : i32 to vector<16xi32>
          %parallel_loop3A_497 = arith.addi %parallel_loop3A_446, %parallel_loop3A_496 : vector<16xi32>
          %parallel_loop3A_498 = arith.mulf %parallel_loop3A_494, %parallel_loop3A_440 : vector<16xf32>
          tpu.vector_store_idx %arg7[%parallel_loop3A_497], %parallel_loop3A_498 masked %parallel_loop3A_487 {add = true} : memref<16384xf32, #tpu.memory_space<vmem>>[vector<16xi32>], vector<16xf32>, vector<16xi1>
          %parallel_loop3A_499 = arith.mulf %parallel_loop3A_494, %parallel_loop3A_442 : vector<16xf32>
          tpu.vector_store_idx %arg8[%parallel_loop3A_497], %parallel_loop3A_499 masked %parallel_loop3A_487 {add = true} : memref<16384xf32, #tpu.memory_space<vmem>>[vector<16xi32>], vector<16xf32>, vector<16xi1>
          %parallel_loop3A_500 = arith.mulf %parallel_loop3A_428, %parallel_loop3A_438 : vector<16xf32>
          %parallel_loop3A_501 = arith.constant 2 : i32
          %parallel_loop3A_502 = vector.broadcast %parallel_loop3A_501 : i32 to vector<16xi32>
          %parallel_loop3A_503 = arith.addi %parallel_loop3A_446, %parallel_loop3A_502 : vector<16xi32>
          %parallel_loop3A_504 = arith.mulf %parallel_loop3A_500, %parallel_loop3A_440 : vector<16xf32>
          tpu.vector_store_idx %arg7[%parallel_loop3A_503], %parallel_loop3A_504 masked %parallel_loop3A_487 {add = true} : memref<16384xf32, #tpu.memory_space<vmem>>[vector<16xi32>], vector<16xf32>, vector<16xi1>
          %parallel_loop3A_505 = arith.mulf %parallel_loop3A_500, %parallel_loop3A_442 : vector<16xf32>
          tpu.vector_store_idx %arg8[%parallel_loop3A_503], %parallel_loop3A_505 masked %parallel_loop3A_487 {add = true} : memref<16384xf32, #tpu.memory_space<vmem>>[vector<16xi32>], vector<16xf32>, vector<16xi1>
          %parallel_loop3A_506 = arith.mulf %parallel_loop3A_430, %parallel_loop3A_434 : vector<16xf32>
          %parallel_loop3A_507 = arith.constant 128 : i32
          %parallel_loop3A_508 = vector.broadcast %parallel_loop3A_507 : i32 to vector<16xi32>
          %parallel_loop3A_509 = arith.addi %parallel_loop3A_446, %parallel_loop3A_508 : vector<16xi32>
          %parallel_loop3A_510 = arith.mulf %parallel_loop3A_506, %parallel_loop3A_440 : vector<16xf32>
          tpu.vector_store_idx %arg7[%parallel_loop3A_509], %parallel_loop3A_510 masked %parallel_loop3A_487 {add = true} : memref<16384xf32, #tpu.memory_space<vmem>>[vector<16xi32>], vector<16xf32>, vector<16xi1>
          %parallel_loop3A_511 = arith.mulf %parallel_loop3A_506, %parallel_loop3A_442 : vector<16xf32>
          tpu.vector_store_idx %arg8[%parallel_loop3A_509], %parallel_loop3A_511 masked %parallel_loop3A_487 {add = true} : memref<16384xf32, #tpu.memory_space<vmem>>[vector<16xi32>], vector<16xf32>, vector<16xi1>
          %parallel_loop3A_512 = arith.mulf %parallel_loop3A_430, %parallel_loop3A_436 : vector<16xf32>
          %parallel_loop3A_513 = arith.constant 129 : i32
          %parallel_loop3A_514 = vector.broadcast %parallel_loop3A_513 : i32 to vector<16xi32>
          %parallel_loop3A_515 = arith.addi %parallel_loop3A_446, %parallel_loop3A_514 : vector<16xi32>
          %parallel_loop3A_516 = arith.mulf %parallel_loop3A_512, %parallel_loop3A_440 : vector<16xf32>
          tpu.vector_store_idx %arg7[%parallel_loop3A_515], %parallel_loop3A_516 masked %parallel_loop3A_487 {add = true} : memref<16384xf32, #tpu.memory_space<vmem>>[vector<16xi32>], vector<16xf32>, vector<16xi1>
          %parallel_loop3A_517 = arith.mulf %parallel_loop3A_512, %parallel_loop3A_442 : vector<16xf32>
          tpu.vector_store_idx %arg8[%parallel_loop3A_515], %parallel_loop3A_517 masked %parallel_loop3A_487 {add = true} : memref<16384xf32, #tpu.memory_space<vmem>>[vector<16xi32>], vector<16xf32>, vector<16xi1>
          %parallel_loop3A_518 = arith.mulf %parallel_loop3A_430, %parallel_loop3A_438 : vector<16xf32>
          %parallel_loop3A_519 = arith.constant 130 : i32
          %parallel_loop3A_520 = vector.broadcast %parallel_loop3A_519 : i32 to vector<16xi32>
          %parallel_loop3A_521 = arith.addi %parallel_loop3A_446, %parallel_loop3A_520 : vector<16xi32>
          %parallel_loop3A_522 = arith.mulf %parallel_loop3A_518, %parallel_loop3A_440 : vector<16xf32>
          tpu.vector_store_idx %arg7[%parallel_loop3A_521], %parallel_loop3A_522 masked %parallel_loop3A_487 {add = true} : memref<16384xf32, #tpu.memory_space<vmem>>[vector<16xi32>], vector<16xf32>, vector<16xi1>
          %parallel_loop3A_523 = arith.mulf %parallel_loop3A_518, %parallel_loop3A_442 : vector<16xf32>
          tpu.vector_store_idx %arg8[%parallel_loop3A_521], %parallel_loop3A_523 masked %parallel_loop3A_487 {add = true} : memref<16384xf32, #tpu.memory_space<vmem>>[vector<16xi32>], vector<16xf32>, vector<16xi1>
          %parallel_loop3A_524 = arith.mulf %parallel_loop3A_432, %parallel_loop3A_434 : vector<16xf32>
          %parallel_loop3A_525 = arith.constant 256 : i32
          %parallel_loop3A_526 = vector.broadcast %parallel_loop3A_525 : i32 to vector<16xi32>
          %parallel_loop3A_527 = arith.addi %parallel_loop3A_446, %parallel_loop3A_526 : vector<16xi32>
          %parallel_loop3A_528 = arith.mulf %parallel_loop3A_524, %parallel_loop3A_440 : vector<16xf32>
          tpu.vector_store_idx %arg7[%parallel_loop3A_527], %parallel_loop3A_528 masked %parallel_loop3A_487 {add = true} : memref<16384xf32, #tpu.memory_space<vmem>>[vector<16xi32>], vector<16xf32>, vector<16xi1>
          %parallel_loop3A_529 = arith.mulf %parallel_loop3A_524, %parallel_loop3A_442 : vector<16xf32>
          tpu.vector_store_idx %arg8[%parallel_loop3A_527], %parallel_loop3A_529 masked %parallel_loop3A_487 {add = true} : memref<16384xf32, #tpu.memory_space<vmem>>[vector<16xi32>], vector<16xf32>, vector<16xi1>
          %parallel_loop3A_530 = arith.mulf %parallel_loop3A_432, %parallel_loop3A_436 : vector<16xf32>
          %parallel_loop3A_531 = arith.constant 257 : i32
          %parallel_loop3A_532 = vector.broadcast %parallel_loop3A_531 : i32 to vector<16xi32>
          %parallel_loop3A_533 = arith.addi %parallel_loop3A_446, %parallel_loop3A_532 : vector<16xi32>
          %parallel_loop3A_534 = arith.mulf %parallel_loop3A_530, %parallel_loop3A_440 : vector<16xf32>
          tpu.vector_store_idx %arg7[%parallel_loop3A_533], %parallel_loop3A_534 masked %parallel_loop3A_487 {add = true} : memref<16384xf32, #tpu.memory_space<vmem>>[vector<16xi32>], vector<16xf32>, vector<16xi1>
          %parallel_loop3A_535 = arith.mulf %parallel_loop3A_530, %parallel_loop3A_442 : vector<16xf32>
          tpu.vector_store_idx %arg8[%parallel_loop3A_533], %parallel_loop3A_535 masked %parallel_loop3A_487 {add = true} : memref<16384xf32, #tpu.memory_space<vmem>>[vector<16xi32>], vector<16xf32>, vector<16xi1>
          %parallel_loop3A_536 = arith.mulf %parallel_loop3A_432, %parallel_loop3A_438 : vector<16xf32>
          %parallel_loop3A_537 = arith.constant 258 : i32
          %parallel_loop3A_538 = vector.broadcast %parallel_loop3A_537 : i32 to vector<16xi32>
          %parallel_loop3A_539 = arith.addi %parallel_loop3A_446, %parallel_loop3A_538 : vector<16xi32>
          %parallel_loop3A_540 = arith.mulf %parallel_loop3A_536, %parallel_loop3A_440 : vector<16xf32>
          tpu.vector_store_idx %arg7[%parallel_loop3A_539], %parallel_loop3A_540 masked %parallel_loop3A_487 {add = true} : memref<16384xf32, #tpu.memory_space<vmem>>[vector<16xi32>], vector<16xf32>, vector<16xi1>
          %parallel_loop3A_541 = arith.mulf %parallel_loop3A_536, %parallel_loop3A_442 : vector<16xf32>
          tpu.vector_store_idx %arg8[%parallel_loop3A_539], %parallel_loop3A_541 masked %parallel_loop3A_487 {add = true} : memref<16384xf32, #tpu.memory_space<vmem>>[vector<16xi32>], vector<16xf32>, vector<16xi1>
        }
        %parallel_loop3A_485 = arith.constant 1 : i32
        scf.for %while3A = %parallel_loop3A_483 to %parallel_loop3A_479 step %parallel_loop3A_485  : i32 {
          %parallel_loop3A_486 = vector.broadcast %while3A : i32 to vector<16xi32>
          %parallel_loop3A_487 = arith.cmpi eq, %parallel_loop3A_450, %parallel_loop3A_486 : vector<16xi32>
          %parallel_loop3A_488 = arith.mulf %parallel_loop3A_428, %parallel_loop3A_434 : vector<16xf32>
          %parallel_loop3A_489 = arith.constant 0 : i32
          %parallel_loop3A_490 = vector.broadcast %parallel_loop3A_489 : i32 to vector<16xi32>
          %parallel_loop3A_491 = arith.addi %parallel_loop3A_446, %parallel_loop3A_490 : vector<16xi32>
          %parallel_loop3A_492 = arith.mulf %parallel_loop3A_488, %parallel_loop3A_440 : vector<16xf32>
          tpu.vector_store_idx %arg7[%parallel_loop3A_491], %parallel_loop3A_492 masked %parallel_loop3A_487 {add = true} : memref<16384xf32, #tpu.memory_space<vmem>>[vector<16xi32>], vector<16xf32>, vector<16xi1>
          %parallel_loop3A_493 = arith.mulf %parallel_loop3A_488, %parallel_loop3A_442 : vector<16xf32>
          tpu.vector_store_idx %arg8[%parallel_loop3A_491], %parallel_loop3A_493 masked %parallel_loop3A_487 {add = true} : memref<16384xf32, #tpu.memory_space<vmem>>[vector<16xi32>], vector<16xf32>, vector<16xi1>
          %parallel_loop3A_494 = arith.mulf %parallel_loop3A_428, %parallel_loop3A_436 : vector<16xf32>
          %parallel_loop3A_495 = arith.constant 1 : i32
          %parallel_loop3A_496 = vector.broadcast %parallel_loop3A_495 : i32 to vector<16xi32>
          %parallel_loop3A_497 = arith.addi %parallel_loop3A_446, %parallel_loop3A_496 : vector<16xi32>
          %parallel_loop3A_498 = arith.mulf %parallel_loop3A_494, %parallel_loop3A_440 : vector<16xf32>
          tpu.vector_store_idx %arg7[%parallel_loop3A_497], %parallel_loop3A_498 masked %parallel_loop3A_487 {add = true} : memref<16384xf32, #tpu.memory_space<vmem>>[vector<16xi32>], vector<16xf32>, vector<16xi1>
          %parallel_loop3A_499 = arith.mulf %parallel_loop3A_494, %parallel_loop3A_442 : vector<16xf32>
          tpu.vector_store_idx %arg8[%parallel_loop3A_497], %parallel_loop3A_499 masked %parallel_loop3A_487 {add = true} : memref<16384xf32, #tpu.memory_space<vmem>>[vector<16xi32>], vector<16xf32>, vector<16xi1>
          %parallel_loop3A_500 = arith.mulf %parallel_loop3A_428, %parallel_loop3A_438 : vector<16xf32>
          %parallel_loop3A_501 = arith.constant 2 : i32
          %parallel_loop3A_502 = vector.broadcast %parallel_loop3A_501 : i32 to vector<16xi32>
          %parallel_loop3A_503 = arith.addi %parallel_loop3A_446, %parallel_loop3A_502 : vector<16xi32>
          %parallel_loop3A_504 = arith.mulf %parallel_loop3A_500, %parallel_loop3A_440 : vector<16xf32>
          tpu.vector_store_idx %arg7[%parallel_loop3A_503], %parallel_loop3A_504 masked %parallel_loop3A_487 {add = true} : memref<16384xf32, #tpu.memory_space<vmem>>[vector<16xi32>], vector<16xf32>, vector<16xi1>
          %parallel_loop3A_505 = arith.mulf %parallel_loop3A_500, %parallel_loop3A_442 : vector<16xf32>
          tpu.vector_store_idx %arg8[%parallel_loop3A_503], %parallel_loop3A_505 masked %parallel_loop3A_487 {add = true} : memref<16384xf32, #tpu.memory_space<vmem>>[vector<16xi32>], vector<16xf32>, vector<16xi1>
          %parallel_loop3A_506 = arith.mulf %parallel_loop3A_430, %parallel_loop3A_434 : vector<16xf32>
          %parallel_loop3A_507 = arith.constant 128 : i32
          %parallel_loop3A_508 = vector.broadcast %parallel_loop3A_507 : i32 to vector<16xi32>
          %parallel_loop3A_509 = arith.addi %parallel_loop3A_446, %parallel_loop3A_508 : vector<16xi32>
          %parallel_loop3A_510 = arith.mulf %parallel_loop3A_506, %parallel_loop3A_440 : vector<16xf32>
          tpu.vector_store_idx %arg7[%parallel_loop3A_509], %parallel_loop3A_510 masked %parallel_loop3A_487 {add = true} : memref<16384xf32, #tpu.memory_space<vmem>>[vector<16xi32>], vector<16xf32>, vector<16xi1>
          %parallel_loop3A_511 = arith.mulf %parallel_loop3A_506, %parallel_loop3A_442 : vector<16xf32>
          tpu.vector_store_idx %arg8[%parallel_loop3A_509], %parallel_loop3A_511 masked %parallel_loop3A_487 {add = true} : memref<16384xf32, #tpu.memory_space<vmem>>[vector<16xi32>], vector<16xf32>, vector<16xi1>
          %parallel_loop3A_512 = arith.mulf %parallel_loop3A_430, %parallel_loop3A_436 : vector<16xf32>
          %parallel_loop3A_513 = arith.constant 129 : i32
          %parallel_loop3A_514 = vector.broadcast %parallel_loop3A_513 : i32 to vector<16xi32>
          %parallel_loop3A_515 = arith.addi %parallel_loop3A_446, %parallel_loop3A_514 : vector<16xi32>
          %parallel_loop3A_516 = arith.mulf %parallel_loop3A_512, %parallel_loop3A_440 : vector<16xf32>
          tpu.vector_store_idx %arg7[%parallel_loop3A_515], %parallel_loop3A_516 masked %parallel_loop3A_487 {add = true} : memref<16384xf32, #tpu.memory_space<vmem>>[vector<16xi32>], vector<16xf32>, vector<16xi1>
          %parallel_loop3A_517 = arith.mulf %parallel_loop3A_512, %parallel_loop3A_442 : vector<16xf32>
          tpu.vector_store_idx %arg8[%parallel_loop3A_515], %parallel_loop3A_517 masked %parallel_loop3A_487 {add = true} : memref<16384xf32, #tpu.memory_space<vmem>>[vector<16xi32>], vector<16xf32>, vector<16xi1>
          %parallel_loop3A_518 = arith.mulf %parallel_loop3A_430, %parallel_loop3A_438 : vector<16xf32>
          %parallel_loop3A_519 = arith.constant 130 : i32
          %parallel_loop3A_520 = vector.broadcast %parallel_loop3A_519 : i32 to vector<16xi32>
          %parallel_loop3A_521 = arith.addi %parallel_loop3A_446, %parallel_loop3A_520 : vector<16xi32>
          %parallel_loop3A_522 = arith.mulf %parallel_loop3A_518, %parallel_loop3A_440 : vector<16xf32>
          tpu.vector_store_idx %arg7[%parallel_loop3A_521], %parallel_loop3A_522 masked %parallel_loop3A_487 {add = true} : memref<16384xf32, #tpu.memory_space<vmem>>[vector<16xi32>], vector<16xf32>, vector<16xi1>
          %parallel_loop3A_523 = arith.mulf %parallel_loop3A_518, %parallel_loop3A_442 : vector<16xf32>
          tpu.vector_store_idx %arg8[%parallel_loop3A_521], %parallel_loop3A_523 masked %parallel_loop3A_487 {add = true} : memref<16384xf32, #tpu.memory_space<vmem>>[vector<16xi32>], vector<16xf32>, vector<16xi1>
          %parallel_loop3A_524 = arith.mulf %parallel_loop3A_432, %parallel_loop3A_434 : vector<16xf32>
          %parallel_loop3A_525 = arith.constant 256 : i32
          %parallel_loop3A_526 = vector.broadcast %parallel_loop3A_525 : i32 to vector<16xi32>
          %parallel_loop3A_527 = arith.addi %parallel_loop3A_446, %parallel_loop3A_526 : vector<16xi32>
          %parallel_loop3A_528 = arith.mulf %parallel_loop3A_524, %parallel_loop3A_440 : vector<16xf32>
          tpu.vector_store_idx %arg7[%parallel_loop3A_527], %parallel_loop3A_528 masked %parallel_loop3A_487 {add = true} : memref<16384xf32, #tpu.memory_space<vmem>>[vector<16xi32>], vector<16xf32>, vector<16xi1>
          %parallel_loop3A_529 = arith.mulf %parallel_loop3A_524, %parallel_loop3A_442 : vector<16xf32>
          tpu.vector_store_idx %arg8[%parallel_loop3A_527], %parallel_loop3A_529 masked %parallel_loop3A_487 {add = true} : memref<16384xf32, #tpu.memory_space<vmem>>[vector<16xi32>], vector<16xf32>, vector<16xi1>
          %parallel_loop3A_530 = arith.mulf %parallel_loop3A_432, %parallel_loop3A_436 : vector<16xf32>
          %parallel_loop3A_531 = arith.constant 257 : i32
          %parallel_loop3A_532 = vector.broadcast %parallel_loop3A_531 : i32 to vector<16xi32>
          %parallel_loop3A_533 = arith.addi %parallel_loop3A_446, %parallel_loop3A_532 : vector<16xi32>
          %parallel_loop3A_534 = arith.mulf %parallel_loop3A_530, %parallel_loop3A_440 : vector<16xf32>
          tpu.vector_store_idx %arg7[%parallel_loop3A_533], %parallel_loop3A_534 masked %parallel_loop3A_487 {add = true} : memref<16384xf32, #tpu.memory_space<vmem>>[vector<16xi32>], vector<16xf32>, vector<16xi1>
          %parallel_loop3A_535 = arith.mulf %parallel_loop3A_530, %parallel_loop3A_442 : vector<16xf32>
          tpu.vector_store_idx %arg8[%parallel_loop3A_533], %parallel_loop3A_535 masked %parallel_loop3A_487 {add = true} : memref<16384xf32, #tpu.memory_space<vmem>>[vector<16xi32>], vector<16xf32>, vector<16xi1>
          %parallel_loop3A_536 = arith.mulf %parallel_loop3A_432, %parallel_loop3A_438 : vector<16xf32>
          %parallel_loop3A_537 = arith.constant 258 : i32
          %parallel_loop3A_538 = vector.broadcast %parallel_loop3A_537 : i32 to vector<16xi32>
          %parallel_loop3A_539 = arith.addi %parallel_loop3A_446, %parallel_loop3A_538 : vector<16xi32>
          %parallel_loop3A_540 = arith.mulf %parallel_loop3A_536, %parallel_loop3A_440 : vector<16xf32>
          tpu.vector_store_idx %arg7[%parallel_loop3A_539], %parallel_loop3A_540 masked %parallel_loop3A_487 {add = true} : memref<16384xf32, #tpu.memory_space<vmem>>[vector<16xi32>], vector<16xf32>, vector<16xi1>
          %parallel_loop3A_541 = arith.mulf %parallel_loop3A_536, %parallel_loop3A_442 : vector<16xf32>
          tpu.vector_store_idx %arg8[%parallel_loop3A_539], %parallel_loop3A_541 masked %parallel_loop3A_487 {add = true} : memref<16384xf32, #tpu.memory_space<vmem>>[vector<16xi32>], vector<16xf32>, vector<16xi1>
        }
      } else {
      }
    } {sc.loop_unroll_factor = 4 : i64, sc.parallel_access}
    %dma_wait3A_368 = arith.constant 0 : i32
    %dma_wait3A_369 = tpu.memref_slice %arg3[%dma_wait3A_368, %add3A_268] : memref<2x102400xi32, #tpu.memory_space<hbm>> -> memref<1x3200xi32, #tpu.memory_space<hbm>>
    %dma_wait3A_370 = tpu.memref_squeeze %dma_wait3A_369 : memref<1x3200xi32, #tpu.memory_space<hbm>> -> memref<3200xi32, #tpu.memory_space<hbm>>
    %dma_wait3A_371 = tpu.memref_slice %arg3[%dma_wait3A_368, %add3A_268] : memref<2x102400xi32, #tpu.memory_space<hbm>> -> memref<1x3200xi32, #tpu.memory_space<hbm>>
    %dma_wait3A_372 = tpu.memref_squeeze %dma_wait3A_371 : memref<1x3200xi32, #tpu.memory_space<hbm>> -> memref<3200xi32, #tpu.memory_space<hbm>>
    tpu.wait_dma2 semaphore(%arg30 : memref<!tpu.dma_semaphore, #tpu.memory_space<semaphore_mem>>) src(%dma_wait3A_372 : memref<3200xi32, #tpu.memory_space<hbm>>) dst(%arg19 : memref<3200xi32, #tpu.memory_space<vmem>>)
    %dma_wait3A_373 = arith.constant 1 : i32
    %dma_wait3A_374 = tpu.memref_slice %arg3[%dma_wait3A_373, %add3A_268] : memref<2x102400xi32, #tpu.memory_space<hbm>> -> memref<1x3200xi32, #tpu.memory_space<hbm>>
    %dma_wait3A_375 = tpu.memref_squeeze %dma_wait3A_374 : memref<1x3200xi32, #tpu.memory_space<hbm>> -> memref<3200xi32, #tpu.memory_space<hbm>>
    %dma_wait3A_376 = tpu.memref_slice %arg3[%dma_wait3A_373, %add3A_268] : memref<2x102400xi32, #tpu.memory_space<hbm>> -> memref<1x3200xi32, #tpu.memory_space<hbm>>
    %dma_wait3A_377 = tpu.memref_squeeze %dma_wait3A_376 : memref<1x3200xi32, #tpu.memory_space<hbm>> -> memref<3200xi32, #tpu.memory_space<hbm>>
    tpu.wait_dma2 semaphore(%arg30 : memref<!tpu.dma_semaphore, #tpu.memory_space<semaphore_mem>>) src(%dma_wait3A_377 : memref<3200xi32, #tpu.memory_space<hbm>>) dst(%arg20 : memref<3200xi32, #tpu.memory_space<vmem>>)
    %dma_wait3A_378 = arith.constant 0 : i32
    %dma_wait3A_379 = tpu.memref_slice %arg4[%dma_wait3A_378, %add3A_268] : memref<6x102400xf32, #tpu.memory_space<hbm>> -> memref<1x3200xf32, #tpu.memory_space<hbm>>
    %dma_wait3A_380 = tpu.memref_squeeze %dma_wait3A_379 : memref<1x3200xf32, #tpu.memory_space<hbm>> -> memref<3200xf32, #tpu.memory_space<hbm>>
    %dma_wait3A_381 = tpu.memref_slice %arg4[%dma_wait3A_378, %add3A_268] : memref<6x102400xf32, #tpu.memory_space<hbm>> -> memref<1x3200xf32, #tpu.memory_space<hbm>>
    %dma_wait3A_382 = tpu.memref_squeeze %dma_wait3A_381 : memref<1x3200xf32, #tpu.memory_space<hbm>> -> memref<3200xf32, #tpu.memory_space<hbm>>
    tpu.wait_dma2 semaphore(%arg30 : memref<!tpu.dma_semaphore, #tpu.memory_space<semaphore_mem>>) src(%dma_wait3A_382 : memref<3200xf32, #tpu.memory_space<hbm>>) dst(%arg21 : memref<3200xf32, #tpu.memory_space<vmem>>)
    %dma_wait3A_383 = arith.constant 1 : i32
    %dma_wait3A_384 = tpu.memref_slice %arg4[%dma_wait3A_383, %add3A_268] : memref<6x102400xf32, #tpu.memory_space<hbm>> -> memref<1x3200xf32, #tpu.memory_space<hbm>>
    %dma_wait3A_385 = tpu.memref_squeeze %dma_wait3A_384 : memref<1x3200xf32, #tpu.memory_space<hbm>> -> memref<3200xf32, #tpu.memory_space<hbm>>
    %dma_wait3A_386 = tpu.memref_slice %arg4[%dma_wait3A_383, %add3A_268] : memref<6x102400xf32, #tpu.memory_space<hbm>> -> memref<1x3200xf32, #tpu.memory_space<hbm>>
    %dma_wait3A_387 = tpu.memref_squeeze %dma_wait3A_386 : memref<1x3200xf32, #tpu.memory_space<hbm>> -> memref<3200xf32, #tpu.memory_space<hbm>>
    tpu.wait_dma2 semaphore(%arg30 : memref<!tpu.dma_semaphore, #tpu.memory_space<semaphore_mem>>) src(%dma_wait3A_387 : memref<3200xf32, #tpu.memory_space<hbm>>) dst(%arg22 : memref<3200xf32, #tpu.memory_space<vmem>>)
    %dma_wait3A_388 = arith.constant 2 : i32
    %dma_wait3A_389 = tpu.memref_slice %arg4[%dma_wait3A_388, %add3A_268] : memref<6x102400xf32, #tpu.memory_space<hbm>> -> memref<1x3200xf32, #tpu.memory_space<hbm>>
    %dma_wait3A_390 = tpu.memref_squeeze %dma_wait3A_389 : memref<1x3200xf32, #tpu.memory_space<hbm>> -> memref<3200xf32, #tpu.memory_space<hbm>>
    %dma_wait3A_391 = tpu.memref_slice %arg4[%dma_wait3A_388, %add3A_268] : memref<6x102400xf32, #tpu.memory_space<hbm>> -> memref<1x3200xf32, #tpu.memory_space<hbm>>
    %dma_wait3A_392 = tpu.memref_squeeze %dma_wait3A_391 : memref<1x3200xf32, #tpu.memory_space<hbm>> -> memref<3200xf32, #tpu.memory_space<hbm>>
    tpu.wait_dma2 semaphore(%arg30 : memref<!tpu.dma_semaphore, #tpu.memory_space<semaphore_mem>>) src(%dma_wait3A_392 : memref<3200xf32, #tpu.memory_space<hbm>>) dst(%arg23 : memref<3200xf32, #tpu.memory_space<vmem>>)
    %dma_wait3A_393 = arith.constant 3 : i32
    %dma_wait3A_394 = tpu.memref_slice %arg4[%dma_wait3A_393, %add3A_268] : memref<6x102400xf32, #tpu.memory_space<hbm>> -> memref<1x3200xf32, #tpu.memory_space<hbm>>
    %dma_wait3A_395 = tpu.memref_squeeze %dma_wait3A_394 : memref<1x3200xf32, #tpu.memory_space<hbm>> -> memref<3200xf32, #tpu.memory_space<hbm>>
    %dma_wait3A_396 = tpu.memref_slice %arg4[%dma_wait3A_393, %add3A_268] : memref<6x102400xf32, #tpu.memory_space<hbm>> -> memref<1x3200xf32, #tpu.memory_space<hbm>>
    %dma_wait3A_397 = tpu.memref_squeeze %dma_wait3A_396 : memref<1x3200xf32, #tpu.memory_space<hbm>> -> memref<3200xf32, #tpu.memory_space<hbm>>
    tpu.wait_dma2 semaphore(%arg30 : memref<!tpu.dma_semaphore, #tpu.memory_space<semaphore_mem>>) src(%dma_wait3A_397 : memref<3200xf32, #tpu.memory_space<hbm>>) dst(%arg24 : memref<3200xf32, #tpu.memory_space<vmem>>)
    %dma_wait3A_398 = arith.constant 4 : i32
    %dma_wait3A_399 = tpu.memref_slice %arg4[%dma_wait3A_398, %add3A_268] : memref<6x102400xf32, #tpu.memory_space<hbm>> -> memref<1x3200xf32, #tpu.memory_space<hbm>>
    %dma_wait3A_400 = tpu.memref_squeeze %dma_wait3A_399 : memref<1x3200xf32, #tpu.memory_space<hbm>> -> memref<3200xf32, #tpu.memory_space<hbm>>
    %dma_wait3A_401 = tpu.memref_slice %arg4[%dma_wait3A_398, %add3A_268] : memref<6x102400xf32, #tpu.memory_space<hbm>> -> memref<1x3200xf32, #tpu.memory_space<hbm>>
    %dma_wait3A_402 = tpu.memref_squeeze %dma_wait3A_401 : memref<1x3200xf32, #tpu.memory_space<hbm>> -> memref<3200xf32, #tpu.memory_space<hbm>>
    tpu.wait_dma2 semaphore(%arg30 : memref<!tpu.dma_semaphore, #tpu.memory_space<semaphore_mem>>) src(%dma_wait3A_402 : memref<3200xf32, #tpu.memory_space<hbm>>) dst(%arg25 : memref<3200xf32, #tpu.memory_space<vmem>>)
    %dma_wait3A_403 = arith.constant 5 : i32
    %dma_wait3A_404 = tpu.memref_slice %arg4[%dma_wait3A_403, %add3A_268] : memref<6x102400xf32, #tpu.memory_space<hbm>> -> memref<1x3200xf32, #tpu.memory_space<hbm>>
    %dma_wait3A_405 = tpu.memref_squeeze %dma_wait3A_404 : memref<1x3200xf32, #tpu.memory_space<hbm>> -> memref<3200xf32, #tpu.memory_space<hbm>>
    %dma_wait3A_406 = tpu.memref_slice %arg4[%dma_wait3A_403, %add3A_268] : memref<6x102400xf32, #tpu.memory_space<hbm>> -> memref<1x3200xf32, #tpu.memory_space<hbm>>
    %dma_wait3A_407 = tpu.memref_squeeze %dma_wait3A_406 : memref<1x3200xf32, #tpu.memory_space<hbm>> -> memref<3200xf32, #tpu.memory_space<hbm>>
    tpu.wait_dma2 semaphore(%arg30 : memref<!tpu.dma_semaphore, #tpu.memory_space<semaphore_mem>>) src(%dma_wait3A_407 : memref<3200xf32, #tpu.memory_space<hbm>>) dst(%arg26 : memref<3200xf32, #tpu.memory_space<vmem>>)
    %dma_wait3A_408 = tpu.memref_slice %arg5[%mul3A_7, %add3A_268] : memref<8x102400xf32, #tpu.memory_space<hbm>> -> memref<1x3200xf32, #tpu.memory_space<hbm>>
    %dma_wait3A_409 = tpu.memref_squeeze %dma_wait3A_408 : memref<1x3200xf32, #tpu.memory_space<hbm>> -> memref<3200xf32, #tpu.memory_space<hbm>>
    %dma_wait3A_410 = tpu.memref_slice %arg5[%mul3A_7, %add3A_268] : memref<8x102400xf32, #tpu.memory_space<hbm>> -> memref<1x3200xf32, #tpu.memory_space<hbm>>
    %dma_wait3A_411 = tpu.memref_squeeze %dma_wait3A_410 : memref<1x3200xf32, #tpu.memory_space<hbm>> -> memref<3200xf32, #tpu.memory_space<hbm>>
    tpu.wait_dma2 semaphore(%arg30 : memref<!tpu.dma_semaphore, #tpu.memory_space<semaphore_mem>>) src(%dma_wait3A_411 : memref<3200xf32, #tpu.memory_space<hbm>>) dst(%arg27 : memref<3200xf32, #tpu.memory_space<vmem>>)
    %dma_wait3A_412 = tpu.memref_slice %arg5[%add3A_9, %add3A_268] : memref<8x102400xf32, #tpu.memory_space<hbm>> -> memref<1x3200xf32, #tpu.memory_space<hbm>>
    %dma_wait3A_413 = tpu.memref_squeeze %dma_wait3A_412 : memref<1x3200xf32, #tpu.memory_space<hbm>> -> memref<3200xf32, #tpu.memory_space<hbm>>
    %dma_wait3A_414 = tpu.memref_slice %arg5[%add3A_9, %add3A_268] : memref<8x102400xf32, #tpu.memory_space<hbm>> -> memref<1x3200xf32, #tpu.memory_space<hbm>>
    %dma_wait3A_415 = tpu.memref_squeeze %dma_wait3A_414 : memref<1x3200xf32, #tpu.memory_space<hbm>> -> memref<3200xf32, #tpu.memory_space<hbm>>
    tpu.wait_dma2 semaphore(%arg30 : memref<!tpu.dma_semaphore, #tpu.memory_space<semaphore_mem>>) src(%dma_wait3A_415 : memref<3200xf32, #tpu.memory_space<hbm>>) dst(%arg28 : memref<3200xf32, #tpu.memory_space<vmem>>)
    %parallel_loop3A_416 = arith.constant 0 : i32
    %parallel_loop3A_417 = arith.constant 200 : i32
    %parallel_loop3A_418 = arith.constant 1 : i32
    scf.for %parallel_loop3A_420 = %parallel_loop3A_416 to %parallel_loop3A_417 step %parallel_loop3A_418  : i32 {
      %parallel_loop3A_421 = arith.constant 16 : i32
      %parallel_loop3A_422 = arith.muli %parallel_loop3A_420, %parallel_loop3A_421 : i32
      %parallel_loop3A_423 = arith.index_cast %parallel_loop3A_422 : i32 to index
      %parallel_loop3A_424 = tpu.vector_load %arg19[%parallel_loop3A_423] {strides = array<i32>} : memref<3200xi32, #tpu.memory_space<vmem>>, vector<16xi32>,
      %parallel_loop3A_425 = arith.index_cast %parallel_loop3A_422 : i32 to index
      %parallel_loop3A_426 = tpu.vector_load %arg20[%parallel_loop3A_425] {strides = array<i32>} : memref<3200xi32, #tpu.memory_space<vmem>>, vector<16xi32>,
      %parallel_loop3A_427 = arith.index_cast %parallel_loop3A_422 : i32 to index
      %parallel_loop3A_428 = tpu.vector_load %arg21[%parallel_loop3A_427] {strides = array<i32>} : memref<3200xf32, #tpu.memory_space<vmem>>, vector<16xf32>,
      %parallel_loop3A_429 = arith.index_cast %parallel_loop3A_422 : i32 to index
      %parallel_loop3A_430 = tpu.vector_load %arg22[%parallel_loop3A_429] {strides = array<i32>} : memref<3200xf32, #tpu.memory_space<vmem>>, vector<16xf32>,
      %parallel_loop3A_431 = arith.index_cast %parallel_loop3A_422 : i32 to index
      %parallel_loop3A_432 = tpu.vector_load %arg23[%parallel_loop3A_431] {strides = array<i32>} : memref<3200xf32, #tpu.memory_space<vmem>>, vector<16xf32>,
      %parallel_loop3A_433 = arith.index_cast %parallel_loop3A_422 : i32 to index
      %parallel_loop3A_434 = tpu.vector_load %arg24[%parallel_loop3A_433] {strides = array<i32>} : memref<3200xf32, #tpu.memory_space<vmem>>, vector<16xf32>,
      %parallel_loop3A_435 = arith.index_cast %parallel_loop3A_422 : i32 to index
      %parallel_loop3A_436 = tpu.vector_load %arg25[%parallel_loop3A_435] {strides = array<i32>} : memref<3200xf32, #tpu.memory_space<vmem>>, vector<16xf32>,
      %parallel_loop3A_437 = arith.index_cast %parallel_loop3A_422 : i32 to index
      %parallel_loop3A_438 = tpu.vector_load %arg26[%parallel_loop3A_437] {strides = array<i32>} : memref<3200xf32, #tpu.memory_space<vmem>>, vector<16xf32>,
      %parallel_loop3A_439 = arith.index_cast %parallel_loop3A_422 : i32 to index
      %parallel_loop3A_440 = tpu.vector_load %arg27[%parallel_loop3A_439] {strides = array<i32>} : memref<3200xf32, #tpu.memory_space<vmem>>, vector<16xf32>,
      %parallel_loop3A_441 = arith.index_cast %parallel_loop3A_422 : i32 to index
      %parallel_loop3A_442 = tpu.vector_load %arg28[%parallel_loop3A_441] {strides = array<i32>} : memref<3200xf32, #tpu.memory_space<vmem>>, vector<16xf32>,
      %parallel_loop3A_443 = arith.constant 128 : i32
      %parallel_loop3A_444 = vector.broadcast %parallel_loop3A_443 : i32 to vector<16xi32>
      %parallel_loop3A_445 = arith.muli %parallel_loop3A_424, %parallel_loop3A_444 : vector<16xi32>
      %parallel_loop3A_446 = arith.addi %parallel_loop3A_445, %parallel_loop3A_426 : vector<16xi32>
      %parallel_loop3A_447 = arith.constant true
      %parallel_loop3A_448 = vector.broadcast %parallel_loop3A_447 : i1 to vector<16xi1>
      %parallel_loop3A_449, %parallel_loop3A_450 = tpu.scan_count mask(%parallel_loop3A_448 : vector<16xi1>) value(%parallel_loop3A_446 : vector<16xi32>) : vector<16xi1>, vector<16xi32>
      %parallel_loop3A_451 = arith.constant true
      %parallel_loop3A_452 = vector.broadcast %parallel_loop3A_451 : i1 to vector<16xi1>
      %parallel_loop3A_453 = arith.constant -2147483648 : i32
      %parallel_loop3A_454 = vector.broadcast %parallel_loop3A_453 : i32 to vector<16xi32>
      %parallel_loop3A_455 = arith.xori %parallel_loop3A_450, %parallel_loop3A_454 : vector<16xi32>
      %parallel_loop3A_456 = tpu.scan <min>, %parallel_loop3A_455 masked %parallel_loop3A_452 : vector<16xi32>, vector<16xi1> -> vector<16xi32>
      %parallel_loop3A_457 = arith.xori %parallel_loop3A_456, %parallel_loop3A_454 : vector<16xi32>
      %parallel_loop3A_458 = vector.extract %parallel_loop3A_457[15] : i32 from vector<16xi32>
      %parallel_loop3A_459 = arith.constant true
      %parallel_loop3A_460 = vector.broadcast %parallel_loop3A_459 : i1 to vector<16xi1>
      %parallel_loop3A_461 = arith.constant -2147483648 : i32
      %parallel_loop3A_462 = vector.broadcast %parallel_loop3A_461 : i32 to vector<16xi32>
      %parallel_loop3A_463 = arith.xori %parallel_loop3A_450, %parallel_loop3A_462 : vector<16xi32>
      %parallel_loop3A_464 = tpu.scan <max>, %parallel_loop3A_463 masked %parallel_loop3A_460 : vector<16xi32>, vector<16xi1> -> vector<16xi32>
      %parallel_loop3A_465 = arith.xori %parallel_loop3A_464, %parallel_loop3A_462 : vector<16xi32>
      %parallel_loop3A_466 = vector.extract %parallel_loop3A_465[15] : i32 from vector<16xi32>
      %parallel_loop3A_467 = arith.cmpi eq, %parallel_loop3A_466, %parallel_loop3A_458 : i32
      %parallel_loop3A_468 = arith.extui %parallel_loop3A_467 : i1 to i32
      %parallel_loop3A_469 = arith.constant 0 : i32
      %parallel_loop3A_470 = arith.cmpi ne, %parallel_loop3A_468, %parallel_loop3A_469 : i32
      scf.if %parallel_loop3A_470 {
        %parallel_loop3A_475 = arith.mulf %parallel_loop3A_428, %parallel_loop3A_440 : vector<16xf32>
        %parallel_loop3A_476 = arith.mulf %parallel_loop3A_428, %parallel_loop3A_442 : vector<16xf32>
        %parallel_loop3A_477 = arith.constant 0 : i32
        %parallel_loop3A_478 = vector.broadcast %parallel_loop3A_477 : i32 to vector<16xi32>
        %parallel_loop3A_479 = arith.addi %parallel_loop3A_446, %parallel_loop3A_478 : vector<16xi32>
        %parallel_loop3A_480 = arith.mulf %parallel_loop3A_475, %parallel_loop3A_434 : vector<16xf32>
        tpu.vector_store_idx %arg7[%parallel_loop3A_479], %parallel_loop3A_480 {add = true} : memref<16384xf32, #tpu.memory_space<vmem>>[vector<16xi32>], vector<16xf32>,
        %parallel_loop3A_481 = arith.mulf %parallel_loop3A_476, %parallel_loop3A_434 : vector<16xf32>
        tpu.vector_store_idx %arg8[%parallel_loop3A_479], %parallel_loop3A_481 {add = true} : memref<16384xf32, #tpu.memory_space<vmem>>[vector<16xi32>], vector<16xf32>,
        %parallel_loop3A_482 = arith.constant 1 : i32
        %parallel_loop3A_483 = vector.broadcast %parallel_loop3A_482 : i32 to vector<16xi32>
        %parallel_loop3A_484 = arith.addi %parallel_loop3A_446, %parallel_loop3A_483 : vector<16xi32>
        %parallel_loop3A_485 = arith.mulf %parallel_loop3A_475, %parallel_loop3A_436 : vector<16xf32>
        tpu.vector_store_idx %arg7[%parallel_loop3A_484], %parallel_loop3A_485 {add = true} : memref<16384xf32, #tpu.memory_space<vmem>>[vector<16xi32>], vector<16xf32>,
        %parallel_loop3A_486 = arith.mulf %parallel_loop3A_476, %parallel_loop3A_436 : vector<16xf32>
        tpu.vector_store_idx %arg8[%parallel_loop3A_484], %parallel_loop3A_486 {add = true} : memref<16384xf32, #tpu.memory_space<vmem>>[vector<16xi32>], vector<16xf32>,
        %parallel_loop3A_487 = arith.constant 2 : i32
        %parallel_loop3A_488 = vector.broadcast %parallel_loop3A_487 : i32 to vector<16xi32>
        %parallel_loop3A_489 = arith.addi %parallel_loop3A_446, %parallel_loop3A_488 : vector<16xi32>
        %parallel_loop3A_490 = arith.mulf %parallel_loop3A_475, %parallel_loop3A_438 : vector<16xf32>
        tpu.vector_store_idx %arg7[%parallel_loop3A_489], %parallel_loop3A_490 {add = true} : memref<16384xf32, #tpu.memory_space<vmem>>[vector<16xi32>], vector<16xf32>,
        %parallel_loop3A_491 = arith.mulf %parallel_loop3A_476, %parallel_loop3A_438 : vector<16xf32>
        tpu.vector_store_idx %arg8[%parallel_loop3A_489], %parallel_loop3A_491 {add = true} : memref<16384xf32, #tpu.memory_space<vmem>>[vector<16xi32>], vector<16xf32>,
        %parallel_loop3A_492 = arith.mulf %parallel_loop3A_430, %parallel_loop3A_440 : vector<16xf32>
        %parallel_loop3A_493 = arith.mulf %parallel_loop3A_430, %parallel_loop3A_442 : vector<16xf32>
        %parallel_loop3A_494 = arith.constant 128 : i32
        %parallel_loop3A_495 = vector.broadcast %parallel_loop3A_494 : i32 to vector<16xi32>
        %parallel_loop3A_496 = arith.addi %parallel_loop3A_446, %parallel_loop3A_495 : vector<16xi32>
        %parallel_loop3A_497 = arith.mulf %parallel_loop3A_492, %parallel_loop3A_434 : vector<16xf32>
        tpu.vector_store_idx %arg7[%parallel_loop3A_496], %parallel_loop3A_497 {add = true} : memref<16384xf32, #tpu.memory_space<vmem>>[vector<16xi32>], vector<16xf32>,
        %parallel_loop3A_498 = arith.mulf %parallel_loop3A_493, %parallel_loop3A_434 : vector<16xf32>
        tpu.vector_store_idx %arg8[%parallel_loop3A_496], %parallel_loop3A_498 {add = true} : memref<16384xf32, #tpu.memory_space<vmem>>[vector<16xi32>], vector<16xf32>,
        %parallel_loop3A_499 = arith.constant 129 : i32
        %parallel_loop3A_500 = vector.broadcast %parallel_loop3A_499 : i32 to vector<16xi32>
        %parallel_loop3A_501 = arith.addi %parallel_loop3A_446, %parallel_loop3A_500 : vector<16xi32>
        %parallel_loop3A_502 = arith.mulf %parallel_loop3A_492, %parallel_loop3A_436 : vector<16xf32>
        tpu.vector_store_idx %arg7[%parallel_loop3A_501], %parallel_loop3A_502 {add = true} : memref<16384xf32, #tpu.memory_space<vmem>>[vector<16xi32>], vector<16xf32>,
        %parallel_loop3A_503 = arith.mulf %parallel_loop3A_493, %parallel_loop3A_436 : vector<16xf32>
        tpu.vector_store_idx %arg8[%parallel_loop3A_501], %parallel_loop3A_503 {add = true} : memref<16384xf32, #tpu.memory_space<vmem>>[vector<16xi32>], vector<16xf32>,
        %parallel_loop3A_504 = arith.constant 130 : i32
        %parallel_loop3A_505 = vector.broadcast %parallel_loop3A_504 : i32 to vector<16xi32>
        %parallel_loop3A_506 = arith.addi %parallel_loop3A_446, %parallel_loop3A_505 : vector<16xi32>
        %parallel_loop3A_507 = arith.mulf %parallel_loop3A_492, %parallel_loop3A_438 : vector<16xf32>
        tpu.vector_store_idx %arg7[%parallel_loop3A_506], %parallel_loop3A_507 {add = true} : memref<16384xf32, #tpu.memory_space<vmem>>[vector<16xi32>], vector<16xf32>,
        %parallel_loop3A_508 = arith.mulf %parallel_loop3A_493, %parallel_loop3A_438 : vector<16xf32>
        tpu.vector_store_idx %arg8[%parallel_loop3A_506], %parallel_loop3A_508 {add = true} : memref<16384xf32, #tpu.memory_space<vmem>>[vector<16xi32>], vector<16xf32>,
        %parallel_loop3A_509 = arith.mulf %parallel_loop3A_432, %parallel_loop3A_440 : vector<16xf32>
        %parallel_loop3A_510 = arith.mulf %parallel_loop3A_432, %parallel_loop3A_442 : vector<16xf32>
        %parallel_loop3A_511 = arith.constant 256 : i32
        %parallel_loop3A_512 = vector.broadcast %parallel_loop3A_511 : i32 to vector<16xi32>
        %parallel_loop3A_513 = arith.addi %parallel_loop3A_446, %parallel_loop3A_512 : vector<16xi32>
        %parallel_loop3A_514 = arith.mulf %parallel_loop3A_509, %parallel_loop3A_434 : vector<16xf32>
        tpu.vector_store_idx %arg7[%parallel_loop3A_513], %parallel_loop3A_514 {add = true} : memref<16384xf32, #tpu.memory_space<vmem>>[vector<16xi32>], vector<16xf32>,
        %parallel_loop3A_515 = arith.mulf %parallel_loop3A_510, %parallel_loop3A_434 : vector<16xf32>
        tpu.vector_store_idx %arg8[%parallel_loop3A_513], %parallel_loop3A_515 {add = true} : memref<16384xf32, #tpu.memory_space<vmem>>[vector<16xi32>], vector<16xf32>,
        %parallel_loop3A_516 = arith.constant 257 : i32
        %parallel_loop3A_517 = vector.broadcast %parallel_loop3A_516 : i32 to vector<16xi32>
        %parallel_loop3A_518 = arith.addi %parallel_loop3A_446, %parallel_loop3A_517 : vector<16xi32>
        %parallel_loop3A_519 = arith.mulf %parallel_loop3A_509, %parallel_loop3A_436 : vector<16xf32>
        tpu.vector_store_idx %arg7[%parallel_loop3A_518], %parallel_loop3A_519 {add = true} : memref<16384xf32, #tpu.memory_space<vmem>>[vector<16xi32>], vector<16xf32>,
        %parallel_loop3A_520 = arith.mulf %parallel_loop3A_510, %parallel_loop3A_436 : vector<16xf32>
        tpu.vector_store_idx %arg8[%parallel_loop3A_518], %parallel_loop3A_520 {add = true} : memref<16384xf32, #tpu.memory_space<vmem>>[vector<16xi32>], vector<16xf32>,
        %parallel_loop3A_521 = arith.constant 258 : i32
        %parallel_loop3A_522 = vector.broadcast %parallel_loop3A_521 : i32 to vector<16xi32>
        %parallel_loop3A_523 = arith.addi %parallel_loop3A_446, %parallel_loop3A_522 : vector<16xi32>
        %parallel_loop3A_524 = arith.mulf %parallel_loop3A_509, %parallel_loop3A_438 : vector<16xf32>
        tpu.vector_store_idx %arg7[%parallel_loop3A_523], %parallel_loop3A_524 {add = true} : memref<16384xf32, #tpu.memory_space<vmem>>[vector<16xi32>], vector<16xf32>,
        %parallel_loop3A_525 = arith.mulf %parallel_loop3A_510, %parallel_loop3A_438 : vector<16xf32>
        tpu.vector_store_idx %arg8[%parallel_loop3A_523], %parallel_loop3A_525 {add = true} : memref<16384xf32, #tpu.memory_space<vmem>>[vector<16xi32>], vector<16xf32>,
      } else {
      }
      %parallel_loop3A_471 = arith.cmpi ne, %parallel_loop3A_466, %parallel_loop3A_458 : i32
      %parallel_loop3A_472 = arith.extui %parallel_loop3A_471 : i1 to i32
      %parallel_loop3A_473 = arith.constant 0 : i32
      %parallel_loop3A_474 = arith.cmpi ne, %parallel_loop3A_472, %parallel_loop3A_473 : i32
      scf.if %parallel_loop3A_474 {
        %parallel_loop3A_475 = arith.constant 1 : i32
        %parallel_loop3A_476 = arith.addi %parallel_loop3A_466, %parallel_loop3A_475 : i32
        %parallel_loop3A_477 = arith.constant 0 : i32
        %parallel_loop3A_478 = arith.subi %parallel_loop3A_476, %parallel_loop3A_458 : i32
        %parallel_loop3A_479 = arith.addi %parallel_loop3A_458, %parallel_loop3A_478 : i32
        %parallel_loop3A_480 = arith.constant 1 : i32
        %parallel_loop3A_481 = arith.divsi %parallel_loop3A_478, %parallel_loop3A_480 : i32
        %parallel_loop3A_482 = arith.muli %parallel_loop3A_481, %parallel_loop3A_480 : i32
        %parallel_loop3A_483 = arith.addi %parallel_loop3A_458, %parallel_loop3A_482 : i32
        %parallel_loop3A_484 = arith.constant 1 : i32
        scf.for %while3A = %parallel_loop3A_458 to %parallel_loop3A_483 step %parallel_loop3A_484  : i32 {
          %parallel_loop3A_486 = vector.broadcast %while3A : i32 to vector<16xi32>
          %parallel_loop3A_487 = arith.cmpi eq, %parallel_loop3A_450, %parallel_loop3A_486 : vector<16xi32>
          %parallel_loop3A_488 = arith.mulf %parallel_loop3A_428, %parallel_loop3A_434 : vector<16xf32>
          %parallel_loop3A_489 = arith.constant 0 : i32
          %parallel_loop3A_490 = vector.broadcast %parallel_loop3A_489 : i32 to vector<16xi32>
          %parallel_loop3A_491 = arith.addi %parallel_loop3A_446, %parallel_loop3A_490 : vector<16xi32>
          %parallel_loop3A_492 = arith.mulf %parallel_loop3A_488, %parallel_loop3A_440 : vector<16xf32>
          tpu.vector_store_idx %arg7[%parallel_loop3A_491], %parallel_loop3A_492 masked %parallel_loop3A_487 {add = true} : memref<16384xf32, #tpu.memory_space<vmem>>[vector<16xi32>], vector<16xf32>, vector<16xi1>
          %parallel_loop3A_493 = arith.mulf %parallel_loop3A_488, %parallel_loop3A_442 : vector<16xf32>
          tpu.vector_store_idx %arg8[%parallel_loop3A_491], %parallel_loop3A_493 masked %parallel_loop3A_487 {add = true} : memref<16384xf32, #tpu.memory_space<vmem>>[vector<16xi32>], vector<16xf32>, vector<16xi1>
          %parallel_loop3A_494 = arith.mulf %parallel_loop3A_428, %parallel_loop3A_436 : vector<16xf32>
          %parallel_loop3A_495 = arith.constant 1 : i32
          %parallel_loop3A_496 = vector.broadcast %parallel_loop3A_495 : i32 to vector<16xi32>
          %parallel_loop3A_497 = arith.addi %parallel_loop3A_446, %parallel_loop3A_496 : vector<16xi32>
          %parallel_loop3A_498 = arith.mulf %parallel_loop3A_494, %parallel_loop3A_440 : vector<16xf32>
          tpu.vector_store_idx %arg7[%parallel_loop3A_497], %parallel_loop3A_498 masked %parallel_loop3A_487 {add = true} : memref<16384xf32, #tpu.memory_space<vmem>>[vector<16xi32>], vector<16xf32>, vector<16xi1>
          %parallel_loop3A_499 = arith.mulf %parallel_loop3A_494, %parallel_loop3A_442 : vector<16xf32>
          tpu.vector_store_idx %arg8[%parallel_loop3A_497], %parallel_loop3A_499 masked %parallel_loop3A_487 {add = true} : memref<16384xf32, #tpu.memory_space<vmem>>[vector<16xi32>], vector<16xf32>, vector<16xi1>
          %parallel_loop3A_500 = arith.mulf %parallel_loop3A_428, %parallel_loop3A_438 : vector<16xf32>
          %parallel_loop3A_501 = arith.constant 2 : i32
          %parallel_loop3A_502 = vector.broadcast %parallel_loop3A_501 : i32 to vector<16xi32>
          %parallel_loop3A_503 = arith.addi %parallel_loop3A_446, %parallel_loop3A_502 : vector<16xi32>
          %parallel_loop3A_504 = arith.mulf %parallel_loop3A_500, %parallel_loop3A_440 : vector<16xf32>
          tpu.vector_store_idx %arg7[%parallel_loop3A_503], %parallel_loop3A_504 masked %parallel_loop3A_487 {add = true} : memref<16384xf32, #tpu.memory_space<vmem>>[vector<16xi32>], vector<16xf32>, vector<16xi1>
          %parallel_loop3A_505 = arith.mulf %parallel_loop3A_500, %parallel_loop3A_442 : vector<16xf32>
          tpu.vector_store_idx %arg8[%parallel_loop3A_503], %parallel_loop3A_505 masked %parallel_loop3A_487 {add = true} : memref<16384xf32, #tpu.memory_space<vmem>>[vector<16xi32>], vector<16xf32>, vector<16xi1>
          %parallel_loop3A_506 = arith.mulf %parallel_loop3A_430, %parallel_loop3A_434 : vector<16xf32>
          %parallel_loop3A_507 = arith.constant 128 : i32
          %parallel_loop3A_508 = vector.broadcast %parallel_loop3A_507 : i32 to vector<16xi32>
          %parallel_loop3A_509 = arith.addi %parallel_loop3A_446, %parallel_loop3A_508 : vector<16xi32>
          %parallel_loop3A_510 = arith.mulf %parallel_loop3A_506, %parallel_loop3A_440 : vector<16xf32>
          tpu.vector_store_idx %arg7[%parallel_loop3A_509], %parallel_loop3A_510 masked %parallel_loop3A_487 {add = true} : memref<16384xf32, #tpu.memory_space<vmem>>[vector<16xi32>], vector<16xf32>, vector<16xi1>
          %parallel_loop3A_511 = arith.mulf %parallel_loop3A_506, %parallel_loop3A_442 : vector<16xf32>
          tpu.vector_store_idx %arg8[%parallel_loop3A_509], %parallel_loop3A_511 masked %parallel_loop3A_487 {add = true} : memref<16384xf32, #tpu.memory_space<vmem>>[vector<16xi32>], vector<16xf32>, vector<16xi1>
          %parallel_loop3A_512 = arith.mulf %parallel_loop3A_430, %parallel_loop3A_436 : vector<16xf32>
          %parallel_loop3A_513 = arith.constant 129 : i32
          %parallel_loop3A_514 = vector.broadcast %parallel_loop3A_513 : i32 to vector<16xi32>
          %parallel_loop3A_515 = arith.addi %parallel_loop3A_446, %parallel_loop3A_514 : vector<16xi32>
          %parallel_loop3A_516 = arith.mulf %parallel_loop3A_512, %parallel_loop3A_440 : vector<16xf32>
          tpu.vector_store_idx %arg7[%parallel_loop3A_515], %parallel_loop3A_516 masked %parallel_loop3A_487 {add = true} : memref<16384xf32, #tpu.memory_space<vmem>>[vector<16xi32>], vector<16xf32>, vector<16xi1>
          %parallel_loop3A_517 = arith.mulf %parallel_loop3A_512, %parallel_loop3A_442 : vector<16xf32>
          tpu.vector_store_idx %arg8[%parallel_loop3A_515], %parallel_loop3A_517 masked %parallel_loop3A_487 {add = true} : memref<16384xf32, #tpu.memory_space<vmem>>[vector<16xi32>], vector<16xf32>, vector<16xi1>
          %parallel_loop3A_518 = arith.mulf %parallel_loop3A_430, %parallel_loop3A_438 : vector<16xf32>
          %parallel_loop3A_519 = arith.constant 130 : i32
          %parallel_loop3A_520 = vector.broadcast %parallel_loop3A_519 : i32 to vector<16xi32>
          %parallel_loop3A_521 = arith.addi %parallel_loop3A_446, %parallel_loop3A_520 : vector<16xi32>
          %parallel_loop3A_522 = arith.mulf %parallel_loop3A_518, %parallel_loop3A_440 : vector<16xf32>
          tpu.vector_store_idx %arg7[%parallel_loop3A_521], %parallel_loop3A_522 masked %parallel_loop3A_487 {add = true} : memref<16384xf32, #tpu.memory_space<vmem>>[vector<16xi32>], vector<16xf32>, vector<16xi1>
          %parallel_loop3A_523 = arith.mulf %parallel_loop3A_518, %parallel_loop3A_442 : vector<16xf32>
          tpu.vector_store_idx %arg8[%parallel_loop3A_521], %parallel_loop3A_523 masked %parallel_loop3A_487 {add = true} : memref<16384xf32, #tpu.memory_space<vmem>>[vector<16xi32>], vector<16xf32>, vector<16xi1>
          %parallel_loop3A_524 = arith.mulf %parallel_loop3A_432, %parallel_loop3A_434 : vector<16xf32>
          %parallel_loop3A_525 = arith.constant 256 : i32
          %parallel_loop3A_526 = vector.broadcast %parallel_loop3A_525 : i32 to vector<16xi32>
          %parallel_loop3A_527 = arith.addi %parallel_loop3A_446, %parallel_loop3A_526 : vector<16xi32>
          %parallel_loop3A_528 = arith.mulf %parallel_loop3A_524, %parallel_loop3A_440 : vector<16xf32>
          tpu.vector_store_idx %arg7[%parallel_loop3A_527], %parallel_loop3A_528 masked %parallel_loop3A_487 {add = true} : memref<16384xf32, #tpu.memory_space<vmem>>[vector<16xi32>], vector<16xf32>, vector<16xi1>
          %parallel_loop3A_529 = arith.mulf %parallel_loop3A_524, %parallel_loop3A_442 : vector<16xf32>
          tpu.vector_store_idx %arg8[%parallel_loop3A_527], %parallel_loop3A_529 masked %parallel_loop3A_487 {add = true} : memref<16384xf32, #tpu.memory_space<vmem>>[vector<16xi32>], vector<16xf32>, vector<16xi1>
          %parallel_loop3A_530 = arith.mulf %parallel_loop3A_432, %parallel_loop3A_436 : vector<16xf32>
          %parallel_loop3A_531 = arith.constant 257 : i32
          %parallel_loop3A_532 = vector.broadcast %parallel_loop3A_531 : i32 to vector<16xi32>
          %parallel_loop3A_533 = arith.addi %parallel_loop3A_446, %parallel_loop3A_532 : vector<16xi32>
          %parallel_loop3A_534 = arith.mulf %parallel_loop3A_530, %parallel_loop3A_440 : vector<16xf32>
          tpu.vector_store_idx %arg7[%parallel_loop3A_533], %parallel_loop3A_534 masked %parallel_loop3A_487 {add = true} : memref<16384xf32, #tpu.memory_space<vmem>>[vector<16xi32>], vector<16xf32>, vector<16xi1>
          %parallel_loop3A_535 = arith.mulf %parallel_loop3A_530, %parallel_loop3A_442 : vector<16xf32>
          tpu.vector_store_idx %arg8[%parallel_loop3A_533], %parallel_loop3A_535 masked %parallel_loop3A_487 {add = true} : memref<16384xf32, #tpu.memory_space<vmem>>[vector<16xi32>], vector<16xf32>, vector<16xi1>
          %parallel_loop3A_536 = arith.mulf %parallel_loop3A_432, %parallel_loop3A_438 : vector<16xf32>
          %parallel_loop3A_537 = arith.constant 258 : i32
          %parallel_loop3A_538 = vector.broadcast %parallel_loop3A_537 : i32 to vector<16xi32>
          %parallel_loop3A_539 = arith.addi %parallel_loop3A_446, %parallel_loop3A_538 : vector<16xi32>
          %parallel_loop3A_540 = arith.mulf %parallel_loop3A_536, %parallel_loop3A_440 : vector<16xf32>
          tpu.vector_store_idx %arg7[%parallel_loop3A_539], %parallel_loop3A_540 masked %parallel_loop3A_487 {add = true} : memref<16384xf32, #tpu.memory_space<vmem>>[vector<16xi32>], vector<16xf32>, vector<16xi1>
          %parallel_loop3A_541 = arith.mulf %parallel_loop3A_536, %parallel_loop3A_442 : vector<16xf32>
          tpu.vector_store_idx %arg8[%parallel_loop3A_539], %parallel_loop3A_541 masked %parallel_loop3A_487 {add = true} : memref<16384xf32, #tpu.memory_space<vmem>>[vector<16xi32>], vector<16xf32>, vector<16xi1>
        }
        %parallel_loop3A_485 = arith.constant 1 : i32
        scf.for %while3A = %parallel_loop3A_483 to %parallel_loop3A_479 step %parallel_loop3A_485  : i32 {
          %parallel_loop3A_486 = vector.broadcast %while3A : i32 to vector<16xi32>
          %parallel_loop3A_487 = arith.cmpi eq, %parallel_loop3A_450, %parallel_loop3A_486 : vector<16xi32>
          %parallel_loop3A_488 = arith.mulf %parallel_loop3A_428, %parallel_loop3A_434 : vector<16xf32>
          %parallel_loop3A_489 = arith.constant 0 : i32
          %parallel_loop3A_490 = vector.broadcast %parallel_loop3A_489 : i32 to vector<16xi32>
          %parallel_loop3A_491 = arith.addi %parallel_loop3A_446, %parallel_loop3A_490 : vector<16xi32>
          %parallel_loop3A_492 = arith.mulf %parallel_loop3A_488, %parallel_loop3A_440 : vector<16xf32>
          tpu.vector_store_idx %arg7[%parallel_loop3A_491], %parallel_loop3A_492 masked %parallel_loop3A_487 {add = true} : memref<16384xf32, #tpu.memory_space<vmem>>[vector<16xi32>], vector<16xf32>, vector<16xi1>
          %parallel_loop3A_493 = arith.mulf %parallel_loop3A_488, %parallel_loop3A_442 : vector<16xf32>
          tpu.vector_store_idx %arg8[%parallel_loop3A_491], %parallel_loop3A_493 masked %parallel_loop3A_487 {add = true} : memref<16384xf32, #tpu.memory_space<vmem>>[vector<16xi32>], vector<16xf32>, vector<16xi1>
          %parallel_loop3A_494 = arith.mulf %parallel_loop3A_428, %parallel_loop3A_436 : vector<16xf32>
          %parallel_loop3A_495 = arith.constant 1 : i32
          %parallel_loop3A_496 = vector.broadcast %parallel_loop3A_495 : i32 to vector<16xi32>
          %parallel_loop3A_497 = arith.addi %parallel_loop3A_446, %parallel_loop3A_496 : vector<16xi32>
          %parallel_loop3A_498 = arith.mulf %parallel_loop3A_494, %parallel_loop3A_440 : vector<16xf32>
          tpu.vector_store_idx %arg7[%parallel_loop3A_497], %parallel_loop3A_498 masked %parallel_loop3A_487 {add = true} : memref<16384xf32, #tpu.memory_space<vmem>>[vector<16xi32>], vector<16xf32>, vector<16xi1>
          %parallel_loop3A_499 = arith.mulf %parallel_loop3A_494, %parallel_loop3A_442 : vector<16xf32>
          tpu.vector_store_idx %arg8[%parallel_loop3A_497], %parallel_loop3A_499 masked %parallel_loop3A_487 {add = true} : memref<16384xf32, #tpu.memory_space<vmem>>[vector<16xi32>], vector<16xf32>, vector<16xi1>
          %parallel_loop3A_500 = arith.mulf %parallel_loop3A_428, %parallel_loop3A_438 : vector<16xf32>
          %parallel_loop3A_501 = arith.constant 2 : i32
          %parallel_loop3A_502 = vector.broadcast %parallel_loop3A_501 : i32 to vector<16xi32>
          %parallel_loop3A_503 = arith.addi %parallel_loop3A_446, %parallel_loop3A_502 : vector<16xi32>
          %parallel_loop3A_504 = arith.mulf %parallel_loop3A_500, %parallel_loop3A_440 : vector<16xf32>
          tpu.vector_store_idx %arg7[%parallel_loop3A_503], %parallel_loop3A_504 masked %parallel_loop3A_487 {add = true} : memref<16384xf32, #tpu.memory_space<vmem>>[vector<16xi32>], vector<16xf32>, vector<16xi1>
          %parallel_loop3A_505 = arith.mulf %parallel_loop3A_500, %parallel_loop3A_442 : vector<16xf32>
          tpu.vector_store_idx %arg8[%parallel_loop3A_503], %parallel_loop3A_505 masked %parallel_loop3A_487 {add = true} : memref<16384xf32, #tpu.memory_space<vmem>>[vector<16xi32>], vector<16xf32>, vector<16xi1>
          %parallel_loop3A_506 = arith.mulf %parallel_loop3A_430, %parallel_loop3A_434 : vector<16xf32>
          %parallel_loop3A_507 = arith.constant 128 : i32
          %parallel_loop3A_508 = vector.broadcast %parallel_loop3A_507 : i32 to vector<16xi32>
          %parallel_loop3A_509 = arith.addi %parallel_loop3A_446, %parallel_loop3A_508 : vector<16xi32>
          %parallel_loop3A_510 = arith.mulf %parallel_loop3A_506, %parallel_loop3A_440 : vector<16xf32>
          tpu.vector_store_idx %arg7[%parallel_loop3A_509], %parallel_loop3A_510 masked %parallel_loop3A_487 {add = true} : memref<16384xf32, #tpu.memory_space<vmem>>[vector<16xi32>], vector<16xf32>, vector<16xi1>
          %parallel_loop3A_511 = arith.mulf %parallel_loop3A_506, %parallel_loop3A_442 : vector<16xf32>
          tpu.vector_store_idx %arg8[%parallel_loop3A_509], %parallel_loop3A_511 masked %parallel_loop3A_487 {add = true} : memref<16384xf32, #tpu.memory_space<vmem>>[vector<16xi32>], vector<16xf32>, vector<16xi1>
          %parallel_loop3A_512 = arith.mulf %parallel_loop3A_430, %parallel_loop3A_436 : vector<16xf32>
          %parallel_loop3A_513 = arith.constant 129 : i32
          %parallel_loop3A_514 = vector.broadcast %parallel_loop3A_513 : i32 to vector<16xi32>
          %parallel_loop3A_515 = arith.addi %parallel_loop3A_446, %parallel_loop3A_514 : vector<16xi32>
          %parallel_loop3A_516 = arith.mulf %parallel_loop3A_512, %parallel_loop3A_440 : vector<16xf32>
          tpu.vector_store_idx %arg7[%parallel_loop3A_515], %parallel_loop3A_516 masked %parallel_loop3A_487 {add = true} : memref<16384xf32, #tpu.memory_space<vmem>>[vector<16xi32>], vector<16xf32>, vector<16xi1>
          %parallel_loop3A_517 = arith.mulf %parallel_loop3A_512, %parallel_loop3A_442 : vector<16xf32>
          tpu.vector_store_idx %arg8[%parallel_loop3A_515], %parallel_loop3A_517 masked %parallel_loop3A_487 {add = true} : memref<16384xf32, #tpu.memory_space<vmem>>[vector<16xi32>], vector<16xf32>, vector<16xi1>
          %parallel_loop3A_518 = arith.mulf %parallel_loop3A_430, %parallel_loop3A_438 : vector<16xf32>
          %parallel_loop3A_519 = arith.constant 130 : i32
          %parallel_loop3A_520 = vector.broadcast %parallel_loop3A_519 : i32 to vector<16xi32>
          %parallel_loop3A_521 = arith.addi %parallel_loop3A_446, %parallel_loop3A_520 : vector<16xi32>
          %parallel_loop3A_522 = arith.mulf %parallel_loop3A_518, %parallel_loop3A_440 : vector<16xf32>
          tpu.vector_store_idx %arg7[%parallel_loop3A_521], %parallel_loop3A_522 masked %parallel_loop3A_487 {add = true} : memref<16384xf32, #tpu.memory_space<vmem>>[vector<16xi32>], vector<16xf32>, vector<16xi1>
          %parallel_loop3A_523 = arith.mulf %parallel_loop3A_518, %parallel_loop3A_442 : vector<16xf32>
          tpu.vector_store_idx %arg8[%parallel_loop3A_521], %parallel_loop3A_523 masked %parallel_loop3A_487 {add = true} : memref<16384xf32, #tpu.memory_space<vmem>>[vector<16xi32>], vector<16xf32>, vector<16xi1>
          %parallel_loop3A_524 = arith.mulf %parallel_loop3A_432, %parallel_loop3A_434 : vector<16xf32>
          %parallel_loop3A_525 = arith.constant 256 : i32
          %parallel_loop3A_526 = vector.broadcast %parallel_loop3A_525 : i32 to vector<16xi32>
          %parallel_loop3A_527 = arith.addi %parallel_loop3A_446, %parallel_loop3A_526 : vector<16xi32>
          %parallel_loop3A_528 = arith.mulf %parallel_loop3A_524, %parallel_loop3A_440 : vector<16xf32>
          tpu.vector_store_idx %arg7[%parallel_loop3A_527], %parallel_loop3A_528 masked %parallel_loop3A_487 {add = true} : memref<16384xf32, #tpu.memory_space<vmem>>[vector<16xi32>], vector<16xf32>, vector<16xi1>
          %parallel_loop3A_529 = arith.mulf %parallel_loop3A_524, %parallel_loop3A_442 : vector<16xf32>
          tpu.vector_store_idx %arg8[%parallel_loop3A_527], %parallel_loop3A_529 masked %parallel_loop3A_487 {add = true} : memref<16384xf32, #tpu.memory_space<vmem>>[vector<16xi32>], vector<16xf32>, vector<16xi1>
          %parallel_loop3A_530 = arith.mulf %parallel_loop3A_432, %parallel_loop3A_436 : vector<16xf32>
          %parallel_loop3A_531 = arith.constant 257 : i32
          %parallel_loop3A_532 = vector.broadcast %parallel_loop3A_531 : i32 to vector<16xi32>
          %parallel_loop3A_533 = arith.addi %parallel_loop3A_446, %parallel_loop3A_532 : vector<16xi32>
          %parallel_loop3A_534 = arith.mulf %parallel_loop3A_530, %parallel_loop3A_440 : vector<16xf32>
          tpu.vector_store_idx %arg7[%parallel_loop3A_533], %parallel_loop3A_534 masked %parallel_loop3A_487 {add = true} : memref<16384xf32, #tpu.memory_space<vmem>>[vector<16xi32>], vector<16xf32>, vector<16xi1>
          %parallel_loop3A_535 = arith.mulf %parallel_loop3A_530, %parallel_loop3A_442 : vector<16xf32>
          tpu.vector_store_idx %arg8[%parallel_loop3A_533], %parallel_loop3A_535 masked %parallel_loop3A_487 {add = true} : memref<16384xf32, #tpu.memory_space<vmem>>[vector<16xi32>], vector<16xf32>, vector<16xi1>
          %parallel_loop3A_536 = arith.mulf %parallel_loop3A_432, %parallel_loop3A_438 : vector<16xf32>
          %parallel_loop3A_537 = arith.constant 258 : i32
          %parallel_loop3A_538 = vector.broadcast %parallel_loop3A_537 : i32 to vector<16xi32>
          %parallel_loop3A_539 = arith.addi %parallel_loop3A_446, %parallel_loop3A_538 : vector<16xi32>
          %parallel_loop3A_540 = arith.mulf %parallel_loop3A_536, %parallel_loop3A_440 : vector<16xf32>
          tpu.vector_store_idx %arg7[%parallel_loop3A_539], %parallel_loop3A_540 masked %parallel_loop3A_487 {add = true} : memref<16384xf32, #tpu.memory_space<vmem>>[vector<16xi32>], vector<16xf32>, vector<16xi1>
          %parallel_loop3A_541 = arith.mulf %parallel_loop3A_536, %parallel_loop3A_442 : vector<16xf32>
          tpu.vector_store_idx %arg8[%parallel_loop3A_539], %parallel_loop3A_541 masked %parallel_loop3A_487 {add = true} : memref<16384xf32, #tpu.memory_space<vmem>>[vector<16xi32>], vector<16xf32>, vector<16xi1>
        }
      } else {
      }
    } {sc.loop_unroll_factor = 4 : i64, sc.parallel_access}
    %run_scoped3A = arith.constant 0 : i32
    "tpu.region"() ({
      %run_scoped3A_420 = tpu.sem_alloc : memref<!tpu.dma_semaphore, #tpu.memory_space<semaphore_mem>>
      %dma_start3A_421 = arith.constant 0 : i32
      %dma_start3A_422 = tpu.memref_slice %arg6[%add3A, %run_scoped3A, %dma_start3A_421] : memref<32x2x16384xf32, #tpu.memory_space<hbm>> -> memref<1x1x16384xf32, #tpu.memory_space<hbm>>
      %dma_start3A_423 = tpu.memref_squeeze %dma_start3A_422 : memref<1x1x16384xf32, #tpu.memory_space<hbm>> -> memref<16384xf32, #tpu.memory_space<hbm>>
      %dma_start3A_424 = arith.constant 0 : i32
      %dma_start3A_425 = tpu.memref_slice %arg6[%add3A, %run_scoped3A, %dma_start3A_424] : memref<32x2x16384xf32, #tpu.memory_space<hbm>> -> memref<1x1x16384xf32, #tpu.memory_space<hbm>>
      %dma_start3A_426 = tpu.memref_squeeze %dma_start3A_425 : memref<1x1x16384xf32, #tpu.memory_space<hbm>> -> memref<16384xf32, #tpu.memory_space<hbm>>
      tpu.enqueue_dma source(%arg7 : memref<16384xf32, #tpu.memory_space<vmem>>) target(%dma_start3A_426 : memref<16384xf32, #tpu.memory_space<hbm>>) target_semaphore(%run_scoped3A_420 : memref<!tpu.dma_semaphore, #tpu.memory_space<semaphore_mem>>)
      %dma_wait3A_427 = arith.constant 0 : i32
      %dma_wait3A_428 = tpu.memref_slice %arg6[%add3A, %run_scoped3A, %dma_wait3A_427] : memref<32x2x16384xf32, #tpu.memory_space<hbm>> -> memref<1x1x16384xf32, #tpu.memory_space<hbm>>
      %dma_wait3A_429 = tpu.memref_squeeze %dma_wait3A_428 : memref<1x1x16384xf32, #tpu.memory_space<hbm>> -> memref<16384xf32, #tpu.memory_space<hbm>>
      %dma_wait3A_430 = arith.constant 0 : i32
      %dma_wait3A_431 = tpu.memref_slice %arg6[%add3A, %run_scoped3A, %dma_wait3A_430] : memref<32x2x16384xf32, #tpu.memory_space<hbm>> -> memref<1x1x16384xf32, #tpu.memory_space<hbm>>
      %dma_wait3A_432 = tpu.memref_squeeze %dma_wait3A_431 : memref<1x1x16384xf32, #tpu.memory_space<hbm>> -> memref<16384xf32, #tpu.memory_space<hbm>>
      tpu.wait_dma2 semaphore(%run_scoped3A_420 : memref<!tpu.dma_semaphore, #tpu.memory_space<semaphore_mem>>) src(%arg7 : memref<16384xf32, #tpu.memory_space<vmem>>) dst(%dma_wait3A_432 : memref<16384xf32, #tpu.memory_space<hbm>>)
      tpu.yield
    }) : () -> ()
    %run_scoped3A_419 = arith.constant 1 : i32
    "tpu.region"() ({
      %run_scoped3A_420 = tpu.sem_alloc : memref<!tpu.dma_semaphore, #tpu.memory_space<semaphore_mem>>
      %dma_start3A_421 = arith.constant 0 : i32
      %dma_start3A_422 = tpu.memref_slice %arg6[%add3A, %run_scoped3A_419, %dma_start3A_421] : memref<32x2x16384xf32, #tpu.memory_space<hbm>> -> memref<1x1x16384xf32, #tpu.memory_space<hbm>>
      %dma_start3A_423 = tpu.memref_squeeze %dma_start3A_422 : memref<1x1x16384xf32, #tpu.memory_space<hbm>> -> memref<16384xf32, #tpu.memory_space<hbm>>
      %dma_start3A_424 = arith.constant 0 : i32
      %dma_start3A_425 = tpu.memref_slice %arg6[%add3A, %run_scoped3A_419, %dma_start3A_424] : memref<32x2x16384xf32, #tpu.memory_space<hbm>> -> memref<1x1x16384xf32, #tpu.memory_space<hbm>>
      %dma_start3A_426 = tpu.memref_squeeze %dma_start3A_425 : memref<1x1x16384xf32, #tpu.memory_space<hbm>> -> memref<16384xf32, #tpu.memory_space<hbm>>
      tpu.enqueue_dma source(%arg8 : memref<16384xf32, #tpu.memory_space<vmem>>) target(%dma_start3A_426 : memref<16384xf32, #tpu.memory_space<hbm>>) target_semaphore(%run_scoped3A_420 : memref<!tpu.dma_semaphore, #tpu.memory_space<semaphore_mem>>)
      %dma_wait3A_427 = arith.constant 0 : i32
      %dma_wait3A_428 = tpu.memref_slice %arg6[%add3A, %run_scoped3A_419, %dma_wait3A_427] : memref<32x2x16384xf32, #tpu.memory_space<hbm>> -> memref<1x1x16384xf32, #tpu.memory_space<hbm>>
      %dma_wait3A_429 = tpu.memref_squeeze %dma_wait3A_428 : memref<1x1x16384xf32, #tpu.memory_space<hbm>> -> memref<16384xf32, #tpu.memory_space<hbm>>
      %dma_wait3A_430 = arith.constant 0 : i32
      %dma_wait3A_431 = tpu.memref_slice %arg6[%add3A, %run_scoped3A_419, %dma_wait3A_430] : memref<32x2x16384xf32, #tpu.memory_space<hbm>> -> memref<1x1x16384xf32, #tpu.memory_space<hbm>>
      %dma_wait3A_432 = tpu.memref_squeeze %dma_wait3A_431 : memref<1x1x16384xf32, #tpu.memory_space<hbm>> -> memref<16384xf32, #tpu.memory_space<hbm>>
      tpu.wait_dma2 semaphore(%run_scoped3A_420 : memref<!tpu.dma_semaphore, #tpu.memory_space<semaphore_mem>>) src(%arg8 : memref<16384xf32, #tpu.memory_space<vmem>>) dst(%dma_wait3A_432 : memref<16384xf32, #tpu.memory_space<hbm>>)
      tpu.yield
    }) : () -> ()
    return
  }
}

module attributes {stable_mosaic.version = 14 : i64} {
  func.func @_stage1_body(%arg0: i32, %arg1: memref<1x2xf32, #tpu.memory_space<smem>>, %arg2: memref<2x200x128xf32, #tpu.memory_space<vmem>>, %arg3: memref<2x200x128xf32, #tpu.memory_space<vmem>>, %arg4: memref<4x200x128xf32, #tpu.memory_space<vmem>>, %arg5: memref<4x200x128xf32, #tpu.memory_space<vmem>>, %arg6: memref<2x25600xi32, #tpu.memory_space<vmem>>, %arg7: memref<6x25600xf32, #tpu.memory_space<vmem>>, %arg8: memref<8x25600xf32, #tpu.memory_space<vmem>>) attributes {dimension_semantics = [#tpu.dimension_semantics<arbitrary>], iteration_bounds = array<i64: 4>, scalar_prefetch = 0 : i64, scratch_operands = 0 : i64, tpu.core_type = #tpu.core_type<tc>, window_params = [{transform_indices = @transform_0, window_bounds = array<i64: 1, 2>}, {transform_indices = @transform_1, window_bounds = array<i64: 2, 200, 128>}, {transform_indices = @transform_2, window_bounds = array<i64: 2, 200, 128>}, {transform_indices = @transform_3, window_bounds = array<i64: 4, 200, 128>}, {transform_indices = @transform_4, window_bounds = array<i64: 4, 200, 128>}, {transform_indices = @transform_5, window_bounds = array<i64: 2, 25600>}, {transform_indices = @transform_6, window_bounds = array<i64: 6, 25600>}, {transform_indices = @transform_7, window_bounds = array<i64: 8, 25600>}]} {
    %get3A = arith.constant 0 : index
    %get3A_0 = arith.constant 0 : index
    %get3A_1 = arith.constant 0 : index
    %get3A_2 = vector.load %arg2[%get3A, %get3A_0, %get3A_1] : memref<2x200x128xf32, #tpu.memory_space<vmem>>, vector<1x200x128xf32>
    %get3A_3 = vector.shape_cast %get3A_2 : vector<1x200x128xf32> to vector<200x128xf32>
    %get3A_4 = arith.constant 1 : index
    %get3A_5 = arith.constant 0 : index
    %get3A_6 = arith.constant 0 : index
    %get3A_7 = vector.load %arg2[%get3A_4, %get3A_5, %get3A_6] : memref<2x200x128xf32, #tpu.memory_space<vmem>>, vector<1x200x128xf32>
    %get3A_8 = vector.shape_cast %get3A_7 : vector<1x200x128xf32> to vector<200x128xf32>
    %get3A_9 = arith.constant 0 : index
    %get3A_10 = arith.constant 0 : index
    %get3A_11 = arith.constant 0 : index
    %get3A_12 = vector.load %arg3[%get3A_9, %get3A_10, %get3A_11] : memref<2x200x128xf32, #tpu.memory_space<vmem>>, vector<1x200x128xf32>
    %get3A_13 = vector.shape_cast %get3A_12 : vector<1x200x128xf32> to vector<200x128xf32>
    %get3A_14 = arith.constant 1 : index
    %get3A_15 = arith.constant 0 : index
    %get3A_16 = arith.constant 0 : index
    %get3A_17 = vector.load %arg3[%get3A_14, %get3A_15, %get3A_16] : memref<2x200x128xf32, #tpu.memory_space<vmem>>, vector<1x200x128xf32>
    %get3A_18 = vector.shape_cast %get3A_17 : vector<1x200x128xf32> to vector<200x128xf32>
    %get3A_19 = arith.constant 0 : index
    %get3A_20 = arith.constant 0 : index
    %get3A_21 = arith.constant 0 : index
    %get3A_22 = vector.load %arg4[%get3A_19, %get3A_20, %get3A_21] : memref<4x200x128xf32, #tpu.memory_space<vmem>>, vector<1x200x128xf32>
    %get3A_23 = vector.shape_cast %get3A_22 : vector<1x200x128xf32> to vector<200x128xf32>
    %get3A_24 = arith.constant 1 : index
    %get3A_25 = arith.constant 0 : index
    %get3A_26 = arith.constant 0 : index
    %get3A_27 = vector.load %arg4[%get3A_24, %get3A_25, %get3A_26] : memref<4x200x128xf32, #tpu.memory_space<vmem>>, vector<1x200x128xf32>
    %get3A_28 = vector.shape_cast %get3A_27 : vector<1x200x128xf32> to vector<200x128xf32>
    %get3A_29 = arith.constant 2 : index
    %get3A_30 = arith.constant 0 : index
    %get3A_31 = arith.constant 0 : index
    %get3A_32 = vector.load %arg4[%get3A_29, %get3A_30, %get3A_31] : memref<4x200x128xf32, #tpu.memory_space<vmem>>, vector<1x200x128xf32>
    %get3A_33 = vector.shape_cast %get3A_32 : vector<1x200x128xf32> to vector<200x128xf32>
    %get3A_34 = arith.constant 3 : index
    %get3A_35 = arith.constant 0 : index
    %get3A_36 = arith.constant 0 : index
    %get3A_37 = vector.load %arg4[%get3A_34, %get3A_35, %get3A_36] : memref<4x200x128xf32, #tpu.memory_space<vmem>>, vector<1x200x128xf32>
    %get3A_38 = vector.shape_cast %get3A_37 : vector<1x200x128xf32> to vector<200x128xf32>
    %get3A_39 = arith.constant 0 : index
    %get3A_40 = arith.constant 0 : index
    %get3A_41 = arith.constant 0 : index
    %get3A_42 = vector.load %arg5[%get3A_39, %get3A_40, %get3A_41] : memref<4x200x128xf32, #tpu.memory_space<vmem>>, vector<1x200x128xf32>
    %get3A_43 = vector.shape_cast %get3A_42 : vector<1x200x128xf32> to vector<200x128xf32>
    %get3A_44 = arith.constant 1 : index
    %get3A_45 = arith.constant 0 : index
    %get3A_46 = arith.constant 0 : index
    %get3A_47 = vector.load %arg5[%get3A_44, %get3A_45, %get3A_46] : memref<4x200x128xf32, #tpu.memory_space<vmem>>, vector<1x200x128xf32>
    %get3A_48 = vector.shape_cast %get3A_47 : vector<1x200x128xf32> to vector<200x128xf32>
    %get3A_49 = arith.constant 2 : index
    %get3A_50 = arith.constant 0 : index
    %get3A_51 = arith.constant 0 : index
    %get3A_52 = vector.load %arg5[%get3A_49, %get3A_50, %get3A_51] : memref<4x200x128xf32, #tpu.memory_space<vmem>>, vector<1x200x128xf32>
    %get3A_53 = vector.shape_cast %get3A_52 : vector<1x200x128xf32> to vector<200x128xf32>
    %get3A_54 = arith.constant 3 : index
    %get3A_55 = arith.constant 0 : index
    %get3A_56 = arith.constant 0 : index
    %get3A_57 = vector.load %arg5[%get3A_54, %get3A_55, %get3A_56] : memref<4x200x128xf32, #tpu.memory_space<vmem>>, vector<1x200x128xf32>
    %get3A_58 = vector.shape_cast %get3A_57 : vector<1x200x128xf32> to vector<200x128xf32>
    %get3A_59 = arith.constant 0 : index
    %get3A_60 = arith.constant 0 : index
    %get3A_61 = memref.load %arg1[%get3A_59, %get3A_60] : memref<1x2xf32, #tpu.memory_space<smem>>
    %get3A_62 = arith.constant 0 : index
    %get3A_63 = arith.constant 1 : index
    %get3A_64 = memref.load %arg1[%get3A_62, %get3A_63] : memref<1x2xf32, #tpu.memory_space<smem>>
    %iota3A = tpu.iota {dimensions = array<i32: 0>} : vector<200x128xi32>
    %iota3A_65 = tpu.iota {dimensions = array<i32: 1>} : vector<200x128xi32>
    %mul3A = arith.constant 25600 : i32
    %mul3A_66 = arith.muli %arg0, %mul3A : i32
    %mul3A_67 = arith.constant 128 : i32
    %mul3A_68 = vector.broadcast %mul3A_67 : i32 to vector<200x128xi32>
    %mul3A_69 = arith.muli %iota3A, %mul3A_68 : vector<200x128xi32>
    %add3A = vector.broadcast %mul3A_66 : i32 to vector<200x128xi32>
    %add3A_70 = arith.addi %add3A, %mul3A_69 : vector<200x128xi32>
    %add3A_71 = arith.addi %add3A_70, %iota3A_65 : vector<200x128xi32>
    %lt3A = arith.constant 100000 : i32
    %lt3A_72 = vector.broadcast %lt3A : i32 to vector<200x128xi32>
    %lt3A_73 = arith.cmpi slt, %add3A_71, %lt3A_72 : vector<200x128xi32>
    %jit3A = arith.constant 1.000000e+00 : f32
    %jit3A_74 = arith.constant 0.000000e+00 : f32
    %broadcast_in_dim3A = vector.broadcast %jit3A : f32 to vector<200x128xf32>
    %broadcast_in_dim3A_75 = vector.broadcast %jit3A_74 : f32 to vector<200x128xf32>
    %select_n3A = arith.select %lt3A_73, %broadcast_in_dim3A, %broadcast_in_dim3A_75 : vector<200x128xi1>, vector<200x128xf32>
    %mul3A_76 = arith.constant 1.280000e+02 : f32
    %mul3A_77 = vector.broadcast %mul3A_76 : f32 to vector<200x128xf32>
    %mul3A_78 = arith.mulf %get3A_3, %mul3A_77 : vector<200x128xf32>
    %mul3A_79 = arith.constant 1.280000e+02 : f32
    %mul3A_80 = vector.broadcast %mul3A_79 : f32 to vector<200x128xf32>
    %mul3A_81 = arith.mulf %get3A_8, %mul3A_80 : vector<200x128xf32>
    %sub3A = arith.constant 5.000000e-01 : f32
    %sub3A_82 = vector.broadcast %sub3A : f32 to vector<200x128xf32>
    %sub3A_83 = arith.subf %mul3A_78, %sub3A_82 : vector<200x128xf32>
    %convert_element_type3A = arith.fptosi %sub3A_83 : vector<200x128xf32> to vector<200x128xi32>
    %sub3A_84 = arith.constant 5.000000e-01 : f32
    %sub3A_85 = vector.broadcast %sub3A_84 : f32 to vector<200x128xf32>
    %sub3A_86 = arith.subf %mul3A_81, %sub3A_85 : vector<200x128xf32>
    %convert_element_type3A_87 = arith.fptosi %sub3A_86 : vector<200x128xf32> to vector<200x128xi32>
    %convert_element_type3A_88 = arith.sitofp %convert_element_type3A : vector<200x128xi32> to vector<200x128xf32>
    %sub3A_89 = arith.subf %mul3A_78, %convert_element_type3A_88 : vector<200x128xf32>
    %convert_element_type3A_90 = arith.sitofp %convert_element_type3A_87 : vector<200x128xi32> to vector<200x128xf32>
    %sub3A_91 = arith.subf %mul3A_81, %convert_element_type3A_90 : vector<200x128xf32>
    %jit3A_92 = arith.constant 0 : i32
    %broadcast_in_dim3A_93 = vector.broadcast %jit3A_92 : i32 to vector<200x128xi32>
    %select_n3A_94 = arith.select %lt3A_73, %convert_element_type3A, %broadcast_in_dim3A_93 : vector<200x128xi1>, vector<200x128xi32>
    %jit3A_95 = arith.constant 32 : i32
    %eq3A = arith.constant 0 : i32
    %eq3A_96 = arith.cmpi eq, %jit3A_95, %eq3A : i32
    %jit3A_97 = arith.constant 1 : i32
    %select_n3A_98 = arith.select %eq3A_96, %jit3A_97, %jit3A_95 : i32
    %rem3A = vector.broadcast %select_n3A_98 : i32 to vector<200x128xi32>
    %rem3A_99 = arith.remsi %iota3A_65, %rem3A : vector<200x128xi32>
    %ne3A = arith.constant 0 : i32
    %ne3A_100 = vector.broadcast %ne3A : i32 to vector<200x128xi32>
    %ne3A_101 = arith.cmpi ne, %rem3A_99, %ne3A_100 : vector<200x128xi32>
    %lt3A_102 = arith.constant 0 : i32
    %lt3A_103 = vector.broadcast %lt3A_102 : i32 to vector<200x128xi32>
    %lt3A_104 = arith.cmpi slt, %rem3A_99, %lt3A_103 : vector<200x128xi32>
    %lt3A_105 = arith.constant 0 : i32
    %lt3A_106 = arith.cmpi slt, %select_n3A_98, %lt3A_105 : i32
    %ne3A_107 = vector.broadcast %lt3A_106 : i1 to vector<200x128xi1>
    %ne3A_108 = vector.broadcast %ne3A_107 : vector<200x128xi1> to vector<200x128xi1>
    %ne3A_109 = arith.xori %lt3A_104, %ne3A_108 : vector<200x128xi1>
    %and3A = arith.andi %ne3A_109, %ne3A_101 : vector<200x128xi1>
    %add3A_110 = vector.broadcast %select_n3A_98 : i32 to vector<200x128xi32>
    %add3A_111 = arith.addi %rem3A_99, %add3A_110 : vector<200x128xi32>
    %select_n3A_112 = arith.select %and3A, %add3A_111, %rem3A_99 : vector<200x128xi1>, vector<200x128xi32>
    %select_n3A_113 = arith.select %lt3A_73, %convert_element_type3A_87, %select_n3A_112 : vector<200x128xi1>, vector<200x128xi32>
    %sub3A_114 = arith.constant 1.500000e+00 : f32
    %sub3A_115 = vector.broadcast %sub3A_114 : f32 to vector<200x128xf32>
    %sub3A_116 = arith.subf %sub3A_115, %sub3A_89 : vector<200x128xf32>
    %integer_pow3A = arith.mulf %sub3A_116, %sub3A_116 : vector<200x128xf32>
    %mul3A_117 = arith.constant 5.000000e-01 : f32
    %mul3A_118 = vector.broadcast %mul3A_117 : f32 to vector<200x128xf32>
    %mul3A_119 = arith.mulf %mul3A_118, %integer_pow3A : vector<200x128xf32>
    %mul3A_120 = arith.mulf %mul3A_119, %select_n3A : vector<200x128xf32>
    %sub3A_121 = arith.constant 1.000000e+00 : f32
    %sub3A_122 = vector.broadcast %sub3A_121 : f32 to vector<200x128xf32>
    %sub3A_123 = arith.subf %sub3A_89, %sub3A_122 : vector<200x128xf32>
    %integer_pow3A_124 = arith.mulf %sub3A_123, %sub3A_123 : vector<200x128xf32>
    %sub3A_125 = arith.constant 7.500000e-01 : f32
    %sub3A_126 = vector.broadcast %sub3A_125 : f32 to vector<200x128xf32>
    %sub3A_127 = arith.subf %sub3A_126, %integer_pow3A_124 : vector<200x128xf32>
    %mul3A_128 = arith.mulf %sub3A_127, %select_n3A : vector<200x128xf32>
    %sub3A_129 = arith.constant 5.000000e-01 : f32
    %sub3A_130 = vector.broadcast %sub3A_129 : f32 to vector<200x128xf32>
    %sub3A_131 = arith.subf %sub3A_89, %sub3A_130 : vector<200x128xf32>
    %integer_pow3A_132 = arith.mulf %sub3A_131, %sub3A_131 : vector<200x128xf32>
    %mul3A_133 = arith.constant 5.000000e-01 : f32
    %mul3A_134 = vector.broadcast %mul3A_133 : f32 to vector<200x128xf32>
    %mul3A_135 = arith.mulf %mul3A_134, %integer_pow3A_132 : vector<200x128xf32>
    %mul3A_136 = arith.mulf %mul3A_135, %select_n3A : vector<200x128xf32>
    %sub3A_137 = arith.constant 1.500000e+00 : f32
    %sub3A_138 = vector.broadcast %sub3A_137 : f32 to vector<200x128xf32>
    %sub3A_139 = arith.subf %sub3A_138, %sub3A_91 : vector<200x128xf32>
    %integer_pow3A_140 = arith.mulf %sub3A_139, %sub3A_139 : vector<200x128xf32>
    %mul3A_141 = arith.constant 5.000000e-01 : f32
    %mul3A_142 = vector.broadcast %mul3A_141 : f32 to vector<200x128xf32>
    %mul3A_143 = arith.mulf %mul3A_142, %integer_pow3A_140 : vector<200x128xf32>
    %sub3A_144 = arith.constant 1.000000e+00 : f32
    %sub3A_145 = vector.broadcast %sub3A_144 : f32 to vector<200x128xf32>
    %sub3A_146 = arith.subf %sub3A_91, %sub3A_145 : vector<200x128xf32>
    %integer_pow3A_147 = arith.mulf %sub3A_146, %sub3A_146 : vector<200x128xf32>
    %sub3A_148 = arith.constant 7.500000e-01 : f32
    %sub3A_149 = vector.broadcast %sub3A_148 : f32 to vector<200x128xf32>
    %sub3A_150 = arith.subf %sub3A_149, %integer_pow3A_147 : vector<200x128xf32>
    %sub3A_151 = arith.constant 5.000000e-01 : f32
    %sub3A_152 = vector.broadcast %sub3A_151 : f32 to vector<200x128xf32>
    %sub3A_153 = arith.subf %sub3A_91, %sub3A_152 : vector<200x128xf32>
    %integer_pow3A_154 = arith.mulf %sub3A_153, %sub3A_153 : vector<200x128xf32>
    %mul3A_155 = arith.constant 5.000000e-01 : f32
    %mul3A_156 = vector.broadcast %mul3A_155 : f32 to vector<200x128xf32>
    %mul3A_157 = arith.mulf %mul3A_156, %integer_pow3A_154 : vector<200x128xf32>
    %convert_element_type3A_158 = arith.truncf %get3A_23 : vector<200x128xf32> to vector<200x128xbf16>
    %convert_element_type3A_159 = arith.extf %convert_element_type3A_158 : vector<200x128xbf16> to vector<200x128xf32>
    %convert_element_type3A_160 = arith.truncf %get3A_28 : vector<200x128xf32> to vector<200x128xbf16>
    %convert_element_type3A_161 = arith.extf %convert_element_type3A_160 : vector<200x128xbf16> to vector<200x128xf32>
    %convert_element_type3A_162 = arith.truncf %get3A_33 : vector<200x128xf32> to vector<200x128xbf16>
    %convert_element_type3A_163 = arith.extf %convert_element_type3A_162 : vector<200x128xbf16> to vector<200x128xf32>
    %convert_element_type3A_164 = arith.truncf %get3A_38 : vector<200x128xf32> to vector<200x128xbf16>
    %convert_element_type3A_165 = arith.extf %convert_element_type3A_164 : vector<200x128xbf16> to vector<200x128xf32>
    %convert_element_type3A_166 = arith.truncf %get3A_43 : vector<200x128xf32> to vector<200x128xbf16>
    %convert_element_type3A_167 = arith.extf %convert_element_type3A_166 : vector<200x128xbf16> to vector<200x128xf32>
    %convert_element_type3A_168 = arith.truncf %get3A_48 : vector<200x128xf32> to vector<200x128xbf16>
    %convert_element_type3A_169 = arith.extf %convert_element_type3A_168 : vector<200x128xbf16> to vector<200x128xf32>
    %convert_element_type3A_170 = arith.truncf %get3A_53 : vector<200x128xf32> to vector<200x128xbf16>
    %convert_element_type3A_171 = arith.extf %convert_element_type3A_170 : vector<200x128xbf16> to vector<200x128xf32>
    %convert_element_type3A_172 = arith.truncf %get3A_58 : vector<200x128xf32> to vector<200x128xbf16>
    %convert_element_type3A_173 = arith.extf %convert_element_type3A_172 : vector<200x128xbf16> to vector<200x128xf32>
    %mul3A_174 = arith.mulf %convert_element_type3A_159, %convert_element_type3A_167 : vector<200x128xf32>
    %mul3A_175 = arith.mulf %convert_element_type3A_161, %convert_element_type3A_171 : vector<200x128xf32>
    %add3A_176 = arith.addf %mul3A_174, %mul3A_175 : vector<200x128xf32>
    %mul3A_177 = arith.constant 9.99999974E-5 : f32
    %mul3A_178 = vector.broadcast %mul3A_177 : f32 to vector<200x128xf32>
    %mul3A_179 = arith.mulf %mul3A_178, %add3A_176 : vector<200x128xf32>
    %add3A_180 = arith.addf %get3A_43, %mul3A_179 : vector<200x128xf32>
    %mul3A_181 = arith.mulf %convert_element_type3A_159, %convert_element_type3A_169 : vector<200x128xf32>
    %mul3A_182 = arith.mulf %convert_element_type3A_161, %convert_element_type3A_173 : vector<200x128xf32>
    %add3A_183 = arith.addf %mul3A_181, %mul3A_182 : vector<200x128xf32>
    %mul3A_184 = arith.constant 9.99999974E-5 : f32
    %mul3A_185 = vector.broadcast %mul3A_184 : f32 to vector<200x128xf32>
    %mul3A_186 = arith.mulf %mul3A_185, %add3A_183 : vector<200x128xf32>
    %add3A_187 = arith.addf %get3A_48, %mul3A_186 : vector<200x128xf32>
    %mul3A_188 = arith.mulf %convert_element_type3A_163, %convert_element_type3A_167 : vector<200x128xf32>
    %mul3A_189 = arith.mulf %convert_element_type3A_165, %convert_element_type3A_171 : vector<200x128xf32>
    %add3A_190 = arith.addf %mul3A_188, %mul3A_189 : vector<200x128xf32>
    %mul3A_191 = arith.constant 9.99999974E-5 : f32
    %mul3A_192 = vector.broadcast %mul3A_191 : f32 to vector<200x128xf32>
    %mul3A_193 = arith.mulf %mul3A_192, %add3A_190 : vector<200x128xf32>
    %add3A_194 = arith.addf %get3A_53, %mul3A_193 : vector<200x128xf32>
    %mul3A_195 = arith.mulf %convert_element_type3A_163, %convert_element_type3A_169 : vector<200x128xf32>
    %mul3A_196 = arith.mulf %convert_element_type3A_165, %convert_element_type3A_173 : vector<200x128xf32>
    %add3A_197 = arith.addf %mul3A_195, %mul3A_196 : vector<200x128xf32>
    %mul3A_198 = arith.constant 9.99999974E-5 : f32
    %mul3A_199 = vector.broadcast %mul3A_198 : f32 to vector<200x128xf32>
    %mul3A_200 = arith.mulf %mul3A_199, %add3A_197 : vector<200x128xf32>
    %add3A_201 = arith.addf %get3A_58, %mul3A_200 : vector<200x128xf32>
    %convert_element_type3A_202 = arith.truncf %add3A_180 : vector<200x128xf32> to vector<200x128xbf16>
    %convert_element_type3A_203 = arith.extf %convert_element_type3A_202 : vector<200x128xbf16> to vector<200x128xf32>
    %convert_element_type3A_204 = arith.truncf %add3A_187 : vector<200x128xf32> to vector<200x128xbf16>
    %convert_element_type3A_205 = arith.extf %convert_element_type3A_204 : vector<200x128xbf16> to vector<200x128xf32>
    %convert_element_type3A_206 = arith.truncf %add3A_194 : vector<200x128xf32> to vector<200x128xbf16>
    %convert_element_type3A_207 = arith.extf %convert_element_type3A_206 : vector<200x128xbf16> to vector<200x128xf32>
    %convert_element_type3A_208 = arith.truncf %add3A_201 : vector<200x128xf32> to vector<200x128xbf16>
    %convert_element_type3A_209 = arith.extf %convert_element_type3A_208 : vector<200x128xbf16> to vector<200x128xf32>
    %mul3A_210 = arith.mulf %convert_element_type3A_203, %convert_element_type3A_203 : vector<200x128xf32>
    %mul3A_211 = arith.mulf %convert_element_type3A_207, %convert_element_type3A_207 : vector<200x128xf32>
    %add3A_212 = arith.addf %mul3A_210, %mul3A_211 : vector<200x128xf32>
    %mul3A_213 = arith.mulf %convert_element_type3A_203, %convert_element_type3A_205 : vector<200x128xf32>
    %mul3A_214 = arith.mulf %convert_element_type3A_207, %convert_element_type3A_209 : vector<200x128xf32>
    %add3A_215 = arith.addf %mul3A_213, %mul3A_214 : vector<200x128xf32>
    %mul3A_216 = arith.mulf %convert_element_type3A_205, %convert_element_type3A_203 : vector<200x128xf32>
    %mul3A_217 = arith.mulf %convert_element_type3A_209, %convert_element_type3A_207 : vector<200x128xf32>
    %add3A_218 = arith.addf %mul3A_216, %mul3A_217 : vector<200x128xf32>
    %mul3A_219 = arith.mulf %convert_element_type3A_205, %convert_element_type3A_205 : vector<200x128xf32>
    %mul3A_220 = arith.mulf %convert_element_type3A_209, %convert_element_type3A_209 : vector<200x128xf32>
    %add3A_221 = arith.addf %mul3A_219, %mul3A_220 : vector<200x128xf32>
    %add3A_222 = arith.addf %add3A_212, %add3A_221 : vector<200x128xf32>
    %mul3A_223 = arith.mulf %add3A_212, %add3A_221 : vector<200x128xf32>
    %mul3A_224 = arith.mulf %add3A_215, %add3A_218 : vector<200x128xf32>
    %sub3A_225 = arith.subf %mul3A_223, %mul3A_224 : vector<200x128xf32>
    %mul3A_226 = arith.mulf %add3A_222, %add3A_222 : vector<200x128xf32>
    %mul3A_227 = arith.constant 4.000000e+00 : f32
    %mul3A_228 = vector.broadcast %mul3A_227 : f32 to vector<200x128xf32>
    %mul3A_229 = arith.mulf %mul3A_228, %sub3A_225 : vector<200x128xf32>
    %sub3A_230 = arith.subf %mul3A_226, %mul3A_229 : vector<200x128xf32>
    %max3A = arith.constant 9.99999993E-9 : f32
    %max3A_231 = vector.broadcast %max3A : f32 to vector<200x128xf32>
    %max3A_232 = arith.maximumf %sub3A_230, %max3A_231 : vector<200x128xf32>
    %sqrt3A = math.sqrt %max3A_232 : vector<200x128xf32>
    %add3A_233 = arith.addf %add3A_222, %sqrt3A : vector<200x128xf32>
    %mul3A_234 = arith.constant 5.000000e-01 : f32
    %mul3A_235 = vector.broadcast %mul3A_234 : f32 to vector<200x128xf32>
    %mul3A_236 = arith.mulf %mul3A_235, %add3A_233 : vector<200x128xf32>
    %max3A_237 = arith.constant 9.99999993E-9 : f32
    %max3A_238 = vector.broadcast %max3A_237 : f32 to vector<200x128xf32>
    %max3A_239 = arith.maximumf %mul3A_236, %max3A_238 : vector<200x128xf32>
    %sqrt3A_240 = math.sqrt %max3A_239 : vector<200x128xf32>
    %sub3A_241 = arith.subf %add3A_222, %sqrt3A : vector<200x128xf32>
    %mul3A_242 = arith.constant 5.000000e-01 : f32
    %mul3A_243 = vector.broadcast %mul3A_242 : f32 to vector<200x128xf32>
    %mul3A_244 = arith.mulf %mul3A_243, %sub3A_241 : vector<200x128xf32>
    %max3A_245 = arith.constant 9.99999993E-9 : f32
    %max3A_246 = vector.broadcast %max3A_245 : f32 to vector<200x128xf32>
    %max3A_247 = arith.maximumf %mul3A_244, %max3A_246 : vector<200x128xf32>
    %sqrt3A_248 = math.sqrt %max3A_247 : vector<200x128xf32>
    %convert_element_type3A_249 = arith.truncf %get3A_61 : f32 to bf16
    %convert_element_type3A_250 = arith.extf %convert_element_type3A_249 : bf16 to f32
    %sub3A_251 = arith.constant 1.000000e+00 : f32
    %sub3A_252 = vector.broadcast %sub3A_251 : f32 to vector<200x128xf32>
    %sub3A_253 = arith.subf %sqrt3A_240, %sub3A_252 : vector<200x128xf32>
    %mul3A_254 = arith.constant 833.333312 : f32
    %mul3A_255 = vector.broadcast %mul3A_254 : f32 to vector<200x128xf32>
    %mul3A_256 = arith.mulf %mul3A_255, %sub3A_253 : vector<200x128xf32>
    %add3A_257 = vector.broadcast %convert_element_type3A_250 : f32 to vector<200x128xf32>
    %add3A_258 = arith.addf %add3A_257, %mul3A_256 : vector<200x128xf32>
    %mul3A_259 = arith.mulf %sqrt3A_240, %sqrt3A_248 : vector<200x128xf32>
    %sub3A_260 = arith.constant 1.000000e+00 : f32
    %sub3A_261 = vector.broadcast %sub3A_260 : f32 to vector<200x128xf32>
    %sub3A_262 = arith.subf %mul3A_259, %sub3A_261 : vector<200x128xf32>
    %mul3A_263 = arith.constant 277.777771 : f32
    %mul3A_264 = vector.broadcast %mul3A_263 : f32 to vector<200x128xf32>
    %mul3A_265 = arith.mulf %mul3A_264, %sub3A_262 : vector<200x128xf32>
    %mul3A_266 = arith.mulf %mul3A_265, %sqrt3A_248 : vector<200x128xf32>
    %add3A_267 = arith.addf %add3A_258, %mul3A_266 : vector<200x128xf32>
    %convert_element_type3A_268 = arith.truncf %get3A_64 : f32 to bf16
    %convert_element_type3A_269 = arith.extf %convert_element_type3A_268 : bf16 to f32
    %sub3A_270 = arith.constant 1.000000e+00 : f32
    %sub3A_271 = vector.broadcast %sub3A_270 : f32 to vector<200x128xf32>
    %sub3A_272 = arith.subf %sqrt3A_248, %sub3A_271 : vector<200x128xf32>
    %mul3A_273 = arith.constant 833.333312 : f32
    %mul3A_274 = vector.broadcast %mul3A_273 : f32 to vector<200x128xf32>
    %mul3A_275 = arith.mulf %mul3A_274, %sub3A_272 : vector<200x128xf32>
    %add3A_276 = vector.broadcast %convert_element_type3A_269 : f32 to vector<200x128xf32>
    %add3A_277 = arith.addf %add3A_276, %mul3A_275 : vector<200x128xf32>
    %mul3A_278 = arith.mulf %sqrt3A_240, %sqrt3A_248 : vector<200x128xf32>
    %sub3A_279 = arith.constant 1.000000e+00 : f32
    %sub3A_280 = vector.broadcast %sub3A_279 : f32 to vector<200x128xf32>
    %sub3A_281 = arith.subf %mul3A_278, %sub3A_280 : vector<200x128xf32>
    %mul3A_282 = arith.constant 277.777771 : f32
    %mul3A_283 = vector.broadcast %mul3A_282 : f32 to vector<200x128xf32>
    %mul3A_284 = arith.mulf %mul3A_283, %sub3A_281 : vector<200x128xf32>
    %mul3A_285 = arith.mulf %mul3A_284, %sqrt3A_240 : vector<200x128xf32>
    %add3A_286 = arith.addf %add3A_277, %mul3A_285 : vector<200x128xf32>
    %gt3A = arith.constant 9.99999993E-9 : f32
    %gt3A_287 = vector.broadcast %gt3A : f32 to vector<200x128xf32>
    %gt3A_288 = arith.cmpf ogt, %mul3A_236, %gt3A_287 : vector<200x128xf32>
    %jit3A_289 = arith.constant 1.000000e+00 : f32
    %jit3A_290 = arith.constant 0.000000e+00 : f32
    %broadcast_in_dim3A_291 = vector.broadcast %jit3A_289 : f32 to vector<200x128xf32>
    %broadcast_in_dim3A_292 = vector.broadcast %jit3A_290 : f32 to vector<200x128xf32>
    %select_n3A_293 = arith.select %gt3A_288, %broadcast_in_dim3A_291, %broadcast_in_dim3A_292 : vector<200x128xi1>, vector<200x128xf32>
    %mul3A_294 = arith.constant 2.000000e+00 : f32
    %mul3A_295 = vector.broadcast %mul3A_294 : f32 to vector<200x128xf32>
    %mul3A_296 = arith.mulf %mul3A_295, %sqrt3A_240 : vector<200x128xf32>
    %div3A = arith.divf %select_n3A_293, %mul3A_296 : vector<200x128xf32>
    %gt3A_297 = arith.constant 9.99999993E-9 : f32
    %gt3A_298 = vector.broadcast %gt3A_297 : f32 to vector<200x128xf32>
    %gt3A_299 = arith.cmpf ogt, %mul3A_244, %gt3A_298 : vector<200x128xf32>
    %jit3A_300 = arith.constant 1.000000e+00 : f32
    %jit3A_301 = arith.constant 0.000000e+00 : f32
    %broadcast_in_dim3A_302 = vector.broadcast %jit3A_300 : f32 to vector<200x128xf32>
    %broadcast_in_dim3A_303 = vector.broadcast %jit3A_301 : f32 to vector<200x128xf32>
    %select_n3A_304 = arith.select %gt3A_299, %broadcast_in_dim3A_302, %broadcast_in_dim3A_303 : vector<200x128xi1>, vector<200x128xf32>
    %mul3A_305 = arith.constant 2.000000e+00 : f32
    %mul3A_306 = vector.broadcast %mul3A_305 : f32 to vector<200x128xf32>
    %mul3A_307 = arith.mulf %mul3A_306, %sqrt3A_248 : vector<200x128xf32>
    %div3A_308 = arith.divf %select_n3A_304, %mul3A_307 : vector<200x128xf32>
    %mul3A_309 = arith.mulf %add3A_267, %div3A : vector<200x128xf32>
    %mul3A_310 = arith.mulf %add3A_286, %div3A_308 : vector<200x128xf32>
    %add3A_311 = arith.addf %mul3A_309, %mul3A_310 : vector<200x128xf32>
    %mul3A_312 = arith.constant 5.000000e-01 : f32
    %mul3A_313 = vector.broadcast %mul3A_312 : f32 to vector<200x128xf32>
    %mul3A_314 = arith.mulf %mul3A_313, %add3A_311 : vector<200x128xf32>
    %mul3A_315 = arith.mulf %add3A_267, %div3A : vector<200x128xf32>
    %mul3A_316 = arith.mulf %add3A_286, %div3A_308 : vector<200x128xf32>
    %sub3A_317 = arith.subf %mul3A_315, %mul3A_316 : vector<200x128xf32>
    %mul3A_318 = arith.constant 5.000000e-01 : f32
    %mul3A_319 = vector.broadcast %mul3A_318 : f32 to vector<200x128xf32>
    %mul3A_320 = arith.mulf %mul3A_319, %sub3A_317 : vector<200x128xf32>
    %gt3A_321 = arith.constant 9.99999993E-9 : f32
    %gt3A_322 = vector.broadcast %gt3A_321 : f32 to vector<200x128xf32>
    %gt3A_323 = arith.cmpf ogt, %sub3A_230, %gt3A_322 : vector<200x128xf32>
    %jit3A_324 = arith.constant 1.000000e+00 : f32
    %jit3A_325 = arith.constant 0.000000e+00 : f32
    %broadcast_in_dim3A_326 = vector.broadcast %jit3A_324 : f32 to vector<200x128xf32>
    %broadcast_in_dim3A_327 = vector.broadcast %jit3A_325 : f32 to vector<200x128xf32>
    %select_n3A_328 = arith.select %gt3A_323, %broadcast_in_dim3A_326, %broadcast_in_dim3A_327 : vector<200x128xi1>, vector<200x128xf32>
    %mul3A_329 = arith.mulf %mul3A_320, %select_n3A_328 : vector<200x128xf32>
    %mul3A_330 = arith.constant 2.000000e+00 : f32
    %mul3A_331 = vector.broadcast %mul3A_330 : f32 to vector<200x128xf32>
    %mul3A_332 = arith.mulf %mul3A_331, %sqrt3A : vector<200x128xf32>
    %div3A_333 = arith.divf %mul3A_329, %mul3A_332 : vector<200x128xf32>
    %mul3A_334 = arith.constant 2.000000e+00 : f32
    %mul3A_335 = vector.broadcast %mul3A_334 : f32 to vector<200x128xf32>
    %mul3A_336 = arith.mulf %div3A_333, %mul3A_335 : vector<200x128xf32>
    %mul3A_337 = arith.mulf %mul3A_336, %add3A_222 : vector<200x128xf32>
    %add3A_338 = arith.addf %mul3A_314, %mul3A_337 : vector<200x128xf32>
    %mul3A_339 = arith.constant -4.000000e+00 : f32
    %mul3A_340 = vector.broadcast %mul3A_339 : f32 to vector<200x128xf32>
    %mul3A_341 = arith.mulf %mul3A_340, %div3A_333 : vector<200x128xf32>
    %mul3A_342 = arith.mulf %mul3A_341, %add3A_221 : vector<200x128xf32>
    %add3A_343 = arith.addf %add3A_338, %mul3A_342 : vector<200x128xf32>
    %convert_element_type3A_344 = arith.truncf %add3A_343 : vector<200x128xf32> to vector<200x128xbf16>
    %convert_element_type3A_345 = arith.extf %convert_element_type3A_344 : vector<200x128xbf16> to vector<200x128xf32>
    %neg3A = arith.constant 0.000000e+00 : f32
    %neg3A_346 = vector.broadcast %neg3A : f32 to vector<200x128xf32>
    %neg3A_347 = arith.subf %neg3A_346, %mul3A_341 : vector<200x128xf32>
    %mul3A_348 = arith.mulf %neg3A_347, %add3A_218 : vector<200x128xf32>
    %convert_element_type3A_349 = arith.truncf %mul3A_348 : vector<200x128xf32> to vector<200x128xbf16>
    %convert_element_type3A_350 = arith.extf %convert_element_type3A_349 : vector<200x128xbf16> to vector<200x128xf32>
    %neg3A_351 = arith.constant 0.000000e+00 : f32
    %neg3A_352 = vector.broadcast %neg3A_351 : f32 to vector<200x128xf32>
    %neg3A_353 = arith.subf %neg3A_352, %mul3A_341 : vector<200x128xf32>
    %mul3A_354 = arith.mulf %neg3A_353, %add3A_215 : vector<200x128xf32>
    %convert_element_type3A_355 = arith.truncf %mul3A_354 : vector<200x128xf32> to vector<200x128xbf16>
    %convert_element_type3A_356 = arith.extf %convert_element_type3A_355 : vector<200x128xbf16> to vector<200x128xf32>
    %mul3A_357 = arith.mulf %mul3A_341, %add3A_212 : vector<200x128xf32>
    %add3A_358 = arith.addf %add3A_338, %mul3A_357 : vector<200x128xf32>
    %convert_element_type3A_359 = arith.truncf %add3A_358 : vector<200x128xf32> to vector<200x128xbf16>
    %convert_element_type3A_360 = arith.extf %convert_element_type3A_359 : vector<200x128xbf16> to vector<200x128xf32>
    %mul3A_361 = arith.mulf %convert_element_type3A_203, %convert_element_type3A_345 : vector<200x128xf32>
    %mul3A_362 = arith.mulf %convert_element_type3A_205, %convert_element_type3A_350 : vector<200x128xf32>
    %add3A_363 = arith.addf %mul3A_361, %mul3A_362 : vector<200x128xf32>
    %mul3A_364 = arith.mulf %convert_element_type3A_203, %convert_element_type3A_345 : vector<200x128xf32>
    %mul3A_365 = arith.mulf %convert_element_type3A_205, %convert_element_type3A_356 : vector<200x128xf32>
    %add3A_366 = arith.addf %mul3A_364, %mul3A_365 : vector<200x128xf32>
    %add3A_367 = arith.addf %add3A_363, %add3A_366 : vector<200x128xf32>
    %mul3A_368 = arith.mulf %convert_element_type3A_203, %convert_element_type3A_356 : vector<200x128xf32>
    %mul3A_369 = arith.mulf %convert_element_type3A_205, %convert_element_type3A_360 : vector<200x128xf32>
    %add3A_370 = arith.addf %mul3A_368, %mul3A_369 : vector<200x128xf32>
    %mul3A_371 = arith.mulf %convert_element_type3A_203, %convert_element_type3A_350 : vector<200x128xf32>
    %mul3A_372 = arith.mulf %convert_element_type3A_205, %convert_element_type3A_360 : vector<200x128xf32>
    %add3A_373 = arith.addf %mul3A_371, %mul3A_372 : vector<200x128xf32>
    %add3A_374 = arith.addf %add3A_370, %add3A_373 : vector<200x128xf32>
    %mul3A_375 = arith.mulf %convert_element_type3A_207, %convert_element_type3A_345 : vector<200x128xf32>
    %mul3A_376 = arith.mulf %convert_element_type3A_209, %convert_element_type3A_350 : vector<200x128xf32>
    %add3A_377 = arith.addf %mul3A_375, %mul3A_376 : vector<200x128xf32>
    %mul3A_378 = arith.mulf %convert_element_type3A_207, %convert_element_type3A_345 : vector<200x128xf32>
    %mul3A_379 = arith.mulf %convert_element_type3A_209, %convert_element_type3A_356 : vector<200x128xf32>
    %add3A_380 = arith.addf %mul3A_378, %mul3A_379 : vector<200x128xf32>
    %add3A_381 = arith.addf %add3A_377, %add3A_380 : vector<200x128xf32>
    %mul3A_382 = arith.mulf %convert_element_type3A_207, %convert_element_type3A_356 : vector<200x128xf32>
    %mul3A_383 = arith.mulf %convert_element_type3A_209, %convert_element_type3A_360 : vector<200x128xf32>
    %add3A_384 = arith.addf %mul3A_382, %mul3A_383 : vector<200x128xf32>
    %mul3A_385 = arith.mulf %convert_element_type3A_207, %convert_element_type3A_350 : vector<200x128xf32>
    %mul3A_386 = arith.mulf %convert_element_type3A_209, %convert_element_type3A_360 : vector<200x128xf32>
    %add3A_387 = arith.addf %mul3A_385, %mul3A_386 : vector<200x128xf32>
    %add3A_388 = arith.addf %add3A_384, %add3A_387 : vector<200x128xf32>
    %convert_element_type3A_389 = arith.truncf %add3A_367 : vector<200x128xf32> to vector<200x128xbf16>
    %convert_element_type3A_390 = arith.extf %convert_element_type3A_389 : vector<200x128xbf16> to vector<200x128xf32>
    %convert_element_type3A_391 = arith.truncf %add3A_374 : vector<200x128xf32> to vector<200x128xbf16>
    %convert_element_type3A_392 = arith.extf %convert_element_type3A_391 : vector<200x128xbf16> to vector<200x128xf32>
    %convert_element_type3A_393 = arith.truncf %add3A_381 : vector<200x128xf32> to vector<200x128xbf16>
    %convert_element_type3A_394 = arith.extf %convert_element_type3A_393 : vector<200x128xbf16> to vector<200x128xf32>
    %convert_element_type3A_395 = arith.truncf %add3A_388 : vector<200x128xf32> to vector<200x128xbf16>
    %convert_element_type3A_396 = arith.extf %convert_element_type3A_395 : vector<200x128xbf16> to vector<200x128xf32>
    %mul3A_397 = arith.mulf %convert_element_type3A_390, %convert_element_type3A_203 : vector<200x128xf32>
    %mul3A_398 = arith.mulf %convert_element_type3A_392, %convert_element_type3A_205 : vector<200x128xf32>
    %add3A_399 = arith.addf %mul3A_397, %mul3A_398 : vector<200x128xf32>
    %mul3A_400 = arith.constant -9.99999974E-5 : f32
    %mul3A_401 = vector.broadcast %mul3A_400 : f32 to vector<200x128xf32>
    %mul3A_402 = arith.mulf %mul3A_401, %add3A_399 : vector<200x128xf32>
    %mul3A_403 = arith.constant 1.52587891E-5 : f32
    %mul3A_404 = vector.broadcast %mul3A_403 : f32 to vector<200x128xf32>
    %mul3A_405 = arith.mulf %mul3A_404, %get3A_23 : vector<200x128xf32>
    %add3A_406 = arith.addf %mul3A_402, %mul3A_405 : vector<200x128xf32>
    %mul3A_407 = arith.mulf %convert_element_type3A_390, %convert_element_type3A_207 : vector<200x128xf32>
    %mul3A_408 = arith.mulf %convert_element_type3A_392, %convert_element_type3A_209 : vector<200x128xf32>
    %add3A_409 = arith.addf %mul3A_407, %mul3A_408 : vector<200x128xf32>
    %mul3A_410 = arith.constant -9.99999974E-5 : f32
    %mul3A_411 = vector.broadcast %mul3A_410 : f32 to vector<200x128xf32>
    %mul3A_412 = arith.mulf %mul3A_411, %add3A_409 : vector<200x128xf32>
    %mul3A_413 = arith.constant 1.52587891E-5 : f32
    %mul3A_414 = vector.broadcast %mul3A_413 : f32 to vector<200x128xf32>
    %mul3A_415 = arith.mulf %mul3A_414, %get3A_28 : vector<200x128xf32>
    %add3A_416 = arith.addf %mul3A_412, %mul3A_415 : vector<200x128xf32>
    %mul3A_417 = arith.mulf %convert_element_type3A_394, %convert_element_type3A_203 : vector<200x128xf32>
    %mul3A_418 = arith.mulf %convert_element_type3A_396, %convert_element_type3A_205 : vector<200x128xf32>
    %add3A_419 = arith.addf %mul3A_417, %mul3A_418 : vector<200x128xf32>
    %mul3A_420 = arith.constant -9.99999974E-5 : f32
    %mul3A_421 = vector.broadcast %mul3A_420 : f32 to vector<200x128xf32>
    %mul3A_422 = arith.mulf %mul3A_421, %add3A_419 : vector<200x128xf32>
    %mul3A_423 = arith.constant 1.52587891E-5 : f32
    %mul3A_424 = vector.broadcast %mul3A_423 : f32 to vector<200x128xf32>
    %mul3A_425 = arith.mulf %mul3A_424, %get3A_33 : vector<200x128xf32>
    %add3A_426 = arith.addf %mul3A_422, %mul3A_425 : vector<200x128xf32>
    %mul3A_427 = arith.mulf %convert_element_type3A_394, %convert_element_type3A_207 : vector<200x128xf32>
    %mul3A_428 = arith.mulf %convert_element_type3A_396, %convert_element_type3A_209 : vector<200x128xf32>
    %add3A_429 = arith.addf %mul3A_427, %mul3A_428 : vector<200x128xf32>
    %mul3A_430 = arith.constant -9.99999974E-5 : f32
    %mul3A_431 = vector.broadcast %mul3A_430 : f32 to vector<200x128xf32>
    %mul3A_432 = arith.mulf %mul3A_431, %add3A_429 : vector<200x128xf32>
    %mul3A_433 = arith.constant 1.52587891E-5 : f32
    %mul3A_434 = vector.broadcast %mul3A_433 : f32 to vector<200x128xf32>
    %mul3A_435 = arith.mulf %mul3A_434, %get3A_38 : vector<200x128xf32>
    %add3A_436 = arith.addf %mul3A_432, %mul3A_435 : vector<200x128xf32>
    %mul3A_437 = arith.constant 1.52587891E-5 : f32
    %mul3A_438 = vector.broadcast %mul3A_437 : f32 to vector<200x128xf32>
    %mul3A_439 = arith.mulf %mul3A_438, %get3A_13 : vector<200x128xf32>
    %mul3A_440 = arith.mulf %add3A_406, %get3A_3 : vector<200x128xf32>
    %mul3A_441 = arith.mulf %add3A_416, %get3A_8 : vector<200x128xf32>
    %add3A_442 = arith.addf %mul3A_440, %mul3A_441 : vector<200x128xf32>
    %sub3A_443 = arith.subf %mul3A_439, %add3A_442 : vector<200x128xf32>
    %mul3A_444 = arith.constant 1.52587891E-5 : f32
    %mul3A_445 = vector.broadcast %mul3A_444 : f32 to vector<200x128xf32>
    %mul3A_446 = arith.mulf %mul3A_445, %get3A_18 : vector<200x128xf32>
    %mul3A_447 = arith.mulf %add3A_426, %get3A_3 : vector<200x128xf32>
    %mul3A_448 = arith.mulf %add3A_436, %get3A_8 : vector<200x128xf32>
    %add3A_449 = arith.addf %mul3A_447, %mul3A_448 : vector<200x128xf32>
    %sub3A_450 = arith.subf %mul3A_446, %add3A_449 : vector<200x128xf32>
    %reshape3A = vector.shape_cast %select_n3A_94 : vector<200x128xi32> to vector<25600xi32>
    %swap3A = arith.constant 0 : index
    %swap3A_451 = arith.constant 0 : index
    %swap3A_452 = vector.load %arg6[%swap3A, %swap3A_451] : memref<2x25600xi32, #tpu.memory_space<vmem>>, vector<1x25600xi32>
    %swap3A_453 = vector.shape_cast %swap3A_452 : vector<1x25600xi32> to vector<25600xi32>
    %swap3A_454 = vector.shape_cast %reshape3A : vector<25600xi32> to vector<1x25600xi32>
    tpu.vector_store %arg6[%swap3A, %swap3A_451], %swap3A_454 {strides = array<i32>} : memref<2x25600xi32, #tpu.memory_space<vmem>>, vector<1x25600xi32>,
    %reshape3A_455 = vector.shape_cast %select_n3A_113 : vector<200x128xi32> to vector<25600xi32>
    %swap3A_456 = arith.constant 1 : index
    %swap3A_457 = arith.constant 0 : index
    %swap3A_458 = vector.load %arg6[%swap3A_456, %swap3A_457] : memref<2x25600xi32, #tpu.memory_space<vmem>>, vector<1x25600xi32>
    %swap3A_459 = vector.shape_cast %swap3A_458 : vector<1x25600xi32> to vector<25600xi32>
    %swap3A_460 = vector.shape_cast %reshape3A_455 : vector<25600xi32> to vector<1x25600xi32>
    tpu.vector_store %arg6[%swap3A_456, %swap3A_457], %swap3A_460 {strides = array<i32>} : memref<2x25600xi32, #tpu.memory_space<vmem>>, vector<1x25600xi32>,
    %reshape3A_461 = vector.shape_cast %mul3A_120 : vector<200x128xf32> to vector<25600xf32>
    %swap3A_462 = arith.constant 0 : index
    %swap3A_463 = arith.constant 0 : index
    %swap3A_464 = vector.load %arg7[%swap3A_462, %swap3A_463] : memref<6x25600xf32, #tpu.memory_space<vmem>>, vector<1x25600xf32>
    %swap3A_465 = vector.shape_cast %swap3A_464 : vector<1x25600xf32> to vector<25600xf32>
    %swap3A_466 = vector.shape_cast %reshape3A_461 : vector<25600xf32> to vector<1x25600xf32>
    tpu.vector_store %arg7[%swap3A_462, %swap3A_463], %swap3A_466 {strides = array<i32>} : memref<6x25600xf32, #tpu.memory_space<vmem>>, vector<1x25600xf32>,
    %reshape3A_467 = vector.shape_cast %mul3A_128 : vector<200x128xf32> to vector<25600xf32>
    %swap3A_468 = arith.constant 1 : index
    %swap3A_469 = arith.constant 0 : index
    %swap3A_470 = vector.load %arg7[%swap3A_468, %swap3A_469] : memref<6x25600xf32, #tpu.memory_space<vmem>>, vector<1x25600xf32>
    %swap3A_471 = vector.shape_cast %swap3A_470 : vector<1x25600xf32> to vector<25600xf32>
    %swap3A_472 = vector.shape_cast %reshape3A_467 : vector<25600xf32> to vector<1x25600xf32>
    tpu.vector_store %arg7[%swap3A_468, %swap3A_469], %swap3A_472 {strides = array<i32>} : memref<6x25600xf32, #tpu.memory_space<vmem>>, vector<1x25600xf32>,
    %reshape3A_473 = vector.shape_cast %mul3A_136 : vector<200x128xf32> to vector<25600xf32>
    %swap3A_474 = arith.constant 2 : index
    %swap3A_475 = arith.constant 0 : index
    %swap3A_476 = vector.load %arg7[%swap3A_474, %swap3A_475] : memref<6x25600xf32, #tpu.memory_space<vmem>>, vector<1x25600xf32>
    %swap3A_477 = vector.shape_cast %swap3A_476 : vector<1x25600xf32> to vector<25600xf32>
    %swap3A_478 = vector.shape_cast %reshape3A_473 : vector<25600xf32> to vector<1x25600xf32>
    tpu.vector_store %arg7[%swap3A_474, %swap3A_475], %swap3A_478 {strides = array<i32>} : memref<6x25600xf32, #tpu.memory_space<vmem>>, vector<1x25600xf32>,
    %reshape3A_479 = vector.shape_cast %mul3A_143 : vector<200x128xf32> to vector<25600xf32>
    %swap3A_480 = arith.constant 3 : index
    %swap3A_481 = arith.constant 0 : index
    %swap3A_482 = vector.load %arg7[%swap3A_480, %swap3A_481] : memref<6x25600xf32, #tpu.memory_space<vmem>>, vector<1x25600xf32>
    %swap3A_483 = vector.shape_cast %swap3A_482 : vector<1x25600xf32> to vector<25600xf32>
    %swap3A_484 = vector.shape_cast %reshape3A_479 : vector<25600xf32> to vector<1x25600xf32>
    tpu.vector_store %arg7[%swap3A_480, %swap3A_481], %swap3A_484 {strides = array<i32>} : memref<6x25600xf32, #tpu.memory_space<vmem>>, vector<1x25600xf32>,
    %reshape3A_485 = vector.shape_cast %sub3A_150 : vector<200x128xf32> to vector<25600xf32>
    %swap3A_486 = arith.constant 4 : index
    %swap3A_487 = arith.constant 0 : index
    %swap3A_488 = vector.load %arg7[%swap3A_486, %swap3A_487] : memref<6x25600xf32, #tpu.memory_space<vmem>>, vector<1x25600xf32>
    %swap3A_489 = vector.shape_cast %swap3A_488 : vector<1x25600xf32> to vector<25600xf32>
    %swap3A_490 = vector.shape_cast %reshape3A_485 : vector<25600xf32> to vector<1x25600xf32>
    tpu.vector_store %arg7[%swap3A_486, %swap3A_487], %swap3A_490 {strides = array<i32>} : memref<6x25600xf32, #tpu.memory_space<vmem>>, vector<1x25600xf32>,
    %reshape3A_491 = vector.shape_cast %mul3A_157 : vector<200x128xf32> to vector<25600xf32>
    %swap3A_492 = arith.constant 5 : index
    %swap3A_493 = arith.constant 0 : index
    %swap3A_494 = vector.load %arg7[%swap3A_492, %swap3A_493] : memref<6x25600xf32, #tpu.memory_space<vmem>>, vector<1x25600xf32>
    %swap3A_495 = vector.shape_cast %swap3A_494 : vector<1x25600xf32> to vector<25600xf32>
    %swap3A_496 = vector.shape_cast %reshape3A_491 : vector<25600xf32> to vector<1x25600xf32>
    tpu.vector_store %arg7[%swap3A_492, %swap3A_493], %swap3A_496 {strides = array<i32>} : memref<6x25600xf32, #tpu.memory_space<vmem>>, vector<1x25600xf32>,
    %reshape3A_497 = vector.shape_cast %sub3A_443 : vector<200x128xf32> to vector<25600xf32>
    %swap3A_498 = arith.constant 0 : index
    %swap3A_499 = arith.constant 0 : index
    %swap3A_500 = vector.load %arg8[%swap3A_498, %swap3A_499] : memref<8x25600xf32, #tpu.memory_space<vmem>>, vector<1x25600xf32>
    %swap3A_501 = vector.shape_cast %swap3A_500 : vector<1x25600xf32> to vector<25600xf32>
    %swap3A_502 = vector.shape_cast %reshape3A_497 : vector<25600xf32> to vector<1x25600xf32>
    tpu.vector_store %arg8[%swap3A_498, %swap3A_499], %swap3A_502 {strides = array<i32>} : memref<8x25600xf32, #tpu.memory_space<vmem>>, vector<1x25600xf32>,
    %reshape3A_503 = vector.shape_cast %sub3A_450 : vector<200x128xf32> to vector<25600xf32>
    %swap3A_504 = arith.constant 1 : index
    %swap3A_505 = arith.constant 0 : index
    %swap3A_506 = vector.load %arg8[%swap3A_504, %swap3A_505] : memref<8x25600xf32, #tpu.memory_space<vmem>>, vector<1x25600xf32>
    %swap3A_507 = vector.shape_cast %swap3A_506 : vector<1x25600xf32> to vector<25600xf32>
    %swap3A_508 = vector.shape_cast %reshape3A_503 : vector<25600xf32> to vector<1x25600xf32>
    tpu.vector_store %arg8[%swap3A_504, %swap3A_505], %swap3A_508 {strides = array<i32>} : memref<8x25600xf32, #tpu.memory_space<vmem>>, vector<1x25600xf32>,
    %reshape3A_509 = vector.shape_cast %add3A_406 : vector<200x128xf32> to vector<25600xf32>
    %swap3A_510 = arith.constant 2 : index
    %swap3A_511 = arith.constant 0 : index
    %swap3A_512 = vector.load %arg8[%swap3A_510, %swap3A_511] : memref<8x25600xf32, #tpu.memory_space<vmem>>, vector<1x25600xf32>
    %swap3A_513 = vector.shape_cast %swap3A_512 : vector<1x25600xf32> to vector<25600xf32>
    %swap3A_514 = vector.shape_cast %reshape3A_509 : vector<25600xf32> to vector<1x25600xf32>
    tpu.vector_store %arg8[%swap3A_510, %swap3A_511], %swap3A_514 {strides = array<i32>} : memref<8x25600xf32, #tpu.memory_space<vmem>>, vector<1x25600xf32>,
    %reshape3A_515 = vector.shape_cast %add3A_416 : vector<200x128xf32> to vector<25600xf32>
    %swap3A_516 = arith.constant 3 : index
    %swap3A_517 = arith.constant 0 : index
    %swap3A_518 = vector.load %arg8[%swap3A_516, %swap3A_517] : memref<8x25600xf32, #tpu.memory_space<vmem>>, vector<1x25600xf32>
    %swap3A_519 = vector.shape_cast %swap3A_518 : vector<1x25600xf32> to vector<25600xf32>
    %swap3A_520 = vector.shape_cast %reshape3A_515 : vector<25600xf32> to vector<1x25600xf32>
    tpu.vector_store %arg8[%swap3A_516, %swap3A_517], %swap3A_520 {strides = array<i32>} : memref<8x25600xf32, #tpu.memory_space<vmem>>, vector<1x25600xf32>,
    %reshape3A_521 = vector.shape_cast %add3A_426 : vector<200x128xf32> to vector<25600xf32>
    %swap3A_522 = arith.constant 4 : index
    %swap3A_523 = arith.constant 0 : index
    %swap3A_524 = vector.load %arg8[%swap3A_522, %swap3A_523] : memref<8x25600xf32, #tpu.memory_space<vmem>>, vector<1x25600xf32>
    %swap3A_525 = vector.shape_cast %swap3A_524 : vector<1x25600xf32> to vector<25600xf32>
    %swap3A_526 = vector.shape_cast %reshape3A_521 : vector<25600xf32> to vector<1x25600xf32>
    tpu.vector_store %arg8[%swap3A_522, %swap3A_523], %swap3A_526 {strides = array<i32>} : memref<8x25600xf32, #tpu.memory_space<vmem>>, vector<1x25600xf32>,
    %reshape3A_527 = vector.shape_cast %add3A_436 : vector<200x128xf32> to vector<25600xf32>
    %swap3A_528 = arith.constant 5 : index
    %swap3A_529 = arith.constant 0 : index
    %swap3A_530 = vector.load %arg8[%swap3A_528, %swap3A_529] : memref<8x25600xf32, #tpu.memory_space<vmem>>, vector<1x25600xf32>
    %swap3A_531 = vector.shape_cast %swap3A_530 : vector<1x25600xf32> to vector<25600xf32>
    %swap3A_532 = vector.shape_cast %reshape3A_527 : vector<25600xf32> to vector<1x25600xf32>
    tpu.vector_store %arg8[%swap3A_528, %swap3A_529], %swap3A_532 {strides = array<i32>} : memref<8x25600xf32, #tpu.memory_space<vmem>>, vector<1x25600xf32>,
    %broadcast_in_dim3A_533 = arith.constant 1.52587891E-5 : f32
    %broadcast_in_dim3A_534 = vector.broadcast %broadcast_in_dim3A_533 : f32 to vector<25600xf32>
    %swap3A_535 = arith.constant 6 : index
    %swap3A_536 = arith.constant 0 : index
    %swap3A_537 = vector.load %arg8[%swap3A_535, %swap3A_536] : memref<8x25600xf32, #tpu.memory_space<vmem>>, vector<1x25600xf32>
    %swap3A_538 = vector.shape_cast %swap3A_537 : vector<1x25600xf32> to vector<25600xf32>
    %swap3A_539 = vector.shape_cast %broadcast_in_dim3A_534 : vector<25600xf32> to vector<1x25600xf32>
    tpu.vector_store %arg8[%swap3A_535, %swap3A_536], %swap3A_539 {strides = array<i32>} : memref<8x25600xf32, #tpu.memory_space<vmem>>, vector<1x25600xf32>,
    %broadcast_in_dim3A_540 = arith.constant 0.000000e+00 : f32
    %broadcast_in_dim3A_541 = vector.broadcast %broadcast_in_dim3A_540 : f32 to vector<25600xf32>
    %swap3A_542 = arith.constant 7 : index
    %swap3A_543 = arith.constant 0 : index
    %swap3A_544 = vector.load %arg8[%swap3A_542, %swap3A_543] : memref<8x25600xf32, #tpu.memory_space<vmem>>, vector<1x25600xf32>
    %swap3A_545 = vector.shape_cast %swap3A_544 : vector<1x25600xf32> to vector<25600xf32>
    %swap3A_546 = vector.shape_cast %broadcast_in_dim3A_541 : vector<25600xf32> to vector<1x25600xf32>
    tpu.vector_store %arg8[%swap3A_542, %swap3A_543], %swap3A_546 {strides = array<i32>} : memref<8x25600xf32, #tpu.memory_space<vmem>>, vector<1x25600xf32>,
    return
  }
  func.func @transform_0(%arg0: i32) -> (i32, i32) {
    %c0_i32 = arith.constant 0 : i32
    %c0_i32_0 = arith.constant 0 : i32
    %c0_i32_1 = arith.constant 0 : i32
    return %c0_i32, %c0_i32_0 : i32, i32
  }
  func.func @transform_1(%arg0: i32) -> (i32, i32, i32) {
    %c0_i32 = arith.constant 0 : i32
    %c0_i32_0 = arith.constant 0 : i32
    %c0_i32_1 = arith.constant 0 : i32
    return %c0_i32, %arg0, %c0_i32_0 : i32, i32, i32
  }
  func.func @transform_2(%arg0: i32) -> (i32, i32, i32) {
    %c0_i32 = arith.constant 0 : i32
    %c0_i32_0 = arith.constant 0 : i32
    %c0_i32_1 = arith.constant 0 : i32
    return %c0_i32, %arg0, %c0_i32_0 : i32, i32, i32
  }
  func.func @transform_3(%arg0: i32) -> (i32, i32, i32) {
    %c0_i32 = arith.constant 0 : i32
    %c0_i32_0 = arith.constant 0 : i32
    %c0_i32_1 = arith.constant 0 : i32
    return %c0_i32, %arg0, %c0_i32_0 : i32, i32, i32
  }
  func.func @transform_4(%arg0: i32) -> (i32, i32, i32) {
    %c0_i32 = arith.constant 0 : i32
    %c0_i32_0 = arith.constant 0 : i32
    %c0_i32_1 = arith.constant 0 : i32
    return %c0_i32, %arg0, %c0_i32_0 : i32, i32, i32
  }
  func.func @transform_5(%arg0: i32) -> (i32, i32) {
    %c0_i32 = arith.constant 0 : i32
    %c0_i32_0 = arith.constant 0 : i32
    return %c0_i32, %arg0 : i32, i32
  }
  func.func @transform_6(%arg0: i32) -> (i32, i32) {
    %c0_i32 = arith.constant 0 : i32
    %c0_i32_0 = arith.constant 0 : i32
    return %c0_i32, %arg0 : i32, i32
  }
  func.func @transform_7(%arg0: i32) -> (i32, i32) {
    %c0_i32 = arith.constant 0 : i32
    %c0_i32_0 = arith.constant 0 : i32
    return %c0_i32, %arg0 : i32, i32
  }
}

module attributes {stable_mosaic.version = 14 : i64} {
  func.func @_combine_body(%arg0: memref<32x2x128x128xf32, #tpu.memory_space<vmem>>, %arg1: memref<2x128x128xf32, #tpu.memory_space<vmem>>, %arg2: memref<128x128xf32, #tpu.memory_space<vmem>>, %arg3: memref<4x128x128xf32, #tpu.memory_space<vmem>>) attributes {dimension_semantics = [], scalar_prefetch = 0 : i64, scratch_operands = 0 : i64, tpu.core_type = #tpu.core_type<tc>} {
    %get3A = arith.constant 0 : index
    %get3A_0 = arith.constant 0 : index
    %get3A_1 = arith.constant 0 : index
    %get3A_2 = arith.constant 0 : index
    %get3A_3 = vector.load %arg0[%get3A, %get3A_0, %get3A_1, %get3A_2] : memref<32x2x128x128xf32, #tpu.memory_space<vmem>>, vector<1x1x128x128xf32>
    %get3A_4 = vector.shape_cast %get3A_3 : vector<1x1x128x128xf32> to vector<128x128xf32>
    %get3A_5 = arith.constant 4 : index
    %get3A_6 = arith.constant 0 : index
    %get3A_7 = arith.constant 0 : index
    %get3A_8 = arith.constant 0 : index
    %get3A_9 = vector.load %arg0[%get3A_5, %get3A_6, %get3A_7, %get3A_8] : memref<32x2x128x128xf32, #tpu.memory_space<vmem>>, vector<1x1x128x128xf32>
    %get3A_10 = vector.shape_cast %get3A_9 : vector<1x1x128x128xf32> to vector<128x128xf32>
    %add3A = arith.addf %get3A_4, %get3A_10 : vector<128x128xf32>
    %get3A_11 = arith.constant 8 : index
    %get3A_12 = arith.constant 0 : index
    %get3A_13 = arith.constant 0 : index
    %get3A_14 = arith.constant 0 : index
    %get3A_15 = vector.load %arg0[%get3A_11, %get3A_12, %get3A_13, %get3A_14] : memref<32x2x128x128xf32, #tpu.memory_space<vmem>>, vector<1x1x128x128xf32>
    %get3A_16 = vector.shape_cast %get3A_15 : vector<1x1x128x128xf32> to vector<128x128xf32>
    %add3A_17 = arith.addf %add3A, %get3A_16 : vector<128x128xf32>
    %get3A_18 = arith.constant 12 : index
    %get3A_19 = arith.constant 0 : index
    %get3A_20 = arith.constant 0 : index
    %get3A_21 = arith.constant 0 : index
    %get3A_22 = vector.load %arg0[%get3A_18, %get3A_19, %get3A_20, %get3A_21] : memref<32x2x128x128xf32, #tpu.memory_space<vmem>>, vector<1x1x128x128xf32>
    %get3A_23 = vector.shape_cast %get3A_22 : vector<1x1x128x128xf32> to vector<128x128xf32>
    %add3A_24 = arith.addf %add3A_17, %get3A_23 : vector<128x128xf32>
    %get3A_25 = arith.constant 16 : index
    %get3A_26 = arith.constant 0 : index
    %get3A_27 = arith.constant 0 : index
    %get3A_28 = arith.constant 0 : index
    %get3A_29 = vector.load %arg0[%get3A_25, %get3A_26, %get3A_27, %get3A_28] : memref<32x2x128x128xf32, #tpu.memory_space<vmem>>, vector<1x1x128x128xf32>
    %get3A_30 = vector.shape_cast %get3A_29 : vector<1x1x128x128xf32> to vector<128x128xf32>
    %add3A_31 = arith.addf %add3A_24, %get3A_30 : vector<128x128xf32>
    %get3A_32 = arith.constant 20 : index
    %get3A_33 = arith.constant 0 : index
    %get3A_34 = arith.constant 0 : index
    %get3A_35 = arith.constant 0 : index
    %get3A_36 = vector.load %arg0[%get3A_32, %get3A_33, %get3A_34, %get3A_35] : memref<32x2x128x128xf32, #tpu.memory_space<vmem>>, vector<1x1x128x128xf32>
    %get3A_37 = vector.shape_cast %get3A_36 : vector<1x1x128x128xf32> to vector<128x128xf32>
    %add3A_38 = arith.addf %add3A_31, %get3A_37 : vector<128x128xf32>
    %get3A_39 = arith.constant 24 : index
    %get3A_40 = arith.constant 0 : index
    %get3A_41 = arith.constant 0 : index
    %get3A_42 = arith.constant 0 : index
    %get3A_43 = vector.load %arg0[%get3A_39, %get3A_40, %get3A_41, %get3A_42] : memref<32x2x128x128xf32, #tpu.memory_space<vmem>>, vector<1x1x128x128xf32>
    %get3A_44 = vector.shape_cast %get3A_43 : vector<1x1x128x128xf32> to vector<128x128xf32>
    %add3A_45 = arith.addf %add3A_38, %get3A_44 : vector<128x128xf32>
    %get3A_46 = arith.constant 28 : index
    %get3A_47 = arith.constant 0 : index
    %get3A_48 = arith.constant 0 : index
    %get3A_49 = arith.constant 0 : index
    %get3A_50 = vector.load %arg0[%get3A_46, %get3A_47, %get3A_48, %get3A_49] : memref<32x2x128x128xf32, #tpu.memory_space<vmem>>, vector<1x1x128x128xf32>
    %get3A_51 = vector.shape_cast %get3A_50 : vector<1x1x128x128xf32> to vector<128x128xf32>
    %add3A_52 = arith.addf %add3A_45, %get3A_51 : vector<128x128xf32>
    %swap3A = arith.constant 0 : index
    %swap3A_53 = arith.constant 0 : index
    %swap3A_54 = arith.constant 0 : index
    %swap3A_55 = vector.load %arg1[%swap3A, %swap3A_53, %swap3A_54] : memref<2x128x128xf32, #tpu.memory_space<vmem>>, vector<1x128x128xf32>
    %swap3A_56 = vector.shape_cast %swap3A_55 : vector<1x128x128xf32> to vector<128x128xf32>
    %swap3A_57 = vector.shape_cast %add3A_52 : vector<128x128xf32> to vector<1x128x128xf32>
    tpu.vector_store %arg1[%swap3A, %swap3A_53, %swap3A_54], %swap3A_57 {strides = array<i32>} : memref<2x128x128xf32, #tpu.memory_space<vmem>>, vector<1x128x128xf32>,
    %get3A_58 = arith.constant 0 : index
    %get3A_59 = arith.constant 1 : index
    %get3A_60 = arith.constant 0 : index
    %get3A_61 = arith.constant 0 : index
    %get3A_62 = vector.load %arg0[%get3A_58, %get3A_59, %get3A_60, %get3A_61] : memref<32x2x128x128xf32, #tpu.memory_space<vmem>>, vector<1x1x128x128xf32>
    %get3A_63 = vector.shape_cast %get3A_62 : vector<1x1x128x128xf32> to vector<128x128xf32>
    %get3A_64 = arith.constant 4 : index
    %get3A_65 = arith.constant 1 : index
    %get3A_66 = arith.constant 0 : index
    %get3A_67 = arith.constant 0 : index
    %get3A_68 = vector.load %arg0[%get3A_64, %get3A_65, %get3A_66, %get3A_67] : memref<32x2x128x128xf32, #tpu.memory_space<vmem>>, vector<1x1x128x128xf32>
    %get3A_69 = vector.shape_cast %get3A_68 : vector<1x1x128x128xf32> to vector<128x128xf32>
    %add3A_70 = arith.addf %get3A_63, %get3A_69 : vector<128x128xf32>
    %get3A_71 = arith.constant 8 : index
    %get3A_72 = arith.constant 1 : index
    %get3A_73 = arith.constant 0 : index
    %get3A_74 = arith.constant 0 : index
    %get3A_75 = vector.load %arg0[%get3A_71, %get3A_72, %get3A_73, %get3A_74] : memref<32x2x128x128xf32, #tpu.memory_space<vmem>>, vector<1x1x128x128xf32>
    %get3A_76 = vector.shape_cast %get3A_75 : vector<1x1x128x128xf32> to vector<128x128xf32>
    %add3A_77 = arith.addf %add3A_70, %get3A_76 : vector<128x128xf32>
    %get3A_78 = arith.constant 12 : index
    %get3A_79 = arith.constant 1 : index
    %get3A_80 = arith.constant 0 : index
    %get3A_81 = arith.constant 0 : index
    %get3A_82 = vector.load %arg0[%get3A_78, %get3A_79, %get3A_80, %get3A_81] : memref<32x2x128x128xf32, #tpu.memory_space<vmem>>, vector<1x1x128x128xf32>
    %get3A_83 = vector.shape_cast %get3A_82 : vector<1x1x128x128xf32> to vector<128x128xf32>
    %add3A_84 = arith.addf %add3A_77, %get3A_83 : vector<128x128xf32>
    %get3A_85 = arith.constant 16 : index
    %get3A_86 = arith.constant 1 : index
    %get3A_87 = arith.constant 0 : index
    %get3A_88 = arith.constant 0 : index
    %get3A_89 = vector.load %arg0[%get3A_85, %get3A_86, %get3A_87, %get3A_88] : memref<32x2x128x128xf32, #tpu.memory_space<vmem>>, vector<1x1x128x128xf32>
    %get3A_90 = vector.shape_cast %get3A_89 : vector<1x1x128x128xf32> to vector<128x128xf32>
    %add3A_91 = arith.addf %add3A_84, %get3A_90 : vector<128x128xf32>
    %get3A_92 = arith.constant 20 : index
    %get3A_93 = arith.constant 1 : index
    %get3A_94 = arith.constant 0 : index
    %get3A_95 = arith.constant 0 : index
    %get3A_96 = vector.load %arg0[%get3A_92, %get3A_93, %get3A_94, %get3A_95] : memref<32x2x128x128xf32, #tpu.memory_space<vmem>>, vector<1x1x128x128xf32>
    %get3A_97 = vector.shape_cast %get3A_96 : vector<1x1x128x128xf32> to vector<128x128xf32>
    %add3A_98 = arith.addf %add3A_91, %get3A_97 : vector<128x128xf32>
    %get3A_99 = arith.constant 24 : index
    %get3A_100 = arith.constant 1 : index
    %get3A_101 = arith.constant 0 : index
    %get3A_102 = arith.constant 0 : index
    %get3A_103 = vector.load %arg0[%get3A_99, %get3A_100, %get3A_101, %get3A_102] : memref<32x2x128x128xf32, #tpu.memory_space<vmem>>, vector<1x1x128x128xf32>
    %get3A_104 = vector.shape_cast %get3A_103 : vector<1x1x128x128xf32> to vector<128x128xf32>
    %add3A_105 = arith.addf %add3A_98, %get3A_104 : vector<128x128xf32>
    %get3A_106 = arith.constant 28 : index
    %get3A_107 = arith.constant 1 : index
    %get3A_108 = arith.constant 0 : index
    %get3A_109 = arith.constant 0 : index
    %get3A_110 = vector.load %arg0[%get3A_106, %get3A_107, %get3A_108, %get3A_109] : memref<32x2x128x128xf32, #tpu.memory_space<vmem>>, vector<1x1x128x128xf32>
    %get3A_111 = vector.shape_cast %get3A_110 : vector<1x1x128x128xf32> to vector<128x128xf32>
    %add3A_112 = arith.addf %add3A_105, %get3A_111 : vector<128x128xf32>
    %swap3A_113 = arith.constant 1 : index
    %swap3A_114 = arith.constant 0 : index
    %swap3A_115 = arith.constant 0 : index
    %swap3A_116 = vector.load %arg1[%swap3A_113, %swap3A_114, %swap3A_115] : memref<2x128x128xf32, #tpu.memory_space<vmem>>, vector<1x128x128xf32>
    %swap3A_117 = vector.shape_cast %swap3A_116 : vector<1x128x128xf32> to vector<128x128xf32>
    %swap3A_118 = vector.shape_cast %add3A_112 : vector<128x128xf32> to vector<1x128x128xf32>
    tpu.vector_store %arg1[%swap3A_113, %swap3A_114, %swap3A_115], %swap3A_118 {strides = array<i32>} : memref<2x128x128xf32, #tpu.memory_space<vmem>>, vector<1x128x128xf32>,
    %get3A_119 = arith.constant 3 : index
    %get3A_120 = arith.constant 0 : index
    %get3A_121 = arith.constant 0 : index
    %get3A_122 = arith.constant 0 : index
    %get3A_123 = vector.load %arg0[%get3A_119, %get3A_120, %get3A_121, %get3A_122] : memref<32x2x128x128xf32, #tpu.memory_space<vmem>>, vector<1x1x128x128xf32>
    %get3A_124 = vector.shape_cast %get3A_123 : vector<1x1x128x128xf32> to vector<128x128xf32>
    %get3A_125 = arith.constant 7 : index
    %get3A_126 = arith.constant 0 : index
    %get3A_127 = arith.constant 0 : index
    %get3A_128 = arith.constant 0 : index
    %get3A_129 = vector.load %arg0[%get3A_125, %get3A_126, %get3A_127, %get3A_128] : memref<32x2x128x128xf32, #tpu.memory_space<vmem>>, vector<1x1x128x128xf32>
    %get3A_130 = vector.shape_cast %get3A_129 : vector<1x1x128x128xf32> to vector<128x128xf32>
    %add3A_131 = arith.addf %get3A_124, %get3A_130 : vector<128x128xf32>
    %get3A_132 = arith.constant 11 : index
    %get3A_133 = arith.constant 0 : index
    %get3A_134 = arith.constant 0 : index
    %get3A_135 = arith.constant 0 : index
    %get3A_136 = vector.load %arg0[%get3A_132, %get3A_133, %get3A_134, %get3A_135] : memref<32x2x128x128xf32, #tpu.memory_space<vmem>>, vector<1x1x128x128xf32>
    %get3A_137 = vector.shape_cast %get3A_136 : vector<1x1x128x128xf32> to vector<128x128xf32>
    %add3A_138 = arith.addf %add3A_131, %get3A_137 : vector<128x128xf32>
    %get3A_139 = arith.constant 15 : index
    %get3A_140 = arith.constant 0 : index
    %get3A_141 = arith.constant 0 : index
    %get3A_142 = arith.constant 0 : index
    %get3A_143 = vector.load %arg0[%get3A_139, %get3A_140, %get3A_141, %get3A_142] : memref<32x2x128x128xf32, #tpu.memory_space<vmem>>, vector<1x1x128x128xf32>
    %get3A_144 = vector.shape_cast %get3A_143 : vector<1x1x128x128xf32> to vector<128x128xf32>
    %add3A_145 = arith.addf %add3A_138, %get3A_144 : vector<128x128xf32>
    %get3A_146 = arith.constant 19 : index
    %get3A_147 = arith.constant 0 : index
    %get3A_148 = arith.constant 0 : index
    %get3A_149 = arith.constant 0 : index
    %get3A_150 = vector.load %arg0[%get3A_146, %get3A_147, %get3A_148, %get3A_149] : memref<32x2x128x128xf32, #tpu.memory_space<vmem>>, vector<1x1x128x128xf32>
    %get3A_151 = vector.shape_cast %get3A_150 : vector<1x1x128x128xf32> to vector<128x128xf32>
    %add3A_152 = arith.addf %add3A_145, %get3A_151 : vector<128x128xf32>
    %get3A_153 = arith.constant 23 : index
    %get3A_154 = arith.constant 0 : index
    %get3A_155 = arith.constant 0 : index
    %get3A_156 = arith.constant 0 : index
    %get3A_157 = vector.load %arg0[%get3A_153, %get3A_154, %get3A_155, %get3A_156] : memref<32x2x128x128xf32, #tpu.memory_space<vmem>>, vector<1x1x128x128xf32>
    %get3A_158 = vector.shape_cast %get3A_157 : vector<1x1x128x128xf32> to vector<128x128xf32>
    %add3A_159 = arith.addf %add3A_152, %get3A_158 : vector<128x128xf32>
    %get3A_160 = arith.constant 27 : index
    %get3A_161 = arith.constant 0 : index
    %get3A_162 = arith.constant 0 : index
    %get3A_163 = arith.constant 0 : index
    %get3A_164 = vector.load %arg0[%get3A_160, %get3A_161, %get3A_162, %get3A_163] : memref<32x2x128x128xf32, #tpu.memory_space<vmem>>, vector<1x1x128x128xf32>
    %get3A_165 = vector.shape_cast %get3A_164 : vector<1x1x128x128xf32> to vector<128x128xf32>
    %add3A_166 = arith.addf %add3A_159, %get3A_165 : vector<128x128xf32>
    %get3A_167 = arith.constant 31 : index
    %get3A_168 = arith.constant 0 : index
    %get3A_169 = arith.constant 0 : index
    %get3A_170 = arith.constant 0 : index
    %get3A_171 = vector.load %arg0[%get3A_167, %get3A_168, %get3A_169, %get3A_170] : memref<32x2x128x128xf32, #tpu.memory_space<vmem>>, vector<1x1x128x128xf32>
    %get3A_172 = vector.shape_cast %get3A_171 : vector<1x1x128x128xf32> to vector<128x128xf32>
    %add3A_173 = arith.addf %add3A_166, %get3A_172 : vector<128x128xf32>
    %swap3A_174 = arith.constant 0 : index
    %swap3A_175 = arith.constant 0 : index
    %swap3A_176 = vector.load %arg2[%swap3A_174, %swap3A_175] : memref<128x128xf32, #tpu.memory_space<vmem>>, vector<128x128xf32>
    tpu.vector_store %arg2[%swap3A_174, %swap3A_175], %add3A_173 {strides = array<i32>} : memref<128x128xf32, #tpu.memory_space<vmem>>, vector<128x128xf32>,
    %get3A_177 = arith.constant 1 : index
    %get3A_178 = arith.constant 0 : index
    %get3A_179 = arith.constant 0 : index
    %get3A_180 = arith.constant 0 : index
    %get3A_181 = vector.load %arg0[%get3A_177, %get3A_178, %get3A_179, %get3A_180] : memref<32x2x128x128xf32, #tpu.memory_space<vmem>>, vector<1x1x128x128xf32>
    %get3A_182 = vector.shape_cast %get3A_181 : vector<1x1x128x128xf32> to vector<128x128xf32>
    %get3A_183 = arith.constant 5 : index
    %get3A_184 = arith.constant 0 : index
    %get3A_185 = arith.constant 0 : index
    %get3A_186 = arith.constant 0 : index
    %get3A_187 = vector.load %arg0[%get3A_183, %get3A_184, %get3A_185, %get3A_186] : memref<32x2x128x128xf32, #tpu.memory_space<vmem>>, vector<1x1x128x128xf32>
    %get3A_188 = vector.shape_cast %get3A_187 : vector<1x1x128x128xf32> to vector<128x128xf32>
    %add3A_189 = arith.addf %get3A_182, %get3A_188 : vector<128x128xf32>
    %get3A_190 = arith.constant 9 : index
    %get3A_191 = arith.constant 0 : index
    %get3A_192 = arith.constant 0 : index
    %get3A_193 = arith.constant 0 : index
    %get3A_194 = vector.load %arg0[%get3A_190, %get3A_191, %get3A_192, %get3A_193] : memref<32x2x128x128xf32, #tpu.memory_space<vmem>>, vector<1x1x128x128xf32>
    %get3A_195 = vector.shape_cast %get3A_194 : vector<1x1x128x128xf32> to vector<128x128xf32>
    %add3A_196 = arith.addf %add3A_189, %get3A_195 : vector<128x128xf32>
    %get3A_197 = arith.constant 13 : index
    %get3A_198 = arith.constant 0 : index
    %get3A_199 = arith.constant 0 : index
    %get3A_200 = arith.constant 0 : index
    %get3A_201 = vector.load %arg0[%get3A_197, %get3A_198, %get3A_199, %get3A_200] : memref<32x2x128x128xf32, #tpu.memory_space<vmem>>, vector<1x1x128x128xf32>
    %get3A_202 = vector.shape_cast %get3A_201 : vector<1x1x128x128xf32> to vector<128x128xf32>
    %add3A_203 = arith.addf %add3A_196, %get3A_202 : vector<128x128xf32>
    %get3A_204 = arith.constant 17 : index
    %get3A_205 = arith.constant 0 : index
    %get3A_206 = arith.constant 0 : index
    %get3A_207 = arith.constant 0 : index
    %get3A_208 = vector.load %arg0[%get3A_204, %get3A_205, %get3A_206, %get3A_207] : memref<32x2x128x128xf32, #tpu.memory_space<vmem>>, vector<1x1x128x128xf32>
    %get3A_209 = vector.shape_cast %get3A_208 : vector<1x1x128x128xf32> to vector<128x128xf32>
    %add3A_210 = arith.addf %add3A_203, %get3A_209 : vector<128x128xf32>
    %get3A_211 = arith.constant 21 : index
    %get3A_212 = arith.constant 0 : index
    %get3A_213 = arith.constant 0 : index
    %get3A_214 = arith.constant 0 : index
    %get3A_215 = vector.load %arg0[%get3A_211, %get3A_212, %get3A_213, %get3A_214] : memref<32x2x128x128xf32, #tpu.memory_space<vmem>>, vector<1x1x128x128xf32>
    %get3A_216 = vector.shape_cast %get3A_215 : vector<1x1x128x128xf32> to vector<128x128xf32>
    %add3A_217 = arith.addf %add3A_210, %get3A_216 : vector<128x128xf32>
    %get3A_218 = arith.constant 25 : index
    %get3A_219 = arith.constant 0 : index
    %get3A_220 = arith.constant 0 : index
    %get3A_221 = arith.constant 0 : index
    %get3A_222 = vector.load %arg0[%get3A_218, %get3A_219, %get3A_220, %get3A_221] : memref<32x2x128x128xf32, #tpu.memory_space<vmem>>, vector<1x1x128x128xf32>
    %get3A_223 = vector.shape_cast %get3A_222 : vector<1x1x128x128xf32> to vector<128x128xf32>
    %add3A_224 = arith.addf %add3A_217, %get3A_223 : vector<128x128xf32>
    %get3A_225 = arith.constant 29 : index
    %get3A_226 = arith.constant 0 : index
    %get3A_227 = arith.constant 0 : index
    %get3A_228 = arith.constant 0 : index
    %get3A_229 = vector.load %arg0[%get3A_225, %get3A_226, %get3A_227, %get3A_228] : memref<32x2x128x128xf32, #tpu.memory_space<vmem>>, vector<1x1x128x128xf32>
    %get3A_230 = vector.shape_cast %get3A_229 : vector<1x1x128x128xf32> to vector<128x128xf32>
    %add3A_231 = arith.addf %add3A_224, %get3A_230 : vector<128x128xf32>
    %swap3A_232 = arith.constant 0 : index
    %swap3A_233 = arith.constant 0 : index
    %swap3A_234 = arith.constant 0 : index
    %swap3A_235 = vector.load %arg3[%swap3A_232, %swap3A_233, %swap3A_234] : memref<4x128x128xf32, #tpu.memory_space<vmem>>, vector<1x128x128xf32>
    %swap3A_236 = vector.shape_cast %swap3A_235 : vector<1x128x128xf32> to vector<128x128xf32>
    %swap3A_237 = vector.shape_cast %add3A_231 : vector<128x128xf32> to vector<1x128x128xf32>
    tpu.vector_store %arg3[%swap3A_232, %swap3A_233, %swap3A_234], %swap3A_237 {strides = array<i32>} : memref<4x128x128xf32, #tpu.memory_space<vmem>>, vector<1x128x128xf32>,
    %get3A_238 = arith.constant 1 : index
    %get3A_239 = arith.constant 1 : index
    %get3A_240 = arith.constant 0 : index
    %get3A_241 = arith.constant 0 : index
    %get3A_242 = vector.load %arg0[%get3A_238, %get3A_239, %get3A_240, %get3A_241] : memref<32x2x128x128xf32, #tpu.memory_space<vmem>>, vector<1x1x128x128xf32>
    %get3A_243 = vector.shape_cast %get3A_242 : vector<1x1x128x128xf32> to vector<128x128xf32>
    %get3A_244 = arith.constant 5 : index
    %get3A_245 = arith.constant 1 : index
    %get3A_246 = arith.constant 0 : index
    %get3A_247 = arith.constant 0 : index
    %get3A_248 = vector.load %arg0[%get3A_244, %get3A_245, %get3A_246, %get3A_247] : memref<32x2x128x128xf32, #tpu.memory_space<vmem>>, vector<1x1x128x128xf32>
    %get3A_249 = vector.shape_cast %get3A_248 : vector<1x1x128x128xf32> to vector<128x128xf32>
    %add3A_250 = arith.addf %get3A_243, %get3A_249 : vector<128x128xf32>
    %get3A_251 = arith.constant 9 : index
    %get3A_252 = arith.constant 1 : index
    %get3A_253 = arith.constant 0 : index
    %get3A_254 = arith.constant 0 : index
    %get3A_255 = vector.load %arg0[%get3A_251, %get3A_252, %get3A_253, %get3A_254] : memref<32x2x128x128xf32, #tpu.memory_space<vmem>>, vector<1x1x128x128xf32>
    %get3A_256 = vector.shape_cast %get3A_255 : vector<1x1x128x128xf32> to vector<128x128xf32>
    %add3A_257 = arith.addf %add3A_250, %get3A_256 : vector<128x128xf32>
    %get3A_258 = arith.constant 13 : index
    %get3A_259 = arith.constant 1 : index
    %get3A_260 = arith.constant 0 : index
    %get3A_261 = arith.constant 0 : index
    %get3A_262 = vector.load %arg0[%get3A_258, %get3A_259, %get3A_260, %get3A_261] : memref<32x2x128x128xf32, #tpu.memory_space<vmem>>, vector<1x1x128x128xf32>
    %get3A_263 = vector.shape_cast %get3A_262 : vector<1x1x128x128xf32> to vector<128x128xf32>
    %add3A_264 = arith.addf %add3A_257, %get3A_263 : vector<128x128xf32>
    %get3A_265 = arith.constant 17 : index
    %get3A_266 = arith.constant 1 : index
    %get3A_267 = arith.constant 0 : index
    %get3A_268 = arith.constant 0 : index
    %get3A_269 = vector.load %arg0[%get3A_265, %get3A_266, %get3A_267, %get3A_268] : memref<32x2x128x128xf32, #tpu.memory_space<vmem>>, vector<1x1x128x128xf32>
    %get3A_270 = vector.shape_cast %get3A_269 : vector<1x1x128x128xf32> to vector<128x128xf32>
    %add3A_271 = arith.addf %add3A_264, %get3A_270 : vector<128x128xf32>
    %get3A_272 = arith.constant 21 : index
    %get3A_273 = arith.constant 1 : index
    %get3A_274 = arith.constant 0 : index
    %get3A_275 = arith.constant 0 : index
    %get3A_276 = vector.load %arg0[%get3A_272, %get3A_273, %get3A_274, %get3A_275] : memref<32x2x128x128xf32, #tpu.memory_space<vmem>>, vector<1x1x128x128xf32>
    %get3A_277 = vector.shape_cast %get3A_276 : vector<1x1x128x128xf32> to vector<128x128xf32>
    %add3A_278 = arith.addf %add3A_271, %get3A_277 : vector<128x128xf32>
    %get3A_279 = arith.constant 25 : index
    %get3A_280 = arith.constant 1 : index
    %get3A_281 = arith.constant 0 : index
    %get3A_282 = arith.constant 0 : index
    %get3A_283 = vector.load %arg0[%get3A_279, %get3A_280, %get3A_281, %get3A_282] : memref<32x2x128x128xf32, #tpu.memory_space<vmem>>, vector<1x1x128x128xf32>
    %get3A_284 = vector.shape_cast %get3A_283 : vector<1x1x128x128xf32> to vector<128x128xf32>
    %add3A_285 = arith.addf %add3A_278, %get3A_284 : vector<128x128xf32>
    %get3A_286 = arith.constant 29 : index
    %get3A_287 = arith.constant 1 : index
    %get3A_288 = arith.constant 0 : index
    %get3A_289 = arith.constant 0 : index
    %get3A_290 = vector.load %arg0[%get3A_286, %get3A_287, %get3A_288, %get3A_289] : memref<32x2x128x128xf32, #tpu.memory_space<vmem>>, vector<1x1x128x128xf32>
    %get3A_291 = vector.shape_cast %get3A_290 : vector<1x1x128x128xf32> to vector<128x128xf32>
    %add3A_292 = arith.addf %add3A_285, %get3A_291 : vector<128x128xf32>
    %swap3A_293 = arith.constant 1 : index
    %swap3A_294 = arith.constant 0 : index
    %swap3A_295 = arith.constant 0 : index
    %swap3A_296 = vector.load %arg3[%swap3A_293, %swap3A_294, %swap3A_295] : memref<4x128x128xf32, #tpu.memory_space<vmem>>, vector<1x128x128xf32>
    %swap3A_297 = vector.shape_cast %swap3A_296 : vector<1x128x128xf32> to vector<128x128xf32>
    %swap3A_298 = vector.shape_cast %add3A_292 : vector<128x128xf32> to vector<1x128x128xf32>
    tpu.vector_store %arg3[%swap3A_293, %swap3A_294, %swap3A_295], %swap3A_298 {strides = array<i32>} : memref<4x128x128xf32, #tpu.memory_space<vmem>>, vector<1x128x128xf32>,
    %get3A_299 = arith.constant 2 : index
    %get3A_300 = arith.constant 0 : index
    %get3A_301 = arith.constant 0 : index
    %get3A_302 = arith.constant 0 : index
    %get3A_303 = vector.load %arg0[%get3A_299, %get3A_300, %get3A_301, %get3A_302] : memref<32x2x128x128xf32, #tpu.memory_space<vmem>>, vector<1x1x128x128xf32>
    %get3A_304 = vector.shape_cast %get3A_303 : vector<1x1x128x128xf32> to vector<128x128xf32>
    %get3A_305 = arith.constant 6 : index
    %get3A_306 = arith.constant 0 : index
    %get3A_307 = arith.constant 0 : index
    %get3A_308 = arith.constant 0 : index
    %get3A_309 = vector.load %arg0[%get3A_305, %get3A_306, %get3A_307, %get3A_308] : memref<32x2x128x128xf32, #tpu.memory_space<vmem>>, vector<1x1x128x128xf32>
    %get3A_310 = vector.shape_cast %get3A_309 : vector<1x1x128x128xf32> to vector<128x128xf32>
    %add3A_311 = arith.addf %get3A_304, %get3A_310 : vector<128x128xf32>
    %get3A_312 = arith.constant 10 : index
    %get3A_313 = arith.constant 0 : index
    %get3A_314 = arith.constant 0 : index
    %get3A_315 = arith.constant 0 : index
    %get3A_316 = vector.load %arg0[%get3A_312, %get3A_313, %get3A_314, %get3A_315] : memref<32x2x128x128xf32, #tpu.memory_space<vmem>>, vector<1x1x128x128xf32>
    %get3A_317 = vector.shape_cast %get3A_316 : vector<1x1x128x128xf32> to vector<128x128xf32>
    %add3A_318 = arith.addf %add3A_311, %get3A_317 : vector<128x128xf32>
    %get3A_319 = arith.constant 14 : index
    %get3A_320 = arith.constant 0 : index
    %get3A_321 = arith.constant 0 : index
    %get3A_322 = arith.constant 0 : index
    %get3A_323 = vector.load %arg0[%get3A_319, %get3A_320, %get3A_321, %get3A_322] : memref<32x2x128x128xf32, #tpu.memory_space<vmem>>, vector<1x1x128x128xf32>
    %get3A_324 = vector.shape_cast %get3A_323 : vector<1x1x128x128xf32> to vector<128x128xf32>
    %add3A_325 = arith.addf %add3A_318, %get3A_324 : vector<128x128xf32>
    %get3A_326 = arith.constant 18 : index
    %get3A_327 = arith.constant 0 : index
    %get3A_328 = arith.constant 0 : index
    %get3A_329 = arith.constant 0 : index
    %get3A_330 = vector.load %arg0[%get3A_326, %get3A_327, %get3A_328, %get3A_329] : memref<32x2x128x128xf32, #tpu.memory_space<vmem>>, vector<1x1x128x128xf32>
    %get3A_331 = vector.shape_cast %get3A_330 : vector<1x1x128x128xf32> to vector<128x128xf32>
    %add3A_332 = arith.addf %add3A_325, %get3A_331 : vector<128x128xf32>
    %get3A_333 = arith.constant 22 : index
    %get3A_334 = arith.constant 0 : index
    %get3A_335 = arith.constant 0 : index
    %get3A_336 = arith.constant 0 : index
    %get3A_337 = vector.load %arg0[%get3A_333, %get3A_334, %get3A_335, %get3A_336] : memref<32x2x128x128xf32, #tpu.memory_space<vmem>>, vector<1x1x128x128xf32>
    %get3A_338 = vector.shape_cast %get3A_337 : vector<1x1x128x128xf32> to vector<128x128xf32>
    %add3A_339 = arith.addf %add3A_332, %get3A_338 : vector<128x128xf32>
    %get3A_340 = arith.constant 26 : index
    %get3A_341 = arith.constant 0 : index
    %get3A_342 = arith.constant 0 : index
    %get3A_343 = arith.constant 0 : index
    %get3A_344 = vector.load %arg0[%get3A_340, %get3A_341, %get3A_342, %get3A_343] : memref<32x2x128x128xf32, #tpu.memory_space<vmem>>, vector<1x1x128x128xf32>
    %get3A_345 = vector.shape_cast %get3A_344 : vector<1x1x128x128xf32> to vector<128x128xf32>
    %add3A_346 = arith.addf %add3A_339, %get3A_345 : vector<128x128xf32>
    %get3A_347 = arith.constant 30 : index
    %get3A_348 = arith.constant 0 : index
    %get3A_349 = arith.constant 0 : index
    %get3A_350 = arith.constant 0 : index
    %get3A_351 = vector.load %arg0[%get3A_347, %get3A_348, %get3A_349, %get3A_350] : memref<32x2x128x128xf32, #tpu.memory_space<vmem>>, vector<1x1x128x128xf32>
    %get3A_352 = vector.shape_cast %get3A_351 : vector<1x1x128x128xf32> to vector<128x128xf32>
    %add3A_353 = arith.addf %add3A_346, %get3A_352 : vector<128x128xf32>
    %swap3A_354 = arith.constant 2 : index
    %swap3A_355 = arith.constant 0 : index
    %swap3A_356 = arith.constant 0 : index
    %swap3A_357 = vector.load %arg3[%swap3A_354, %swap3A_355, %swap3A_356] : memref<4x128x128xf32, #tpu.memory_space<vmem>>, vector<1x128x128xf32>
    %swap3A_358 = vector.shape_cast %swap3A_357 : vector<1x128x128xf32> to vector<128x128xf32>
    %swap3A_359 = vector.shape_cast %add3A_353 : vector<128x128xf32> to vector<1x128x128xf32>
    tpu.vector_store %arg3[%swap3A_354, %swap3A_355, %swap3A_356], %swap3A_359 {strides = array<i32>} : memref<4x128x128xf32, #tpu.memory_space<vmem>>, vector<1x128x128xf32>,
    %get3A_360 = arith.constant 2 : index
    %get3A_361 = arith.constant 1 : index
    %get3A_362 = arith.constant 0 : index
    %get3A_363 = arith.constant 0 : index
    %get3A_364 = vector.load %arg0[%get3A_360, %get3A_361, %get3A_362, %get3A_363] : memref<32x2x128x128xf32, #tpu.memory_space<vmem>>, vector<1x1x128x128xf32>
    %get3A_365 = vector.shape_cast %get3A_364 : vector<1x1x128x128xf32> to vector<128x128xf32>
    %get3A_366 = arith.constant 6 : index
    %get3A_367 = arith.constant 1 : index
    %get3A_368 = arith.constant 0 : index
    %get3A_369 = arith.constant 0 : index
    %get3A_370 = vector.load %arg0[%get3A_366, %get3A_367, %get3A_368, %get3A_369] : memref<32x2x128x128xf32, #tpu.memory_space<vmem>>, vector<1x1x128x128xf32>
    %get3A_371 = vector.shape_cast %get3A_370 : vector<1x1x128x128xf32> to vector<128x128xf32>
    %add3A_372 = arith.addf %get3A_365, %get3A_371 : vector<128x128xf32>
    %get3A_373 = arith.constant 10 : index
    %get3A_374 = arith.constant 1 : index
    %get3A_375 = arith.constant 0 : index
    %get3A_376 = arith.constant 0 : index
    %get3A_377 = vector.load %arg0[%get3A_373, %get3A_374, %get3A_375, %get3A_376] : memref<32x2x128x128xf32, #tpu.memory_space<vmem>>, vector<1x1x128x128xf32>
    %get3A_378 = vector.shape_cast %get3A_377 : vector<1x1x128x128xf32> to vector<128x128xf32>
    %add3A_379 = arith.addf %add3A_372, %get3A_378 : vector<128x128xf32>
    %get3A_380 = arith.constant 14 : index
    %get3A_381 = arith.constant 1 : index
    %get3A_382 = arith.constant 0 : index
    %get3A_383 = arith.constant 0 : index
    %get3A_384 = vector.load %arg0[%get3A_380, %get3A_381, %get3A_382, %get3A_383] : memref<32x2x128x128xf32, #tpu.memory_space<vmem>>, vector<1x1x128x128xf32>
    %get3A_385 = vector.shape_cast %get3A_384 : vector<1x1x128x128xf32> to vector<128x128xf32>
    %add3A_386 = arith.addf %add3A_379, %get3A_385 : vector<128x128xf32>
    %get3A_387 = arith.constant 18 : index
    %get3A_388 = arith.constant 1 : index
    %get3A_389 = arith.constant 0 : index
    %get3A_390 = arith.constant 0 : index
    %get3A_391 = vector.load %arg0[%get3A_387, %get3A_388, %get3A_389, %get3A_390] : memref<32x2x128x128xf32, #tpu.memory_space<vmem>>, vector<1x1x128x128xf32>
    %get3A_392 = vector.shape_cast %get3A_391 : vector<1x1x128x128xf32> to vector<128x128xf32>
    %add3A_393 = arith.addf %add3A_386, %get3A_392 : vector<128x128xf32>
    %get3A_394 = arith.constant 22 : index
    %get3A_395 = arith.constant 1 : index
    %get3A_396 = arith.constant 0 : index
    %get3A_397 = arith.constant 0 : index
    %get3A_398 = vector.load %arg0[%get3A_394, %get3A_395, %get3A_396, %get3A_397] : memref<32x2x128x128xf32, #tpu.memory_space<vmem>>, vector<1x1x128x128xf32>
    %get3A_399 = vector.shape_cast %get3A_398 : vector<1x1x128x128xf32> to vector<128x128xf32>
    %add3A_400 = arith.addf %add3A_393, %get3A_399 : vector<128x128xf32>
    %get3A_401 = arith.constant 26 : index
    %get3A_402 = arith.constant 1 : index
    %get3A_403 = arith.constant 0 : index
    %get3A_404 = arith.constant 0 : index
    %get3A_405 = vector.load %arg0[%get3A_401, %get3A_402, %get3A_403, %get3A_404] : memref<32x2x128x128xf32, #tpu.memory_space<vmem>>, vector<1x1x128x128xf32>
    %get3A_406 = vector.shape_cast %get3A_405 : vector<1x1x128x128xf32> to vector<128x128xf32>
    %add3A_407 = arith.addf %add3A_400, %get3A_406 : vector<128x128xf32>
    %get3A_408 = arith.constant 30 : index
    %get3A_409 = arith.constant 1 : index
    %get3A_410 = arith.constant 0 : index
    %get3A_411 = arith.constant 0 : index
    %get3A_412 = vector.load %arg0[%get3A_408, %get3A_409, %get3A_410, %get3A_411] : memref<32x2x128x128xf32, #tpu.memory_space<vmem>>, vector<1x1x128x128xf32>
    %get3A_413 = vector.shape_cast %get3A_412 : vector<1x1x128x128xf32> to vector<128x128xf32>
    %add3A_414 = arith.addf %add3A_407, %get3A_413 : vector<128x128xf32>
    %swap3A_415 = arith.constant 3 : index
    %swap3A_416 = arith.constant 0 : index
    %swap3A_417 = arith.constant 0 : index
    %swap3A_418 = vector.load %arg3[%swap3A_415, %swap3A_416, %swap3A_417] : memref<4x128x128xf32, #tpu.memory_space<vmem>>, vector<1x128x128xf32>
    %swap3A_419 = vector.shape_cast %swap3A_418 : vector<1x128x128xf32> to vector<128x128xf32>
    %swap3A_420 = vector.shape_cast %add3A_414 : vector<128x128xf32> to vector<1x128x128xf32>
    tpu.vector_store %arg3[%swap3A_415, %swap3A_416, %swap3A_417], %swap3A_420 {strides = array<i32>} : memref<4x128x128xf32, #tpu.memory_space<vmem>>, vector<1x128x128xf32>,
    return
  }
}

</mosaic_0001>

<sc_bundles>
// kernel: kernel.5.cloned.1.call-start
scs
__scs_entry_jumppad:
0x0: {  	(pc) =	sbr.rel $0x88, $3  }
0x1: {  	(tag) =	ssettag $0x0;
	lr =	simm.s32 $0x1  }
0x2: {  	[smem:$0x3F9C] =	sst lr;
	_ =	strace $0xD0000000  }
0x3: {  	_ = 	snop  }
0x4: {  	_ = 	snop  }
0x5: {  	_ = 	snop  }
0x6: {  	_ = 	snop  }
0x7: {  	_ = 	snop  }
__scs_overlays_trampoline_lowered:
0x8: {  	[smem:$0x3FAB] =	sst s0  }
0x9: {  	[smem:$0x3FAC] =	sst s1  }
0xa: {  	[smem:$0x3FAD] =	sst s2  }
0xb: {  	[smem:$0x3FAE] =	sst s3  }
0xc: {  	[smem:$0x3FAF] =	sst s4  }
0xd: {  	[smem:$0x3FB0] =	sst s5  }
0xe: {  	[smem:$0x3FB1] =	sst s6  }
0xf: {  	[smem:$0x3FB2] =	sst s7  }
0x10: {  	[smem:$0x3FB3] =	sst s8  }
0x11: {  	[smem:$0x3FB4] =	sst s9;
	s0 =	simm.s32 @!p0 $0x0  }
0x12: {  	s1 =	sld [smem:$0x3F9A];
	s0 =	simm.s32 @p0 $0x1  }
0x13: {  	[smem:$0x3FB5] =	sst s0;
	s0 =	simm.s32 @!p1 $0x0  }
0x14: {  	s2 =	sld [smem:$0x3F99];
	s0 =	simm.s32 @p1 $0x1  }
0x15: {  	[smem:$0x3FB6] =	sst s0;
	s0 =	simm.s32 @!p2 $0x0  }
0x16: {  	s3 =	sld [smem:$0x3FDB];
	s0 =	simm.s32 @p2 $0x1  }
0x17: {  	s4 =	simm.s32 $0x1BF5;
	[smem:$0x3FB8] =	sst s0  }
0x18: {  	s0 =	sld [smem:$0x3F9B];
	_ =	swait.ge [sflag:s4], $0x0  }
0x19: {  	s7 =	sld [smem:$0x3F9C]  }
0x1a: {  	s8 =	sadd.s32 $0xFFFFE003, lr  }
0x1b: {  	s9 =	sadd.s32 $0xFFFFFEF7, lr;
	s5 =	simm.s32 $0xFFFFFFFF;
	p2 =	slt.u32 s8, $0xFFFFF086  }
0x1c: {  	p1 =	slt.u32 s9, $0xF7A;
	s5 =	simm.s32 @!p2 $0x0  }
0x1d: {  	s5 =	simm.s32 @p1 $0x1;
	p0 =	seq.s32 s7, s2  }
0x1e: {  	s7 =	smul.u32 @!p0 $0xF7A, s2;
	p2 =	seq.s32 @!p0 s5, $0x0  }
0x1f: {  	s9 =	smul.u32 $0xF7A, s1;
	s8 =	simm.s32 @!p0 $0x1BF5;
	p2 =	por !p2, p0  }
0x20: {  	[sflag:s8] =	ssyncset.s32 @!p0 $0xFFFFF086;
	s6 =	sadd.s32 @!p0 s3, s7;
	s7 =	simm.s32 @!p0 $0x108  }
0x21: {  	s3 =	sadd.s32 s3, s9;
	s6 =	sadd.s32 @!p0 $0x88, s6;
	s7 =	simm.s32 @p2 $0x1082  }
0x22: {  	[simem:s7], [sflag:s8] =	dma.local @!p0 [hbm:s6], $0xF7A  }
0x23: {  	s9 =	sor.u32 $0xD0000000, s2;
	s6 =	simm.s32 $0x108;
	_ =	swait.ge @!p0 [sflag:s8], $0x0  }
0x24: {  	s3 =	sadd.s32 $0x88, s3;
	s6 =	simm.s32 @!p1 $0x1082;
	[sflag:s4] =	ssyncset.s32 $0xFFFFF086  }
0x25: {  	[simem:s6], [sflag:s4] =	dma.local [hbm:s3], $0xF7A  }
0x26: {  	[smem:$0x3F9C] =	sst s1;
	(tag) =	ssettag s2;
	_ =	strace s9  }
0x27: {  	s1 =	sld [smem:$0x3FAC]  }
0x28: {  	s2 =	sld [smem:$0x3FAD]  }
0x29: {  	s4 =	sld [smem:$0x3FAF]  }
0x2a: {  	p0 =	seq.s32 s5, $0x0;
	s5 =	sld [smem:$0x3FB0]  }
0x2b: {  	s6 =	sld [smem:$0x3FB1]  }
0x2c: {  	s7 =	sld [smem:$0x3FB2]  }
0x2d: {  	s3 =	simm.s32 $0x108;
	s8 =	sld [smem:$0x3FB3]  }
0x2e: {  	s3 =	simm.s32 @!p0 $0x1082;
	s9 =	sld [smem:$0x3FB4]  }
0x2f: {  	lr =	sadd.s32 s0, s3;
	s0 =	sld [smem:$0x3FAB]  }
0x30: {  	s3 =	sld [smem:$0x3FAE]  }
0x31: {  	[smem:$0x3FB7] =	sst s10  }
0x32: {  	s10 =	sld [smem:$0x3FB5];
	_ =	sdelay $0x3  }
0x33: {  	p0 =	seq.s32 s10, $0x1;
	s10 =	sld [smem:$0x3FB7];
	_ =	sdelay $0x3  }
0x34: {  	[smem:$0x3FB7] =	sst s10  }
0x35: {  	s10 =	sld [smem:$0x3FB6];
	_ =	sdelay $0x3  }
0x36: {  	p1 =	seq.s32 s10, $0x1;
	s10 =	sld [smem:$0x3FB7];
	_ =	sdelay $0x3  }
0x37: {  	[smem:$0x3FB7] =	sst s10  }
0x38: {  	s10 =	sld [smem:$0x3FB8]  }
0x39: {  	_ = 	snop;
	(pc) =	sbr.ind lr, $3  }
0x3a: {  	_ = 	snop  }
0x3b: {  	_ = 	snop  }
0x3c: {  	p2 =	seq.s32 s10, $0x1;
	s10 =	sld [smem:$0x3FB7]  }
0x3d: {  	_ =	shalt  }
0x3e: {  	_ =	shalt  }
0x3f: {  	_ =	shalt  }
0x40: {  	_ =	shalt  }
0x41: {  	_ =	shalt  }
0x42: {  	_ =	shalt  }
0x43: {  	_ =	shalt  }
0x44: {  	_ =	shalt  }
0x45: {  	_ =	shalt  }
0x46: {  	_ =	shalt  }
0x47: {  	_ =	shalt  }
0x48: {  	_ =	shalt  }
0x49: {  	_ =	shalt  }
0x4a: {  	_ =	shalt  }
0x4b: {  	_ =	shalt  }
0x4c: {  	_ =	shalt  }
0x4d: {  	_ =	shalt  }
0x4e: {  	_ =	shalt  }
0x4f: {  	_ =	shalt  }
0x50: {  	_ =	shalt  }
0x51: {  	_ =	shalt  }
0x52: {  	_ =	shalt  }
0x53: {  	_ =	shalt  }
0x54: {  	_ =	shalt  }
0x55: {  	_ =	shalt  }
0x56: {  	_ =	shalt  }
0x57: {  	_ =	shalt  }
0x58: {  	_ =	shalt  }
0x59: {  	_ =	shalt  }
0x5a: {  	_ =	shalt  }
0x5b: {  	_ =	shalt  }
0x5c: {  	_ =	shalt  }
0x5d: {  	_ =	shalt  }
0x5e: {  	_ =	shalt  }
0x5f: {  	_ =	shalt  }
0x60: {  	_ =	shalt  }
0x61: {  	_ =	shalt  }
0x62: {  	_ =	shalt  }
0x63: {  	_ =	shalt  }
0x64: {  	_ =	shalt  }
0x65: {  	_ =	shalt  }
0x66: {  	_ =	shalt  }
0x67: {  	_ =	shalt  }
0x68: {  	_ =	shalt  }
0x69: {  	_ =	shalt  }
0x6a: {  	_ =	shalt  }
0x6b: {  	_ =	shalt  }
0x6c: {  	_ =	shalt  }
0x6d: {  	_ =	shalt  }
0x6e: {  	_ =	shalt  }
0x6f: {  	_ =	shalt  }
0x70: {  	_ =	shalt  }
0x71: {  	_ =	shalt  }
0x72: {  	_ =	shalt  }
0x73: {  	_ =	shalt  }
0x74: {  	_ =	shalt  }
0x75: {  	_ =	shalt  }
0x76: {  	_ =	shalt  }
0x77: {  	_ =	shalt  }
0x78: {  	_ =	shalt  }
0x79: {  	_ =	shalt  }
0x7a: {  	_ =	shalt  }
0x7b: {  	_ =	shalt  }
0x7c: {  	_ =	shalt  }
0x7d: {  	_ =	shalt  }
0x7e: {  	_ =	shalt  }
0x7f: {  	_ =	shalt  }
0x80: {  	_ =	shalt  }
0x81: {  	_ =	shalt  }
0x82: {  	_ =	shalt  }
0x83: {  	_ =	shalt  }
0x84: {  	_ =	shalt  }
0x85: {  	_ =	shalt  }
0x86: {  	_ =	shalt  }
0x87: {  	_ =	shalt  }
.Lfunc_end0:
.L_simem_size_0:
called_computation_lowered:
.L_overlay_start_0:
0x88: {  	s2 =	sld [smem:$0x3FD9]  }
0x89: {  	s3 =	sld [smem:$0x3FFE];
	_ =	sdelay $0x1  }
0x8a: {  	s1 =	srdreg.scid  }
0x8b: {  	s0 =	sand.u32 $0x1, s1  }
0x8c: {  	s14 =	sshll.u32 s0, $0xA;
	s2 =	sadd.s32 s3, s2  }
0x8d: {  	s2 =	sadd.s32 s2, s14  }
0x8e: {  	[smem:$0x3FC3] =	sst s2  }
0x8f: {  	_ = 	snop  }
0x90: {  	s2 =	sld [smem:$0x3FD0];
	_ =	sdelay $0x2  }
0x91: {  	s15 =	simm.s32 $0xA;
	s4 =	simm.s32 $0x10  }
0x92: {  	[smem:s4], [sflag:s15] =	dma.local [hbm:s2], $0x1  }
0x93: {  	_ =	swait.eq [sflag:s15], $0x1  }
0x94: {  	[sflag:s15] =	ssyncset.done $0x0  }
0x95: {  	[sflag:s15] =	ssyncadd.s32 $0xFFFFFFFF  }
0x96: {  	s16 =	sld [smem:$0x11];
	(tm) =	ssettm $0x1  }
0x97: {  	s17 =	sld [smem:$0x3FFB];
	_ =	sdelay $0x3  }
0x98: {  	_ =	strace s17  }
0x99: {  	s3 =	sld [smem:$0x3FFC];
	_ =	sdelay $0x3  }
0x9a: {  	_ =	strace s3  }
0x9b: {  	s3 =	sld [smem:$0x3FFD];
	_ =	sdelay $0x3  }
0x9c: {  	_ =	strace s3  }
0x9d: {  	_ =	strace $0x8FFFFFFF  }
0x9e: {  	s18 =	sld [smem:$0x3FDB];
	_ =	sdelay $0x1  }
0x9f: {  	s19 =	simm.s32 $_scs_section_size  }
0xa0: {  	s5 =	simm.s32 $_size__tile_overlayer_lowered;
	s6 =	simm.s32 $_tile_overlayer_lowered  }
0xa1: {  	s22 =	simm.s32 $0x1BFF;
	s21 =	sshll.u32 s6, $0x1;
	s3 =	sadd.s32 s19, s18  }
0xa2: {  	s7 =	simm.s32 $0x0;
	s20 =	sshll.u32 s5, $0x1;
	s5 =	sadd.s32 s21, s3  }
0xa3: {  	[timem:s7], [sflag:s22] =	dma.local [hbm:s5], s20  }
0xa4: {  	_ =	swait.ge [sflag:s22], s20  }
0xa5: {  	s4 =	ssub.s32 $0x0, s20;
	[sflag:s22] =	ssyncset.done $0x0  }
0xa6: {  	[sflag:s22] =	ssyncadd.s32 s4;
	_ =	sdelay $0x1  }
0xa7: {  	s23 =	simm.s32 $0x1B8B  }
0xa8: {  	_ =	swait.ge [sflag:s23], $0x1  }
0xa9: {  	[sflag:s23] =	ssyncset.done $0x0  }
0xaa: {  	s25 =	simm.s32 $0x1B8E;
	s24 =	sld [smem:$0x3FFE];
	[sflag:s23] =	ssyncadd.s32 $0xFFFFFFFF  }
0xab: {  	s26 =	simm.s32 $execute0_lowered;
	[smem:$0x3FD2] =	sst s25  }
0xac: {  	s5 =	sshll.u32 s26, $0x1;
	_ =	strace $0x80000046;
	[dreg:$0x1] =	wrdreg $0xFFFFFFFF  }
0xad: {  	s28 =	simm.s32 $_size_execute0_lowered;
	s3 =	sadd.s32 s3, s5;
	[dreg:$0x0] =	wrdreg $0x0  }
0xae: {  	s5 =	sshll.u32 s28, $0x1;
	[dreg:$0x2] =	wrdreg s3  }
0xaf: {  	[dreg:$0x3] =	wrdreg s5  }
0xb0: {  	[dreg:$0x4] =	wrdreg $0xC0  }
0xb1: {  	_ =	task [dreg:s7], $0x5FFFF  }
0xb2: {  	[dreg:$0x1] =	wrdreg $0xFFFFFFFF  }
0xb3: {  	[dreg:$0x0] =	wrdreg $0x60  }
0xb4: {  	[dreg:$0x2] =	wrdreg s16  }
0xb5: {  	[dreg:$0x3] =	wrdreg s24  }
0xb6: {  	[dreg:$0x4] =	wrdreg $0x9  }
0xb7: {  	_ =	task.clear_ibuf [dreg:s7], $0x5FFFF;
	_ =	strace $0x90000046  }
0xb8: {  	s29 =	simm.s32 $0x9;
	_ =	strace $0x80000048  }
0xb9: {  	_ =	swait.ge [sflag:s29], $0x1  }
0xba: {  	[sflag:s29] =	ssyncadd.s32 $0xFFFFFFFF  }
0xbb: {  	_ =	strace $0x90000048  }
0xbc: {  	_ =	sfence  }
0xbd: {  	s30 =	sld [smem:$0x0];
	_ =	sdelay $0x2  }
0xbe: {  	s31 =	sshll.u32 s1, $0xD;
	s1 =	sshrl.u32 s1, $0x2  }
0xbf: {  	s3 =	sand.u32 $0x4000, s31;
	s1 =	sadd.s32 s1, s30  }
0xc0: {  	s0 =	sor.u32 s3, s0;
	s1 =	sshll.u32 s1, $0x11  }
0xc1: {  	s0 =	sor.u32 s1, s0  }
0xc2: {  	s0 =	sadd.s32 $0x8F2B, s0  }
0xc3: {  	[sflag:s0] =	ssyncadd.remote.s32 $0x1  }
0xc4: {  	_ =	sfence.sel $0xFFFF  }
0xc5: {  	[dreg:$0x0] =	wrdreg $0xFFFFFFFF;
	(pc) =	sbr.abs _section_cstart, $3  }
0xc6: {  	[dreg:$0x1] =	wrdreg $0xFFFFFFFF  }
0xc7: {  	_ =	task.clear_ibuf [dreg:s7], $0x2FFFF;
	_ =	strace $0x9FFFFFFF  }
0xc8: {  	(tm) =	ssettm $0x7FFFFFFF  }
0xc9: {  	_ =	shalt  }
tec
execute0_lowered:
.L_overlay_start_1:
0x0: {  	(tag) =	ssettag $0x1  }
0x1: {  	s1 =	rddreg [dreg:$0x1];
	s0 =	simm.s32 $0x0;
	s4 =	srdreg.scid  }
0x2: {  	s10 =	stileid.u32;
	[smem:$0x7FF] =	sst s0  }
0x3: {  	s3 =	sadd.s32 $0x33800, s1;
	s2 =	sadd.s32 $0x1800, s1;
	s4 =	sand.u32 $0x1, s4  }
0x4: {  	s9 =	sadd.s32 $0x1A800, s1;
	s6 =	sshll.u32 s10, $0xC;
	s8 =	sshrl.u32 s10, $0x2  }
0x5: {  	s29 =	sadd.s32 $0x33810, s1;
	s11 =	sadd.s32 $0x1830, s1;
	s12 =	sadd.s32 $0x1840, s1  }
0x6: {  	s5 =	sshll.u32 s4, $0x10;
	s7 =	ssub.s32 $0x2, s4;
	s4 =	sshll.u32 s4, $0x2  }
0x7: {  	s15 =	sadd.s32 $0x1850, s1;
	s5 =	sor.u32 s6, s5;
	s4 =	sor.u32 s8, s4  }
0x8: {  	s25 =	sshrl.u32 s7, $0x1;
	s6 =	sand.u32 $0x3, s10;
	s26 =	smul.u32 $0xC80, s4  }
0x9: {  	s10 =	sadd.s32 $0x1820, s1;
	s13 =	sadd.s32 s5, s1;
	s28 =	smul.u32 $0x3200, s4  }
0xa: {  	s14 =	ssub.s32 s7, s25;
	s4 =	smul.u32 $0x19000, s4;
	s16 =	sshll.u32 s6, $0x8  }
0xb: {  	s14 =	smax.u32 s14, $0x1;
	s21 =	sadd.s32 s3, s26;
	s5 =	sadd.s32 s26, s29  }
0xc: {  	s18 =	sadd.s32 $0x1900, s28;
	s20 =	sadd.s32 $0x2580, s28;
	[dreg:$0x3] =	wrdreg s21  }
0xd: {  	[dreg:$0x4] =	wrdreg s5;
	s5 =	sadd.s32 $0x1810, s1;
	s22 =	sshrl.u32 s18, $0x2  }
0xe: {  	s1 =	sadd.s32 $0xC80, s28;
	s25 =	sshrl.u32 s20, $0x2;
	s24 =	sadd.s32 s3, s22  }
0xf: {  	s30 =	sadd.s32 s18, s12;
	s26 =	sadd.s32 s22, s29;
	[dreg:$0x7] =	wrdreg s24  }
0x10: {  	s17 =	sshrl.u32 s1, $0x2;
	s28 =	sadd.s32 s25, s29;
	[dreg:$0x8] =	wrdreg s26  }
0x11: {  	s31 =	sadd.s32 s18, s15;
	s19 =	sadd.s32 s3, s17;
	[dreg:$0xa] =	wrdreg s28  }
0x12: {  	s23 =	sadd.s32 s17, s29;
	s3 =	sadd.s32 s3, s25;
	[dreg:$0x5] =	wrdreg s19  }
0x13: {  	s29 =	sor.u32 s16, s4;
	s17 =	sshrl.u32 s4, $0x3;
	[dreg:$0x6] =	wrdreg s23  }
0x14: {  	s26 =	sshll.u32 s6, $0x5;
	s6 =	sadd.s32 s1, s10;
	[dreg:$0x9] =	wrdreg s3  }
0x15: {  	s16 =	sor.u32 $0x80, s16;
	s19 =	sadd.s32 s2, s17;
	[dreg:$0x15] =	wrdreg s6  }
0x16: {  	s4 =	sor.u32 s16, s4;
	s21 =	sadd.s32 s17, s5;
	[dreg:$0xb] =	wrdreg s19  }
0x17: {  	s22 =	sadd.s32 s17, s10;
	s23 =	sadd.s32 s17, s11;
	[dreg:$0xc] =	wrdreg s21  }
0x18: {  	s24 =	sadd.s32 s17, s12;
	s7 =	sadd.s32 s17, s15;
	[dreg:$0xd] =	wrdreg s22  }
0x19: {  	s3 =	sshrl.u32 s29, $0x3;
	s28 =	sadd.s32 s9, s26;
	[dreg:$0xe] =	wrdreg s23  }
0x1a: {  	s29 =	sadd.s32 s2, s1;
	s17 =	sadd.s32 s1, s12;
	[dreg:$0xf] =	wrdreg s24  }
0x1b: {  	s26 =	sadd.s32 s18, s11;
	s6 =	sadd.s32 s20, s12;
	[dreg:$0x10] =	wrdreg s7  }
0x1c: {  	s12 =	sadd.s32 $0x39C00, s13;
	s13 =	sadd.s32 $0x39C10, s13;
	[dreg:$0x13] =	wrdreg s29  }
0x1d: {  	s4 =	sshrl.u32 s4, $0x3;
	s3 =	sadd.s32 s9, s3;
	[dreg:$0x17] =	wrdreg s17  }
0x1e: {  	s7 =	sadd.s32 s1, s11;
	s19 =	sadd.s32 s1, s15;
	[dreg:$0x1d] =	wrdreg s26  }
0x1f: {  	s21 =	sadd.s32 s1, s28;
	s22 =	sadd.s32 s9, s1;
	[dreg:$0x11] =	wrdreg s3  }
0x20: {  	s23 =	sadd.s32 s2, s18;
	s24 =	sadd.s32 s18, s5;
	[dreg:$0x16] =	wrdreg s7  }
0x21: {  	s2 =	sadd.s32 s2, s20;
	s8 =	sadd.s32 s20, s28;
	[dreg:$0x18] =	wrdreg s19  }
0x22: {  	s29 =	sshrl.u32 s16, $0x3;
	s16 =	simm.s32 $0x1;
	[dreg:$0x19] =	wrdreg s21  }
0x23: {  	s17 =	simm.s32 $0x80;
	s25 =	sadd.s32 s9, s4;
	[dreg:$0x1a] =	wrdreg s23  }
0x24: {  	s4 =	sadd.s32 s1, s5;
	[dreg:$0x1b] =	wrdreg s24;
	s1 =	sadd.s32 s18, s28  }
0x25: {  	s3 =	sadd.s32 s20, s5;
	s5 =	sadd.s32 s20, s11;
	s7 =	sadd.s32 s20, s15  }
0x26: {  	s28 =	sadd.s32 s9, s20;
	s15 =	simm.s32 $0x4000;
	s19 =	simm.s32 $0x400  }
.Ltmp0:
0x27: {  	s21 =	simm.s32 $0x3;
	[dreg:$0x12] =	wrdreg s25;
	(pc) =	sbr.rel .LBB2_1-.Ltmp0, $4  }
0x28: {  	[dreg:$0x14] =	wrdreg s4;
	s25 =	sadd.s32 s18, s10;
	s18 =	sadd.s32 s9, s18  }
0x29: {  	s4 =	sadd.s32 s20, s10;
	s9 =	sadd.s32 s29, s22;
	s11 =	sadd.s32 s29, s28  }
0x2a: {  	s20 =	simm.s32 $0x2;
	s22 =	simm.s32 $0x0;
	[dreg:$0x1c] =	wrdreg s25  }
0x2b: {  	s10 =	sadd.s32 s29, s18;
	s18 =	simm.s32 $0x100;
	_ =	strace $0x80000047  }
.LBB2_169:
0x2c: {  	[hbm4b:s12+s17] =	stream.strided.scatter [tilespmem:s0], [sflag:$0x3], $0x4000, s18, s17, $0x38;
	[tilespmem:$0x17A00] =	vst v63  }
0x2d: {  	s22 =	sadd.s32 $0x1, s22;
	_ =	swait.ge [sflag:s21], $0x4000  }
0x2e: {  	p0 =	sne.s32 s22, s14;
	[sflag:s21] =	ssyncset.done $0x0  }
.Ltmp1:
0x2f: {  	[sflag:s21] =	ssyncadd.s32 $0xFFFFC000;
	(pc) =	sbr.rel @!p0 .LBB2_170-.Ltmp1, $4  }
0x30: {  	[hbm4b:s13+s17] =	stream.strided.scatter [tilespmem:s15], [sflag:$0x3], $0x4000, s18, s17, $0x38;
	[tilespmem:$0x17A00] =	vst v63  }
0x31: {  	_ =	swait.ge [sflag:s21], $0x4000  }
0x32: {  	[sflag:s21] =	ssyncset.done $0x0  }
0x33: {  	[sflag:s21] =	ssyncadd.s32 $0xFFFFC000  }
.LBB2_1:
0x34: {  	s23 =	rddreg [dreg:$0x0]  }
0x35: {  	[tilespmem:s0], [sflag:$0x1] =	stream.linear.gather [hbm4b:s23+s0], $0x4000, $0x38;
	[tilespmem:$0x17A00] =	vst v63  }
0x36: {  	_ = 	snop  }
0x37: {  	[tilespmem:s15], [sflag:$0x1] =	stream.linear.gather [hbm4b:s23+s0], $0x4000, $0x38;
	[tilespmem:$0x17A00] =	vst v63  }
0x38: {  	_ =	swait.ge [sflag:s16], $0x4000  }
0x39: {  	[sflag:s16] =	ssyncset.done $0x0  }
0x3a: {  	[sflag:s16] =	ssyncadd.s32 $0xFFFFC000  }
0x3b: {  	_ =	swait.ge [sflag:s16], $0x4000  }
0x3c: {  	[sflag:s16] =	ssyncset.done $0x0  }
0x3d: {  	s24 =	simm.s32 $0x8000;
	s29 =	rddreg [dreg:$0x3];
	[sflag:s16] =	ssyncadd.s32 $0xFFFFC000  }
0x3e: {  	[tilespmem:s24], [sflag:$0x1] =	stream.strided.gather [hbm4b:s29+s17], $0xC80, s18, s17, $0x38;
	[tilespmem:$0x17A00] =	vst v63  }
0x3f: {  	s26 =	simm.s32 $0x8C80;
	s25 =	rddreg [dreg:$0x4]  }
0x40: {  	[tilespmem:s26], [sflag:$0x1] =	stream.strided.gather [hbm4b:s25+s17], $0xC80, s18, s17, $0x38;
	[tilespmem:$0x17A00] =	vst v63  }
0x41: {  	s28 =	rddreg [dreg:$0xb];
	s29 =	simm.s32 $0x9900  }
0x42: {  	[tilespmem:s29], [sflag:$0x1] =	stream.strided.gather [hbm4b:s28+s17], $0xC80, s19, s17, $0x38;
	[tilespmem:$0x17A00] =	vst v63  }
0x43: {  	s25 =	rddreg [dreg:$0xc];
	s26 =	simm.s32 $0xA580  }
0x44: {  	[tilespmem:s26], [sflag:$0x1] =	stream.strided.gather [hbm4b:s25+s17], $0xC80, s19, s17, $0x38;
	[tilespmem:$0x17A00] =	vst v63  }
0x45: {  	s28 =	rddreg [dreg:$0xd];
	s29 =	simm.s32 $0xB200  }
0x46: {  	[tilespmem:s29], [sflag:$0x1] =	stream.strided.gather [hbm4b:s28+s17], $0xC80, s19, s17, $0x38;
	[tilespmem:$0x17A00] =	vst v63  }
0x47: {  	s25 =	rddreg [dreg:$0xe];
	s26 =	simm.s32 $0xBE80  }
0x48: {  	[tilespmem:s26], [sflag:$0x1] =	stream.strided.gather [hbm4b:s25+s17], $0xC80, s19, s17, $0x38;
	[tilespmem:$0x17A00] =	vst v63  }
0x49: {  	s28 =	rddreg [dreg:$0xf];
	s29 =	simm.s32 $0xCB00  }
0x4a: {  	[tilespmem:s29], [sflag:$0x1] =	stream.strided.gather [hbm4b:s28+s17], $0xC80, s19, s17, $0x38;
	[tilespmem:$0x17A00] =	vst v63  }
0x4b: {  	s25 =	rddreg [dreg:$0x10];
	s26 =	simm.s32 $0xD780  }
0x4c: {  	[tilespmem:s26], [sflag:$0x1] =	stream.strided.gather [hbm4b:s25+s17], $0xC80, s19, s17, $0x38;
	[tilespmem:$0x17A00] =	vst v63  }
0x4d: {  	s28 =	rddreg [dreg:$0x11];
	s29 =	simm.s32 $0xE400  }
0x4e: {  	[tilespmem:s29], [sflag:$0x1] =	stream.strided.gather [hbm4b:s28+s17], $0xC80, s19, s17, $0x38;
	[tilespmem:$0x17A00] =	vst v63  }
0x4f: {  	s25 =	rddreg [dreg:$0x12];
	s26 =	simm.s32 $0xF080  }
0x50: {  	[tilespmem:s26], [sflag:$0x1] =	stream.strided.gather [hbm4b:s25+s17], $0xC80, s19, s17, $0x38;
	[tilespmem:$0x17A00] =	vst v63  }
0x51: {  	s28 =	rddreg [dreg:$0x5];
	s29 =	simm.s32 $0xFD00  }
0x52: {  	[tilespmem:s29], [sflag:$0x2] =	stream.strided.gather [hbm4b:s28+s17], $0xC80, s18, s17, $0x38;
	[tilespmem:$0x17A00] =	vst v63  }
0x53: {  	s25 =	rddreg [dreg:$0x6];
	s26 =	simm.s32 $0x10980  }
0x54: {  	[tilespmem:s26], [sflag:$0x2] =	stream.strided.gather [hbm4b:s25+s17], $0xC80, s18, s17, $0x38;
	[tilespmem:$0x17A00] =	vst v63  }
0x55: {  	s28 =	rddreg [dreg:$0x13];
	s29 =	simm.s32 $0x11600  }
0x56: {  	[tilespmem:s29], [sflag:$0x2] =	stream.strided.gather [hbm4b:s28+s17], $0xC80, s19, s17, $0x38;
	[tilespmem:$0x17A00] =	vst v63  }
0x57: {  	s25 =	rddreg [dreg:$0x14];
	s26 =	simm.s32 $0x12280  }
0x58: {  	[tilespmem:s26], [sflag:$0x2] =	stream.strided.gather [hbm4b:s25+s17], $0xC80, s19, s17, $0x38;
	[tilespmem:$0x17A00] =	vst v63  }
0x59: {  	s28 =	rddreg [dreg:$0x15];
	s29 =	simm.s32 $0x12F00  }
0x5a: {  	[tilespmem:s29], [sflag:$0x2] =	stream.strided.gather [hbm4b:s28+s17], $0xC80, s19, s17, $0x38;
	[tilespmem:$0x17A00] =	vst v63  }
0x5b: {  	s25 =	rddreg [dreg:$0x16];
	s26 =	simm.s32 $0x13B80  }
0x5c: {  	[tilespmem:s26], [sflag:$0x2] =	stream.strided.gather [hbm4b:s25+s17], $0xC80, s19, s17, $0x38;
	[tilespmem:$0x17A00] =	vst v63  }
0x5d: {  	s28 =	rddreg [dreg:$0x17];
	s29 =	simm.s32 $0x14800  }
0x5e: {  	[tilespmem:s29], [sflag:$0x2] =	stream.strided.gather [hbm4b:s28+s17], $0xC80, s19, s17, $0x38;
	[tilespmem:$0x17A00] =	vst v63  }
0x5f: {  	s24 =	rddreg [dreg:$0x18];
	s25 =	simm.s32 $0x15480  }
0x60: {  	[tilespmem:s25], [sflag:$0x2] =	stream.strided.gather [hbm4b:s24+s17], $0xC80, s19, s17, $0x38;
	[tilespmem:$0x17A00] =	vst v63  }
0x61: {  	s26 =	rddreg [dreg:$0x19];
	s28 =	simm.s32 $0x16100  }
0x62: {  	[tilespmem:s28], [sflag:$0x2] =	stream.strided.gather [hbm4b:s26+s17], $0xC80, s19, s17, $0x38;
	[tilespmem:$0x17A00] =	vst v63  }
0x63: {  	s29 =	simm.s32 $0x16D80  }
0x64: {  	[tilespmem:s29], [sflag:$0x2] =	stream.strided.gather [hbm4b:s9+s17], $0xC80, s19, s17, $0x38;
	[tilespmem:$0x17A00] =	vst v63  }
0x65: {  	_ =	swait.ge [sflag:s16], $0xC80  }
0x66: {  	[sflag:s16] =	ssyncset.done $0x0  }
0x67: {  	[sflag:s16] =	ssyncadd.s32 $0xFFFFF380  }
0x68: {  	_ =	swait.ge [sflag:s16], $0xC80  }
0x69: {  	[sflag:s16] =	ssyncset.done $0x0  }
0x6a: {  	[sflag:s16] =	ssyncadd.s32 $0xFFFFF380  }
0x6b: {  	_ =	swait.ge [sflag:s16], $0xC80  }
0x6c: {  	[sflag:s16] =	ssyncset.done $0x0  }
0x6d: {  	[sflag:s16] =	ssyncadd.s32 $0xFFFFF380  }
0x6e: {  	_ =	swait.ge [sflag:s16], $0xC80  }
0x6f: {  	[sflag:s16] =	ssyncset.done $0x0  }
0x70: {  	[sflag:s16] =	ssyncadd.s32 $0xFFFFF380  }
0x71: {  	_ =	swait.ge [sflag:s16], $0xC80  }
0x72: {  	[sflag:s16] =	ssyncset.done $0x0  }
0x73: {  	[sflag:s16] =	ssyncadd.s32 $0xFFFFF380  }
0x74: {  	_ =	swait.ge [sflag:s16], $0xC80  }
0x75: {  	[sflag:s16] =	ssyncset.done $0x0  }
0x76: {  	[sflag:s16] =	ssyncadd.s32 $0xFFFFF380  }
0x77: {  	_ =	swait.ge [sflag:s16], $0xC80  }
0x78: {  	[sflag:s16] =	ssyncset.done $0x0  }
0x79: {  	[sflag:s16] =	ssyncadd.s32 $0xFFFFF380  }
0x7a: {  	_ =	swait.ge [sflag:s16], $0xC80  }
0x7b: {  	[sflag:s16] =	ssyncset.done $0x0  }
0x7c: {  	[sflag:s16] =	ssyncadd.s32 $0xFFFFF380  }
0x7d: {  	_ =	swait.ge [sflag:s16], $0xC80  }
.Ltmp2:
0x7e: {  	[sflag:s16] =	ssyncset.done $0x0;
	(pc) =	sbr.rel .LBB2_2-.Ltmp2, $4  }
0x7f: {  	[sflag:s16] =	ssyncadd.s32 $0xFFFFF380  }
0x80: {  	_ =	swait.ge [sflag:s16], $0xC80  }
0x81: {  	[sflag:s16] =	ssyncset.done $0x0  }
0x82: {  	s23 =	simm.s32 $0x0;
	[sflag:s16] =	ssyncadd.s32 $0xFFFFF380  }
.LBB2_33:
0x83: {  	v1 =	vmul.f32 v26, v2  }
0x84: {  	v41 =	vmul.f32 v27, v2;
	v3 =	vadd.s32 $0x1, v0  }
0x85: {  	v7 =	vadd.s32 $0x2, v0;
	v4 =	vmul.f32 v1, v13  }
0x86: {  	v8 =	vand.u32 $0xFFFFFF80, v0;
	v5 =	vand.u32 $0x7F, v5;
	v6 =	vmul.f32 v41, v13  }
0x87: {  	v5 =	vor.u32 v5, v8;
	v42 =	vmul.f32 v1, v21;
	[tilespmem:v0+s0+$0x0] =	vst.idx.add.f32.msk $0xffff, v4  }
0x88: {  	v43 =	vmul.f32 v41, v21;
	v8 =	vadd.s32 $0x80, v5;
	[tilespmem:v0+s15+$0x0] =	vst.idx.add.f32.msk $0xffff, v6  }
0x89: {  	v44 =	vmul.f32 v26, v10;
	v1 =	vmul.f32 v1, v23;
	[tilespmem:v3+s0+$0x0] =	vst.idx.add.f32.msk $0xffff, v42  }
0x8a: {  	v45 =	vmul.f32 v27, v10;
	v46 =	vadd.s32 $0x81, v0;
	v2 =	vmul.f32 v41, v23;
	[tilespmem:v3+s15+$0x0] =	vst.idx.add.f32.msk $0xffff, v43  }
0x8b: {  	v47 =	vmul.f32 v44, v13;
	[tilespmem:v7+s0+$0x0] =	vst.idx.add.f32.msk $0xffff, v1  }
0x8c: {  	v49 =	vadd.s32 $0x82, v0;
	v48 =	vmul.f32 v45, v13;
	[tilespmem:v7+s15+$0x0] =	vst.idx.add.f32.msk $0xffff, v2  }
0x8d: {  	v50 =	vmul.f32 v44, v21;
	[tilespmem:v8+s0+$0x0] =	vst.idx.add.f32.msk $0xffff, v47  }
0x8e: {  	v51 =	vmul.f32 v45, v21;
	v5 =	vadd.s32 $0x100, v5;
	[tilespmem:v8+s15+$0x0] =	vst.idx.add.f32.msk $0xffff, v48  }
0x8f: {  	v53 =	vmul.f32 v26, v24;
	v52 =	vmul.f32 v44, v23;
	[tilespmem:v46+s0+$0x0] =	vst.idx.add.f32.msk $0xffff, v50  }
0x90: {  	v55 =	vmul.f32 v27, v24;
	v56 =	vadd.s32 $0x101, v0;
	v54 =	vmul.f32 v45, v23;
	[tilespmem:v46+s15+$0x0] =	vst.idx.add.f32.msk $0xffff, v51  }
0x91: {  	v57 =	vmul.f32 v53, v13;
	[tilespmem:v49+s0+$0x0] =	vst.idx.add.f32.msk $0xffff, v52  }
0x92: {  	v59 =	vadd.s32 $0x102, v0;
	v58 =	vmul.f32 v55, v13;
	[tilespmem:v49+s15+$0x0] =	vst.idx.add.f32.msk $0xffff, v54  }
0x93: {  	v60 =	vmul.f32 v53, v21;
	[tilespmem:v5+s0+$0x0] =	vst.idx.add.f32.msk $0xffff, v57  }
0x94: {  	v61 =	vmul.f32 v55, v21;
	[tilespmem:v5+s15+$0x0] =	vst.idx.add.f32.msk $0xffff, v58  }
0x95: {  	v62 =	vmul.f32 v53, v23;
	[tilespmem:v56+s0+$0x0] =	vst.idx.add.f32.msk $0xffff, v60  }
0x96: {  	v63 =	vmul.f32 v55, v23;
	[tilespmem:v56+s15+$0x0] =	vst.idx.add.f32.msk $0xffff, v61  }
0x97: {  	[tilespmem:v59+s0+$0x0] =	vst.idx.add.f32.msk $0xffff, v62  }
0x98: {  	[tilespmem:v59+s15+$0x0] =	vst.idx.add.f32.msk $0xffff, v63  }
.LBB2_42:
0x99: {  	p0 =	slt.u32 s23, $0xC4  }
.Ltmp3:
0x9a: {  	_ = 	snop;
	(pc) =	sbr.rel @!p0 .LBB2_43-.Ltmp3, $3  }
0x9b: {  	_ =	sdelay $0x1  }
0x9c: {  	s24 =	sadd.s32 $0x4, s23  }
0x9d: {  	s23 =	smov.u32 s24  }
.LBB2_2:
0x9e: {  	s24 =	sshll.u32 s23, $0x4  }
0x9f: {  	v0 =	vld [tilespmem:s24+$0x8000]  }
0xa0: {  	v5 =	vld [tilespmem:s24+$0x8C80];
	_ =	sdelay $0x3  }
0xa1: {  	v0 =	vshll.u32 v0, $0x7  }
0xa2: {  	v0 =	vadd.s32 v5, v0  }
0xa3: {  	(xrf1) =	vunique.msk.u32 $0xffff, v0;
	_ =	sdelay $0xd  }
0xa4: {  	_, v1, _ =	vpop (xrf1)  }
0xa5: {  	v2 =	vxor.u32 $0x80000000, v1  }
0xa6: {  	(xrf0) =	vmin.scan.msk.u32 $0xffff, v2  }
0xa7: {  	(xrf0) =	vmax.scan.msk.u32 $0xffff, v2;
	_ =	sdelay $0x4  }
0xa8: {  	v2, _, _ =	vpop (xrf0)  }
0xa9: {  	(v2sf) =	vpush v2, $0xF;
	v2, _, _ =	vpop (xrf0)  }
0xaa: {  	(v2sf) =	vpush v2, $0xF;
	_ =	sdelay $0xd  }
0xab: {  	v10 =	vld [tilespmem:s24+$0xA580];
	s26 =	spop (v2sf)  }
0xac: {  	v24 =	vld [tilespmem:s24+$0xB200];
	s25 =	spop (v2sf)  }
0xad: {  	v13 =	vld [tilespmem:s24+$0xBE80];
	p0 =	sne.s32 s25, s26  }
.Ltmp4:
0xae: {  	v21 =	vld [tilespmem:s24+$0xCB00];
	(pc) =	sbr.rel @p0 .LBB2_4-.Ltmp4, $4  }
0xaf: {  	v23 =	vld [tilespmem:s24+$0xD780]  }
0xb0: {  	v26 =	vld [tilespmem:s24+$0xE400]  }
0xb1: {  	v27 =	vld [tilespmem:s24+$0xF080]  }
0xb2: {  	v2 =	vld [tilespmem:s24+$0x9900]  }
0xb3: {  	_ =	sdelay $0x3  }
0xb4: {  	v1 =	vmul.f32 v26, v2  }
0xb5: {  	v3 =	vadd.s32 $0x1, v0;
	v41 =	vmul.f32 v27, v2  }
0xb6: {  	v7 =	vadd.s32 $0x2, v0;
	v4 =	vmul.f32 v1, v13  }
0xb7: {  	v8 =	vand.u32 $0xFFFFFF80, v0;
	v5 =	vand.u32 $0x7F, v5;
	v6 =	vmul.f32 v41, v13  }
0xb8: {  	v5 =	vor.u32 v5, v8;
	v42 =	vmul.f32 v1, v21;
	[tilespmem:v0+s0+$0x0] =	vst.idx.add.f32.msk $0xffff, v4  }
0xb9: {  	v8 =	vadd.s32 $0x80, v5;
	v43 =	vmul.f32 v41, v21;
	[tilespmem:v0+s15+$0x0] =	vst.idx.add.f32.msk $0xffff, v6  }
0xba: {  	v44 =	vmul.f32 v26, v10;
	v1 =	vmul.f32 v1, v23;
	[tilespmem:v3+s0+$0x0] =	vst.idx.add.f32.msk $0xffff, v42  }
0xbb: {  	v46 =	vadd.s32 $0x81, v0;
	v45 =	vmul.f32 v27, v10;
	v2 =	vmul.f32 v41, v23;
	[tilespmem:v3+s15+$0x0] =	vst.idx.add.f32.msk $0xffff, v43  }
0xbc: {  	v47 =	vmul.f32 v44, v13;
	[tilespmem:v7+s0+$0x0] =	vst.idx.add.f32.msk $0xffff, v1  }
0xbd: {  	v49 =	vadd.s32 $0x82, v0;
	v48 =	vmul.f32 v45, v13;
	[tilespmem:v7+s15+$0x0] =	vst.idx.add.f32.msk $0xffff, v2  }
0xbe: {  	v50 =	vmul.f32 v44, v21;
	[tilespmem:v8+s0+$0x0] =	vst.idx.add.f32.msk $0xffff, v47  }
0xbf: {  	v5 =	vadd.s32 $0x100, v5;
	v51 =	vmul.f32 v45, v21;
	[tilespmem:v8+s15+$0x0] =	vst.idx.add.f32.msk $0xffff, v48  }
0xc0: {  	v53 =	vmul.f32 v26, v24;
	v52 =	vmul.f32 v44, v23;
	[tilespmem:v46+s0+$0x0] =	vst.idx.add.f32.msk $0xffff, v50  }
0xc1: {  	v56 =	vadd.s32 $0x101, v0;
	v55 =	vmul.f32 v27, v24;
	v54 =	vmul.f32 v45, v23;
	[tilespmem:v46+s15+$0x0] =	vst.idx.add.f32.msk $0xffff, v51  }
0xc2: {  	v57 =	vmul.f32 v53, v13;
	[tilespmem:v49+s0+$0x0] =	vst.idx.add.f32.msk $0xffff, v52  }
0xc3: {  	v59 =	vadd.s32 $0x102, v0;
	v58 =	vmul.f32 v55, v13;
	[tilespmem:v49+s15+$0x0] =	vst.idx.add.f32.msk $0xffff, v54  }
0xc4: {  	v60 =	vmul.f32 v53, v21;
	[tilespmem:v5+s0+$0x0] =	vst.idx.add.f32.msk $0xffff, v57  }
.Ltmp5:
0xc5: {  	v61 =	vmul.f32 v55, v21;
	[tilespmem:v5+s15+$0x0] =	vst.idx.add.f32.msk $0xffff, v58;
	(pc) =	sbr.rel .LBB2_12-.Ltmp5, $4  }
0xc6: {  	v62 =	vmul.f32 v53, v23;
	[tilespmem:v56+s0+$0x0] =	vst.idx.add.f32.msk $0xffff, v60  }
0xc7: {  	v63 =	vmul.f32 v55, v23;
	[tilespmem:v56+s15+$0x0] =	vst.idx.add.f32.msk $0xffff, v61  }
0xc8: {  	[tilespmem:v59+s0+$0x0] =	vst.idx.add.f32.msk $0xffff, v62  }
0xc9: {  	[tilespmem:v59+s15+$0x0] =	vst.idx.add.f32.msk $0xffff, v63  }
.LBB2_4:
0xca: {  	s28 =	sxor.u32 $0x80000000, s26;
	s29 =	sadd.s32 $0x80000001, s25  }
0xcb: {  	p0 =	sge.s32 s28, s29  }
.Ltmp6:
0xcc: {  	_ = 	snop;
	(pc) =	sbr.rel @p0 .LBB2_12-.Ltmp6, $1  }
0xcd: {  	_ =	sdelay $0x3  }
0xce: {  	v3 =	vmul.f32 v13, v2  }
0xcf: {  	v4 =	vmul.f32 v21, v2;
	v6 =	vmul.f32 v23, v2;
	v14 =	vadd.s32 $0x1, v0  }
0xd0: {  	v2 =	vadd.s32 $0x2, v0;
	v8 =	vand.u32 $0xFFFFFF80, v0;
	v12 =	vmul.f32 v21, v10  }
0xd1: {  	s26 =	sadd.s32 $0xFFFFFFFF, s26;
	v9 =	vand.u32 $0x7F, v5;
	v17 =	vmul.f32 v23, v10;
	v22 =	vmul.f32 v13, v24  }
0xd2: {  	v25 =	vmul.f32 v21, v24;
	v21 =	vadd.s32 $0x101, v0;
	v28 =	vmul.f32 v23, v24;
	s28 =	sadd.s32 $0x80000001, s26  }
0xd3: {  	v7 =	vmul.f32 v26, v3;
	v11 =	vmul.f32 v27, v3;
	vm6 =	veq.s32 v1, s28  }
0xd4: {  	v23 =	vadd.s32 $0x102, v0;
	v15 =	vmul.f32 v26, v4;
	v20 =	vmul.f32 v27, v4  }
0xd5: {  	v19 =	vor.u32 v9, v8;
	v3 =	vmul.f32 v26, v6;
	v4 =	vmul.f32 v27, v6  }
0xd6: {  	s26 =	sadd.s32 $0x1, s26;
	v6 =	vmul.f32 v13, v10;
	v8 =	vadd.s32 $0x80, v19;
	v9 =	vmul.f32 v26, v12  }
0xd7: {  	v12 =	vmul.f32 v27, v12;
	v16 =	vmul.f32 v26, v17;
	p1 =	sne.s32 s25, s26;
	vm0 =	vmmov vm6  }
.Ltmp7:
0xd8: {  	v10 =	vadd.s32 $0x81, v0;
	v17 =	vmul.f32 v27, v17;
	v18 =	vmul.f32 v26, v22;
	(pc) =	sbr.rel @!p1 .LBB2_6-.Ltmp7, $4  }
0xd9: {  	v13 =	vadd.s32 $0x82, v0;
	v22 =	vmul.f32 v27, v22;
	v24 =	vmul.f32 v26, v25;
	[tilespmem:v0+s0+$0x0] =	vst.idx.add.f32.msk vm6, v7  }
0xda: {  	v19 =	vadd.s32 $0x100, v19;
	v25 =	vmul.f32 v27, v25;
	v5 =	vmul.f32 v26, v6;
	[tilespmem:v0+s15+$0x0] =	vst.idx.add.f32.msk vm6, v11  }
0xdb: {  	vm1 =	vmmov vm6;
	v6 =	vmul.f32 v27, v6;
	v27 =	vmul.f32 v27, v28;
	[tilespmem:v14+s0+$0x0] =	vst.idx.add.f32.msk vm6, v15  }
0xdc: {  	p0 =	por $0x0, $0x0;
	vm2 =	vmmov vm6;
	vm3 =	vmmov vm6;
	v26 =	vmul.f32 v26, v28;
	[tilespmem:v14+s15+$0x0] =	vst.idx.add.f32.msk vm6, v20  }
0xdd: {  	_ =	sdelay $0x4  }
0xde: {  	s28 =	sadd.s32 $0x80000001, s26;
	[tilespmem:v2+s0+$0x0] =	vst.idx.add.f32.msk vm6, v3  }
0xdf: {  	vm4 =	veq.s32 v1, s28;
	[tilespmem:v2+s15+$0x0] =	vst.idx.add.f32.msk vm1, v4  }
0xe0: {  	[tilespmem:v8+s0+$0x0] =	vst.idx.add.f32.msk vm2, v5  }
0xe1: {  	[tilespmem:v8+s15+$0x0] =	vst.idx.add.f32.msk vm3, v6  }
0xe2: {  	[tilespmem:v10+s0+$0x0] =	vst.idx.add.f32.msk vm0, v9  }
0xe3: {  	[tilespmem:v10+s15+$0x0] =	vst.idx.add.f32.msk vm0, v12  }
0xe4: {  	[tilespmem:v13+s0+$0x0] =	vst.idx.add.f32.msk vm0, v16  }
0xe5: {  	[tilespmem:v0+s0+$0x0] =	vst.idx.add.f32.msk vm4, v7  }
0xe6: {  	[tilespmem:v13+s15+$0x0] =	vst.idx.add.f32.msk vm0, v17  }
0xe7: {  	[tilespmem:v0+s15+$0x0] =	vst.idx.add.f32.msk vm4, v11  }
0xe8: {  	s26 =	sadd.s32 $0x1, s26;
	[tilespmem:v19+s0+$0x0] =	vst.idx.add.f32.msk vm0, v18  }
0xe9: {  	p1 =	sne.s32 s25, s26;
	[tilespmem:v14+s0+$0x0] =	vst.idx.add.f32.msk vm4, v15  }
.Ltmp8:
0xea: {  	[tilespmem:v19+s15+$0x0] =	vst.idx.add.f32.msk vm0, v22;
	(pc) =	sbr.rel @!p1 .LBB2_8-.Ltmp8, $4  }
0xeb: {  	vm1 =	vmmov vm4;
	[tilespmem:v14+s15+$0x0] =	vst.idx.add.f32.msk vm4, v20  }
0xec: {  	vm2 =	vmmov vm4;
	[tilespmem:v21+s0+$0x0] =	vst.idx.add.f32.msk vm0, v24  }
0xed: {  	vm3 =	vmmov vm4;
	[tilespmem:v21+s15+$0x0] =	vst.idx.add.f32.msk vm0, v25  }
0xee: {  	p0 =	por $0x1, $0x1;
	vm5 =	vmmov vm4;
	[tilespmem:v23+s0+$0x0] =	vst.idx.add.f32.msk vm0, v26  }
.LBB2_9:
0xef: {  	s28 =	sadd.s32 $0x80000001, s26;
	s26 =	sadd.s32 $0x1, s26;
	[tilespmem:v23+s15+$0x0] =	vst.idx.add.f32.msk vm0, v27;
	vm0 =	vmmov vm4  }
0xf0: {  	p1 =	sne.s32 s25, s26;
	[tilespmem:v2+s0+$0x0] =	vst.idx.add.f32.msk vm4, v3;
	vm4 =	veq.s32 v1, s28  }
0xf1: {  	[tilespmem:v2+s15+$0x0] =	vst.idx.add.f32.msk vm1, v4;
	vm1 =	vmmov vm4  }
0xf2: {  	[tilespmem:v8+s0+$0x0] =	vst.idx.add.f32.msk vm2, v5;
	vm2 =	vmmov vm4  }
0xf3: {  	[tilespmem:v8+s15+$0x0] =	vst.idx.add.f32.msk vm3, v6;
	vm3 =	vmmov vm4  }
0xf4: {  	[tilespmem:v10+s0+$0x0] =	vst.idx.add.f32.msk vm5, v9;
	vm5 =	vmmov vm4  }
0xf5: {  	[tilespmem:v10+s15+$0x0] =	vst.idx.add.f32.msk vm0, v12  }
0xf6: {  	[tilespmem:v0+s0+$0x0] =	vst.idx.add.f32.msk vm4, v7  }
0xf7: {  	[tilespmem:v0+s15+$0x0] =	vst.idx.add.f32.msk vm4, v11  }
0xf8: {  	[tilespmem:v14+s0+$0x0] =	vst.idx.add.f32.msk vm4, v15  }
0xf9: {  	[tilespmem:v14+s15+$0x0] =	vst.idx.add.f32.msk vm4, v20  }
0xfa: {  	[tilespmem:v13+s0+$0x0] =	vst.idx.add.f32.msk vm0, v16  }
0xfb: {  	[tilespmem:v13+s15+$0x0] =	vst.idx.add.f32.msk vm0, v17  }
.Ltmp9:
0xfc: {  	[tilespmem:v19+s0+$0x0] =	vst.idx.add.f32.msk vm0, v18;
	(pc) =	sbr.rel @p1 .LBB2_9-.Ltmp9, $4  }
0xfd: {  	[tilespmem:v19+s15+$0x0] =	vst.idx.add.f32.msk vm0, v22  }
0xfe: {  	[tilespmem:v21+s0+$0x0] =	vst.idx.add.f32.msk vm0, v24  }
0xff: {  	[tilespmem:v21+s15+$0x0] =	vst.idx.add.f32.msk vm0, v25  }
0x100: {  	[tilespmem:v23+s0+$0x0] =	vst.idx.add.f32.msk vm0, v26  }
0x101: {  	vm7 =	vmmov vm0;
	vm6 =	vmmov vm4;
	vm0 =	vmmov vm5  }
.LBB2_11:
0x102: {  	_ =	sdelay $0x4  }
0x103: {  	[tilespmem:v23+s15+$0x0] =	vst.idx.add.f32.msk @p0 vm7, v27  }
0x104: {  	[tilespmem:v2+s0+$0x0] =	vst.idx.add.f32.msk vm6, v3  }
0x105: {  	[tilespmem:v2+s15+$0x0] =	vst.idx.add.f32.msk vm1, v4  }
0x106: {  	[tilespmem:v8+s0+$0x0] =	vst.idx.add.f32.msk vm2, v5  }
0x107: {  	[tilespmem:v8+s15+$0x0] =	vst.idx.add.f32.msk vm3, v6  }
0x108: {  	[tilespmem:v10+s0+$0x0] =	vst.idx.add.f32.msk vm0, v9  }
0x109: {  	[tilespmem:v10+s15+$0x0] =	vst.idx.add.f32.msk vm6, v12  }
0x10a: {  	[tilespmem:v13+s0+$0x0] =	vst.idx.add.f32.msk vm6, v16  }
0x10b: {  	[tilespmem:v13+s15+$0x0] =	vst.idx.add.f32.msk vm6, v17  }
0x10c: {  	[tilespmem:v19+s0+$0x0] =	vst.idx.add.f32.msk vm6, v18  }
0x10d: {  	[tilespmem:v19+s15+$0x0] =	vst.idx.add.f32.msk vm6, v22  }
0x10e: {  	[tilespmem:v21+s0+$0x0] =	vst.idx.add.f32.msk vm6, v24  }
0x10f: {  	[tilespmem:v21+s15+$0x0] =	vst.idx.add.f32.msk vm6, v25  }
0x110: {  	[tilespmem:v23+s0+$0x0] =	vst.idx.add.f32.msk vm6, v26  }
0x111: {  	vm4 =	vmmov vm6;
	[tilespmem:v23+s15+$0x0] =	vst.idx.add.f32.msk vm6, v27  }
.LBB2_12:
0x112: {  	v0 =	vld [tilespmem:s24+$0x8010]  }
0x113: {  	v5 =	vld [tilespmem:s24+$0x8C90];
	_ =	sdelay $0x3  }
0x114: {  	v0 =	vshll.u32 v0, $0x7  }
0x115: {  	v0 =	vadd.s32 v5, v0  }
0x116: {  	(xrf1) =	vunique.msk.u32 $0xffff, v0;
	_ =	sdelay $0xd  }
0x117: {  	_, v1, _ =	vpop (xrf1)  }
0x118: {  	v2 =	vxor.u32 $0x80000000, v1  }
0x119: {  	(xrf0) =	vmin.scan.msk.u32 $0xffff, v2  }
0x11a: {  	(xrf0) =	vmax.scan.msk.u32 $0xffff, v2;
	_ =	sdelay $0x4  }
0x11b: {  	v2, _, _ =	vpop (xrf0)  }
0x11c: {  	(v2sf) =	vpush v2, $0xF;
	v2, _, _ =	vpop (xrf0)  }
0x11d: {  	(v2sf) =	vpush v2, $0xF;
	_ =	sdelay $0xd  }
0x11e: {  	v10 =	vld [tilespmem:s24+$0xA590];
	s26 =	spop (v2sf)  }
0x11f: {  	v24 =	vld [tilespmem:s24+$0xB210];
	s25 =	spop (v2sf)  }
0x120: {  	v13 =	vld [tilespmem:s24+$0xBE90];
	p0 =	sne.s32 s25, s26  }
.Ltmp10:
0x121: {  	v21 =	vld [tilespmem:s24+$0xCB10];
	(pc) =	sbr.rel @p0 .LBB2_14-.Ltmp10, $4  }
0x122: {  	v23 =	vld [tilespmem:s24+$0xD790]  }
0x123: {  	v26 =	vld [tilespmem:s24+$0xE410]  }
0x124: {  	v27 =	vld [tilespmem:s24+$0xF090]  }
0x125: {  	v2 =	vld [tilespmem:s24+$0x9910]  }
0x126: {  	_ =	sdelay $0x3  }
0x127: {  	v1 =	vmul.f32 v26, v2  }
0x128: {  	v3 =	vadd.s32 $0x1, v0;
	v41 =	vmul.f32 v27, v2  }
0x129: {  	v7 =	vadd.s32 $0x2, v0;
	v4 =	vmul.f32 v1, v13  }
0x12a: {  	v8 =	vand.u32 $0xFFFFFF80, v0;
	v5 =	vand.u32 $0x7F, v5;
	v6 =	vmul.f32 v41, v13  }
0x12b: {  	v5 =	vor.u32 v5, v8;
	v42 =	vmul.f32 v1, v21;
	[tilespmem:v0+s0+$0x0] =	vst.idx.add.f32.msk $0xffff, v4  }
0x12c: {  	v8 =	vadd.s32 $0x80, v5;
	v43 =	vmul.f32 v41, v21;
	[tilespmem:v0+s15+$0x0] =	vst.idx.add.f32.msk $0xffff, v6  }
0x12d: {  	v44 =	vmul.f32 v26, v10;
	v1 =	vmul.f32 v1, v23;
	[tilespmem:v3+s0+$0x0] =	vst.idx.add.f32.msk $0xffff, v42  }
0x12e: {  	v46 =	vadd.s32 $0x81, v0;
	v45 =	vmul.f32 v27, v10;
	v2 =	vmul.f32 v41, v23;
	[tilespmem:v3+s15+$0x0] =	vst.idx.add.f32.msk $0xffff, v43  }
0x12f: {  	v47 =	vmul.f32 v44, v13;
	[tilespmem:v7+s0+$0x0] =	vst.idx.add.f32.msk $0xffff, v1  }
0x130: {  	v49 =	vadd.s32 $0x82, v0;
	v48 =	vmul.f32 v45, v13;
	[tilespmem:v7+s15+$0x0] =	vst.idx.add.f32.msk $0xffff, v2  }
0x131: {  	v50 =	vmul.f32 v44, v21;
	[tilespmem:v8+s0+$0x0] =	vst.idx.add.f32.msk $0xffff, v47  }
0x132: {  	v5 =	vadd.s32 $0x100, v5;
	v51 =	vmul.f32 v45, v21;
	[tilespmem:v8+s15+$0x0] =	vst.idx.add.f32.msk $0xffff, v48  }
0x133: {  	v53 =	vmul.f32 v26, v24;
	v52 =	vmul.f32 v44, v23;
	[tilespmem:v46+s0+$0x0] =	vst.idx.add.f32.msk $0xffff, v50  }
0x134: {  	v56 =	vadd.s32 $0x101, v0;
	v55 =	vmul.f32 v27, v24;
	v54 =	vmul.f32 v45, v23;
	[tilespmem:v46+s15+$0x0] =	vst.idx.add.f32.msk $0xffff, v51  }
0x135: {  	v57 =	vmul.f32 v53, v13;
	[tilespmem:v49+s0+$0x0] =	vst.idx.add.f32.msk $0xffff, v52  }
0x136: {  	v59 =	vadd.s32 $0x102, v0;
	v58 =	vmul.f32 v55, v13;
	[tilespmem:v49+s15+$0x0] =	vst.idx.add.f32.msk $0xffff, v54  }
0x137: {  	v60 =	vmul.f32 v53, v21;
	[tilespmem:v5+s0+$0x0] =	vst.idx.add.f32.msk $0xffff, v57  }
.Ltmp11:
0x138: {  	v61 =	vmul.f32 v55, v21;
	[tilespmem:v5+s15+$0x0] =	vst.idx.add.f32.msk $0xffff, v58;
	(pc) =	sbr.rel .LBB2_22-.Ltmp11, $4  }
0x139: {  	v62 =	vmul.f32 v53, v23;
	[tilespmem:v56+s0+$0x0] =	vst.idx.add.f32.msk $0xffff, v60  }
0x13a: {  	v63 =	vmul.f32 v55, v23;
	[tilespmem:v56+s15+$0x0] =	vst.idx.add.f32.msk $0xffff, v61  }
0x13b: {  	[tilespmem:v59+s0+$0x0] =	vst.idx.add.f32.msk $0xffff, v62  }
0x13c: {  	[tilespmem:v59+s15+$0x0] =	vst.idx.add.f32.msk $0xffff, v63  }
.LBB2_14:
0x13d: {  	s28 =	sxor.u32 $0x80000000, s26;
	s29 =	sadd.s32 $0x80000001, s25  }
0x13e: {  	p0 =	sge.s32 s28, s29  }
.Ltmp12:
0x13f: {  	_ = 	snop;
	(pc) =	sbr.rel @p0 .LBB2_22-.Ltmp12, $1  }
0x140: {  	_ =	sdelay $0x3  }
0x141: {  	v3 =	vmul.f32 v13, v2  }
0x142: {  	v4 =	vmul.f32 v21, v2;
	v6 =	vmul.f32 v23, v2;
	v14 =	vadd.s32 $0x1, v0  }
0x143: {  	v2 =	vadd.s32 $0x2, v0;
	v8 =	vand.u32 $0xFFFFFF80, v0;
	v12 =	vmul.f32 v21, v10  }
0x144: {  	s26 =	sadd.s32 $0xFFFFFFFF, s26;
	v9 =	vand.u32 $0x7F, v5;
	v17 =	vmul.f32 v23, v10;
	v22 =	vmul.f32 v13, v24  }
0x145: {  	v25 =	vmul.f32 v21, v24;
	v21 =	vadd.s32 $0x101, v0;
	v28 =	vmul.f32 v23, v24;
	s28 =	sadd.s32 $0x80000001, s26  }
0x146: {  	v7 =	vmul.f32 v26, v3;
	v11 =	vmul.f32 v27, v3;
	vm6 =	veq.s32 v1, s28  }
0x147: {  	v23 =	vadd.s32 $0x102, v0;
	v15 =	vmul.f32 v26, v4;
	v20 =	vmul.f32 v27, v4  }
0x148: {  	v19 =	vor.u32 v9, v8;
	v3 =	vmul.f32 v26, v6;
	v4 =	vmul.f32 v27, v6  }
0x149: {  	s26 =	sadd.s32 $0x1, s26;
	v6 =	vmul.f32 v13, v10;
	v8 =	vadd.s32 $0x80, v19;
	v9 =	vmul.f32 v26, v12  }
0x14a: {  	v12 =	vmul.f32 v27, v12;
	v16 =	vmul.f32 v26, v17;
	p1 =	sne.s32 s25, s26;
	vm0 =	vmmov vm6  }
.Ltmp13:
0x14b: {  	v10 =	vadd.s32 $0x81, v0;
	v17 =	vmul.f32 v27, v17;
	v18 =	vmul.f32 v26, v22;
	(pc) =	sbr.rel @!p1 .LBB2_16-.Ltmp13, $4  }
0x14c: {  	v13 =	vadd.s32 $0x82, v0;
	v22 =	vmul.f32 v27, v22;
	v24 =	vmul.f32 v26, v25;
	[tilespmem:v0+s0+$0x0] =	vst.idx.add.f32.msk vm6, v7  }
0x14d: {  	v19 =	vadd.s32 $0x100, v19;
	v25 =	vmul.f32 v27, v25;
	v5 =	vmul.f32 v26, v6;
	[tilespmem:v0+s15+$0x0] =	vst.idx.add.f32.msk vm6, v11  }
0x14e: {  	vm1 =	vmmov vm6;
	v6 =	vmul.f32 v27, v6;
	v27 =	vmul.f32 v27, v28;
	[tilespmem:v14+s0+$0x0] =	vst.idx.add.f32.msk vm6, v15  }
0x14f: {  	p0 =	por $0x0, $0x0;
	vm2 =	vmmov vm6;
	vm3 =	vmmov vm6;
	v26 =	vmul.f32 v26, v28;
	[tilespmem:v14+s15+$0x0] =	vst.idx.add.f32.msk vm6, v20  }
0x150: {  	_ =	sdelay $0x4  }
0x151: {  	s28 =	sadd.s32 $0x80000001, s26;
	[tilespmem:v2+s0+$0x0] =	vst.idx.add.f32.msk vm6, v3  }
0x152: {  	vm4 =	veq.s32 v1, s28;
	[tilespmem:v2+s15+$0x0] =	vst.idx.add.f32.msk vm1, v4  }
0x153: {  	[tilespmem:v8+s0+$0x0] =	vst.idx.add.f32.msk vm2, v5  }
0x154: {  	[tilespmem:v8+s15+$0x0] =	vst.idx.add.f32.msk vm3, v6  }
0x155: {  	[tilespmem:v10+s0+$0x0] =	vst.idx.add.f32.msk vm0, v9  }
0x156: {  	[tilespmem:v10+s15+$0x0] =	vst.idx.add.f32.msk vm0, v12  }
0x157: {  	[tilespmem:v13+s0+$0x0] =	vst.idx.add.f32.msk vm0, v16  }
0x158: {  	[tilespmem:v0+s0+$0x0] =	vst.idx.add.f32.msk vm4, v7  }
0x159: {  	[tilespmem:v13+s15+$0x0] =	vst.idx.add.f32.msk vm0, v17  }
0x15a: {  	[tilespmem:v0+s15+$0x0] =	vst.idx.add.f32.msk vm4, v11  }
0x15b: {  	s26 =	sadd.s32 $0x1, s26;
	[tilespmem:v19+s0+$0x0] =	vst.idx.add.f32.msk vm0, v18  }
0x15c: {  	p1 =	sne.s32 s25, s26;
	[tilespmem:v14+s0+$0x0] =	vst.idx.add.f32.msk vm4, v15  }
.Ltmp14:
0x15d: {  	[tilespmem:v19+s15+$0x0] =	vst.idx.add.f32.msk vm0, v22;
	(pc) =	sbr.rel @!p1 .LBB2_18-.Ltmp14, $4  }
0x15e: {  	vm1 =	vmmov vm4;
	[tilespmem:v14+s15+$0x0] =	vst.idx.add.f32.msk vm4, v20  }
0x15f: {  	vm2 =	vmmov vm4;
	[tilespmem:v21+s0+$0x0] =	vst.idx.add.f32.msk vm0, v24  }
0x160: {  	vm3 =	vmmov vm4;
	[tilespmem:v21+s15+$0x0] =	vst.idx.add.f32.msk vm0, v25  }
0x161: {  	p0 =	por $0x1, $0x1;
	vm5 =	vmmov vm4;
	[tilespmem:v23+s0+$0x0] =	vst.idx.add.f32.msk vm0, v26  }
.LBB2_19:
0x162: {  	s28 =	sadd.s32 $0x80000001, s26;
	s26 =	sadd.s32 $0x1, s26;
	[tilespmem:v23+s15+$0x0] =	vst.idx.add.f32.msk vm0, v27;
	vm0 =	vmmov vm4  }
0x163: {  	p1 =	sne.s32 s25, s26;
	[tilespmem:v2+s0+$0x0] =	vst.idx.add.f32.msk vm4, v3;
	vm4 =	veq.s32 v1, s28  }
0x164: {  	[tilespmem:v2+s15+$0x0] =	vst.idx.add.f32.msk vm1, v4;
	vm1 =	vmmov vm4  }
0x165: {  	[tilespmem:v8+s0+$0x0] =	vst.idx.add.f32.msk vm2, v5;
	vm2 =	vmmov vm4  }
0x166: {  	[tilespmem:v8+s15+$0x0] =	vst.idx.add.f32.msk vm3, v6;
	vm3 =	vmmov vm4  }
0x167: {  	[tilespmem:v10+s0+$0x0] =	vst.idx.add.f32.msk vm5, v9;
	vm5 =	vmmov vm4  }
0x168: {  	[tilespmem:v10+s15+$0x0] =	vst.idx.add.f32.msk vm0, v12  }
0x169: {  	[tilespmem:v0+s0+$0x0] =	vst.idx.add.f32.msk vm4, v7  }
0x16a: {  	[tilespmem:v0+s15+$0x0] =	vst.idx.add.f32.msk vm4, v11  }
0x16b: {  	[tilespmem:v14+s0+$0x0] =	vst.idx.add.f32.msk vm4, v15  }
0x16c: {  	[tilespmem:v14+s15+$0x0] =	vst.idx.add.f32.msk vm4, v20  }
0x16d: {  	[tilespmem:v13+s0+$0x0] =	vst.idx.add.f32.msk vm0, v16  }
0x16e: {  	[tilespmem:v13+s15+$0x0] =	vst.idx.add.f32.msk vm0, v17  }
.Ltmp15:
0x16f: {  	[tilespmem:v19+s0+$0x0] =	vst.idx.add.f32.msk vm0, v18;
	(pc) =	sbr.rel @p1 .LBB2_19-.Ltmp15, $4  }
0x170: {  	[tilespmem:v19+s15+$0x0] =	vst.idx.add.f32.msk vm0, v22  }
0x171: {  	[tilespmem:v21+s0+$0x0] =	vst.idx.add.f32.msk vm0, v24  }
0x172: {  	[tilespmem:v21+s15+$0x0] =	vst.idx.add.f32.msk vm0, v25  }
0x173: {  	[tilespmem:v23+s0+$0x0] =	vst.idx.add.f32.msk vm0, v26  }
0x174: {  	vm7 =	vmmov vm0;
	vm6 =	vmmov vm4;
	vm0 =	vmmov vm5  }
.LBB2_21:
0x175: {  	_ =	sdelay $0x4  }
0x176: {  	[tilespmem:v23+s15+$0x0] =	vst.idx.add.f32.msk @p0 vm7, v27  }
0x177: {  	[tilespmem:v2+s0+$0x0] =	vst.idx.add.f32.msk vm6, v3  }
0x178: {  	[tilespmem:v2+s15+$0x0] =	vst.idx.add.f32.msk vm1, v4  }
0x179: {  	[tilespmem:v8+s0+$0x0] =	vst.idx.add.f32.msk vm2, v5  }
0x17a: {  	[tilespmem:v8+s15+$0x0] =	vst.idx.add.f32.msk vm3, v6  }
0x17b: {  	[tilespmem:v10+s0+$0x0] =	vst.idx.add.f32.msk vm0, v9  }
0x17c: {  	[tilespmem:v10+s15+$0x0] =	vst.idx.add.f32.msk vm6, v12  }
0x17d: {  	[tilespmem:v13+s0+$0x0] =	vst.idx.add.f32.msk vm6, v16  }
0x17e: {  	[tilespmem:v13+s15+$0x0] =	vst.idx.add.f32.msk vm6, v17  }
0x17f: {  	[tilespmem:v19+s0+$0x0] =	vst.idx.add.f32.msk vm6, v18  }
0x180: {  	[tilespmem:v19+s15+$0x0] =	vst.idx.add.f32.msk vm6, v22  }
0x181: {  	[tilespmem:v21+s0+$0x0] =	vst.idx.add.f32.msk vm6, v24  }
0x182: {  	[tilespmem:v21+s15+$0x0] =	vst.idx.add.f32.msk vm6, v25  }
0x183: {  	[tilespmem:v23+s0+$0x0] =	vst.idx.add.f32.msk vm6, v26  }
0x184: {  	vm4 =	vmmov vm6;
	[tilespmem:v23+s15+$0x0] =	vst.idx.add.f32.msk vm6, v27  }
.LBB2_22:
0x185: {  	v0 =	vld [tilespmem:s24+$0x8020]  }
0x186: {  	v5 =	vld [tilespmem:s24+$0x8CA0];
	_ =	sdelay $0x3  }
0x187: {  	v0 =	vshll.u32 v0, $0x7  }
0x188: {  	v0 =	vadd.s32 v5, v0  }
0x189: {  	(xrf1) =	vunique.msk.u32 $0xffff, v0;
	_ =	sdelay $0xd  }
0x18a: {  	_, v1, _ =	vpop (xrf1)  }
0x18b: {  	v2 =	vxor.u32 $0x80000000, v1  }
0x18c: {  	(xrf0) =	vmin.scan.msk.u32 $0xffff, v2  }
0x18d: {  	(xrf0) =	vmax.scan.msk.u32 $0xffff, v2;
	_ =	sdelay $0x4  }
0x18e: {  	v2, _, _ =	vpop (xrf0)  }
0x18f: {  	(v2sf) =	vpush v2, $0xF;
	v2, _, _ =	vpop (xrf0)  }
0x190: {  	(v2sf) =	vpush v2, $0xF;
	_ =	sdelay $0xd  }
0x191: {  	v10 =	vld [tilespmem:s24+$0xA5A0];
	s26 =	spop (v2sf)  }
0x192: {  	v24 =	vld [tilespmem:s24+$0xB220];
	s25 =	spop (v2sf)  }
0x193: {  	v13 =	vld [tilespmem:s24+$0xBEA0];
	p0 =	sne.s32 s25, s26  }
.Ltmp16:
0x194: {  	v21 =	vld [tilespmem:s24+$0xCB20];
	(pc) =	sbr.rel @p0 .LBB2_24-.Ltmp16, $4  }
0x195: {  	v23 =	vld [tilespmem:s24+$0xD7A0]  }
0x196: {  	v26 =	vld [tilespmem:s24+$0xE420]  }
0x197: {  	v27 =	vld [tilespmem:s24+$0xF0A0]  }
0x198: {  	v2 =	vld [tilespmem:s24+$0x9920]  }
0x199: {  	_ =	sdelay $0x3  }
0x19a: {  	v1 =	vmul.f32 v26, v2  }
0x19b: {  	v3 =	vadd.s32 $0x1, v0;
	v41 =	vmul.f32 v27, v2  }
0x19c: {  	v7 =	vadd.s32 $0x2, v0;
	v4 =	vmul.f32 v1, v13  }
0x19d: {  	v8 =	vand.u32 $0xFFFFFF80, v0;
	v5 =	vand.u32 $0x7F, v5;
	v6 =	vmul.f32 v41, v13  }
0x19e: {  	v5 =	vor.u32 v5, v8;
	v42 =	vmul.f32 v1, v21;
	[tilespmem:v0+s0+$0x0] =	vst.idx.add.f32.msk $0xffff, v4  }
0x19f: {  	v8 =	vadd.s32 $0x80, v5;
	v43 =	vmul.f32 v41, v21;
	[tilespmem:v0+s15+$0x0] =	vst.idx.add.f32.msk $0xffff, v6  }
0x1a0: {  	v44 =	vmul.f32 v26, v10;
	v1 =	vmul.f32 v1, v23;
	[tilespmem:v3+s0+$0x0] =	vst.idx.add.f32.msk $0xffff, v42  }
0x1a1: {  	v46 =	vadd.s32 $0x81, v0;
	v45 =	vmul.f32 v27, v10;
	v2 =	vmul.f32 v41, v23;
	[tilespmem:v3+s15+$0x0] =	vst.idx.add.f32.msk $0xffff, v43  }
0x1a2: {  	v47 =	vmul.f32 v44, v13;
	[tilespmem:v7+s0+$0x0] =	vst.idx.add.f32.msk $0xffff, v1  }
0x1a3: {  	v49 =	vadd.s32 $0x82, v0;
	v48 =	vmul.f32 v45, v13;
	[tilespmem:v7+s15+$0x0] =	vst.idx.add.f32.msk $0xffff, v2  }
0x1a4: {  	v50 =	vmul.f32 v44, v21;
	[tilespmem:v8+s0+$0x0] =	vst.idx.add.f32.msk $0xffff, v47  }
0x1a5: {  	v5 =	vadd.s32 $0x100, v5;
	v51 =	vmul.f32 v45, v21;
	[tilespmem:v8+s15+$0x0] =	vst.idx.add.f32.msk $0xffff, v48  }
0x1a6: {  	v53 =	vmul.f32 v26, v24;
	v52 =	vmul.f32 v44, v23;
	[tilespmem:v46+s0+$0x0] =	vst.idx.add.f32.msk $0xffff, v50  }
0x1a7: {  	v56 =	vadd.s32 $0x101, v0;
	v55 =	vmul.f32 v27, v24;
	v54 =	vmul.f32 v45, v23;
	[tilespmem:v46+s15+$0x0] =	vst.idx.add.f32.msk $0xffff, v51  }
0x1a8: {  	v57 =	vmul.f32 v53, v13;
	[tilespmem:v49+s0+$0x0] =	vst.idx.add.f32.msk $0xffff, v52  }
0x1a9: {  	v59 =	vadd.s32 $0x102, v0;
	v58 =	vmul.f32 v55, v13;
	[tilespmem:v49+s15+$0x0] =	vst.idx.add.f32.msk $0xffff, v54  }
0x1aa: {  	v60 =	vmul.f32 v53, v21;
	[tilespmem:v5+s0+$0x0] =	vst.idx.add.f32.msk $0xffff, v57  }
.Ltmp17:
0x1ab: {  	v61 =	vmul.f32 v55, v21;
	[tilespmem:v5+s15+$0x0] =	vst.idx.add.f32.msk $0xffff, v58;
	(pc) =	sbr.rel .LBB2_32-.Ltmp17, $4  }
0x1ac: {  	v62 =	vmul.f32 v53, v23;
	[tilespmem:v56+s0+$0x0] =	vst.idx.add.f32.msk $0xffff, v60  }
0x1ad: {  	v63 =	vmul.f32 v55, v23;
	[tilespmem:v56+s15+$0x0] =	vst.idx.add.f32.msk $0xffff, v61  }
0x1ae: {  	[tilespmem:v59+s0+$0x0] =	vst.idx.add.f32.msk $0xffff, v62  }
0x1af: {  	[tilespmem:v59+s15+$0x0] =	vst.idx.add.f32.msk $0xffff, v63  }
.LBB2_24:
0x1b0: {  	s28 =	sxor.u32 $0x80000000, s26;
	s29 =	sadd.s32 $0x80000001, s25  }
0x1b1: {  	p0 =	sge.s32 s28, s29  }
.Ltmp18:
0x1b2: {  	_ = 	snop;
	(pc) =	sbr.rel @p0 .LBB2_32-.Ltmp18, $1  }
0x1b3: {  	_ =	sdelay $0x3  }
0x1b4: {  	v3 =	vmul.f32 v13, v2  }
0x1b5: {  	v4 =	vmul.f32 v21, v2;
	v6 =	vmul.f32 v23, v2;
	v14 =	vadd.s32 $0x1, v0  }
0x1b6: {  	v2 =	vadd.s32 $0x2, v0;
	v8 =	vand.u32 $0xFFFFFF80, v0;
	v12 =	vmul.f32 v21, v10  }
0x1b7: {  	s26 =	sadd.s32 $0xFFFFFFFF, s26;
	v9 =	vand.u32 $0x7F, v5;
	v17 =	vmul.f32 v23, v10;
	v22 =	vmul.f32 v13, v24  }
0x1b8: {  	v25 =	vmul.f32 v21, v24;
	v21 =	vadd.s32 $0x101, v0;
	v28 =	vmul.f32 v23, v24;
	s28 =	sadd.s32 $0x80000001, s26  }
0x1b9: {  	v7 =	vmul.f32 v26, v3;
	v11 =	vmul.f32 v27, v3;
	vm6 =	veq.s32 v1, s28  }
0x1ba: {  	v23 =	vadd.s32 $0x102, v0;
	v15 =	vmul.f32 v26, v4;
	v20 =	vmul.f32 v27, v4  }
0x1bb: {  	v19 =	vor.u32 v9, v8;
	v3 =	vmul.f32 v26, v6;
	v4 =	vmul.f32 v27, v6  }
0x1bc: {  	s26 =	sadd.s32 $0x1, s26;
	v6 =	vmul.f32 v13, v10;
	v8 =	vadd.s32 $0x80, v19;
	v9 =	vmul.f32 v26, v12  }
0x1bd: {  	v12 =	vmul.f32 v27, v12;
	v16 =	vmul.f32 v26, v17;
	p1 =	sne.s32 s25, s26;
	vm0 =	vmmov vm6  }
.Ltmp19:
0x1be: {  	v10 =	vadd.s32 $0x81, v0;
	v17 =	vmul.f32 v27, v17;
	v18 =	vmul.f32 v26, v22;
	(pc) =	sbr.rel @!p1 .LBB2_26-.Ltmp19, $4  }
0x1bf: {  	v13 =	vadd.s32 $0x82, v0;
	v22 =	vmul.f32 v27, v22;
	v24 =	vmul.f32 v26, v25;
	[tilespmem:v0+s0+$0x0] =	vst.idx.add.f32.msk vm6, v7  }
0x1c0: {  	v19 =	vadd.s32 $0x100, v19;
	v25 =	vmul.f32 v27, v25;
	v5 =	vmul.f32 v26, v6;
	[tilespmem:v0+s15+$0x0] =	vst.idx.add.f32.msk vm6, v11  }
0x1c1: {  	vm1 =	vmmov vm6;
	v6 =	vmul.f32 v27, v6;
	v27 =	vmul.f32 v27, v28;
	[tilespmem:v14+s0+$0x0] =	vst.idx.add.f32.msk vm6, v15  }
0x1c2: {  	p0 =	por $0x0, $0x0;
	vm2 =	vmmov vm6;
	vm3 =	vmmov vm6;
	v26 =	vmul.f32 v26, v28;
	[tilespmem:v14+s15+$0x0] =	vst.idx.add.f32.msk vm6, v20  }
0x1c3: {  	_ =	sdelay $0x4  }
0x1c4: {  	s28 =	sadd.s32 $0x80000001, s26;
	[tilespmem:v2+s0+$0x0] =	vst.idx.add.f32.msk vm6, v3  }
0x1c5: {  	vm4 =	veq.s32 v1, s28;
	[tilespmem:v2+s15+$0x0] =	vst.idx.add.f32.msk vm1, v4  }
0x1c6: {  	[tilespmem:v8+s0+$0x0] =	vst.idx.add.f32.msk vm2, v5  }
0x1c7: {  	[tilespmem:v8+s15+$0x0] =	vst.idx.add.f32.msk vm3, v6  }
0x1c8: {  	[tilespmem:v10+s0+$0x0] =	vst.idx.add.f32.msk vm0, v9  }
0x1c9: {  	[tilespmem:v10+s15+$0x0] =	vst.idx.add.f32.msk vm0, v12  }
0x1ca: {  	[tilespmem:v13+s0+$0x0] =	vst.idx.add.f32.msk vm0, v16  }
0x1cb: {  	[tilespmem:v0+s0+$0x0] =	vst.idx.add.f32.msk vm4, v7  }
0x1cc: {  	[tilespmem:v13+s15+$0x0] =	vst.idx.add.f32.msk vm0, v17  }
0x1cd: {  	[tilespmem:v0+s15+$0x0] =	vst.idx.add.f32.msk vm4, v11  }
0x1ce: {  	s26 =	sadd.s32 $0x1, s26;
	[tilespmem:v19+s0+$0x0] =	vst.idx.add.f32.msk vm0, v18  }
0x1cf: {  	p1 =	sne.s32 s25, s26;
	[tilespmem:v14+s0+$0x0] =	vst.idx.add.f32.msk vm4, v15  }
.Ltmp20:
0x1d0: {  	[tilespmem:v19+s15+$0x0] =	vst.idx.add.f32.msk vm0, v22;
	(pc) =	sbr.rel @!p1 .LBB2_28-.Ltmp20, $4  }
0x1d1: {  	vm1 =	vmmov vm4;
	[tilespmem:v14+s15+$0x0] =	vst.idx.add.f32.msk vm4, v20  }
0x1d2: {  	vm2 =	vmmov vm4;
	[tilespmem:v21+s0+$0x0] =	vst.idx.add.f32.msk vm0, v24  }
0x1d3: {  	vm3 =	vmmov vm4;
	[tilespmem:v21+s15+$0x0] =	vst.idx.add.f32.msk vm0, v25  }
0x1d4: {  	p0 =	por $0x1, $0x1;
	vm5 =	vmmov vm4;
	[tilespmem:v23+s0+$0x0] =	vst.idx.add.f32.msk vm0, v26  }
.LBB2_29:
0x1d5: {  	s28 =	sadd.s32 $0x80000001, s26;
	s26 =	sadd.s32 $0x1, s26;
	[tilespmem:v23+s15+$0x0] =	vst.idx.add.f32.msk vm0, v27;
	vm0 =	vmmov vm4  }
0x1d6: {  	p1 =	sne.s32 s25, s26;
	[tilespmem:v2+s0+$0x0] =	vst.idx.add.f32.msk vm4, v3;
	vm4 =	veq.s32 v1, s28  }
0x1d7: {  	[tilespmem:v2+s15+$0x0] =	vst.idx.add.f32.msk vm1, v4;
	vm1 =	vmmov vm4  }
0x1d8: {  	[tilespmem:v8+s0+$0x0] =	vst.idx.add.f32.msk vm2, v5;
	vm2 =	vmmov vm4  }
0x1d9: {  	[tilespmem:v8+s15+$0x0] =	vst.idx.add.f32.msk vm3, v6;
	vm3 =	vmmov vm4  }
0x1da: {  	[tilespmem:v10+s0+$0x0] =	vst.idx.add.f32.msk vm5, v9;
	vm5 =	vmmov vm4  }
0x1db: {  	[tilespmem:v10+s15+$0x0] =	vst.idx.add.f32.msk vm0, v12  }
0x1dc: {  	[tilespmem:v0+s0+$0x0] =	vst.idx.add.f32.msk vm4, v7  }
0x1dd: {  	[tilespmem:v0+s15+$0x0] =	vst.idx.add.f32.msk vm4, v11  }
0x1de: {  	[tilespmem:v14+s0+$0x0] =	vst.idx.add.f32.msk vm4, v15  }
0x1df: {  	[tilespmem:v14+s15+$0x0] =	vst.idx.add.f32.msk vm4, v20  }
0x1e0: {  	[tilespmem:v13+s0+$0x0] =	vst.idx.add.f32.msk vm0, v16  }
0x1e1: {  	[tilespmem:v13+s15+$0x0] =	vst.idx.add.f32.msk vm0, v17  }
.Ltmp21:
0x1e2: {  	[tilespmem:v19+s0+$0x0] =	vst.idx.add.f32.msk vm0, v18;
	(pc) =	sbr.rel @p1 .LBB2_29-.Ltmp21, $4  }
0x1e3: {  	[tilespmem:v19+s15+$0x0] =	vst.idx.add.f32.msk vm0, v22  }
0x1e4: {  	[tilespmem:v21+s0+$0x0] =	vst.idx.add.f32.msk vm0, v24  }
0x1e5: {  	[tilespmem:v21+s15+$0x0] =	vst.idx.add.f32.msk vm0, v25  }
0x1e6: {  	[tilespmem:v23+s0+$0x0] =	vst.idx.add.f32.msk vm0, v26  }
0x1e7: {  	vm7 =	vmmov vm0;
	vm6 =	vmmov vm4;
	vm0 =	vmmov vm5  }
.LBB2_31:
0x1e8: {  	_ =	sdelay $0x4  }
0x1e9: {  	[tilespmem:v23+s15+$0x0] =	vst.idx.add.f32.msk @p0 vm7, v27  }
0x1ea: {  	[tilespmem:v2+s0+$0x0] =	vst.idx.add.f32.msk vm6, v3  }
0x1eb: {  	[tilespmem:v2+s15+$0x0] =	vst.idx.add.f32.msk vm1, v4  }
0x1ec: {  	[tilespmem:v8+s0+$0x0] =	vst.idx.add.f32.msk vm2, v5  }
0x1ed: {  	[tilespmem:v8+s15+$0x0] =	vst.idx.add.f32.msk vm3, v6  }
0x1ee: {  	[tilespmem:v10+s0+$0x0] =	vst.idx.add.f32.msk vm0, v9  }
0x1ef: {  	[tilespmem:v10+s15+$0x0] =	vst.idx.add.f32.msk vm6, v12  }
0x1f0: {  	[tilespmem:v13+s0+$0x0] =	vst.idx.add.f32.msk vm6, v16  }
0x1f1: {  	[tilespmem:v13+s15+$0x0] =	vst.idx.add.f32.msk vm6, v17  }
0x1f2: {  	[tilespmem:v19+s0+$0x0] =	vst.idx.add.f32.msk vm6, v18  }
0x1f3: {  	[tilespmem:v19+s15+$0x0] =	vst.idx.add.f32.msk vm6, v22  }
0x1f4: {  	[tilespmem:v21+s0+$0x0] =	vst.idx.add.f32.msk vm6, v24  }
0x1f5: {  	[tilespmem:v21+s15+$0x0] =	vst.idx.add.f32.msk vm6, v25  }
0x1f6: {  	[tilespmem:v23+s0+$0x0] =	vst.idx.add.f32.msk vm6, v26  }
0x1f7: {  	vm4 =	vmmov vm6;
	[tilespmem:v23+s15+$0x0] =	vst.idx.add.f32.msk vm6, v27  }
.LBB2_32:
0x1f8: {  	v0 =	vld [tilespmem:s24+$0x8030]  }
0x1f9: {  	v5 =	vld [tilespmem:s24+$0x8CB0];
	_ =	sdelay $0x3  }
0x1fa: {  	v0 =	vshll.u32 v0, $0x7  }
0x1fb: {  	v0 =	vadd.s32 v5, v0  }
0x1fc: {  	(xrf1) =	vunique.msk.u32 $0xffff, v0;
	_ =	sdelay $0xd  }
0x1fd: {  	_, v1, _ =	vpop (xrf1)  }
0x1fe: {  	v2 =	vxor.u32 $0x80000000, v1  }
0x1ff: {  	(xrf0) =	vmin.scan.msk.u32 $0xffff, v2  }
0x200: {  	(xrf0) =	vmax.scan.msk.u32 $0xffff, v2;
	_ =	sdelay $0x4  }
0x201: {  	v2, _, _ =	vpop (xrf0)  }
0x202: {  	(v2sf) =	vpush v2, $0xF;
	v2, _, _ =	vpop (xrf0)  }
0x203: {  	(v2sf) =	vpush v2, $0xF;
	_ =	sdelay $0xd  }
0x204: {  	v10 =	vld [tilespmem:s24+$0xA5B0];
	s26 =	spop (v2sf)  }
0x205: {  	v24 =	vld [tilespmem:s24+$0xB230];
	s25 =	spop (v2sf)  }
0x206: {  	v26 =	vld [tilespmem:s24+$0xE430];
	p0 =	sne.s32 s25, s26  }
.Ltmp22:
0x207: {  	v2 =	vld [tilespmem:s24+$0x9930];
	(pc) =	sbr.rel @!p0 .LBB2_33-.Ltmp22, $4  }
0x208: {  	v27 =	vld [tilespmem:s24+$0xF0B0]  }
0x209: {  	v13 =	vld [tilespmem:s24+$0xBEB0]  }
0x20a: {  	v21 =	vld [tilespmem:s24+$0xCB30]  }
0x20b: {  	v23 =	vld [tilespmem:s24+$0xD7B0]  }
0x20c: {  	s24 =	sxor.u32 $0x80000000, s26;
	s28 =	sadd.s32 $0x80000001, s25  }
0x20d: {  	p0 =	sge.s32 s24, s28  }
.Ltmp23:
0x20e: {  	_ = 	snop;
	(pc) =	sbr.rel @p0 .LBB2_42-.Ltmp23, $1  }
0x20f: {  	_ =	sdelay $0x3  }
0x210: {  	v3 =	vmul.f32 v13, v2  }
0x211: {  	v4 =	vmul.f32 v21, v2;
	v6 =	vmul.f32 v23, v2;
	v14 =	vadd.s32 $0x1, v0  }
0x212: {  	v2 =	vadd.s32 $0x2, v0;
	v8 =	vand.u32 $0xFFFFFF80, v0;
	v12 =	vmul.f32 v21, v10  }
0x213: {  	s24 =	sadd.s32 $0xFFFFFFFF, s26;
	v9 =	vand.u32 $0x7F, v5;
	v17 =	vmul.f32 v23, v10;
	v22 =	vmul.f32 v13, v24  }
0x214: {  	v25 =	vmul.f32 v21, v24;
	v21 =	vadd.s32 $0x101, v0;
	v28 =	vmul.f32 v23, v24;
	s26 =	sadd.s32 $0x80000001, s24  }
0x215: {  	v7 =	vmul.f32 v26, v3;
	v11 =	vmul.f32 v27, v3;
	vm6 =	veq.s32 v1, s26  }
0x216: {  	v23 =	vadd.s32 $0x102, v0;
	v15 =	vmul.f32 v26, v4;
	v20 =	vmul.f32 v27, v4  }
0x217: {  	v19 =	vor.u32 v9, v8;
	v3 =	vmul.f32 v26, v6;
	v4 =	vmul.f32 v27, v6  }
0x218: {  	s24 =	sadd.s32 $0x1, s24;
	v6 =	vmul.f32 v13, v10;
	v8 =	vadd.s32 $0x80, v19;
	v9 =	vmul.f32 v26, v12  }
0x219: {  	v12 =	vmul.f32 v27, v12;
	v16 =	vmul.f32 v26, v17;
	p1 =	sne.s32 s25, s24;
	vm0 =	vmmov vm6  }
.Ltmp24:
0x21a: {  	v10 =	vadd.s32 $0x81, v0;
	v17 =	vmul.f32 v27, v17;
	v18 =	vmul.f32 v26, v22;
	(pc) =	sbr.rel @!p1 .LBB2_36-.Ltmp24, $4  }
0x21b: {  	v13 =	vadd.s32 $0x82, v0;
	v22 =	vmul.f32 v27, v22;
	v24 =	vmul.f32 v26, v25;
	[tilespmem:v0+s0+$0x0] =	vst.idx.add.f32.msk vm6, v7  }
0x21c: {  	v19 =	vadd.s32 $0x100, v19;
	v25 =	vmul.f32 v27, v25;
	v5 =	vmul.f32 v26, v6;
	[tilespmem:v0+s15+$0x0] =	vst.idx.add.f32.msk vm6, v11  }
0x21d: {  	vm1 =	vmmov vm6;
	v6 =	vmul.f32 v27, v6;
	v27 =	vmul.f32 v27, v28;
	[tilespmem:v14+s0+$0x0] =	vst.idx.add.f32.msk vm6, v15  }
0x21e: {  	p0 =	por $0x0, $0x0;
	vm2 =	vmmov vm6;
	vm3 =	vmmov vm6;
	v26 =	vmul.f32 v26, v28;
	[tilespmem:v14+s15+$0x0] =	vst.idx.add.f32.msk vm6, v20  }
0x21f: {  	_ =	sdelay $0x4  }
0x220: {  	s26 =	sadd.s32 $0x80000001, s24;
	[tilespmem:v2+s0+$0x0] =	vst.idx.add.f32.msk vm6, v3  }
0x221: {  	vm4 =	veq.s32 v1, s26;
	[tilespmem:v2+s15+$0x0] =	vst.idx.add.f32.msk vm1, v4  }
0x222: {  	[tilespmem:v8+s0+$0x0] =	vst.idx.add.f32.msk vm2, v5  }
0x223: {  	[tilespmem:v8+s15+$0x0] =	vst.idx.add.f32.msk vm3, v6  }
0x224: {  	[tilespmem:v10+s0+$0x0] =	vst.idx.add.f32.msk vm0, v9  }
0x225: {  	[tilespmem:v10+s15+$0x0] =	vst.idx.add.f32.msk vm0, v12  }
0x226: {  	[tilespmem:v13+s0+$0x0] =	vst.idx.add.f32.msk vm0, v16  }
0x227: {  	[tilespmem:v0+s0+$0x0] =	vst.idx.add.f32.msk vm4, v7  }
0x228: {  	[tilespmem:v13+s15+$0x0] =	vst.idx.add.f32.msk vm0, v17  }
0x229: {  	[tilespmem:v0+s15+$0x0] =	vst.idx.add.f32.msk vm4, v11  }
0x22a: {  	s24 =	sadd.s32 $0x1, s24;
	[tilespmem:v19+s0+$0x0] =	vst.idx.add.f32.msk vm0, v18  }
0x22b: {  	p1 =	sne.s32 s25, s24;
	[tilespmem:v14+s0+$0x0] =	vst.idx.add.f32.msk vm4, v15  }
.Ltmp25:
0x22c: {  	[tilespmem:v19+s15+$0x0] =	vst.idx.add.f32.msk vm0, v22;
	(pc) =	sbr.rel @!p1 .LBB2_38-.Ltmp25, $4  }
0x22d: {  	vm1 =	vmmov vm4;
	[tilespmem:v14+s15+$0x0] =	vst.idx.add.f32.msk vm4, v20  }
0x22e: {  	vm2 =	vmmov vm4;
	[tilespmem:v21+s0+$0x0] =	vst.idx.add.f32.msk vm0, v24  }
0x22f: {  	vm3 =	vmmov vm4;
	[tilespmem:v21+s15+$0x0] =	vst.idx.add.f32.msk vm0, v25  }
0x230: {  	p0 =	por $0x1, $0x1;
	vm5 =	vmmov vm4;
	[tilespmem:v23+s0+$0x0] =	vst.idx.add.f32.msk vm0, v26  }
.LBB2_39:
0x231: {  	s26 =	sadd.s32 $0x80000001, s24;
	s24 =	sadd.s32 $0x1, s24;
	[tilespmem:v23+s15+$0x0] =	vst.idx.add.f32.msk vm0, v27;
	vm0 =	vmmov vm4  }
0x232: {  	p1 =	sne.s32 s25, s24;
	[tilespmem:v2+s0+$0x0] =	vst.idx.add.f32.msk vm4, v3;
	vm4 =	veq.s32 v1, s26  }
0x233: {  	[tilespmem:v2+s15+$0x0] =	vst.idx.add.f32.msk vm1, v4;
	vm1 =	vmmov vm4  }
0x234: {  	[tilespmem:v8+s0+$0x0] =	vst.idx.add.f32.msk vm2, v5;
	vm2 =	vmmov vm4  }
0x235: {  	[tilespmem:v8+s15+$0x0] =	vst.idx.add.f32.msk vm3, v6;
	vm3 =	vmmov vm4  }
0x236: {  	[tilespmem:v10+s0+$0x0] =	vst.idx.add.f32.msk vm5, v9;
	vm5 =	vmmov vm4  }
0x237: {  	[tilespmem:v10+s15+$0x0] =	vst.idx.add.f32.msk vm0, v12  }
0x238: {  	[tilespmem:v0+s0+$0x0] =	vst.idx.add.f32.msk vm4, v7  }
0x239: {  	[tilespmem:v0+s15+$0x0] =	vst.idx.add.f32.msk vm4, v11  }
0x23a: {  	[tilespmem:v14+s0+$0x0] =	vst.idx.add.f32.msk vm4, v15  }
0x23b: {  	[tilespmem:v14+s15+$0x0] =	vst.idx.add.f32.msk vm4, v20  }
0x23c: {  	[tilespmem:v13+s0+$0x0] =	vst.idx.add.f32.msk vm0, v16  }
0x23d: {  	[tilespmem:v13+s15+$0x0] =	vst.idx.add.f32.msk vm0, v17  }
.Ltmp26:
0x23e: {  	[tilespmem:v19+s0+$0x0] =	vst.idx.add.f32.msk vm0, v18;
	(pc) =	sbr.rel @p1 .LBB2_39-.Ltmp26, $4  }
0x23f: {  	[tilespmem:v19+s15+$0x0] =	vst.idx.add.f32.msk vm0, v22  }
0x240: {  	[tilespmem:v21+s0+$0x0] =	vst.idx.add.f32.msk vm0, v24  }
0x241: {  	[tilespmem:v21+s15+$0x0] =	vst.idx.add.f32.msk vm0, v25  }
0x242: {  	[tilespmem:v23+s0+$0x0] =	vst.idx.add.f32.msk vm0, v26  }
0x243: {  	vm7 =	vmmov vm0;
	vm6 =	vmmov vm4;
	vm0 =	vmmov vm5  }
.LBB2_41:
0x244: {  	_ =	sdelay $0x4  }
0x245: {  	[tilespmem:v23+s15+$0x0] =	vst.idx.add.f32.msk @p0 vm7, v27  }
0x246: {  	[tilespmem:v2+s0+$0x0] =	vst.idx.add.f32.msk vm6, v3  }
0x247: {  	[tilespmem:v2+s15+$0x0] =	vst.idx.add.f32.msk vm1, v4  }
0x248: {  	[tilespmem:v8+s0+$0x0] =	vst.idx.add.f32.msk vm2, v5  }
0x249: {  	[tilespmem:v8+s15+$0x0] =	vst.idx.add.f32.msk vm3, v6  }
0x24a: {  	[tilespmem:v10+s0+$0x0] =	vst.idx.add.f32.msk vm0, v9  }
0x24b: {  	[tilespmem:v10+s15+$0x0] =	vst.idx.add.f32.msk vm6, v12  }
0x24c: {  	[tilespmem:v13+s0+$0x0] =	vst.idx.add.f32.msk vm6, v16  }
0x24d: {  	[tilespmem:v13+s15+$0x0] =	vst.idx.add.f32.msk vm6, v17  }
0x24e: {  	[tilespmem:v19+s0+$0x0] =	vst.idx.add.f32.msk vm6, v18  }
.Ltmp27:
0x24f: {  	[tilespmem:v19+s15+$0x0] =	vst.idx.add.f32.msk vm6, v22;
	(pc) =	sbr.rel .LBB2_42-.Ltmp27, $4  }
0x250: {  	[tilespmem:v21+s0+$0x0] =	vst.idx.add.f32.msk vm6, v24  }
0x251: {  	[tilespmem:v21+s15+$0x0] =	vst.idx.add.f32.msk vm6, v25  }
0x252: {  	[tilespmem:v23+s0+$0x0] =	vst.idx.add.f32.msk vm6, v26  }
0x253: {  	vm4 =	vmmov vm6;
	[tilespmem:v23+s15+$0x0] =	vst.idx.add.f32.msk vm6, v27  }
.LBB2_6:
.Ltmp28:
0x254: {  	(pc) =	sbr.rel .LBB2_11-.Ltmp28, $2  }
0x255: {  	_ =	sdelay $0x2  }
0x256: {  	_ = 	snop  }
.LBB2_16:
.Ltmp29:
0x257: {  	(pc) =	sbr.rel .LBB2_21-.Ltmp29, $2  }
0x258: {  	_ =	sdelay $0x2  }
0x259: {  	_ = 	snop  }
.LBB2_26:
.Ltmp30:
0x25a: {  	(pc) =	sbr.rel .LBB2_31-.Ltmp30, $2  }
0x25b: {  	_ =	sdelay $0x2  }
0x25c: {  	_ = 	snop  }
.LBB2_36:
.Ltmp31:
0x25d: {  	(pc) =	sbr.rel .LBB2_41-.Ltmp31, $2  }
0x25e: {  	_ =	sdelay $0x2  }
0x25f: {  	_ = 	snop  }
.LBB2_8:
.Ltmp32:
0x260: {  	(pc) =	sbr.rel .LBB2_11-.Ltmp32, $2  }
0x261: {  	_ =	sdelay $0x2  }
0x262: {  	vm7 =	vmmov vm0;
	vm6 =	vmmov vm4;
	vm0 =	vmmov vm5  }
.LBB2_18:
.Ltmp33:
0x263: {  	(pc) =	sbr.rel .LBB2_21-.Ltmp33, $2  }
0x264: {  	_ =	sdelay $0x2  }
0x265: {  	vm7 =	vmmov vm0;
	vm6 =	vmmov vm4;
	vm0 =	vmmov vm5  }
.LBB2_28:
.Ltmp34:
0x266: {  	(pc) =	sbr.rel .LBB2_31-.Ltmp34, $2  }
0x267: {  	_ =	sdelay $0x2  }
0x268: {  	vm7 =	vmmov vm0;
	vm6 =	vmmov vm4;
	vm0 =	vmmov vm5  }
.LBB2_38:
.Ltmp35:
0x269: {  	(pc) =	sbr.rel .LBB2_41-.Ltmp35, $2  }
0x26a: {  	_ =	sdelay $0x2  }
0x26b: {  	vm7 =	vmmov vm0;
	vm6 =	vmmov vm4;
	vm0 =	vmmov vm5  }
.LBB2_43:
0x26c: {  	s23 =	rddreg [dreg:$0x7];
	s24 =	simm.s32 $0x8000  }
0x26d: {  	[tilespmem:s24], [sflag:$0x1] =	stream.strided.gather [hbm4b:s23+s17], $0xC80, s18, s17, $0x38;
	[tilespmem:$0x17A00] =	vst v63  }
0x26e: {  	s28 =	rddreg [dreg:$0x8];
	s29 =	simm.s32 $0x8C80  }
0x26f: {  	[tilespmem:s29], [sflag:$0x1] =	stream.strided.gather [hbm4b:s28+s17], $0xC80, s18, s17, $0x38;
	[tilespmem:$0x17A00] =	vst v63  }
0x270: {  	s25 =	rddreg [dreg:$0x1a];
	s26 =	simm.s32 $0x9900  }
0x271: {  	[tilespmem:s26], [sflag:$0x1] =	stream.strided.gather [hbm4b:s25+s17], $0xC80, s19, s17, $0x38;
	[tilespmem:$0x17A00] =	vst v63  }
0x272: {  	s28 =	rddreg [dreg:$0x1b];
	s29 =	simm.s32 $0xA580  }
0x273: {  	[tilespmem:s29], [sflag:$0x1] =	stream.strided.gather [hbm4b:s28+s17], $0xC80, s19, s17, $0x38;
	[tilespmem:$0x17A00] =	vst v63  }
0x274: {  	s25 =	rddreg [dreg:$0x1c];
	s26 =	simm.s32 $0xB200  }
0x275: {  	[tilespmem:s26], [sflag:$0x1] =	stream.strided.gather [hbm4b:s25+s17], $0xC80, s19, s17, $0x38;
	[tilespmem:$0x17A00] =	vst v63  }
0x276: {  	s28 =	rddreg [dreg:$0x1d];
	s29 =	simm.s32 $0xBE80  }
0x277: {  	[tilespmem:s29], [sflag:$0x1] =	stream.strided.gather [hbm4b:s28+s17], $0xC80, s19, s17, $0x38;
	[tilespmem:$0x17A00] =	vst v63  }
0x278: {  	s25 =	simm.s32 $0xCB00  }
0x279: {  	[tilespmem:s25], [sflag:$0x1] =	stream.strided.gather [hbm4b:s30+s17], $0xC80, s19, s17, $0x38;
	[tilespmem:$0x17A00] =	vst v63  }
0x27a: {  	s26 =	simm.s32 $0xD780  }
0x27b: {  	[tilespmem:s26], [sflag:$0x1] =	stream.strided.gather [hbm4b:s31+s17], $0xC80, s19, s17, $0x38;
	[tilespmem:$0x17A00] =	vst v63  }
0x27c: {  	s28 =	simm.s32 $0xE400  }
0x27d: {  	[tilespmem:s28], [sflag:$0x1] =	stream.strided.gather [hbm4b:s1+s17], $0xC80, s19, s17, $0x38;
	[tilespmem:$0x17A00] =	vst v63  }
0x27e: {  	s29 =	simm.s32 $0xF080  }
0x27f: {  	[tilespmem:s29], [sflag:$0x1] =	stream.strided.gather [hbm4b:s10+s17], $0xC80, s19, s17, $0x38;
	[tilespmem:$0x17A00] =	vst v63  }
0x280: {  	_ =	swait.ge [sflag:s20], $0xC80  }
0x281: {  	[sflag:s20] =	ssyncset.done $0x0  }
0x282: {  	[sflag:s20] =	ssyncadd.s32 $0xFFFFF380  }
0x283: {  	_ =	swait.ge [sflag:s20], $0xC80  }
0x284: {  	[sflag:s20] =	ssyncset.done $0x0  }
0x285: {  	[sflag:s20] =	ssyncadd.s32 $0xFFFFF380  }
0x286: {  	_ =	swait.ge [sflag:s20], $0xC80  }
0x287: {  	[sflag:s20] =	ssyncset.done $0x0  }
0x288: {  	[sflag:s20] =	ssyncadd.s32 $0xFFFFF380  }
0x289: {  	_ =	swait.ge [sflag:s20], $0xC80  }
0x28a: {  	[sflag:s20] =	ssyncset.done $0x0  }
0x28b: {  	[sflag:s20] =	ssyncadd.s32 $0xFFFFF380  }
0x28c: {  	_ =	swait.ge [sflag:s20], $0xC80  }
0x28d: {  	[sflag:s20] =	ssyncset.done $0x0  }
0x28e: {  	[sflag:s20] =	ssyncadd.s32 $0xFFFFF380  }
0x28f: {  	_ =	swait.ge [sflag:s20], $0xC80  }
0x290: {  	[sflag:s20] =	ssyncset.done $0x0  }
0x291: {  	[sflag:s20] =	ssyncadd.s32 $0xFFFFF380  }
0x292: {  	_ =	swait.ge [sflag:s20], $0xC80  }
0x293: {  	[sflag:s20] =	ssyncset.done $0x0  }
0x294: {  	[sflag:s20] =	ssyncadd.s32 $0xFFFFF380  }
0x295: {  	_ =	swait.ge [sflag:s20], $0xC80  }
0x296: {  	[sflag:s20] =	ssyncset.done $0x0  }
0x297: {  	[sflag:s20] =	ssyncadd.s32 $0xFFFFF380  }
0x298: {  	_ =	swait.ge [sflag:s20], $0xC80  }
.Ltmp36:
0x299: {  	[sflag:s20] =	ssyncset.done $0x0;
	(pc) =	sbr.rel .LBB2_44-.Ltmp36, $4  }
0x29a: {  	[sflag:s20] =	ssyncadd.s32 $0xFFFFF380  }
0x29b: {  	_ =	swait.ge [sflag:s20], $0xC80  }
0x29c: {  	[sflag:s20] =	ssyncset.done $0x0  }
0x29d: {  	s23 =	simm.s32 $0x0;
	[sflag:s20] =	ssyncadd.s32 $0xFFFFF380  }
.LBB2_75:
0x29e: {  	v1 =	vmul.f32 v26, v2  }
0x29f: {  	v41 =	vmul.f32 v27, v2;
	v3 =	vadd.s32 $0x1, v0  }
0x2a0: {  	v7 =	vadd.s32 $0x2, v0;
	v4 =	vmul.f32 v1, v13  }
0x2a1: {  	v8 =	vand.u32 $0xFFFFFF80, v0;
	v5 =	vand.u32 $0x7F, v5;
	v6 =	vmul.f32 v41, v13  }
0x2a2: {  	v5 =	vor.u32 v5, v8;
	v42 =	vmul.f32 v1, v21;
	[tilespmem:v0+s0+$0x0] =	vst.idx.add.f32.msk $0xffff, v4  }
0x2a3: {  	v43 =	vmul.f32 v41, v21;
	v8 =	vadd.s32 $0x80, v5;
	[tilespmem:v0+s15+$0x0] =	vst.idx.add.f32.msk $0xffff, v6  }
0x2a4: {  	v44 =	vmul.f32 v26, v10;
	v1 =	vmul.f32 v1, v23;
	[tilespmem:v3+s0+$0x0] =	vst.idx.add.f32.msk $0xffff, v42  }
0x2a5: {  	v45 =	vmul.f32 v27, v10;
	v46 =	vadd.s32 $0x81, v0;
	v2 =	vmul.f32 v41, v23;
	[tilespmem:v3+s15+$0x0] =	vst.idx.add.f32.msk $0xffff, v43  }
0x2a6: {  	v47 =	vmul.f32 v44, v13;
	[tilespmem:v7+s0+$0x0] =	vst.idx.add.f32.msk $0xffff, v1  }
0x2a7: {  	v49 =	vadd.s32 $0x82, v0;
	v48 =	vmul.f32 v45, v13;
	[tilespmem:v7+s15+$0x0] =	vst.idx.add.f32.msk $0xffff, v2  }
0x2a8: {  	v50 =	vmul.f32 v44, v21;
	[tilespmem:v8+s0+$0x0] =	vst.idx.add.f32.msk $0xffff, v47  }
0x2a9: {  	v51 =	vmul.f32 v45, v21;
	v5 =	vadd.s32 $0x100, v5;
	[tilespmem:v8+s15+$0x0] =	vst.idx.add.f32.msk $0xffff, v48  }
0x2aa: {  	v53 =	vmul.f32 v26, v24;
	v52 =	vmul.f32 v44, v23;
	[tilespmem:v46+s0+$0x0] =	vst.idx.add.f32.msk $0xffff, v50  }
0x2ab: {  	v55 =	vmul.f32 v27, v24;
	v56 =	vadd.s32 $0x101, v0;
	v54 =	vmul.f32 v45, v23;
	[tilespmem:v46+s15+$0x0] =	vst.idx.add.f32.msk $0xffff, v51  }
0x2ac: {  	v57 =	vmul.f32 v53, v13;
	[tilespmem:v49+s0+$0x0] =	vst.idx.add.f32.msk $0xffff, v52  }
0x2ad: {  	v59 =	vadd.s32 $0x102, v0;
	v58 =	vmul.f32 v55, v13;
	[tilespmem:v49+s15+$0x0] =	vst.idx.add.f32.msk $0xffff, v54  }
0x2ae: {  	v60 =	vmul.f32 v53, v21;
	[tilespmem:v5+s0+$0x0] =	vst.idx.add.f32.msk $0xffff, v57  }
0x2af: {  	v61 =	vmul.f32 v55, v21;
	[tilespmem:v5+s15+$0x0] =	vst.idx.add.f32.msk $0xffff, v58  }
0x2b0: {  	v62 =	vmul.f32 v53, v23;
	[tilespmem:v56+s0+$0x0] =	vst.idx.add.f32.msk $0xffff, v60  }
0x2b1: {  	v63 =	vmul.f32 v55, v23;
	[tilespmem:v56+s15+$0x0] =	vst.idx.add.f32.msk $0xffff, v61  }
0x2b2: {  	[tilespmem:v59+s0+$0x0] =	vst.idx.add.f32.msk $0xffff, v62  }
0x2b3: {  	[tilespmem:v59+s15+$0x0] =	vst.idx.add.f32.msk $0xffff, v63  }
.LBB2_84:
0x2b4: {  	p0 =	slt.u32 s23, $0xC4  }
.Ltmp37:
0x2b5: {  	_ = 	snop;
	(pc) =	sbr.rel @!p0 .LBB2_85-.Ltmp37, $3  }
0x2b6: {  	_ =	sdelay $0x1  }
0x2b7: {  	s24 =	sadd.s32 $0x4, s23  }
0x2b8: {  	s23 =	smov.u32 s24  }
.LBB2_44:
0x2b9: {  	s24 =	sshll.u32 s23, $0x4  }
0x2ba: {  	v0 =	vld [tilespmem:s24+$0xFD00]  }
0x2bb: {  	v5 =	vld [tilespmem:s24+$0x10980];
	_ =	sdelay $0x3  }
0x2bc: {  	v0 =	vshll.u32 v0, $0x7  }
0x2bd: {  	v0 =	vadd.s32 v5, v0  }
0x2be: {  	(xrf1) =	vunique.msk.u32 $0xffff, v0;
	_ =	sdelay $0xd  }
0x2bf: {  	_, v1, _ =	vpop (xrf1)  }
0x2c0: {  	v2 =	vxor.u32 $0x80000000, v1  }
0x2c1: {  	(xrf0) =	vmin.scan.msk.u32 $0xffff, v2  }
0x2c2: {  	(xrf0) =	vmax.scan.msk.u32 $0xffff, v2;
	_ =	sdelay $0x4  }
0x2c3: {  	v2, _, _ =	vpop (xrf0)  }
0x2c4: {  	(v2sf) =	vpush v2, $0xF;
	v2, _, _ =	vpop (xrf0)  }
0x2c5: {  	(v2sf) =	vpush v2, $0xF;
	_ =	sdelay $0xd  }
0x2c6: {  	v10 =	vld [tilespmem:s24+$0x12280];
	s26 =	spop (v2sf)  }
0x2c7: {  	v24 =	vld [tilespmem:s24+$0x12F00];
	s25 =	spop (v2sf)  }
0x2c8: {  	v13 =	vld [tilespmem:s24+$0x13B80];
	p0 =	sne.s32 s25, s26  }
.Ltmp38:
0x2c9: {  	v21 =	vld [tilespmem:s24+$0x14800];
	(pc) =	sbr.rel @p0 .LBB2_46-.Ltmp38, $4  }
0x2ca: {  	v23 =	vld [tilespmem:s24+$0x15480]  }
0x2cb: {  	v26 =	vld [tilespmem:s24+$0x16100]  }
0x2cc: {  	v27 =	vld [tilespmem:s24+$0x16D80]  }
0x2cd: {  	v2 =	vld [tilespmem:s24+$0x11600]  }
0x2ce: {  	_ =	sdelay $0x3  }
0x2cf: {  	v1 =	vmul.f32 v26, v2  }
0x2d0: {  	v3 =	vadd.s32 $0x1, v0;
	v41 =	vmul.f32 v27, v2  }
0x2d1: {  	v7 =	vadd.s32 $0x2, v0;
	v4 =	vmul.f32 v1, v13  }
0x2d2: {  	v8 =	vand.u32 $0xFFFFFF80, v0;
	v5 =	vand.u32 $0x7F, v5;
	v6 =	vmul.f32 v41, v13  }
0x2d3: {  	v5 =	vor.u32 v5, v8;
	v42 =	vmul.f32 v1, v21;
	[tilespmem:v0+s0+$0x0] =	vst.idx.add.f32.msk $0xffff, v4  }
0x2d4: {  	v8 =	vadd.s32 $0x80, v5;
	v43 =	vmul.f32 v41, v21;
	[tilespmem:v0+s15+$0x0] =	vst.idx.add.f32.msk $0xffff, v6  }
0x2d5: {  	v44 =	vmul.f32 v26, v10;
	v1 =	vmul.f32 v1, v23;
	[tilespmem:v3+s0+$0x0] =	vst.idx.add.f32.msk $0xffff, v42  }
0x2d6: {  	v46 =	vadd.s32 $0x81, v0;
	v45 =	vmul.f32 v27, v10;
	v2 =	vmul.f32 v41, v23;
	[tilespmem:v3+s15+$0x0] =	vst.idx.add.f32.msk $0xffff, v43  }
0x2d7: {  	v47 =	vmul.f32 v44, v13;
	[tilespmem:v7+s0+$0x0] =	vst.idx.add.f32.msk $0xffff, v1  }
0x2d8: {  	v49 =	vadd.s32 $0x82, v0;
	v48 =	vmul.f32 v45, v13;
	[tilespmem:v7+s15+$0x0] =	vst.idx.add.f32.msk $0xffff, v2  }
0x2d9: {  	v50 =	vmul.f32 v44, v21;
	[tilespmem:v8+s0+$0x0] =	vst.idx.add.f32.msk $0xffff, v47  }
0x2da: {  	v5 =	vadd.s32 $0x100, v5;
	v51 =	vmul.f32 v45, v21;
	[tilespmem:v8+s15+$0x0] =	vst.idx.add.f32.msk $0xffff, v48  }
0x2db: {  	v53 =	vmul.f32 v26, v24;
	v52 =	vmul.f32 v44, v23;
	[tilespmem:v46+s0+$0x0] =	vst.idx.add.f32.msk $0xffff, v50  }
0x2dc: {  	v56 =	vadd.s32 $0x101, v0;
	v55 =	vmul.f32 v27, v24;
	v54 =	vmul.f32 v45, v23;
	[tilespmem:v46+s15+$0x0] =	vst.idx.add.f32.msk $0xffff, v51  }
0x2dd: {  	v57 =	vmul.f32 v53, v13;
	[tilespmem:v49+s0+$0x0] =	vst.idx.add.f32.msk $0xffff, v52  }
0x2de: {  	v59 =	vadd.s32 $0x102, v0;
	v58 =	vmul.f32 v55, v13;
	[tilespmem:v49+s15+$0x0] =	vst.idx.add.f32.msk $0xffff, v54  }
0x2df: {  	v60 =	vmul.f32 v53, v21;
	[tilespmem:v5+s0+$0x0] =	vst.idx.add.f32.msk $0xffff, v57  }
.Ltmp39:
0x2e0: {  	v61 =	vmul.f32 v55, v21;
	[tilespmem:v5+s15+$0x0] =	vst.idx.add.f32.msk $0xffff, v58;
	(pc) =	sbr.rel .LBB2_54-.Ltmp39, $4  }
0x2e1: {  	v62 =	vmul.f32 v53, v23;
	[tilespmem:v56+s0+$0x0] =	vst.idx.add.f32.msk $0xffff, v60  }
0x2e2: {  	v63 =	vmul.f32 v55, v23;
	[tilespmem:v56+s15+$0x0] =	vst.idx.add.f32.msk $0xffff, v61  }
0x2e3: {  	[tilespmem:v59+s0+$0x0] =	vst.idx.add.f32.msk $0xffff, v62  }
0x2e4: {  	[tilespmem:v59+s15+$0x0] =	vst.idx.add.f32.msk $0xffff, v63  }
.LBB2_46:
0x2e5: {  	s28 =	sxor.u32 $0x80000000, s26;
	s29 =	sadd.s32 $0x80000001, s25  }
0x2e6: {  	p0 =	sge.s32 s28, s29  }
.Ltmp40:
0x2e7: {  	_ = 	snop;
	(pc) =	sbr.rel @p0 .LBB2_54-.Ltmp40, $1  }
0x2e8: {  	_ =	sdelay $0x3  }
0x2e9: {  	v3 =	vmul.f32 v13, v2  }
0x2ea: {  	v4 =	vmul.f32 v21, v2;
	v6 =	vmul.f32 v23, v2;
	v14 =	vadd.s32 $0x1, v0  }
0x2eb: {  	v2 =	vadd.s32 $0x2, v0;
	v8 =	vand.u32 $0xFFFFFF80, v0;
	v12 =	vmul.f32 v21, v10  }
0x2ec: {  	s26 =	sadd.s32 $0xFFFFFFFF, s26;
	v9 =	vand.u32 $0x7F, v5;
	v17 =	vmul.f32 v23, v10;
	v22 =	vmul.f32 v13, v24  }
0x2ed: {  	v25 =	vmul.f32 v21, v24;
	v21 =	vadd.s32 $0x101, v0;
	v28 =	vmul.f32 v23, v24;
	s28 =	sadd.s32 $0x80000001, s26  }
0x2ee: {  	v7 =	vmul.f32 v26, v3;
	v11 =	vmul.f32 v27, v3;
	vm6 =	veq.s32 v1, s28  }
0x2ef: {  	v23 =	vadd.s32 $0x102, v0;
	v15 =	vmul.f32 v26, v4;
	v20 =	vmul.f32 v27, v4  }
0x2f0: {  	v19 =	vor.u32 v9, v8;
	v3 =	vmul.f32 v26, v6;
	v4 =	vmul.f32 v27, v6  }
0x2f1: {  	s26 =	sadd.s32 $0x1, s26;
	v6 =	vmul.f32 v13, v10;
	v8 =	vadd.s32 $0x80, v19;
	v9 =	vmul.f32 v26, v12  }
0x2f2: {  	v12 =	vmul.f32 v27, v12;
	v16 =	vmul.f32 v26, v17;
	p1 =	sne.s32 s25, s26;
	vm0 =	vmmov vm6  }
.Ltmp41:
0x2f3: {  	v10 =	vadd.s32 $0x81, v0;
	v17 =	vmul.f32 v27, v17;
	v18 =	vmul.f32 v26, v22;
	(pc) =	sbr.rel @!p1 .LBB2_48-.Ltmp41, $4  }
0x2f4: {  	v13 =	vadd.s32 $0x82, v0;
	v22 =	vmul.f32 v27, v22;
	v24 =	vmul.f32 v26, v25;
	[tilespmem:v0+s0+$0x0] =	vst.idx.add.f32.msk vm6, v7  }
0x2f5: {  	v19 =	vadd.s32 $0x100, v19;
	v25 =	vmul.f32 v27, v25;
	v5 =	vmul.f32 v26, v6;
	[tilespmem:v0+s15+$0x0] =	vst.idx.add.f32.msk vm6, v11  }
0x2f6: {  	vm1 =	vmmov vm6;
	v6 =	vmul.f32 v27, v6;
	v27 =	vmul.f32 v27, v28;
	[tilespmem:v14+s0+$0x0] =	vst.idx.add.f32.msk vm6, v15  }
0x2f7: {  	p0 =	por $0x0, $0x0;
	vm2 =	vmmov vm6;
	vm3 =	vmmov vm6;
	v26 =	vmul.f32 v26, v28;
	[tilespmem:v14+s15+$0x0] =	vst.idx.add.f32.msk vm6, v20  }
0x2f8: {  	_ =	sdelay $0x4  }
0x2f9: {  	s28 =	sadd.s32 $0x80000001, s26;
	[tilespmem:v2+s0+$0x0] =	vst.idx.add.f32.msk vm6, v3  }
0x2fa: {  	vm4 =	veq.s32 v1, s28;
	[tilespmem:v2+s15+$0x0] =	vst.idx.add.f32.msk vm1, v4  }
0x2fb: {  	[tilespmem:v8+s0+$0x0] =	vst.idx.add.f32.msk vm2, v5  }
0x2fc: {  	[tilespmem:v8+s15+$0x0] =	vst.idx.add.f32.msk vm3, v6  }
0x2fd: {  	[tilespmem:v10+s0+$0x0] =	vst.idx.add.f32.msk vm0, v9  }
0x2fe: {  	[tilespmem:v10+s15+$0x0] =	vst.idx.add.f32.msk vm0, v12  }
0x2ff: {  	[tilespmem:v13+s0+$0x0] =	vst.idx.add.f32.msk vm0, v16  }
0x300: {  	[tilespmem:v0+s0+$0x0] =	vst.idx.add.f32.msk vm4, v7  }
0x301: {  	[tilespmem:v13+s15+$0x0] =	vst.idx.add.f32.msk vm0, v17  }
0x302: {  	[tilespmem:v0+s15+$0x0] =	vst.idx.add.f32.msk vm4, v11  }
0x303: {  	s26 =	sadd.s32 $0x1, s26;
	[tilespmem:v19+s0+$0x0] =	vst.idx.add.f32.msk vm0, v18  }
0x304: {  	p1 =	sne.s32 s25, s26;
	[tilespmem:v14+s0+$0x0] =	vst.idx.add.f32.msk vm4, v15  }
.Ltmp42:
0x305: {  	[tilespmem:v19+s15+$0x0] =	vst.idx.add.f32.msk vm0, v22;
	(pc) =	sbr.rel @!p1 .LBB2_50-.Ltmp42, $4  }
0x306: {  	vm1 =	vmmov vm4;
	[tilespmem:v14+s15+$0x0] =	vst.idx.add.f32.msk vm4, v20  }
0x307: {  	vm2 =	vmmov vm4;
	[tilespmem:v21+s0+$0x0] =	vst.idx.add.f32.msk vm0, v24  }
0x308: {  	vm3 =	vmmov vm4;
	[tilespmem:v21+s15+$0x0] =	vst.idx.add.f32.msk vm0, v25  }
0x309: {  	p0 =	por $0x1, $0x1;
	vm5 =	vmmov vm4;
	[tilespmem:v23+s0+$0x0] =	vst.idx.add.f32.msk vm0, v26  }
.LBB2_51:
0x30a: {  	s28 =	sadd.s32 $0x80000001, s26;
	s26 =	sadd.s32 $0x1, s26;
	[tilespmem:v23+s15+$0x0] =	vst.idx.add.f32.msk vm0, v27;
	vm0 =	vmmov vm4  }
0x30b: {  	p1 =	sne.s32 s25, s26;
	[tilespmem:v2+s0+$0x0] =	vst.idx.add.f32.msk vm4, v3;
	vm4 =	veq.s32 v1, s28  }
0x30c: {  	[tilespmem:v2+s15+$0x0] =	vst.idx.add.f32.msk vm1, v4;
	vm1 =	vmmov vm4  }
0x30d: {  	[tilespmem:v8+s0+$0x0] =	vst.idx.add.f32.msk vm2, v5;
	vm2 =	vmmov vm4  }
0x30e: {  	[tilespmem:v8+s15+$0x0] =	vst.idx.add.f32.msk vm3, v6;
	vm3 =	vmmov vm4  }
0x30f: {  	[tilespmem:v10+s0+$0x0] =	vst.idx.add.f32.msk vm5, v9;
	vm5 =	vmmov vm4  }
0x310: {  	[tilespmem:v10+s15+$0x0] =	vst.idx.add.f32.msk vm0, v12  }
0x311: {  	[tilespmem:v0+s0+$0x0] =	vst.idx.add.f32.msk vm4, v7  }
0x312: {  	[tilespmem:v0+s15+$0x0] =	vst.idx.add.f32.msk vm4, v11  }
0x313: {  	[tilespmem:v14+s0+$0x0] =	vst.idx.add.f32.msk vm4, v15  }
0x314: {  	[tilespmem:v14+s15+$0x0] =	vst.idx.add.f32.msk vm4, v20  }
0x315: {  	[tilespmem:v13+s0+$0x0] =	vst.idx.add.f32.msk vm0, v16  }
0x316: {  	[tilespmem:v13+s15+$0x0] =	vst.idx.add.f32.msk vm0, v17  }
.Ltmp43:
0x317: {  	[tilespmem:v19+s0+$0x0] =	vst.idx.add.f32.msk vm0, v18;
	(pc) =	sbr.rel @p1 .LBB2_51-.Ltmp43, $4  }
0x318: {  	[tilespmem:v19+s15+$0x0] =	vst.idx.add.f32.msk vm0, v22  }
0x319: {  	[tilespmem:v21+s0+$0x0] =	vst.idx.add.f32.msk vm0, v24  }
0x31a: {  	[tilespmem:v21+s15+$0x0] =	vst.idx.add.f32.msk vm0, v25  }
0x31b: {  	[tilespmem:v23+s0+$0x0] =	vst.idx.add.f32.msk vm0, v26  }
0x31c: {  	vm7 =	vmmov vm0;
	vm6 =	vmmov vm4;
	vm0 =	vmmov vm5  }
.LBB2_53:
0x31d: {  	_ =	sdelay $0x4  }
0x31e: {  	[tilespmem:v23+s15+$0x0] =	vst.idx.add.f32.msk @p0 vm7, v27  }
0x31f: {  	[tilespmem:v2+s0+$0x0] =	vst.idx.add.f32.msk vm6, v3  }
0x320: {  	[tilespmem:v2+s15+$0x0] =	vst.idx.add.f32.msk vm1, v4  }
0x321: {  	[tilespmem:v8+s0+$0x0] =	vst.idx.add.f32.msk vm2, v5  }
0x322: {  	[tilespmem:v8+s15+$0x0] =	vst.idx.add.f32.msk vm3, v6  }
0x323: {  	[tilespmem:v10+s0+$0x0] =	vst.idx.add.f32.msk vm0, v9  }
0x324: {  	[tilespmem:v10+s15+$0x0] =	vst.idx.add.f32.msk vm6, v12  }
0x325: {  	[tilespmem:v13+s0+$0x0] =	vst.idx.add.f32.msk vm6, v16  }
0x326: {  	[tilespmem:v13+s15+$0x0] =	vst.idx.add.f32.msk vm6, v17  }
0x327: {  	[tilespmem:v19+s0+$0x0] =	vst.idx.add.f32.msk vm6, v18  }
0x328: {  	[tilespmem:v19+s15+$0x0] =	vst.idx.add.f32.msk vm6, v22  }
0x329: {  	[tilespmem:v21+s0+$0x0] =	vst.idx.add.f32.msk vm6, v24  }
0x32a: {  	[tilespmem:v21+s15+$0x0] =	vst.idx.add.f32.msk vm6, v25  }
0x32b: {  	[tilespmem:v23+s0+$0x0] =	vst.idx.add.f32.msk vm6, v26  }
0x32c: {  	vm4 =	vmmov vm6;
	[tilespmem:v23+s15+$0x0] =	vst.idx.add.f32.msk vm6, v27  }
.LBB2_54:
0x32d: {  	v0 =	vld [tilespmem:s24+$0xFD10]  }
0x32e: {  	v5 =	vld [tilespmem:s24+$0x10990];
	_ =	sdelay $0x3  }
0x32f: {  	v0 =	vshll.u32 v0, $0x7  }
0x330: {  	v0 =	vadd.s32 v5, v0  }
0x331: {  	(xrf1) =	vunique.msk.u32 $0xffff, v0;
	_ =	sdelay $0xd  }
0x332: {  	_, v1, _ =	vpop (xrf1)  }
0x333: {  	v2 =	vxor.u32 $0x80000000, v1  }
0x334: {  	(xrf0) =	vmin.scan.msk.u32 $0xffff, v2  }
0x335: {  	(xrf0) =	vmax.scan.msk.u32 $0xffff, v2;
	_ =	sdelay $0x4  }
0x336: {  	v2, _, _ =	vpop (xrf0)  }
0x337: {  	(v2sf) =	vpush v2, $0xF;
	v2, _, _ =	vpop (xrf0)  }
0x338: {  	(v2sf) =	vpush v2, $0xF;
	_ =	sdelay $0xd  }
0x339: {  	v10 =	vld [tilespmem:s24+$0x12290];
	s26 =	spop (v2sf)  }
0x33a: {  	v24 =	vld [tilespmem:s24+$0x12F10];
	s25 =	spop (v2sf)  }
0x33b: {  	v13 =	vld [tilespmem:s24+$0x13B90];
	p0 =	sne.s32 s25, s26  }
.Ltmp44:
0x33c: {  	v21 =	vld [tilespmem:s24+$0x14810];
	(pc) =	sbr.rel @p0 .LBB2_56-.Ltmp44, $4  }
0x33d: {  	v23 =	vld [tilespmem:s24+$0x15490]  }
0x33e: {  	v26 =	vld [tilespmem:s24+$0x16110]  }
0x33f: {  	v27 =	vld [tilespmem:s24+$0x16D90]  }
0x340: {  	v2 =	vld [tilespmem:s24+$0x11610]  }
0x341: {  	_ =	sdelay $0x3  }
0x342: {  	v1 =	vmul.f32 v26, v2  }
0x343: {  	v3 =	vadd.s32 $0x1, v0;
	v41 =	vmul.f32 v27, v2  }
0x344: {  	v7 =	vadd.s32 $0x2, v0;
	v4 =	vmul.f32 v1, v13  }
0x345: {  	v8 =	vand.u32 $0xFFFFFF80, v0;
	v5 =	vand.u32 $0x7F, v5;
	v6 =	vmul.f32 v41, v13  }
0x346: {  	v5 =	vor.u32 v5, v8;
	v42 =	vmul.f32 v1, v21;
	[tilespmem:v0+s0+$0x0] =	vst.idx.add.f32.msk $0xffff, v4  }
0x347: {  	v8 =	vadd.s32 $0x80, v5;
	v43 =	vmul.f32 v41, v21;
	[tilespmem:v0+s15+$0x0] =	vst.idx.add.f32.msk $0xffff, v6  }
0x348: {  	v44 =	vmul.f32 v26, v10;
	v1 =	vmul.f32 v1, v23;
	[tilespmem:v3+s0+$0x0] =	vst.idx.add.f32.msk $0xffff, v42  }
0x349: {  	v46 =	vadd.s32 $0x81, v0;
	v45 =	vmul.f32 v27, v10;
	v2 =	vmul.f32 v41, v23;
	[tilespmem:v3+s15+$0x0] =	vst.idx.add.f32.msk $0xffff, v43  }
0x34a: {  	v47 =	vmul.f32 v44, v13;
	[tilespmem:v7+s0+$0x0] =	vst.idx.add.f32.msk $0xffff, v1  }
0x34b: {  	v49 =	vadd.s32 $0x82, v0;
	v48 =	vmul.f32 v45, v13;
	[tilespmem:v7+s15+$0x0] =	vst.idx.add.f32.msk $0xffff, v2  }
0x34c: {  	v50 =	vmul.f32 v44, v21;
	[tilespmem:v8+s0+$0x0] =	vst.idx.add.f32.msk $0xffff, v47  }
0x34d: {  	v5 =	vadd.s32 $0x100, v5;
	v51 =	vmul.f32 v45, v21;
	[tilespmem:v8+s15+$0x0] =	vst.idx.add.f32.msk $0xffff, v48  }
0x34e: {  	v53 =	vmul.f32 v26, v24;
	v52 =	vmul.f32 v44, v23;
	[tilespmem:v46+s0+$0x0] =	vst.idx.add.f32.msk $0xffff, v50  }
0x34f: {  	v56 =	vadd.s32 $0x101, v0;
	v55 =	vmul.f32 v27, v24;
	v54 =	vmul.f32 v45, v23;
	[tilespmem:v46+s15+$0x0] =	vst.idx.add.f32.msk $0xffff, v51  }
0x350: {  	v57 =	vmul.f32 v53, v13;
	[tilespmem:v49+s0+$0x0] =	vst.idx.add.f32.msk $0xffff, v52  }
0x351: {  	v59 =	vadd.s32 $0x102, v0;
	v58 =	vmul.f32 v55, v13;
	[tilespmem:v49+s15+$0x0] =	vst.idx.add.f32.msk $0xffff, v54  }
0x352: {  	v60 =	vmul.f32 v53, v21;
	[tilespmem:v5+s0+$0x0] =	vst.idx.add.f32.msk $0xffff, v57  }
.Ltmp45:
0x353: {  	v61 =	vmul.f32 v55, v21;
	[tilespmem:v5+s15+$0x0] =	vst.idx.add.f32.msk $0xffff, v58;
	(pc) =	sbr.rel .LBB2_64-.Ltmp45, $4  }
0x354: {  	v62 =	vmul.f32 v53, v23;
	[tilespmem:v56+s0+$0x0] =	vst.idx.add.f32.msk $0xffff, v60  }
0x355: {  	v63 =	vmul.f32 v55, v23;
	[tilespmem:v56+s15+$0x0] =	vst.idx.add.f32.msk $0xffff, v61  }
0x356: {  	[tilespmem:v59+s0+$0x0] =	vst.idx.add.f32.msk $0xffff, v62  }
0x357: {  	[tilespmem:v59+s15+$0x0] =	vst.idx.add.f32.msk $0xffff, v63  }
.LBB2_56:
0x358: {  	s28 =	sxor.u32 $0x80000000, s26;
	s29 =	sadd.s32 $0x80000001, s25  }
0x359: {  	p0 =	sge.s32 s28, s29  }
.Ltmp46:
0x35a: {  	_ = 	snop;
	(pc) =	sbr.rel @p0 .LBB2_64-.Ltmp46, $1  }
0x35b: {  	_ =	sdelay $0x3  }
0x35c: {  	v3 =	vmul.f32 v13, v2  }
0x35d: {  	v4 =	vmul.f32 v21, v2;
	v6 =	vmul.f32 v23, v2;
	v14 =	vadd.s32 $0x1, v0  }
0x35e: {  	v2 =	vadd.s32 $0x2, v0;
	v8 =	vand.u32 $0xFFFFFF80, v0;
	v12 =	vmul.f32 v21, v10  }
0x35f: {  	s26 =	sadd.s32 $0xFFFFFFFF, s26;
	v9 =	vand.u32 $0x7F, v5;
	v17 =	vmul.f32 v23, v10;
	v22 =	vmul.f32 v13, v24  }
0x360: {  	v25 =	vmul.f32 v21, v24;
	v21 =	vadd.s32 $0x101, v0;
	v28 =	vmul.f32 v23, v24;
	s28 =	sadd.s32 $0x80000001, s26  }
0x361: {  	v7 =	vmul.f32 v26, v3;
	v11 =	vmul.f32 v27, v3;
	vm6 =	veq.s32 v1, s28  }
0x362: {  	v23 =	vadd.s32 $0x102, v0;
	v15 =	vmul.f32 v26, v4;
	v20 =	vmul.f32 v27, v4  }
0x363: {  	v19 =	vor.u32 v9, v8;
	v3 =	vmul.f32 v26, v6;
	v4 =	vmul.f32 v27, v6  }
0x364: {  	s26 =	sadd.s32 $0x1, s26;
	v6 =	vmul.f32 v13, v10;
	v8 =	vadd.s32 $0x80, v19;
	v9 =	vmul.f32 v26, v12  }
0x365: {  	v12 =	vmul.f32 v27, v12;
	v16 =	vmul.f32 v26, v17;
	p1 =	sne.s32 s25, s26;
	vm0 =	vmmov vm6  }
.Ltmp47:
0x366: {  	v10 =	vadd.s32 $0x81, v0;
	v17 =	vmul.f32 v27, v17;
	v18 =	vmul.f32 v26, v22;
	(pc) =	sbr.rel @!p1 .LBB2_58-.Ltmp47, $4  }
0x367: {  	v13 =	vadd.s32 $0x82, v0;
	v22 =	vmul.f32 v27, v22;
	v24 =	vmul.f32 v26, v25;
	[tilespmem:v0+s0+$0x0] =	vst.idx.add.f32.msk vm6, v7  }
0x368: {  	v19 =	vadd.s32 $0x100, v19;
	v25 =	vmul.f32 v27, v25;
	v5 =	vmul.f32 v26, v6;
	[tilespmem:v0+s15+$0x0] =	vst.idx.add.f32.msk vm6, v11  }
0x369: {  	vm1 =	vmmov vm6;
	v6 =	vmul.f32 v27, v6;
	v27 =	vmul.f32 v27, v28;
	[tilespmem:v14+s0+$0x0] =	vst.idx.add.f32.msk vm6, v15  }
0x36a: {  	p0 =	por $0x0, $0x0;
	vm2 =	vmmov vm6;
	vm3 =	vmmov vm6;
	v26 =	vmul.f32 v26, v28;
	[tilespmem:v14+s15+$0x0] =	vst.idx.add.f32.msk vm6, v20  }
0x36b: {  	_ =	sdelay $0x4  }
0x36c: {  	s28 =	sadd.s32 $0x80000001, s26;
	[tilespmem:v2+s0+$0x0] =	vst.idx.add.f32.msk vm6, v3  }
0x36d: {  	vm4 =	veq.s32 v1, s28;
	[tilespmem:v2+s15+$0x0] =	vst.idx.add.f32.msk vm1, v4  }
0x36e: {  	[tilespmem:v8+s0+$0x0] =	vst.idx.add.f32.msk vm2, v5  }
0x36f: {  	[tilespmem:v8+s15+$0x0] =	vst.idx.add.f32.msk vm3, v6  }
0x370: {  	[tilespmem:v10+s0+$0x0] =	vst.idx.add.f32.msk vm0, v9  }
0x371: {  	[tilespmem:v10+s15+$0x0] =	vst.idx.add.f32.msk vm0, v12  }
0x372: {  	[tilespmem:v13+s0+$0x0] =	vst.idx.add.f32.msk vm0, v16  }
0x373: {  	[tilespmem:v0+s0+$0x0] =	vst.idx.add.f32.msk vm4, v7  }
0x374: {  	[tilespmem:v13+s15+$0x0] =	vst.idx.add.f32.msk vm0, v17  }
0x375: {  	[tilespmem:v0+s15+$0x0] =	vst.idx.add.f32.msk vm4, v11  }
0x376: {  	s26 =	sadd.s32 $0x1, s26;
	[tilespmem:v19+s0+$0x0] =	vst.idx.add.f32.msk vm0, v18  }
0x377: {  	p1 =	sne.s32 s25, s26;
	[tilespmem:v14+s0+$0x0] =	vst.idx.add.f32.msk vm4, v15  }
.Ltmp48:
0x378: {  	[tilespmem:v19+s15+$0x0] =	vst.idx.add.f32.msk vm0, v22;
	(pc) =	sbr.rel @!p1 .LBB2_60-.Ltmp48, $4  }
0x379: {  	vm1 =	vmmov vm4;
	[tilespmem:v14+s15+$0x0] =	vst.idx.add.f32.msk vm4, v20  }
0x37a: {  	vm2 =	vmmov vm4;
	[tilespmem:v21+s0+$0x0] =	vst.idx.add.f32.msk vm0, v24  }
0x37b: {  	vm3 =	vmmov vm4;
	[tilespmem:v21+s15+$0x0] =	vst.idx.add.f32.msk vm0, v25  }
0x37c: {  	p0 =	por $0x1, $0x1;
	vm5 =	vmmov vm4;
	[tilespmem:v23+s0+$0x0] =	vst.idx.add.f32.msk vm0, v26  }
.LBB2_61:
0x37d: {  	s28 =	sadd.s32 $0x80000001, s26;
	s26 =	sadd.s32 $0x1, s26;
	[tilespmem:v23+s15+$0x0] =	vst.idx.add.f32.msk vm0, v27;
	vm0 =	vmmov vm4  }
0x37e: {  	p1 =	sne.s32 s25, s26;
	[tilespmem:v2+s0+$0x0] =	vst.idx.add.f32.msk vm4, v3;
	vm4 =	veq.s32 v1, s28  }
0x37f: {  	[tilespmem:v2+s15+$0x0] =	vst.idx.add.f32.msk vm1, v4;
	vm1 =	vmmov vm4  }
0x380: {  	[tilespmem:v8+s0+$0x0] =	vst.idx.add.f32.msk vm2, v5;
	vm2 =	vmmov vm4  }
0x381: {  	[tilespmem:v8+s15+$0x0] =	vst.idx.add.f32.msk vm3, v6;
	vm3 =	vmmov vm4  }
0x382: {  	[tilespmem:v10+s0+$0x0] =	vst.idx.add.f32.msk vm5, v9;
	vm5 =	vmmov vm4  }
0x383: {  	[tilespmem:v10+s15+$0x0] =	vst.idx.add.f32.msk vm0, v12  }
0x384: {  	[tilespmem:v0+s0+$0x0] =	vst.idx.add.f32.msk vm4, v7  }
0x385: {  	[tilespmem:v0+s15+$0x0] =	vst.idx.add.f32.msk vm4, v11  }
0x386: {  	[tilespmem:v14+s0+$0x0] =	vst.idx.add.f32.msk vm4, v15  }
0x387: {  	[tilespmem:v14+s15+$0x0] =	vst.idx.add.f32.msk vm4, v20  }
0x388: {  	[tilespmem:v13+s0+$0x0] =	vst.idx.add.f32.msk vm0, v16  }
0x389: {  	[tilespmem:v13+s15+$0x0] =	vst.idx.add.f32.msk vm0, v17  }
.Ltmp49:
0x38a: {  	[tilespmem:v19+s0+$0x0] =	vst.idx.add.f32.msk vm0, v18;
	(pc) =	sbr.rel @p1 .LBB2_61-.Ltmp49, $4  }
0x38b: {  	[tilespmem:v19+s15+$0x0] =	vst.idx.add.f32.msk vm0, v22  }
0x38c: {  	[tilespmem:v21+s0+$0x0] =	vst.idx.add.f32.msk vm0, v24  }
0x38d: {  	[tilespmem:v21+s15+$0x0] =	vst.idx.add.f32.msk vm0, v25  }
0x38e: {  	[tilespmem:v23+s0+$0x0] =	vst.idx.add.f32.msk vm0, v26  }
0x38f: {  	vm7 =	vmmov vm0;
	vm6 =	vmmov vm4;
	vm0 =	vmmov vm5  }
.LBB2_63:
0x390: {  	_ =	sdelay $0x4  }
0x391: {  	[tilespmem:v23+s15+$0x0] =	vst.idx.add.f32.msk @p0 vm7, v27  }
0x392: {  	[tilespmem:v2+s0+$0x0] =	vst.idx.add.f32.msk vm6, v3  }
0x393: {  	[tilespmem:v2+s15+$0x0] =	vst.idx.add.f32.msk vm1, v4  }
0x394: {  	[tilespmem:v8+s0+$0x0] =	vst.idx.add.f32.msk vm2, v5  }
0x395: {  	[tilespmem:v8+s15+$0x0] =	vst.idx.add.f32.msk vm3, v6  }
0x396: {  	[tilespmem:v10+s0+$0x0] =	vst.idx.add.f32.msk vm0, v9  }
0x397: {  	[tilespmem:v10+s15+$0x0] =	vst.idx.add.f32.msk vm6, v12  }
0x398: {  	[tilespmem:v13+s0+$0x0] =	vst.idx.add.f32.msk vm6, v16  }
0x399: {  	[tilespmem:v13+s15+$0x0] =	vst.idx.add.f32.msk vm6, v17  }
0x39a: {  	[tilespmem:v19+s0+$0x0] =	vst.idx.add.f32.msk vm6, v18  }
0x39b: {  	[tilespmem:v19+s15+$0x0] =	vst.idx.add.f32.msk vm6, v22  }
0x39c: {  	[tilespmem:v21+s0+$0x0] =	vst.idx.add.f32.msk vm6, v24  }
0x39d: {  	[tilespmem:v21+s15+$0x0] =	vst.idx.add.f32.msk vm6, v25  }
0x39e: {  	[tilespmem:v23+s0+$0x0] =	vst.idx.add.f32.msk vm6, v26  }
0x39f: {  	vm4 =	vmmov vm6;
	[tilespmem:v23+s15+$0x0] =	vst.idx.add.f32.msk vm6, v27  }
.LBB2_64:
0x3a0: {  	v0 =	vld [tilespmem:s24+$0xFD20]  }
0x3a1: {  	v5 =	vld [tilespmem:s24+$0x109A0];
	_ =	sdelay $0x3  }
0x3a2: {  	v0 =	vshll.u32 v0, $0x7  }
0x3a3: {  	v0 =	vadd.s32 v5, v0  }
0x3a4: {  	(xrf1) =	vunique.msk.u32 $0xffff, v0;
	_ =	sdelay $0xd  }
0x3a5: {  	_, v1, _ =	vpop (xrf1)  }
0x3a6: {  	v2 =	vxor.u32 $0x80000000, v1  }
0x3a7: {  	(xrf0) =	vmin.scan.msk.u32 $0xffff, v2  }
0x3a8: {  	(xrf0) =	vmax.scan.msk.u32 $0xffff, v2;
	_ =	sdelay $0x4  }
0x3a9: {  	v2, _, _ =	vpop (xrf0)  }
0x3aa: {  	(v2sf) =	vpush v2, $0xF;
	v2, _, _ =	vpop (xrf0)  }
0x3ab: {  	(v2sf) =	vpush v2, $0xF;
	_ =	sdelay $0xd  }
0x3ac: {  	v10 =	vld [tilespmem:s24+$0x122A0];
	s26 =	spop (v2sf)  }
0x3ad: {  	v24 =	vld [tilespmem:s24+$0x12F20];
	s25 =	spop (v2sf)  }
0x3ae: {  	v13 =	vld [tilespmem:s24+$0x13BA0];
	p0 =	sne.s32 s25, s26  }
.Ltmp50:
0x3af: {  	v21 =	vld [tilespmem:s24+$0x14820];
	(pc) =	sbr.rel @p0 .LBB2_66-.Ltmp50, $4  }
0x3b0: {  	v23 =	vld [tilespmem:s24+$0x154A0]  }
0x3b1: {  	v26 =	vld [tilespmem:s24+$0x16120]  }
0x3b2: {  	v27 =	vld [tilespmem:s24+$0x16DA0]  }
0x3b3: {  	v2 =	vld [tilespmem:s24+$0x11620]  }
0x3b4: {  	_ =	sdelay $0x3  }
0x3b5: {  	v1 =	vmul.f32 v26, v2  }
0x3b6: {  	v3 =	vadd.s32 $0x1, v0;
	v41 =	vmul.f32 v27, v2  }
0x3b7: {  	v7 =	vadd.s32 $0x2, v0;
	v4 =	vmul.f32 v1, v13  }
0x3b8: {  	v8 =	vand.u32 $0xFFFFFF80, v0;
	v5 =	vand.u32 $0x7F, v5;
	v6 =	vmul.f32 v41, v13  }
0x3b9: {  	v5 =	vor.u32 v5, v8;
	v42 =	vmul.f32 v1, v21;
	[tilespmem:v0+s0+$0x0] =	vst.idx.add.f32.msk $0xffff, v4  }
0x3ba: {  	v8 =	vadd.s32 $0x80, v5;
	v43 =	vmul.f32 v41, v21;
	[tilespmem:v0+s15+$0x0] =	vst.idx.add.f32.msk $0xffff, v6  }
0x3bb: {  	v44 =	vmul.f32 v26, v10;
	v1 =	vmul.f32 v1, v23;
	[tilespmem:v3+s0+$0x0] =	vst.idx.add.f32.msk $0xffff, v42  }
0x3bc: {  	v46 =	vadd.s32 $0x81, v0;
	v45 =	vmul.f32 v27, v10;
	v2 =	vmul.f32 v41, v23;
	[tilespmem:v3+s15+$0x0] =	vst.idx.add.f32.msk $0xffff, v43  }
0x3bd: {  	v47 =	vmul.f32 v44, v13;
	[tilespmem:v7+s0+$0x0] =	vst.idx.add.f32.msk $0xffff, v1  }
0x3be: {  	v49 =	vadd.s32 $0x82, v0;
	v48 =	vmul.f32 v45, v13;
	[tilespmem:v7+s15+$0x0] =	vst.idx.add.f32.msk $0xffff, v2  }
0x3bf: {  	v50 =	vmul.f32 v44, v21;
	[tilespmem:v8+s0+$0x0] =	vst.idx.add.f32.msk $0xffff, v47  }
0x3c0: {  	v5 =	vadd.s32 $0x100, v5;
	v51 =	vmul.f32 v45, v21;
	[tilespmem:v8+s15+$0x0] =	vst.idx.add.f32.msk $0xffff, v48  }
0x3c1: {  	v53 =	vmul.f32 v26, v24;
	v52 =	vmul.f32 v44, v23;
	[tilespmem:v46+s0+$0x0] =	vst.idx.add.f32.msk $0xffff, v50  }
0x3c2: {  	v56 =	vadd.s32 $0x101, v0;
	v55 =	vmul.f32 v27, v24;
	v54 =	vmul.f32 v45, v23;
	[tilespmem:v46+s15+$0x0] =	vst.idx.add.f32.msk $0xffff, v51  }
0x3c3: {  	v57 =	vmul.f32 v53, v13;
	[tilespmem:v49+s0+$0x0] =	vst.idx.add.f32.msk $0xffff, v52  }
0x3c4: {  	v59 =	vadd.s32 $0x102, v0;
	v58 =	vmul.f32 v55, v13;
	[tilespmem:v49+s15+$0x0] =	vst.idx.add.f32.msk $0xffff, v54  }
0x3c5: {  	v60 =	vmul.f32 v53, v21;
	[tilespmem:v5+s0+$0x0] =	vst.idx.add.f32.msk $0xffff, v57  }
.Ltmp51:
0x3c6: {  	v61 =	vmul.f32 v55, v21;
	[tilespmem:v5+s15+$0x0] =	vst.idx.add.f32.msk $0xffff, v58;
	(pc) =	sbr.rel .LBB2_74-.Ltmp51, $4  }
0x3c7: {  	v62 =	vmul.f32 v53, v23;
	[tilespmem:v56+s0+$0x0] =	vst.idx.add.f32.msk $0xffff, v60  }
0x3c8: {  	v63 =	vmul.f32 v55, v23;
	[tilespmem:v56+s15+$0x0] =	vst.idx.add.f32.msk $0xffff, v61  }
0x3c9: {  	[tilespmem:v59+s0+$0x0] =	vst.idx.add.f32.msk $0xffff, v62  }
0x3ca: {  	[tilespmem:v59+s15+$0x0] =	vst.idx.add.f32.msk $0xffff, v63  }
.LBB2_66:
0x3cb: {  	s28 =	sxor.u32 $0x80000000, s26;
	s29 =	sadd.s32 $0x80000001, s25  }
0x3cc: {  	p0 =	sge.s32 s28, s29  }
.Ltmp52:
0x3cd: {  	_ = 	snop;
	(pc) =	sbr.rel @p0 .LBB2_74-.Ltmp52, $1  }
0x3ce: {  	_ =	sdelay $0x3  }
0x3cf: {  	v3 =	vmul.f32 v13, v2  }
0x3d0: {  	v4 =	vmul.f32 v21, v2;
	v6 =	vmul.f32 v23, v2;
	v14 =	vadd.s32 $0x1, v0  }
0x3d1: {  	v2 =	vadd.s32 $0x2, v0;
	v8 =	vand.u32 $0xFFFFFF80, v0;
	v12 =	vmul.f32 v21, v10  }
0x3d2: {  	s26 =	sadd.s32 $0xFFFFFFFF, s26;
	v9 =	vand.u32 $0x7F, v5;
	v17 =	vmul.f32 v23, v10;
	v22 =	vmul.f32 v13, v24  }
0x3d3: {  	v25 =	vmul.f32 v21, v24;
	v21 =	vadd.s32 $0x101, v0;
	v28 =	vmul.f32 v23, v24;
	s28 =	sadd.s32 $0x80000001, s26  }
0x3d4: {  	v7 =	vmul.f32 v26, v3;
	v11 =	vmul.f32 v27, v3;
	vm6 =	veq.s32 v1, s28  }
0x3d5: {  	v23 =	vadd.s32 $0x102, v0;
	v15 =	vmul.f32 v26, v4;
	v20 =	vmul.f32 v27, v4  }
0x3d6: {  	v19 =	vor.u32 v9, v8;
	v3 =	vmul.f32 v26, v6;
	v4 =	vmul.f32 v27, v6  }
0x3d7: {  	s26 =	sadd.s32 $0x1, s26;
	v6 =	vmul.f32 v13, v10;
	v8 =	vadd.s32 $0x80, v19;
	v9 =	vmul.f32 v26, v12  }
0x3d8: {  	v12 =	vmul.f32 v27, v12;
	v16 =	vmul.f32 v26, v17;
	p1 =	sne.s32 s25, s26;
	vm0 =	vmmov vm6  }
.Ltmp53:
0x3d9: {  	v10 =	vadd.s32 $0x81, v0;
	v17 =	vmul.f32 v27, v17;
	v18 =	vmul.f32 v26, v22;
	(pc) =	sbr.rel @!p1 .LBB2_68-.Ltmp53, $4  }
0x3da: {  	v13 =	vadd.s32 $0x82, v0;
	v22 =	vmul.f32 v27, v22;
	v24 =	vmul.f32 v26, v25;
	[tilespmem:v0+s0+$0x0] =	vst.idx.add.f32.msk vm6, v7  }
0x3db: {  	v19 =	vadd.s32 $0x100, v19;
	v25 =	vmul.f32 v27, v25;
	v5 =	vmul.f32 v26, v6;
	[tilespmem:v0+s15+$0x0] =	vst.idx.add.f32.msk vm6, v11  }
0x3dc: {  	vm1 =	vmmov vm6;
	v6 =	vmul.f32 v27, v6;
	v27 =	vmul.f32 v27, v28;
	[tilespmem:v14+s0+$0x0] =	vst.idx.add.f32.msk vm6, v15  }
0x3dd: {  	p0 =	por $0x0, $0x0;
	vm2 =	vmmov vm6;
	vm3 =	vmmov vm6;
	v26 =	vmul.f32 v26, v28;
	[tilespmem:v14+s15+$0x0] =	vst.idx.add.f32.msk vm6, v20  }
0x3de: {  	_ =	sdelay $0x4  }
0x3df: {  	s28 =	sadd.s32 $0x80000001, s26;
	[tilespmem:v2+s0+$0x0] =	vst.idx.add.f32.msk vm6, v3  }
0x3e0: {  	vm4 =	veq.s32 v1, s28;
	[tilespmem:v2+s15+$0x0] =	vst.idx.add.f32.msk vm1, v4  }
0x3e1: {  	[tilespmem:v8+s0+$0x0] =	vst.idx.add.f32.msk vm2, v5  }
0x3e2: {  	[tilespmem:v8+s15+$0x0] =	vst.idx.add.f32.msk vm3, v6  }
0x3e3: {  	[tilespmem:v10+s0+$0x0] =	vst.idx.add.f32.msk vm0, v9  }
0x3e4: {  	[tilespmem:v10+s15+$0x0] =	vst.idx.add.f32.msk vm0, v12  }
0x3e5: {  	[tilespmem:v13+s0+$0x0] =	vst.idx.add.f32.msk vm0, v16  }
0x3e6: {  	[tilespmem:v0+s0+$0x0] =	vst.idx.add.f32.msk vm4, v7  }
0x3e7: {  	[tilespmem:v13+s15+$0x0] =	vst.idx.add.f32.msk vm0, v17  }
0x3e8: {  	[tilespmem:v0+s15+$0x0] =	vst.idx.add.f32.msk vm4, v11  }
0x3e9: {  	s26 =	sadd.s32 $0x1, s26;
	[tilespmem:v19+s0+$0x0] =	vst.idx.add.f32.msk vm0, v18  }
0x3ea: {  	p1 =	sne.s32 s25, s26;
	[tilespmem:v14+s0+$0x0] =	vst.idx.add.f32.msk vm4, v15  }
.Ltmp54:
0x3eb: {  	[tilespmem:v19+s15+$0x0] =	vst.idx.add.f32.msk vm0, v22;
	(pc) =	sbr.rel @!p1 .LBB2_70-.Ltmp54, $4  }
0x3ec: {  	vm1 =	vmmov vm4;
	[tilespmem:v14+s15+$0x0] =	vst.idx.add.f32.msk vm4, v20  }
0x3ed: {  	vm2 =	vmmov vm4;
	[tilespmem:v21+s0+$0x0] =	vst.idx.add.f32.msk vm0, v24  }
0x3ee: {  	vm3 =	vmmov vm4;
	[tilespmem:v21+s15+$0x0] =	vst.idx.add.f32.msk vm0, v25  }
0x3ef: {  	p0 =	por $0x1, $0x1;
	vm5 =	vmmov vm4;
	[tilespmem:v23+s0+$0x0] =	vst.idx.add.f32.msk vm0, v26  }
.LBB2_71:
0x3f0: {  	s28 =	sadd.s32 $0x80000001, s26;
	s26 =	sadd.s32 $0x1, s26;
	[tilespmem:v23+s15+$0x0] =	vst.idx.add.f32.msk vm0, v27;
	vm0 =	vmmov vm4  }
0x3f1: {  	p1 =	sne.s32 s25, s26;
	[tilespmem:v2+s0+$0x0] =	vst.idx.add.f32.msk vm4, v3;
	vm4 =	veq.s32 v1, s28  }
0x3f2: {  	[tilespmem:v2+s15+$0x0] =	vst.idx.add.f32.msk vm1, v4;
	vm1 =	vmmov vm4  }
0x3f3: {  	[tilespmem:v8+s0+$0x0] =	vst.idx.add.f32.msk vm2, v5;
	vm2 =	vmmov vm4  }
0x3f4: {  	[tilespmem:v8+s15+$0x0] =	vst.idx.add.f32.msk vm3, v6;
	vm3 =	vmmov vm4  }
0x3f5: {  	[tilespmem:v10+s0+$0x0] =	vst.idx.add.f32.msk vm5, v9;
	vm5 =	vmmov vm4  }
0x3f6: {  	[tilespmem:v10+s15+$0x0] =	vst.idx.add.f32.msk vm0, v12  }
0x3f7: {  	[tilespmem:v0+s0+$0x0] =	vst.idx.add.f32.msk vm4, v7  }
0x3f8: {  	[tilespmem:v0+s15+$0x0] =	vst.idx.add.f32.msk vm4, v11  }
0x3f9: {  	[tilespmem:v14+s0+$0x0] =	vst.idx.add.f32.msk vm4, v15  }
0x3fa: {  	[tilespmem:v14+s15+$0x0] =	vst.idx.add.f32.msk vm4, v20  }
0x3fb: {  	[tilespmem:v13+s0+$0x0] =	vst.idx.add.f32.msk vm0, v16  }
0x3fc: {  	[tilespmem:v13+s15+$0x0] =	vst.idx.add.f32.msk vm0, v17  }
.Ltmp55:
0x3fd: {  	[tilespmem:v19+s0+$0x0] =	vst.idx.add.f32.msk vm0, v18;
	(pc) =	sbr.rel @p1 .LBB2_71-.Ltmp55, $4  }
0x3fe: {  	[tilespmem:v19+s15+$0x0] =	vst.idx.add.f32.msk vm0, v22  }
0x3ff: {  	[tilespmem:v21+s0+$0x0] =	vst.idx.add.f32.msk vm0, v24  }
0x400: {  	[tilespmem:v21+s15+$0x0] =	vst.idx.add.f32.msk vm0, v25  }
0x401: {  	[tilespmem:v23+s0+$0x0] =	vst.idx.add.f32.msk vm0, v26  }
0x402: {  	vm7 =	vmmov vm0;
	vm6 =	vmmov vm4;
	vm0 =	vmmov vm5  }
.LBB2_73:
0x403: {  	_ =	sdelay $0x4  }
0x404: {  	[tilespmem:v23+s15+$0x0] =	vst.idx.add.f32.msk @p0 vm7, v27  }
0x405: {  	[tilespmem:v2+s0+$0x0] =	vst.idx.add.f32.msk vm6, v3  }
0x406: {  	[tilespmem:v2+s15+$0x0] =	vst.idx.add.f32.msk vm1, v4  }
0x407: {  	[tilespmem:v8+s0+$0x0] =	vst.idx.add.f32.msk vm2, v5  }
0x408: {  	[tilespmem:v8+s15+$0x0] =	vst.idx.add.f32.msk vm3, v6  }
0x409: {  	[tilespmem:v10+s0+$0x0] =	vst.idx.add.f32.msk vm0, v9  }
0x40a: {  	[tilespmem:v10+s15+$0x0] =	vst.idx.add.f32.msk vm6, v12  }
0x40b: {  	[tilespmem:v13+s0+$0x0] =	vst.idx.add.f32.msk vm6, v16  }
0x40c: {  	[tilespmem:v13+s15+$0x0] =	vst.idx.add.f32.msk vm6, v17  }
0x40d: {  	[tilespmem:v19+s0+$0x0] =	vst.idx.add.f32.msk vm6, v18  }
0x40e: {  	[tilespmem:v19+s15+$0x0] =	vst.idx.add.f32.msk vm6, v22  }
0x40f: {  	[tilespmem:v21+s0+$0x0] =	vst.idx.add.f32.msk vm6, v24  }
0x410: {  	[tilespmem:v21+s15+$0x0] =	vst.idx.add.f32.msk vm6, v25  }
0x411: {  	[tilespmem:v23+s0+$0x0] =	vst.idx.add.f32.msk vm6, v26  }
0x412: {  	vm4 =	vmmov vm6;
	[tilespmem:v23+s15+$0x0] =	vst.idx.add.f32.msk vm6, v27  }
.LBB2_74:
0x413: {  	v0 =	vld [tilespmem:s24+$0xFD30]  }
0x414: {  	v5 =	vld [tilespmem:s24+$0x109B0];
	_ =	sdelay $0x3  }
0x415: {  	v0 =	vshll.u32 v0, $0x7  }
0x416: {  	v0 =	vadd.s32 v5, v0  }
0x417: {  	(xrf1) =	vunique.msk.u32 $0xffff, v0;
	_ =	sdelay $0xd  }
0x418: {  	_, v1, _ =	vpop (xrf1)  }
0x419: {  	v2 =	vxor.u32 $0x80000000, v1  }
0x41a: {  	(xrf0) =	vmin.scan.msk.u32 $0xffff, v2  }
0x41b: {  	(xrf0) =	vmax.scan.msk.u32 $0xffff, v2;
	_ =	sdelay $0x4  }
0x41c: {  	v2, _, _ =	vpop (xrf0)  }
0x41d: {  	(v2sf) =	vpush v2, $0xF;
	v2, _, _ =	vpop (xrf0)  }
0x41e: {  	(v2sf) =	vpush v2, $0xF;
	_ =	sdelay $0xd  }
0x41f: {  	v10 =	vld [tilespmem:s24+$0x122B0];
	s26 =	spop (v2sf)  }
0x420: {  	v24 =	vld [tilespmem:s24+$0x12F30];
	s25 =	spop (v2sf)  }
0x421: {  	v26 =	vld [tilespmem:s24+$0x16130];
	p0 =	sne.s32 s25, s26  }
.Ltmp56:
0x422: {  	v2 =	vld [tilespmem:s24+$0x11630];
	(pc) =	sbr.rel @!p0 .LBB2_75-.Ltmp56, $4  }
0x423: {  	v27 =	vld [tilespmem:s24+$0x16DB0]  }
0x424: {  	v13 =	vld [tilespmem:s24+$0x13BB0]  }
0x425: {  	v21 =	vld [tilespmem:s24+$0x14830]  }
0x426: {  	v23 =	vld [tilespmem:s24+$0x154B0]  }
0x427: {  	s24 =	sxor.u32 $0x80000000, s26;
	s28 =	sadd.s32 $0x80000001, s25  }
0x428: {  	p0 =	sge.s32 s24, s28  }
.Ltmp57:
0x429: {  	_ = 	snop;
	(pc) =	sbr.rel @p0 .LBB2_84-.Ltmp57, $1  }
0x42a: {  	_ =	sdelay $0x3  }
0x42b: {  	v3 =	vmul.f32 v13, v2  }
0x42c: {  	v4 =	vmul.f32 v21, v2;
	v6 =	vmul.f32 v23, v2;
	v14 =	vadd.s32 $0x1, v0  }
0x42d: {  	v2 =	vadd.s32 $0x2, v0;
	v8 =	vand.u32 $0xFFFFFF80, v0;
	v12 =	vmul.f32 v21, v10  }
0x42e: {  	s24 =	sadd.s32 $0xFFFFFFFF, s26;
	v9 =	vand.u32 $0x7F, v5;
	v17 =	vmul.f32 v23, v10;
	v22 =	vmul.f32 v13, v24  }
0x42f: {  	v25 =	vmul.f32 v21, v24;
	v21 =	vadd.s32 $0x101, v0;
	v28 =	vmul.f32 v23, v24;
	s26 =	sadd.s32 $0x80000001, s24  }
0x430: {  	v7 =	vmul.f32 v26, v3;
	v11 =	vmul.f32 v27, v3;
	vm6 =	veq.s32 v1, s26  }
0x431: {  	v23 =	vadd.s32 $0x102, v0;
	v15 =	vmul.f32 v26, v4;
	v20 =	vmul.f32 v27, v4  }
0x432: {  	v19 =	vor.u32 v9, v8;
	v3 =	vmul.f32 v26, v6;
	v4 =	vmul.f32 v27, v6  }
0x433: {  	s24 =	sadd.s32 $0x1, s24;
	v6 =	vmul.f32 v13, v10;
	v8 =	vadd.s32 $0x80, v19;
	v9 =	vmul.f32 v26, v12  }
0x434: {  	v12 =	vmul.f32 v27, v12;
	v16 =	vmul.f32 v26, v17;
	p1 =	sne.s32 s25, s24;
	vm0 =	vmmov vm6  }
.Ltmp58:
0x435: {  	v10 =	vadd.s32 $0x81, v0;
	v17 =	vmul.f32 v27, v17;
	v18 =	vmul.f32 v26, v22;
	(pc) =	sbr.rel @!p1 .LBB2_78-.Ltmp58, $4  }
0x436: {  	v13 =	vadd.s32 $0x82, v0;
	v22 =	vmul.f32 v27, v22;
	v24 =	vmul.f32 v26, v25;
	[tilespmem:v0+s0+$0x0] =	vst.idx.add.f32.msk vm6, v7  }
0x437: {  	v19 =	vadd.s32 $0x100, v19;
	v25 =	vmul.f32 v27, v25;
	v5 =	vmul.f32 v26, v6;
	[tilespmem:v0+s15+$0x0] =	vst.idx.add.f32.msk vm6, v11  }
0x438: {  	vm1 =	vmmov vm6;
	v6 =	vmul.f32 v27, v6;
	v27 =	vmul.f32 v27, v28;
	[tilespmem:v14+s0+$0x0] =	vst.idx.add.f32.msk vm6, v15  }
0x439: {  	p0 =	por $0x0, $0x0;
	vm2 =	vmmov vm6;
	vm3 =	vmmov vm6;
	v26 =	vmul.f32 v26, v28;
	[tilespmem:v14+s15+$0x0] =	vst.idx.add.f32.msk vm6, v20  }
0x43a: {  	_ =	sdelay $0x4  }
0x43b: {  	s26 =	sadd.s32 $0x80000001, s24;
	[tilespmem:v2+s0+$0x0] =	vst.idx.add.f32.msk vm6, v3  }
0x43c: {  	vm4 =	veq.s32 v1, s26;
	[tilespmem:v2+s15+$0x0] =	vst.idx.add.f32.msk vm1, v4  }
0x43d: {  	[tilespmem:v8+s0+$0x0] =	vst.idx.add.f32.msk vm2, v5  }
0x43e: {  	[tilespmem:v8+s15+$0x0] =	vst.idx.add.f32.msk vm3, v6  }
0x43f: {  	[tilespmem:v10+s0+$0x0] =	vst.idx.add.f32.msk vm0, v9  }
0x440: {  	[tilespmem:v10+s15+$0x0] =	vst.idx.add.f32.msk vm0, v12  }
0x441: {  	[tilespmem:v13+s0+$0x0] =	vst.idx.add.f32.msk vm0, v16  }
0x442: {  	[tilespmem:v0+s0+$0x0] =	vst.idx.add.f32.msk vm4, v7  }
0x443: {  	[tilespmem:v13+s15+$0x0] =	vst.idx.add.f32.msk vm0, v17  }
0x444: {  	[tilespmem:v0+s15+$0x0] =	vst.idx.add.f32.msk vm4, v11  }
0x445: {  	s24 =	sadd.s32 $0x1, s24;
	[tilespmem:v19+s0+$0x0] =	vst.idx.add.f32.msk vm0, v18  }
0x446: {  	p1 =	sne.s32 s25, s24;
	[tilespmem:v14+s0+$0x0] =	vst.idx.add.f32.msk vm4, v15  }
.Ltmp59:
0x447: {  	[tilespmem:v19+s15+$0x0] =	vst.idx.add.f32.msk vm0, v22;
	(pc) =	sbr.rel @!p1 .LBB2_80-.Ltmp59, $4  }
0x448: {  	vm1 =	vmmov vm4;
	[tilespmem:v14+s15+$0x0] =	vst.idx.add.f32.msk vm4, v20  }
0x449: {  	vm2 =	vmmov vm4;
	[tilespmem:v21+s0+$0x0] =	vst.idx.add.f32.msk vm0, v24  }
0x44a: {  	vm3 =	vmmov vm4;
	[tilespmem:v21+s15+$0x0] =	vst.idx.add.f32.msk vm0, v25  }
0x44b: {  	p0 =	por $0x1, $0x1;
	vm5 =	vmmov vm4;
	[tilespmem:v23+s0+$0x0] =	vst.idx.add.f32.msk vm0, v26  }
.LBB2_81:
0x44c: {  	s26 =	sadd.s32 $0x80000001, s24;
	s24 =	sadd.s32 $0x1, s24;
	[tilespmem:v23+s15+$0x0] =	vst.idx.add.f32.msk vm0, v27;
	vm0 =	vmmov vm4  }
0x44d: {  	p1 =	sne.s32 s25, s24;
	[tilespmem:v2+s0+$0x0] =	vst.idx.add.f32.msk vm4, v3;
	vm4 =	veq.s32 v1, s26  }
0x44e: {  	[tilespmem:v2+s15+$0x0] =	vst.idx.add.f32.msk vm1, v4;
	vm1 =	vmmov vm4  }
0x44f: {  	[tilespmem:v8+s0+$0x0] =	vst.idx.add.f32.msk vm2, v5;
	vm2 =	vmmov vm4  }
0x450: {  	[tilespmem:v8+s15+$0x0] =	vst.idx.add.f32.msk vm3, v6;
	vm3 =	vmmov vm4  }
0x451: {  	[tilespmem:v10+s0+$0x0] =	vst.idx.add.f32.msk vm5, v9;
	vm5 =	vmmov vm4  }
0x452: {  	[tilespmem:v10+s15+$0x0] =	vst.idx.add.f32.msk vm0, v12  }
0x453: {  	[tilespmem:v0+s0+$0x0] =	vst.idx.add.f32.msk vm4, v7  }
0x454: {  	[tilespmem:v0+s15+$0x0] =	vst.idx.add.f32.msk vm4, v11  }
0x455: {  	[tilespmem:v14+s0+$0x0] =	vst.idx.add.f32.msk vm4, v15  }
0x456: {  	[tilespmem:v14+s15+$0x0] =	vst.idx.add.f32.msk vm4, v20  }
0x457: {  	[tilespmem:v13+s0+$0x0] =	vst.idx.add.f32.msk vm0, v16  }
0x458: {  	[tilespmem:v13+s15+$0x0] =	vst.idx.add.f32.msk vm0, v17  }
.Ltmp60:
0x459: {  	[tilespmem:v19+s0+$0x0] =	vst.idx.add.f32.msk vm0, v18;
	(pc) =	sbr.rel @p1 .LBB2_81-.Ltmp60, $4  }
0x45a: {  	[tilespmem:v19+s15+$0x0] =	vst.idx.add.f32.msk vm0, v22  }
0x45b: {  	[tilespmem:v21+s0+$0x0] =	vst.idx.add.f32.msk vm0, v24  }
0x45c: {  	[tilespmem:v21+s15+$0x0] =	vst.idx.add.f32.msk vm0, v25  }
0x45d: {  	[tilespmem:v23+s0+$0x0] =	vst.idx.add.f32.msk vm0, v26  }
0x45e: {  	vm7 =	vmmov vm0;
	vm6 =	vmmov vm4;
	vm0 =	vmmov vm5  }
.LBB2_83:
0x45f: {  	_ =	sdelay $0x4  }
0x460: {  	[tilespmem:v23+s15+$0x0] =	vst.idx.add.f32.msk @p0 vm7, v27  }
0x461: {  	[tilespmem:v2+s0+$0x0] =	vst.idx.add.f32.msk vm6, v3  }
0x462: {  	[tilespmem:v2+s15+$0x0] =	vst.idx.add.f32.msk vm1, v4  }
0x463: {  	[tilespmem:v8+s0+$0x0] =	vst.idx.add.f32.msk vm2, v5  }
0x464: {  	[tilespmem:v8+s15+$0x0] =	vst.idx.add.f32.msk vm3, v6  }
0x465: {  	[tilespmem:v10+s0+$0x0] =	vst.idx.add.f32.msk vm0, v9  }
0x466: {  	[tilespmem:v10+s15+$0x0] =	vst.idx.add.f32.msk vm6, v12  }
0x467: {  	[tilespmem:v13+s0+$0x0] =	vst.idx.add.f32.msk vm6, v16  }
0x468: {  	[tilespmem:v13+s15+$0x0] =	vst.idx.add.f32.msk vm6, v17  }
0x469: {  	[tilespmem:v19+s0+$0x0] =	vst.idx.add.f32.msk vm6, v18  }
.Ltmp61:
0x46a: {  	[tilespmem:v19+s15+$0x0] =	vst.idx.add.f32.msk vm6, v22;
	(pc) =	sbr.rel .LBB2_84-.Ltmp61, $4  }
0x46b: {  	[tilespmem:v21+s0+$0x0] =	vst.idx.add.f32.msk vm6, v24  }
0x46c: {  	[tilespmem:v21+s15+$0x0] =	vst.idx.add.f32.msk vm6, v25  }
0x46d: {  	[tilespmem:v23+s0+$0x0] =	vst.idx.add.f32.msk vm6, v26  }
0x46e: {  	vm4 =	vmmov vm6;
	[tilespmem:v23+s15+$0x0] =	vst.idx.add.f32.msk vm6, v27  }
.LBB2_48:
.Ltmp62:
0x46f: {  	(pc) =	sbr.rel .LBB2_53-.Ltmp62, $2  }
0x470: {  	_ =	sdelay $0x2  }
0x471: {  	_ = 	snop  }
.LBB2_58:
.Ltmp63:
0x472: {  	(pc) =	sbr.rel .LBB2_63-.Ltmp63, $2  }
0x473: {  	_ =	sdelay $0x2  }
0x474: {  	_ = 	snop  }
.LBB2_68:
.Ltmp64:
0x475: {  	(pc) =	sbr.rel .LBB2_73-.Ltmp64, $2  }
0x476: {  	_ =	sdelay $0x2  }
0x477: {  	_ = 	snop  }
.LBB2_78:
.Ltmp65:
0x478: {  	(pc) =	sbr.rel .LBB2_83-.Ltmp65, $2  }
0x479: {  	_ =	sdelay $0x2  }
0x47a: {  	_ = 	snop  }
.LBB2_50:
.Ltmp66:
0x47b: {  	(pc) =	sbr.rel .LBB2_53-.Ltmp66, $2  }
0x47c: {  	_ =	sdelay $0x2  }
0x47d: {  	vm7 =	vmmov vm0;
	vm6 =	vmmov vm4;
	vm0 =	vmmov vm5  }
.LBB2_60:
.Ltmp67:
0x47e: {  	(pc) =	sbr.rel .LBB2_63-.Ltmp67, $2  }
0x47f: {  	_ =	sdelay $0x2  }
0x480: {  	vm7 =	vmmov vm0;
	vm6 =	vmmov vm4;
	vm0 =	vmmov vm5  }
.LBB2_70:
.Ltmp68:
0x481: {  	(pc) =	sbr.rel .LBB2_73-.Ltmp68, $2  }
0x482: {  	_ =	sdelay $0x2  }
0x483: {  	vm7 =	vmmov vm0;
	vm6 =	vmmov vm4;
	vm0 =	vmmov vm5  }
.LBB2_80:
.Ltmp69:
0x484: {  	(pc) =	sbr.rel .LBB2_83-.Ltmp69, $2  }
0x485: {  	_ =	sdelay $0x2  }
0x486: {  	vm7 =	vmmov vm0;
	vm6 =	vmmov vm4;
	vm0 =	vmmov vm5  }
.LBB2_85:
0x487: {  	s23 =	rddreg [dreg:$0x9];
	s24 =	simm.s32 $0xFD00  }
0x488: {  	[tilespmem:s24], [sflag:$0x2] =	stream.strided.gather [hbm4b:s23+s17], $0xC80, s18, s17, $0x38;
	[tilespmem:$0x17A00] =	vst v63  }
0x489: {  	s25 =	simm.s32 $0x10980;
	s24 =	rddreg [dreg:$0xa]  }
0x48a: {  	[tilespmem:s25], [sflag:$0x2] =	stream.strided.gather [hbm4b:s24+s17], $0xC80, s18, s17, $0x38;
	[tilespmem:$0x17A00] =	vst v63  }
0x48b: {  	s26 =	simm.s32 $0x11600  }
0x48c: {  	[tilespmem:s26], [sflag:$0x2] =	stream.strided.gather [hbm4b:s2+s17], $0xC80, s19, s17, $0x38;
	[tilespmem:$0x17A00] =	vst v63  }
0x48d: {  	s28 =	simm.s32 $0x12280  }
0x48e: {  	[tilespmem:s28], [sflag:$0x2] =	stream.strided.gather [hbm4b:s3+s17], $0xC80, s19, s17, $0x38;
	[tilespmem:$0x17A00] =	vst v63  }
0x48f: {  	s29 =	simm.s32 $0x12F00  }
0x490: {  	[tilespmem:s29], [sflag:$0x2] =	stream.strided.gather [hbm4b:s4+s17], $0xC80, s19, s17, $0x38;
	[tilespmem:$0x17A00] =	vst v63  }
0x491: {  	s24 =	simm.s32 $0x13B80  }
0x492: {  	[tilespmem:s24], [sflag:$0x2] =	stream.strided.gather [hbm4b:s5+s17], $0xC80, s19, s17, $0x38;
	[tilespmem:$0x17A00] =	vst v63  }
0x493: {  	s25 =	simm.s32 $0x14800  }
0x494: {  	[tilespmem:s25], [sflag:$0x2] =	stream.strided.gather [hbm4b:s6+s17], $0xC80, s19, s17, $0x38;
	[tilespmem:$0x17A00] =	vst v63  }
0x495: {  	s26 =	simm.s32 $0x15480  }
0x496: {  	[tilespmem:s26], [sflag:$0x2] =	stream.strided.gather [hbm4b:s7+s17], $0xC80, s19, s17, $0x38;
	[tilespmem:$0x17A00] =	vst v63  }
0x497: {  	s28 =	simm.s32 $0x16100  }
0x498: {  	[tilespmem:s28], [sflag:$0x2] =	stream.strided.gather [hbm4b:s8+s17], $0xC80, s19, s17, $0x38;
	[tilespmem:$0x17A00] =	vst v63  }
0x499: {  	s29 =	simm.s32 $0x16D80  }
0x49a: {  	[tilespmem:s29], [sflag:$0x2] =	stream.strided.gather [hbm4b:s11+s17], $0xC80, s19, s17, $0x38;
	[tilespmem:$0x17A00] =	vst v63  }
0x49b: {  	_ =	swait.ge [sflag:s16], $0xC80  }
0x49c: {  	[sflag:s16] =	ssyncset.done $0x0  }
0x49d: {  	[sflag:s16] =	ssyncadd.s32 $0xFFFFF380  }
0x49e: {  	_ =	swait.ge [sflag:s16], $0xC80  }
0x49f: {  	[sflag:s16] =	ssyncset.done $0x0  }
0x4a0: {  	[sflag:s16] =	ssyncadd.s32 $0xFFFFF380  }
0x4a1: {  	_ =	swait.ge [sflag:s16], $0xC80  }
0x4a2: {  	[sflag:s16] =	ssyncset.done $0x0  }
0x4a3: {  	[sflag:s16] =	ssyncadd.s32 $0xFFFFF380  }
0x4a4: {  	_ =	swait.ge [sflag:s16], $0xC80  }
0x4a5: {  	[sflag:s16] =	ssyncset.done $0x0  }
0x4a6: {  	[sflag:s16] =	ssyncadd.s32 $0xFFFFF380  }
0x4a7: {  	_ =	swait.ge [sflag:s16], $0xC80  }
0x4a8: {  	[sflag:s16] =	ssyncset.done $0x0  }
0x4a9: {  	[sflag:s16] =	ssyncadd.s32 $0xFFFFF380  }
0x4aa: {  	_ =	swait.ge [sflag:s16], $0xC80  }
0x4ab: {  	[sflag:s16] =	ssyncset.done $0x0  }
0x4ac: {  	[sflag:s16] =	ssyncadd.s32 $0xFFFFF380  }
0x4ad: {  	_ =	swait.ge [sflag:s16], $0xC80  }
0x4ae: {  	[sflag:s16] =	ssyncset.done $0x0  }
0x4af: {  	[sflag:s16] =	ssyncadd.s32 $0xFFFFF380  }
0x4b0: {  	_ =	swait.ge [sflag:s16], $0xC80  }
0x4b1: {  	[sflag:s16] =	ssyncset.done $0x0  }
0x4b2: {  	[sflag:s16] =	ssyncadd.s32 $0xFFFFF380  }
0x4b3: {  	_ =	swait.ge [sflag:s16], $0xC80  }
.Ltmp70:
0x4b4: {  	[sflag:s16] =	ssyncset.done $0x0;
	(pc) =	sbr.rel .LBB2_86-.Ltmp70, $4  }
0x4b5: {  	[sflag:s16] =	ssyncadd.s32 $0xFFFFF380  }
0x4b6: {  	_ =	swait.ge [sflag:s16], $0xC80  }
0x4b7: {  	[sflag:s16] =	ssyncset.done $0x0  }
0x4b8: {  	s23 =	simm.s32 $0x0;
	[sflag:s16] =	ssyncadd.s32 $0xFFFFF380  }
.LBB2_117:
0x4b9: {  	v1 =	vmul.f32 v26, v2  }
0x4ba: {  	v41 =	vmul.f32 v27, v2;
	v3 =	vadd.s32 $0x1, v0  }
0x4bb: {  	v7 =	vadd.s32 $0x2, v0;
	v4 =	vmul.f32 v1, v13  }
0x4bc: {  	v8 =	vand.u32 $0xFFFFFF80, v0;
	v5 =	vand.u32 $0x7F, v5;
	v6 =	vmul.f32 v41, v13  }
0x4bd: {  	v5 =	vor.u32 v5, v8;
	v42 =	vmul.f32 v1, v21;
	[tilespmem:v0+s0+$0x0] =	vst.idx.add.f32.msk $0xffff, v4  }
0x4be: {  	v43 =	vmul.f32 v41, v21;
	v8 =	vadd.s32 $0x80, v5;
	[tilespmem:v0+s15+$0x0] =	vst.idx.add.f32.msk $0xffff, v6  }
0x4bf: {  	v44 =	vmul.f32 v26, v10;
	v1 =	vmul.f32 v1, v23;
	[tilespmem:v3+s0+$0x0] =	vst.idx.add.f32.msk $0xffff, v42  }
0x4c0: {  	v45 =	vmul.f32 v27, v10;
	v46 =	vadd.s32 $0x81, v0;
	v2 =	vmul.f32 v41, v23;
	[tilespmem:v3+s15+$0x0] =	vst.idx.add.f32.msk $0xffff, v43  }
0x4c1: {  	v47 =	vmul.f32 v44, v13;
	[tilespmem:v7+s0+$0x0] =	vst.idx.add.f32.msk $0xffff, v1  }
0x4c2: {  	v49 =	vadd.s32 $0x82, v0;
	v48 =	vmul.f32 v45, v13;
	[tilespmem:v7+s15+$0x0] =	vst.idx.add.f32.msk $0xffff, v2  }
0x4c3: {  	v50 =	vmul.f32 v44, v21;
	[tilespmem:v8+s0+$0x0] =	vst.idx.add.f32.msk $0xffff, v47  }
0x4c4: {  	v51 =	vmul.f32 v45, v21;
	v5 =	vadd.s32 $0x100, v5;
	[tilespmem:v8+s15+$0x0] =	vst.idx.add.f32.msk $0xffff, v48  }
0x4c5: {  	v53 =	vmul.f32 v26, v24;
	v52 =	vmul.f32 v44, v23;
	[tilespmem:v46+s0+$0x0] =	vst.idx.add.f32.msk $0xffff, v50  }
0x4c6: {  	v55 =	vmul.f32 v27, v24;
	v56 =	vadd.s32 $0x101, v0;
	v54 =	vmul.f32 v45, v23;
	[tilespmem:v46+s15+$0x0] =	vst.idx.add.f32.msk $0xffff, v51  }
0x4c7: {  	v57 =	vmul.f32 v53, v13;
	[tilespmem:v49+s0+$0x0] =	vst.idx.add.f32.msk $0xffff, v52  }
0x4c8: {  	v59 =	vadd.s32 $0x102, v0;
	v58 =	vmul.f32 v55, v13;
	[tilespmem:v49+s15+$0x0] =	vst.idx.add.f32.msk $0xffff, v54  }
0x4c9: {  	v60 =	vmul.f32 v53, v21;
	[tilespmem:v5+s0+$0x0] =	vst.idx.add.f32.msk $0xffff, v57  }
0x4ca: {  	v61 =	vmul.f32 v55, v21;
	[tilespmem:v5+s15+$0x0] =	vst.idx.add.f32.msk $0xffff, v58  }
0x4cb: {  	v62 =	vmul.f32 v53, v23;
	[tilespmem:v56+s0+$0x0] =	vst.idx.add.f32.msk $0xffff, v60  }
0x4cc: {  	v63 =	vmul.f32 v55, v23;
	[tilespmem:v56+s15+$0x0] =	vst.idx.add.f32.msk $0xffff, v61  }
0x4cd: {  	[tilespmem:v59+s0+$0x0] =	vst.idx.add.f32.msk $0xffff, v62  }
0x4ce: {  	[tilespmem:v59+s15+$0x0] =	vst.idx.add.f32.msk $0xffff, v63  }
.LBB2_126:
0x4cf: {  	p0 =	slt.u32 s23, $0xC4  }
.Ltmp71:
0x4d0: {  	_ = 	snop;
	(pc) =	sbr.rel @!p0 .LBB2_127-.Ltmp71, $3  }
0x4d1: {  	_ =	sdelay $0x1  }
0x4d2: {  	s24 =	sadd.s32 $0x4, s23  }
0x4d3: {  	s23 =	smov.u32 s24  }
.LBB2_86:
0x4d4: {  	s24 =	sshll.u32 s23, $0x4  }
0x4d5: {  	v0 =	vld [tilespmem:s24+$0x8000]  }
0x4d6: {  	v5 =	vld [tilespmem:s24+$0x8C80];
	_ =	sdelay $0x3  }
0x4d7: {  	v0 =	vshll.u32 v0, $0x7  }
0x4d8: {  	v0 =	vadd.s32 v5, v0  }
0x4d9: {  	(xrf1) =	vunique.msk.u32 $0xffff, v0;
	_ =	sdelay $0xd  }
0x4da: {  	_, v1, _ =	vpop (xrf1)  }
0x4db: {  	v2 =	vxor.u32 $0x80000000, v1  }
0x4dc: {  	(xrf0) =	vmin.scan.msk.u32 $0xffff, v2  }
0x4dd: {  	(xrf0) =	vmax.scan.msk.u32 $0xffff, v2;
	_ =	sdelay $0x4  }
0x4de: {  	v2, _, _ =	vpop (xrf0)  }
0x4df: {  	(v2sf) =	vpush v2, $0xF;
	v2, _, _ =	vpop (xrf0)  }
0x4e0: {  	(v2sf) =	vpush v2, $0xF;
	_ =	sdelay $0xd  }
0x4e1: {  	v10 =	vld [tilespmem:s24+$0xA580];
	s26 =	spop (v2sf)  }
0x4e2: {  	v24 =	vld [tilespmem:s24+$0xB200];
	s25 =	spop (v2sf)  }
0x4e3: {  	v13 =	vld [tilespmem:s24+$0xBE80];
	p0 =	sne.s32 s25, s26  }
.Ltmp72:
0x4e4: {  	v21 =	vld [tilespmem:s24+$0xCB00];
	(pc) =	sbr.rel @p0 .LBB2_88-.Ltmp72, $4  }
0x4e5: {  	v23 =	vld [tilespmem:s24+$0xD780]  }
0x4e6: {  	v26 =	vld [tilespmem:s24+$0xE400]  }
0x4e7: {  	v27 =	vld [tilespmem:s24+$0xF080]  }
0x4e8: {  	v2 =	vld [tilespmem:s24+$0x9900]  }
0x4e9: {  	_ =	sdelay $0x3  }
0x4ea: {  	v1 =	vmul.f32 v26, v2  }
0x4eb: {  	v3 =	vadd.s32 $0x1, v0;
	v41 =	vmul.f32 v27, v2  }
0x4ec: {  	v7 =	vadd.s32 $0x2, v0;
	v4 =	vmul.f32 v1, v13  }
0x4ed: {  	v8 =	vand.u32 $0xFFFFFF80, v0;
	v5 =	vand.u32 $0x7F, v5;
	v6 =	vmul.f32 v41, v13  }
0x4ee: {  	v5 =	vor.u32 v5, v8;
	v42 =	vmul.f32 v1, v21;
	[tilespmem:v0+s0+$0x0] =	vst.idx.add.f32.msk $0xffff, v4  }
0x4ef: {  	v8 =	vadd.s32 $0x80, v5;
	v43 =	vmul.f32 v41, v21;
	[tilespmem:v0+s15+$0x0] =	vst.idx.add.f32.msk $0xffff, v6  }
0x4f0: {  	v44 =	vmul.f32 v26, v10;
	v1 =	vmul.f32 v1, v23;
	[tilespmem:v3+s0+$0x0] =	vst.idx.add.f32.msk $0xffff, v42  }
0x4f1: {  	v46 =	vadd.s32 $0x81, v0;
	v45 =	vmul.f32 v27, v10;
	v2 =	vmul.f32 v41, v23;
	[tilespmem:v3+s15+$0x0] =	vst.idx.add.f32.msk $0xffff, v43  }
0x4f2: {  	v47 =	vmul.f32 v44, v13;
	[tilespmem:v7+s0+$0x0] =	vst.idx.add.f32.msk $0xffff, v1  }
0x4f3: {  	v49 =	vadd.s32 $0x82, v0;
	v48 =	vmul.f32 v45, v13;
	[tilespmem:v7+s15+$0x0] =	vst.idx.add.f32.msk $0xffff, v2  }
0x4f4: {  	v50 =	vmul.f32 v44, v21;
	[tilespmem:v8+s0+$0x0] =	vst.idx.add.f32.msk $0xffff, v47  }
0x4f5: {  	v5 =	vadd.s32 $0x100, v5;
	v51 =	vmul.f32 v45, v21;
	[tilespmem:v8+s15+$0x0] =	vst.idx.add.f32.msk $0xffff, v48  }
0x4f6: {  	v53 =	vmul.f32 v26, v24;
	v52 =	vmul.f32 v44, v23;
	[tilespmem:v46+s0+$0x0] =	vst.idx.add.f32.msk $0xffff, v50  }
0x4f7: {  	v56 =	vadd.s32 $0x101, v0;
	v55 =	vmul.f32 v27, v24;
	v54 =	vmul.f32 v45, v23;
	[tilespmem:v46+s15+$0x0] =	vst.idx.add.f32.msk $0xffff, v51  }
0x4f8: {  	v57 =	vmul.f32 v53, v13;
	[tilespmem:v49+s0+$0x0] =	vst.idx.add.f32.msk $0xffff, v52  }
0x4f9: {  	v59 =	vadd.s32 $0x102, v0;
	v58 =	vmul.f32 v55, v13;
	[tilespmem:v49+s15+$0x0] =	vst.idx.add.f32.msk $0xffff, v54  }
0x4fa: {  	v60 =	vmul.f32 v53, v21;
	[tilespmem:v5+s0+$0x0] =	vst.idx.add.f32.msk $0xffff, v57  }
.Ltmp73:
0x4fb: {  	v61 =	vmul.f32 v55, v21;
	[tilespmem:v5+s15+$0x0] =	vst.idx.add.f32.msk $0xffff, v58;
	(pc) =	sbr.rel .LBB2_96-.Ltmp73, $4  }
0x4fc: {  	v62 =	vmul.f32 v53, v23;
	[tilespmem:v56+s0+$0x0] =	vst.idx.add.f32.msk $0xffff, v60  }
0x4fd: {  	v63 =	vmul.f32 v55, v23;
	[tilespmem:v56+s15+$0x0] =	vst.idx.add.f32.msk $0xffff, v61  }
0x4fe: {  	[tilespmem:v59+s0+$0x0] =	vst.idx.add.f32.msk $0xffff, v62  }
0x4ff: {  	[tilespmem:v59+s15+$0x0] =	vst.idx.add.f32.msk $0xffff, v63  }
.LBB2_88:
0x500: {  	s28 =	sxor.u32 $0x80000000, s26;
	s29 =	sadd.s32 $0x80000001, s25  }
0x501: {  	p0 =	sge.s32 s28, s29  }
.Ltmp74:
0x502: {  	_ = 	snop;
	(pc) =	sbr.rel @p0 .LBB2_96-.Ltmp74, $1  }
0x503: {  	_ =	sdelay $0x3  }
0x504: {  	v3 =	vmul.f32 v13, v2  }
0x505: {  	v4 =	vmul.f32 v21, v2;
	v6 =	vmul.f32 v23, v2;
	v14 =	vadd.s32 $0x1, v0  }
0x506: {  	v2 =	vadd.s32 $0x2, v0;
	v8 =	vand.u32 $0xFFFFFF80, v0;
	v12 =	vmul.f32 v21, v10  }
0x507: {  	s26 =	sadd.s32 $0xFFFFFFFF, s26;
	v9 =	vand.u32 $0x7F, v5;
	v17 =	vmul.f32 v23, v10;
	v22 =	vmul.f32 v13, v24  }
0x508: {  	v25 =	vmul.f32 v21, v24;
	v21 =	vadd.s32 $0x101, v0;
	v28 =	vmul.f32 v23, v24;
	s28 =	sadd.s32 $0x80000001, s26  }
0x509: {  	v7 =	vmul.f32 v26, v3;
	v11 =	vmul.f32 v27, v3;
	vm6 =	veq.s32 v1, s28  }
0x50a: {  	v23 =	vadd.s32 $0x102, v0;
	v15 =	vmul.f32 v26, v4;
	v20 =	vmul.f32 v27, v4  }
0x50b: {  	v19 =	vor.u32 v9, v8;
	v3 =	vmul.f32 v26, v6;
	v4 =	vmul.f32 v27, v6  }
0x50c: {  	s26 =	sadd.s32 $0x1, s26;
	v6 =	vmul.f32 v13, v10;
	v8 =	vadd.s32 $0x80, v19;
	v9 =	vmul.f32 v26, v12  }
0x50d: {  	v12 =	vmul.f32 v27, v12;
	v16 =	vmul.f32 v26, v17;
	p1 =	sne.s32 s25, s26;
	vm0 =	vmmov vm6  }
.Ltmp75:
0x50e: {  	v10 =	vadd.s32 $0x81, v0;
	v17 =	vmul.f32 v27, v17;
	v18 =	vmul.f32 v26, v22;
	(pc) =	sbr.rel @!p1 .LBB2_90-.Ltmp75, $4  }
0x50f: {  	v13 =	vadd.s32 $0x82, v0;
	v22 =	vmul.f32 v27, v22;
	v24 =	vmul.f32 v26, v25;
	[tilespmem:v0+s0+$0x0] =	vst.idx.add.f32.msk vm6, v7  }
0x510: {  	v19 =	vadd.s32 $0x100, v19;
	v25 =	vmul.f32 v27, v25;
	v5 =	vmul.f32 v26, v6;
	[tilespmem:v0+s15+$0x0] =	vst.idx.add.f32.msk vm6, v11  }
0x511: {  	vm1 =	vmmov vm6;
	v6 =	vmul.f32 v27, v6;
	v27 =	vmul.f32 v27, v28;
	[tilespmem:v14+s0+$0x0] =	vst.idx.add.f32.msk vm6, v15  }
0x512: {  	p0 =	por $0x0, $0x0;
	vm2 =	vmmov vm6;
	vm3 =	vmmov vm6;
	v26 =	vmul.f32 v26, v28;
	[tilespmem:v14+s15+$0x0] =	vst.idx.add.f32.msk vm6, v20  }
0x513: {  	_ =	sdelay $0x4  }
0x514: {  	s28 =	sadd.s32 $0x80000001, s26;
	[tilespmem:v2+s0+$0x0] =	vst.idx.add.f32.msk vm6, v3  }
0x515: {  	vm4 =	veq.s32 v1, s28;
	[tilespmem:v2+s15+$0x0] =	vst.idx.add.f32.msk vm1, v4  }
0x516: {  	[tilespmem:v8+s0+$0x0] =	vst.idx.add.f32.msk vm2, v5  }
0x517: {  	[tilespmem:v8+s15+$0x0] =	vst.idx.add.f32.msk vm3, v6  }
0x518: {  	[tilespmem:v10+s0+$0x0] =	vst.idx.add.f32.msk vm0, v9  }
0x519: {  	[tilespmem:v10+s15+$0x0] =	vst.idx.add.f32.msk vm0, v12  }
0x51a: {  	[tilespmem:v13+s0+$0x0] =	vst.idx.add.f32.msk vm0, v16  }
0x51b: {  	[tilespmem:v0+s0+$0x0] =	vst.idx.add.f32.msk vm4, v7  }
0x51c: {  	[tilespmem:v13+s15+$0x0] =	vst.idx.add.f32.msk vm0, v17  }
0x51d: {  	[tilespmem:v0+s15+$0x0] =	vst.idx.add.f32.msk vm4, v11  }
0x51e: {  	s26 =	sadd.s32 $0x1, s26;
	[tilespmem:v19+s0+$0x0] =	vst.idx.add.f32.msk vm0, v18  }
0x51f: {  	p1 =	sne.s32 s25, s26;
	[tilespmem:v14+s0+$0x0] =	vst.idx.add.f32.msk vm4, v15  }
.Ltmp76:
0x520: {  	[tilespmem:v19+s15+$0x0] =	vst.idx.add.f32.msk vm0, v22;
	(pc) =	sbr.rel @!p1 .LBB2_92-.Ltmp76, $4  }
0x521: {  	vm1 =	vmmov vm4;
	[tilespmem:v14+s15+$0x0] =	vst.idx.add.f32.msk vm4, v20  }
0x522: {  	vm2 =	vmmov vm4;
	[tilespmem:v21+s0+$0x0] =	vst.idx.add.f32.msk vm0, v24  }
0x523: {  	vm3 =	vmmov vm4;
	[tilespmem:v21+s15+$0x0] =	vst.idx.add.f32.msk vm0, v25  }
0x524: {  	p0 =	por $0x1, $0x1;
	vm5 =	vmmov vm4;
	[tilespmem:v23+s0+$0x0] =	vst.idx.add.f32.msk vm0, v26  }
.LBB2_93:
0x525: {  	s28 =	sadd.s32 $0x80000001, s26;
	s26 =	sadd.s32 $0x1, s26;
	[tilespmem:v23+s15+$0x0] =	vst.idx.add.f32.msk vm0, v27;
	vm0 =	vmmov vm4  }
0x526: {  	p1 =	sne.s32 s25, s26;
	[tilespmem:v2+s0+$0x0] =	vst.idx.add.f32.msk vm4, v3;
	vm4 =	veq.s32 v1, s28  }
0x527: {  	[tilespmem:v2+s15+$0x0] =	vst.idx.add.f32.msk vm1, v4;
	vm1 =	vmmov vm4  }
0x528: {  	[tilespmem:v8+s0+$0x0] =	vst.idx.add.f32.msk vm2, v5;
	vm2 =	vmmov vm4  }
0x529: {  	[tilespmem:v8+s15+$0x0] =	vst.idx.add.f32.msk vm3, v6;
	vm3 =	vmmov vm4  }
0x52a: {  	[tilespmem:v10+s0+$0x0] =	vst.idx.add.f32.msk vm5, v9;
	vm5 =	vmmov vm4  }
0x52b: {  	[tilespmem:v10+s15+$0x0] =	vst.idx.add.f32.msk vm0, v12  }
0x52c: {  	[tilespmem:v0+s0+$0x0] =	vst.idx.add.f32.msk vm4, v7  }
0x52d: {  	[tilespmem:v0+s15+$0x0] =	vst.idx.add.f32.msk vm4, v11  }
0x52e: {  	[tilespmem:v14+s0+$0x0] =	vst.idx.add.f32.msk vm4, v15  }
0x52f: {  	[tilespmem:v14+s15+$0x0] =	vst.idx.add.f32.msk vm4, v20  }
0x530: {  	[tilespmem:v13+s0+$0x0] =	vst.idx.add.f32.msk vm0, v16  }
0x531: {  	[tilespmem:v13+s15+$0x0] =	vst.idx.add.f32.msk vm0, v17  }
.Ltmp77:
0x532: {  	[tilespmem:v19+s0+$0x0] =	vst.idx.add.f32.msk vm0, v18;
	(pc) =	sbr.rel @p1 .LBB2_93-.Ltmp77, $4  }
0x533: {  	[tilespmem:v19+s15+$0x0] =	vst.idx.add.f32.msk vm0, v22  }
0x534: {  	[tilespmem:v21+s0+$0x0] =	vst.idx.add.f32.msk vm0, v24  }
0x535: {  	[tilespmem:v21+s15+$0x0] =	vst.idx.add.f32.msk vm0, v25  }
0x536: {  	[tilespmem:v23+s0+$0x0] =	vst.idx.add.f32.msk vm0, v26  }
0x537: {  	vm7 =	vmmov vm0;
	vm6 =	vmmov vm4;
	vm0 =	vmmov vm5  }
.LBB2_95:
0x538: {  	_ =	sdelay $0x4  }
0x539: {  	[tilespmem:v23+s15+$0x0] =	vst.idx.add.f32.msk @p0 vm7, v27  }
0x53a: {  	[tilespmem:v2+s0+$0x0] =	vst.idx.add.f32.msk vm6, v3  }
0x53b: {  	[tilespmem:v2+s15+$0x0] =	vst.idx.add.f32.msk vm1, v4  }
0x53c: {  	[tilespmem:v8+s0+$0x0] =	vst.idx.add.f32.msk vm2, v5  }
0x53d: {  	[tilespmem:v8+s15+$0x0] =	vst.idx.add.f32.msk vm3, v6  }
0x53e: {  	[tilespmem:v10+s0+$0x0] =	vst.idx.add.f32.msk vm0, v9  }
0x53f: {  	[tilespmem:v10+s15+$0x0] =	vst.idx.add.f32.msk vm6, v12  }
0x540: {  	[tilespmem:v13+s0+$0x0] =	vst.idx.add.f32.msk vm6, v16  }
0x541: {  	[tilespmem:v13+s15+$0x0] =	vst.idx.add.f32.msk vm6, v17  }
0x542: {  	[tilespmem:v19+s0+$0x0] =	vst.idx.add.f32.msk vm6, v18  }
0x543: {  	[tilespmem:v19+s15+$0x0] =	vst.idx.add.f32.msk vm6, v22  }
0x544: {  	[tilespmem:v21+s0+$0x0] =	vst.idx.add.f32.msk vm6, v24  }
0x545: {  	[tilespmem:v21+s15+$0x0] =	vst.idx.add.f32.msk vm6, v25  }
0x546: {  	[tilespmem:v23+s0+$0x0] =	vst.idx.add.f32.msk vm6, v26  }
0x547: {  	vm4 =	vmmov vm6;
	[tilespmem:v23+s15+$0x0] =	vst.idx.add.f32.msk vm6, v27  }
.LBB2_96:
0x548: {  	v0 =	vld [tilespmem:s24+$0x8010]  }
0x549: {  	v5 =	vld [tilespmem:s24+$0x8C90];
	_ =	sdelay $0x3  }
0x54a: {  	v0 =	vshll.u32 v0, $0x7  }
0x54b: {  	v0 =	vadd.s32 v5, v0  }
0x54c: {  	(xrf1) =	vunique.msk.u32 $0xffff, v0;
	_ =	sdelay $0xd  }
0x54d: {  	_, v1, _ =	vpop (xrf1)  }
0x54e: {  	v2 =	vxor.u32 $0x80000000, v1  }
0x54f: {  	(xrf0) =	vmin.scan.msk.u32 $0xffff, v2  }
0x550: {  	(xrf0) =	vmax.scan.msk.u32 $0xffff, v2;
	_ =	sdelay $0x4  }
0x551: {  	v2, _, _ =	vpop (xrf0)  }
0x552: {  	(v2sf) =	vpush v2, $0xF;
	v2, _, _ =	vpop (xrf0)  }
0x553: {  	(v2sf) =	vpush v2, $0xF;
	_ =	sdelay $0xd  }
0x554: {  	v10 =	vld [tilespmem:s24+$0xA590];
	s26 =	spop (v2sf)  }
0x555: {  	v24 =	vld [tilespmem:s24+$0xB210];
	s25 =	spop (v2sf)  }
0x556: {  	v13 =	vld [tilespmem:s24+$0xBE90];
	p0 =	sne.s32 s25, s26  }
.Ltmp78:
0x557: {  	v21 =	vld [tilespmem:s24+$0xCB10];
	(pc) =	sbr.rel @p0 .LBB2_98-.Ltmp78, $4  }
0x558: {  	v23 =	vld [tilespmem:s24+$0xD790]  }
0x559: {  	v26 =	vld [tilespmem:s24+$0xE410]  }
0x55a: {  	v27 =	vld [tilespmem:s24+$0xF090]  }
0x55b: {  	v2 =	vld [tilespmem:s24+$0x9910]  }
0x55c: {  	_ =	sdelay $0x3  }
0x55d: {  	v1 =	vmul.f32 v26, v2  }
0x55e: {  	v3 =	vadd.s32 $0x1, v0;
	v41 =	vmul.f32 v27, v2  }
0x55f: {  	v7 =	vadd.s32 $0x2, v0;
	v4 =	vmul.f32 v1, v13  }
0x560: {  	v8 =	vand.u32 $0xFFFFFF80, v0;
	v5 =	vand.u32 $0x7F, v5;
	v6 =	vmul.f32 v41, v13  }
0x561: {  	v5 =	vor.u32 v5, v8;
	v42 =	vmul.f32 v1, v21;
	[tilespmem:v0+s0+$0x0] =	vst.idx.add.f32.msk $0xffff, v4  }
0x562: {  	v8 =	vadd.s32 $0x80, v5;
	v43 =	vmul.f32 v41, v21;
	[tilespmem:v0+s15+$0x0] =	vst.idx.add.f32.msk $0xffff, v6  }
0x563: {  	v44 =	vmul.f32 v26, v10;
	v1 =	vmul.f32 v1, v23;
	[tilespmem:v3+s0+$0x0] =	vst.idx.add.f32.msk $0xffff, v42  }
0x564: {  	v46 =	vadd.s32 $0x81, v0;
	v45 =	vmul.f32 v27, v10;
	v2 =	vmul.f32 v41, v23;
	[tilespmem:v3+s15+$0x0] =	vst.idx.add.f32.msk $0xffff, v43  }
0x565: {  	v47 =	vmul.f32 v44, v13;
	[tilespmem:v7+s0+$0x0] =	vst.idx.add.f32.msk $0xffff, v1  }
0x566: {  	v49 =	vadd.s32 $0x82, v0;
	v48 =	vmul.f32 v45, v13;
	[tilespmem:v7+s15+$0x0] =	vst.idx.add.f32.msk $0xffff, v2  }
0x567: {  	v50 =	vmul.f32 v44, v21;
	[tilespmem:v8+s0+$0x0] =	vst.idx.add.f32.msk $0xffff, v47  }
0x568: {  	v5 =	vadd.s32 $0x100, v5;
	v51 =	vmul.f32 v45, v21;
	[tilespmem:v8+s15+$0x0] =	vst.idx.add.f32.msk $0xffff, v48  }
0x569: {  	v53 =	vmul.f32 v26, v24;
	v52 =	vmul.f32 v44, v23;
	[tilespmem:v46+s0+$0x0] =	vst.idx.add.f32.msk $0xffff, v50  }
0x56a: {  	v56 =	vadd.s32 $0x101, v0;
	v55 =	vmul.f32 v27, v24;
	v54 =	vmul.f32 v45, v23;
	[tilespmem:v46+s15+$0x0] =	vst.idx.add.f32.msk $0xffff, v51  }
0x56b: {  	v57 =	vmul.f32 v53, v13;
	[tilespmem:v49+s0+$0x0] =	vst.idx.add.f32.msk $0xffff, v52  }
0x56c: {  	v59 =	vadd.s32 $0x102, v0;
	v58 =	vmul.f32 v55, v13;
	[tilespmem:v49+s15+$0x0] =	vst.idx.add.f32.msk $0xffff, v54  }
0x56d: {  	v60 =	vmul.f32 v53, v21;
	[tilespmem:v5+s0+$0x0] =	vst.idx.add.f32.msk $0xffff, v57  }
.Ltmp79:
0x56e: {  	v61 =	vmul.f32 v55, v21;
	[tilespmem:v5+s15+$0x0] =	vst.idx.add.f32.msk $0xffff, v58;
	(pc) =	sbr.rel .LBB2_106-.Ltmp79, $4  }
0x56f: {  	v62 =	vmul.f32 v53, v23;
	[tilespmem:v56+s0+$0x0] =	vst.idx.add.f32.msk $0xffff, v60  }
0x570: {  	v63 =	vmul.f32 v55, v23;
	[tilespmem:v56+s15+$0x0] =	vst.idx.add.f32.msk $0xffff, v61  }
0x571: {  	[tilespmem:v59+s0+$0x0] =	vst.idx.add.f32.msk $0xffff, v62  }
0x572: {  	[tilespmem:v59+s15+$0x0] =	vst.idx.add.f32.msk $0xffff, v63  }
.LBB2_98:
0x573: {  	s28 =	sxor.u32 $0x80000000, s26;
	s29 =	sadd.s32 $0x80000001, s25  }
0x574: {  	p0 =	sge.s32 s28, s29  }
.Ltmp80:
0x575: {  	_ = 	snop;
	(pc) =	sbr.rel @p0 .LBB2_106-.Ltmp80, $1  }
0x576: {  	_ =	sdelay $0x3  }
0x577: {  	v3 =	vmul.f32 v13, v2  }
0x578: {  	v4 =	vmul.f32 v21, v2;
	v6 =	vmul.f32 v23, v2;
	v14 =	vadd.s32 $0x1, v0  }
0x579: {  	v2 =	vadd.s32 $0x2, v0;
	v8 =	vand.u32 $0xFFFFFF80, v0;
	v12 =	vmul.f32 v21, v10  }
0x57a: {  	s26 =	sadd.s32 $0xFFFFFFFF, s26;
	v9 =	vand.u32 $0x7F, v5;
	v17 =	vmul.f32 v23, v10;
	v22 =	vmul.f32 v13, v24  }
0x57b: {  	v25 =	vmul.f32 v21, v24;
	v21 =	vadd.s32 $0x101, v0;
	v28 =	vmul.f32 v23, v24;
	s28 =	sadd.s32 $0x80000001, s26  }
0x57c: {  	v7 =	vmul.f32 v26, v3;
	v11 =	vmul.f32 v27, v3;
	vm6 =	veq.s32 v1, s28  }
0x57d: {  	v23 =	vadd.s32 $0x102, v0;
	v15 =	vmul.f32 v26, v4;
	v20 =	vmul.f32 v27, v4  }
0x57e: {  	v19 =	vor.u32 v9, v8;
	v3 =	vmul.f32 v26, v6;
	v4 =	vmul.f32 v27, v6  }
0x57f: {  	s26 =	sadd.s32 $0x1, s26;
	v6 =	vmul.f32 v13, v10;
	v8 =	vadd.s32 $0x80, v19;
	v9 =	vmul.f32 v26, v12  }
0x580: {  	v12 =	vmul.f32 v27, v12;
	v16 =	vmul.f32 v26, v17;
	p1 =	sne.s32 s25, s26;
	vm0 =	vmmov vm6  }
.Ltmp81:
0x581: {  	v10 =	vadd.s32 $0x81, v0;
	v17 =	vmul.f32 v27, v17;
	v18 =	vmul.f32 v26, v22;
	(pc) =	sbr.rel @!p1 .LBB2_100-.Ltmp81, $4  }
0x582: {  	v13 =	vadd.s32 $0x82, v0;
	v22 =	vmul.f32 v27, v22;
	v24 =	vmul.f32 v26, v25;
	[tilespmem:v0+s0+$0x0] =	vst.idx.add.f32.msk vm6, v7  }
0x583: {  	v19 =	vadd.s32 $0x100, v19;
	v25 =	vmul.f32 v27, v25;
	v5 =	vmul.f32 v26, v6;
	[tilespmem:v0+s15+$0x0] =	vst.idx.add.f32.msk vm6, v11  }
0x584: {  	vm1 =	vmmov vm6;
	v6 =	vmul.f32 v27, v6;
	v27 =	vmul.f32 v27, v28;
	[tilespmem:v14+s0+$0x0] =	vst.idx.add.f32.msk vm6, v15  }
0x585: {  	p0 =	por $0x0, $0x0;
	vm2 =	vmmov vm6;
	vm3 =	vmmov vm6;
	v26 =	vmul.f32 v26, v28;
	[tilespmem:v14+s15+$0x0] =	vst.idx.add.f32.msk vm6, v20  }
0x586: {  	_ =	sdelay $0x4  }
0x587: {  	s28 =	sadd.s32 $0x80000001, s26;
	[tilespmem:v2+s0+$0x0] =	vst.idx.add.f32.msk vm6, v3  }
0x588: {  	vm4 =	veq.s32 v1, s28;
	[tilespmem:v2+s15+$0x0] =	vst.idx.add.f32.msk vm1, v4  }
0x589: {  	[tilespmem:v8+s0+$0x0] =	vst.idx.add.f32.msk vm2, v5  }
0x58a: {  	[tilespmem:v8+s15+$0x0] =	vst.idx.add.f32.msk vm3, v6  }
0x58b: {  	[tilespmem:v10+s0+$0x0] =	vst.idx.add.f32.msk vm0, v9  }
0x58c: {  	[tilespmem:v10+s15+$0x0] =	vst.idx.add.f32.msk vm0, v12  }
0x58d: {  	[tilespmem:v13+s0+$0x0] =	vst.idx.add.f32.msk vm0, v16  }
0x58e: {  	[tilespmem:v0+s0+$0x0] =	vst.idx.add.f32.msk vm4, v7  }
0x58f: {  	[tilespmem:v13+s15+$0x0] =	vst.idx.add.f32.msk vm0, v17  }
0x590: {  	[tilespmem:v0+s15+$0x0] =	vst.idx.add.f32.msk vm4, v11  }
0x591: {  	s26 =	sadd.s32 $0x1, s26;
	[tilespmem:v19+s0+$0x0] =	vst.idx.add.f32.msk vm0, v18  }
0x592: {  	p1 =	sne.s32 s25, s26;
	[tilespmem:v14+s0+$0x0] =	vst.idx.add.f32.msk vm4, v15  }
.Ltmp82:
0x593: {  	[tilespmem:v19+s15+$0x0] =	vst.idx.add.f32.msk vm0, v22;
	(pc) =	sbr.rel @!p1 .LBB2_102-.Ltmp82, $4  }
0x594: {  	vm1 =	vmmov vm4;
	[tilespmem:v14+s15+$0x0] =	vst.idx.add.f32.msk vm4, v20  }
0x595: {  	vm2 =	vmmov vm4;
	[tilespmem:v21+s0+$0x0] =	vst.idx.add.f32.msk vm0, v24  }
0x596: {  	vm3 =	vmmov vm4;
	[tilespmem:v21+s15+$0x0] =	vst.idx.add.f32.msk vm0, v25  }
0x597: {  	p0 =	por $0x1, $0x1;
	vm5 =	vmmov vm4;
	[tilespmem:v23+s0+$0x0] =	vst.idx.add.f32.msk vm0, v26  }
.LBB2_103:
0x598: {  	s28 =	sadd.s32 $0x80000001, s26;
	s26 =	sadd.s32 $0x1, s26;
	[tilespmem:v23+s15+$0x0] =	vst.idx.add.f32.msk vm0, v27;
	vm0 =	vmmov vm4  }
0x599: {  	p1 =	sne.s32 s25, s26;
	[tilespmem:v2+s0+$0x0] =	vst.idx.add.f32.msk vm4, v3;
	vm4 =	veq.s32 v1, s28  }
0x59a: {  	[tilespmem:v2+s15+$0x0] =	vst.idx.add.f32.msk vm1, v4;
	vm1 =	vmmov vm4  }
0x59b: {  	[tilespmem:v8+s0+$0x0] =	vst.idx.add.f32.msk vm2, v5;
	vm2 =	vmmov vm4  }
0x59c: {  	[tilespmem:v8+s15+$0x0] =	vst.idx.add.f32.msk vm3, v6;
	vm3 =	vmmov vm4  }
0x59d: {  	[tilespmem:v10+s0+$0x0] =	vst.idx.add.f32.msk vm5, v9;
	vm5 =	vmmov vm4  }
0x59e: {  	[tilespmem:v10+s15+$0x0] =	vst.idx.add.f32.msk vm0, v12  }
0x59f: {  	[tilespmem:v0+s0+$0x0] =	vst.idx.add.f32.msk vm4, v7  }
0x5a0: {  	[tilespmem:v0+s15+$0x0] =	vst.idx.add.f32.msk vm4, v11  }
0x5a1: {  	[tilespmem:v14+s0+$0x0] =	vst.idx.add.f32.msk vm4, v15  }
0x5a2: {  	[tilespmem:v14+s15+$0x0] =	vst.idx.add.f32.msk vm4, v20  }
0x5a3: {  	[tilespmem:v13+s0+$0x0] =	vst.idx.add.f32.msk vm0, v16  }
0x5a4: {  	[tilespmem:v13+s15+$0x0] =	vst.idx.add.f32.msk vm0, v17  }
.Ltmp83:
0x5a5: {  	[tilespmem:v19+s0+$0x0] =	vst.idx.add.f32.msk vm0, v18;
	(pc) =	sbr.rel @p1 .LBB2_103-.Ltmp83, $4  }
0x5a6: {  	[tilespmem:v19+s15+$0x0] =	vst.idx.add.f32.msk vm0, v22  }
0x5a7: {  	[tilespmem:v21+s0+$0x0] =	vst.idx.add.f32.msk vm0, v24  }
0x5a8: {  	[tilespmem:v21+s15+$0x0] =	vst.idx.add.f32.msk vm0, v25  }
0x5a9: {  	[tilespmem:v23+s0+$0x0] =	vst.idx.add.f32.msk vm0, v26  }
0x5aa: {  	vm7 =	vmmov vm0;
	vm6 =	vmmov vm4;
	vm0 =	vmmov vm5  }
.LBB2_105:
0x5ab: {  	_ =	sdelay $0x4  }
0x5ac: {  	[tilespmem:v23+s15+$0x0] =	vst.idx.add.f32.msk @p0 vm7, v27  }
0x5ad: {  	[tilespmem:v2+s0+$0x0] =	vst.idx.add.f32.msk vm6, v3  }
0x5ae: {  	[tilespmem:v2+s15+$0x0] =	vst.idx.add.f32.msk vm1, v4  }
0x5af: {  	[tilespmem:v8+s0+$0x0] =	vst.idx.add.f32.msk vm2, v5  }
0x5b0: {  	[tilespmem:v8+s15+$0x0] =	vst.idx.add.f32.msk vm3, v6  }
0x5b1: {  	[tilespmem:v10+s0+$0x0] =	vst.idx.add.f32.msk vm0, v9  }
0x5b2: {  	[tilespmem:v10+s15+$0x0] =	vst.idx.add.f32.msk vm6, v12  }
0x5b3: {  	[tilespmem:v13+s0+$0x0] =	vst.idx.add.f32.msk vm6, v16  }
0x5b4: {  	[tilespmem:v13+s15+$0x0] =	vst.idx.add.f32.msk vm6, v17  }
0x5b5: {  	[tilespmem:v19+s0+$0x0] =	vst.idx.add.f32.msk vm6, v18  }
0x5b6: {  	[tilespmem:v19+s15+$0x0] =	vst.idx.add.f32.msk vm6, v22  }
0x5b7: {  	[tilespmem:v21+s0+$0x0] =	vst.idx.add.f32.msk vm6, v24  }
0x5b8: {  	[tilespmem:v21+s15+$0x0] =	vst.idx.add.f32.msk vm6, v25  }
0x5b9: {  	[tilespmem:v23+s0+$0x0] =	vst.idx.add.f32.msk vm6, v26  }
0x5ba: {  	vm4 =	vmmov vm6;
	[tilespmem:v23+s15+$0x0] =	vst.idx.add.f32.msk vm6, v27  }
.LBB2_106:
0x5bb: {  	v0 =	vld [tilespmem:s24+$0x8020]  }
0x5bc: {  	v5 =	vld [tilespmem:s24+$0x8CA0];
	_ =	sdelay $0x3  }
0x5bd: {  	v0 =	vshll.u32 v0, $0x7  }
0x5be: {  	v0 =	vadd.s32 v5, v0  }
0x5bf: {  	(xrf1) =	vunique.msk.u32 $0xffff, v0;
	_ =	sdelay $0xd  }
0x5c0: {  	_, v1, _ =	vpop (xrf1)  }
0x5c1: {  	v2 =	vxor.u32 $0x80000000, v1  }
0x5c2: {  	(xrf0) =	vmin.scan.msk.u32 $0xffff, v2  }
0x5c3: {  	(xrf0) =	vmax.scan.msk.u32 $0xffff, v2;
	_ =	sdelay $0x4  }
0x5c4: {  	v2, _, _ =	vpop (xrf0)  }
0x5c5: {  	(v2sf) =	vpush v2, $0xF;
	v2, _, _ =	vpop (xrf0)  }
0x5c6: {  	(v2sf) =	vpush v2, $0xF;
	_ =	sdelay $0xd  }
0x5c7: {  	v10 =	vld [tilespmem:s24+$0xA5A0];
	s26 =	spop (v2sf)  }
0x5c8: {  	v24 =	vld [tilespmem:s24+$0xB220];
	s25 =	spop (v2sf)  }
0x5c9: {  	v13 =	vld [tilespmem:s24+$0xBEA0];
	p0 =	sne.s32 s25, s26  }
.Ltmp84:
0x5ca: {  	v21 =	vld [tilespmem:s24+$0xCB20];
	(pc) =	sbr.rel @p0 .LBB2_108-.Ltmp84, $4  }
0x5cb: {  	v23 =	vld [tilespmem:s24+$0xD7A0]  }
0x5cc: {  	v26 =	vld [tilespmem:s24+$0xE420]  }
0x5cd: {  	v27 =	vld [tilespmem:s24+$0xF0A0]  }
0x5ce: {  	v2 =	vld [tilespmem:s24+$0x9920]  }
0x5cf: {  	_ =	sdelay $0x3  }
0x5d0: {  	v1 =	vmul.f32 v26, v2  }
0x5d1: {  	v3 =	vadd.s32 $0x1, v0;
	v41 =	vmul.f32 v27, v2  }
0x5d2: {  	v7 =	vadd.s32 $0x2, v0;
	v4 =	vmul.f32 v1, v13  }
0x5d3: {  	v8 =	vand.u32 $0xFFFFFF80, v0;
	v5 =	vand.u32 $0x7F, v5;
	v6 =	vmul.f32 v41, v13  }
0x5d4: {  	v5 =	vor.u32 v5, v8;
	v42 =	vmul.f32 v1, v21;
	[tilespmem:v0+s0+$0x0] =	vst.idx.add.f32.msk $0xffff, v4  }
0x5d5: {  	v8 =	vadd.s32 $0x80, v5;
	v43 =	vmul.f32 v41, v21;
	[tilespmem:v0+s15+$0x0] =	vst.idx.add.f32.msk $0xffff, v6  }
0x5d6: {  	v44 =	vmul.f32 v26, v10;
	v1 =	vmul.f32 v1, v23;
	[tilespmem:v3+s0+$0x0] =	vst.idx.add.f32.msk $0xffff, v42  }
0x5d7: {  	v46 =	vadd.s32 $0x81, v0;
	v45 =	vmul.f32 v27, v10;
	v2 =	vmul.f32 v41, v23;
	[tilespmem:v3+s15+$0x0] =	vst.idx.add.f32.msk $0xffff, v43  }
0x5d8: {  	v47 =	vmul.f32 v44, v13;
	[tilespmem:v7+s0+$0x0] =	vst.idx.add.f32.msk $0xffff, v1  }
0x5d9: {  	v49 =	vadd.s32 $0x82, v0;
	v48 =	vmul.f32 v45, v13;
	[tilespmem:v7+s15+$0x0] =	vst.idx.add.f32.msk $0xffff, v2  }
0x5da: {  	v50 =	vmul.f32 v44, v21;
	[tilespmem:v8+s0+$0x0] =	vst.idx.add.f32.msk $0xffff, v47  }
0x5db: {  	v5 =	vadd.s32 $0x100, v5;
	v51 =	vmul.f32 v45, v21;
	[tilespmem:v8+s15+$0x0] =	vst.idx.add.f32.msk $0xffff, v48  }
0x5dc: {  	v53 =	vmul.f32 v26, v24;
	v52 =	vmul.f32 v44, v23;
	[tilespmem:v46+s0+$0x0] =	vst.idx.add.f32.msk $0xffff, v50  }
0x5dd: {  	v56 =	vadd.s32 $0x101, v0;
	v55 =	vmul.f32 v27, v24;
	v54 =	vmul.f32 v45, v23;
	[tilespmem:v46+s15+$0x0] =	vst.idx.add.f32.msk $0xffff, v51  }
0x5de: {  	v57 =	vmul.f32 v53, v13;
	[tilespmem:v49+s0+$0x0] =	vst.idx.add.f32.msk $0xffff, v52  }
0x5df: {  	v59 =	vadd.s32 $0x102, v0;
	v58 =	vmul.f32 v55, v13;
	[tilespmem:v49+s15+$0x0] =	vst.idx.add.f32.msk $0xffff, v54  }
0x5e0: {  	v60 =	vmul.f32 v53, v21;
	[tilespmem:v5+s0+$0x0] =	vst.idx.add.f32.msk $0xffff, v57  }
.Ltmp85:
0x5e1: {  	v61 =	vmul.f32 v55, v21;
	[tilespmem:v5+s15+$0x0] =	vst.idx.add.f32.msk $0xffff, v58;
	(pc) =	sbr.rel .LBB2_116-.Ltmp85, $4  }
0x5e2: {  	v62 =	vmul.f32 v53, v23;
	[tilespmem:v56+s0+$0x0] =	vst.idx.add.f32.msk $0xffff, v60  }
0x5e3: {  	v63 =	vmul.f32 v55, v23;
	[tilespmem:v56+s15+$0x0] =	vst.idx.add.f32.msk $0xffff, v61  }
0x5e4: {  	[tilespmem:v59+s0+$0x0] =	vst.idx.add.f32.msk $0xffff, v62  }
0x5e5: {  	[tilespmem:v59+s15+$0x0] =	vst.idx.add.f32.msk $0xffff, v63  }
.LBB2_108:
0x5e6: {  	s28 =	sxor.u32 $0x80000000, s26;
	s29 =	sadd.s32 $0x80000001, s25  }
0x5e7: {  	p0 =	sge.s32 s28, s29  }
.Ltmp86:
0x5e8: {  	_ = 	snop;
	(pc) =	sbr.rel @p0 .LBB2_116-.Ltmp86, $1  }
0x5e9: {  	_ =	sdelay $0x3  }
0x5ea: {  	v3 =	vmul.f32 v13, v2  }
0x5eb: {  	v4 =	vmul.f32 v21, v2;
	v6 =	vmul.f32 v23, v2;
	v14 =	vadd.s32 $0x1, v0  }
0x5ec: {  	v2 =	vadd.s32 $0x2, v0;
	v8 =	vand.u32 $0xFFFFFF80, v0;
	v12 =	vmul.f32 v21, v10  }
0x5ed: {  	s26 =	sadd.s32 $0xFFFFFFFF, s26;
	v9 =	vand.u32 $0x7F, v5;
	v17 =	vmul.f32 v23, v10;
	v22 =	vmul.f32 v13, v24  }
0x5ee: {  	v25 =	vmul.f32 v21, v24;
	v21 =	vadd.s32 $0x101, v0;
	v28 =	vmul.f32 v23, v24;
	s28 =	sadd.s32 $0x80000001, s26  }
0x5ef: {  	v7 =	vmul.f32 v26, v3;
	v11 =	vmul.f32 v27, v3;
	vm6 =	veq.s32 v1, s28  }
0x5f0: {  	v23 =	vadd.s32 $0x102, v0;
	v15 =	vmul.f32 v26, v4;
	v20 =	vmul.f32 v27, v4  }
0x5f1: {  	v19 =	vor.u32 v9, v8;
	v3 =	vmul.f32 v26, v6;
	v4 =	vmul.f32 v27, v6  }
0x5f2: {  	s26 =	sadd.s32 $0x1, s26;
	v6 =	vmul.f32 v13, v10;
	v8 =	vadd.s32 $0x80, v19;
	v9 =	vmul.f32 v26, v12  }
0x5f3: {  	v12 =	vmul.f32 v27, v12;
	v16 =	vmul.f32 v26, v17;
	p1 =	sne.s32 s25, s26;
	vm0 =	vmmov vm6  }
.Ltmp87:
0x5f4: {  	v10 =	vadd.s32 $0x81, v0;
	v17 =	vmul.f32 v27, v17;
	v18 =	vmul.f32 v26, v22;
	(pc) =	sbr.rel @!p1 .LBB2_110-.Ltmp87, $4  }
0x5f5: {  	v13 =	vadd.s32 $0x82, v0;
	v22 =	vmul.f32 v27, v22;
	v24 =	vmul.f32 v26, v25;
	[tilespmem:v0+s0+$0x0] =	vst.idx.add.f32.msk vm6, v7  }
0x5f6: {  	v19 =	vadd.s32 $0x100, v19;
	v25 =	vmul.f32 v27, v25;
	v5 =	vmul.f32 v26, v6;
	[tilespmem:v0+s15+$0x0] =	vst.idx.add.f32.msk vm6, v11  }
0x5f7: {  	vm1 =	vmmov vm6;
	v6 =	vmul.f32 v27, v6;
	v27 =	vmul.f32 v27, v28;
	[tilespmem:v14+s0+$0x0] =	vst.idx.add.f32.msk vm6, v15  }
0x5f8: {  	p0 =	por $0x0, $0x0;
	vm2 =	vmmov vm6;
	vm3 =	vmmov vm6;
	v26 =	vmul.f32 v26, v28;
	[tilespmem:v14+s15+$0x0] =	vst.idx.add.f32.msk vm6, v20  }
0x5f9: {  	_ =	sdelay $0x4  }
0x5fa: {  	s28 =	sadd.s32 $0x80000001, s26;
	[tilespmem:v2+s0+$0x0] =	vst.idx.add.f32.msk vm6, v3  }
0x5fb: {  	vm4 =	veq.s32 v1, s28;
	[tilespmem:v2+s15+$0x0] =	vst.idx.add.f32.msk vm1, v4  }
0x5fc: {  	[tilespmem:v8+s0+$0x0] =	vst.idx.add.f32.msk vm2, v5  }
0x5fd: {  	[tilespmem:v8+s15+$0x0] =	vst.idx.add.f32.msk vm3, v6  }
0x5fe: {  	[tilespmem:v10+s0+$0x0] =	vst.idx.add.f32.msk vm0, v9  }
0x5ff: {  	[tilespmem:v10+s15+$0x0] =	vst.idx.add.f32.msk vm0, v12  }
0x600: {  	[tilespmem:v13+s0+$0x0] =	vst.idx.add.f32.msk vm0, v16  }
0x601: {  	[tilespmem:v0+s0+$0x0] =	vst.idx.add.f32.msk vm4, v7  }
0x602: {  	[tilespmem:v13+s15+$0x0] =	vst.idx.add.f32.msk vm0, v17  }
0x603: {  	[tilespmem:v0+s15+$0x0] =	vst.idx.add.f32.msk vm4, v11  }
0x604: {  	s26 =	sadd.s32 $0x1, s26;
	[tilespmem:v19+s0+$0x0] =	vst.idx.add.f32.msk vm0, v18  }
0x605: {  	p1 =	sne.s32 s25, s26;
	[tilespmem:v14+s0+$0x0] =	vst.idx.add.f32.msk vm4, v15  }
.Ltmp88:
0x606: {  	[tilespmem:v19+s15+$0x0] =	vst.idx.add.f32.msk vm0, v22;
	(pc) =	sbr.rel @!p1 .LBB2_112-.Ltmp88, $4  }
0x607: {  	vm1 =	vmmov vm4;
	[tilespmem:v14+s15+$0x0] =	vst.idx.add.f32.msk vm4, v20  }
0x608: {  	vm2 =	vmmov vm4;
	[tilespmem:v21+s0+$0x0] =	vst.idx.add.f32.msk vm0, v24  }
0x609: {  	vm3 =	vmmov vm4;
	[tilespmem:v21+s15+$0x0] =	vst.idx.add.f32.msk vm0, v25  }
0x60a: {  	p0 =	por $0x1, $0x1;
	vm5 =	vmmov vm4;
	[tilespmem:v23+s0+$0x0] =	vst.idx.add.f32.msk vm0, v26  }
.LBB2_113:
0x60b: {  	s28 =	sadd.s32 $0x80000001, s26;
	s26 =	sadd.s32 $0x1, s26;
	[tilespmem:v23+s15+$0x0] =	vst.idx.add.f32.msk vm0, v27;
	vm0 =	vmmov vm4  }
0x60c: {  	p1 =	sne.s32 s25, s26;
	[tilespmem:v2+s0+$0x0] =	vst.idx.add.f32.msk vm4, v3;
	vm4 =	veq.s32 v1, s28  }
0x60d: {  	[tilespmem:v2+s15+$0x0] =	vst.idx.add.f32.msk vm1, v4;
	vm1 =	vmmov vm4  }
0x60e: {  	[tilespmem:v8+s0+$0x0] =	vst.idx.add.f32.msk vm2, v5;
	vm2 =	vmmov vm4  }
0x60f: {  	[tilespmem:v8+s15+$0x0] =	vst.idx.add.f32.msk vm3, v6;
	vm3 =	vmmov vm4  }
0x610: {  	[tilespmem:v10+s0+$0x0] =	vst.idx.add.f32.msk vm5, v9;
	vm5 =	vmmov vm4  }
0x611: {  	[tilespmem:v10+s15+$0x0] =	vst.idx.add.f32.msk vm0, v12  }
0x612: {  	[tilespmem:v0+s0+$0x0] =	vst.idx.add.f32.msk vm4, v7  }
0x613: {  	[tilespmem:v0+s15+$0x0] =	vst.idx.add.f32.msk vm4, v11  }
0x614: {  	[tilespmem:v14+s0+$0x0] =	vst.idx.add.f32.msk vm4, v15  }
0x615: {  	[tilespmem:v14+s15+$0x0] =	vst.idx.add.f32.msk vm4, v20  }
0x616: {  	[tilespmem:v13+s0+$0x0] =	vst.idx.add.f32.msk vm0, v16  }
0x617: {  	[tilespmem:v13+s15+$0x0] =	vst.idx.add.f32.msk vm0, v17  }
.Ltmp89:
0x618: {  	[tilespmem:v19+s0+$0x0] =	vst.idx.add.f32.msk vm0, v18;
	(pc) =	sbr.rel @p1 .LBB2_113-.Ltmp89, $4  }
0x619: {  	[tilespmem:v19+s15+$0x0] =	vst.idx.add.f32.msk vm0, v22  }
0x61a: {  	[tilespmem:v21+s0+$0x0] =	vst.idx.add.f32.msk vm0, v24  }
0x61b: {  	[tilespmem:v21+s15+$0x0] =	vst.idx.add.f32.msk vm0, v25  }
0x61c: {  	[tilespmem:v23+s0+$0x0] =	vst.idx.add.f32.msk vm0, v26  }
0x61d: {  	vm7 =	vmmov vm0;
	vm6 =	vmmov vm4;
	vm0 =	vmmov vm5  }
.LBB2_115:
0x61e: {  	_ =	sdelay $0x4  }
0x61f: {  	[tilespmem:v23+s15+$0x0] =	vst.idx.add.f32.msk @p0 vm7, v27  }
0x620: {  	[tilespmem:v2+s0+$0x0] =	vst.idx.add.f32.msk vm6, v3  }
0x621: {  	[tilespmem:v2+s15+$0x0] =	vst.idx.add.f32.msk vm1, v4  }
0x622: {  	[tilespmem:v8+s0+$0x0] =	vst.idx.add.f32.msk vm2, v5  }
0x623: {  	[tilespmem:v8+s15+$0x0] =	vst.idx.add.f32.msk vm3, v6  }
0x624: {  	[tilespmem:v10+s0+$0x0] =	vst.idx.add.f32.msk vm0, v9  }
0x625: {  	[tilespmem:v10+s15+$0x0] =	vst.idx.add.f32.msk vm6, v12  }
0x626: {  	[tilespmem:v13+s0+$0x0] =	vst.idx.add.f32.msk vm6, v16  }
0x627: {  	[tilespmem:v13+s15+$0x0] =	vst.idx.add.f32.msk vm6, v17  }
0x628: {  	[tilespmem:v19+s0+$0x0] =	vst.idx.add.f32.msk vm6, v18  }
0x629: {  	[tilespmem:v19+s15+$0x0] =	vst.idx.add.f32.msk vm6, v22  }
0x62a: {  	[tilespmem:v21+s0+$0x0] =	vst.idx.add.f32.msk vm6, v24  }
0x62b: {  	[tilespmem:v21+s15+$0x0] =	vst.idx.add.f32.msk vm6, v25  }
0x62c: {  	[tilespmem:v23+s0+$0x0] =	vst.idx.add.f32.msk vm6, v26  }
0x62d: {  	vm4 =	vmmov vm6;
	[tilespmem:v23+s15+$0x0] =	vst.idx.add.f32.msk vm6, v27  }
.LBB2_116:
0x62e: {  	v0 =	vld [tilespmem:s24+$0x8030]  }
0x62f: {  	v5 =	vld [tilespmem:s24+$0x8CB0];
	_ =	sdelay $0x3  }
0x630: {  	v0 =	vshll.u32 v0, $0x7  }
0x631: {  	v0 =	vadd.s32 v5, v0  }
0x632: {  	(xrf1) =	vunique.msk.u32 $0xffff, v0;
	_ =	sdelay $0xd  }
0x633: {  	_, v1, _ =	vpop (xrf1)  }
0x634: {  	v2 =	vxor.u32 $0x80000000, v1  }
0x635: {  	(xrf0) =	vmin.scan.msk.u32 $0xffff, v2  }
0x636: {  	(xrf0) =	vmax.scan.msk.u32 $0xffff, v2;
	_ =	sdelay $0x4  }
0x637: {  	v2, _, _ =	vpop (xrf0)  }
0x638: {  	(v2sf) =	vpush v2, $0xF;
	v2, _, _ =	vpop (xrf0)  }
0x639: {  	(v2sf) =	vpush v2, $0xF;
	_ =	sdelay $0xd  }
0x63a: {  	v10 =	vld [tilespmem:s24+$0xA5B0];
	s26 =	spop (v2sf)  }
0x63b: {  	v24 =	vld [tilespmem:s24+$0xB230];
	s25 =	spop (v2sf)  }
0x63c: {  	v26 =	vld [tilespmem:s24+$0xE430];
	p0 =	sne.s32 s25, s26  }
.Ltmp90:
0x63d: {  	v2 =	vld [tilespmem:s24+$0x9930];
	(pc) =	sbr.rel @!p0 .LBB2_117-.Ltmp90, $4  }
0x63e: {  	v27 =	vld [tilespmem:s24+$0xF0B0]  }
0x63f: {  	v13 =	vld [tilespmem:s24+$0xBEB0]  }
0x640: {  	v21 =	vld [tilespmem:s24+$0xCB30]  }
0x641: {  	v23 =	vld [tilespmem:s24+$0xD7B0]  }
0x642: {  	s24 =	sxor.u32 $0x80000000, s26;
	s28 =	sadd.s32 $0x80000001, s25  }
0x643: {  	p0 =	sge.s32 s24, s28  }
.Ltmp91:
0x644: {  	_ = 	snop;
	(pc) =	sbr.rel @p0 .LBB2_126-.Ltmp91, $1  }
0x645: {  	_ =	sdelay $0x3  }
0x646: {  	v3 =	vmul.f32 v13, v2  }
0x647: {  	v4 =	vmul.f32 v21, v2;
	v6 =	vmul.f32 v23, v2;
	v14 =	vadd.s32 $0x1, v0  }
0x648: {  	v2 =	vadd.s32 $0x2, v0;
	v8 =	vand.u32 $0xFFFFFF80, v0;
	v12 =	vmul.f32 v21, v10  }
0x649: {  	s24 =	sadd.s32 $0xFFFFFFFF, s26;
	v9 =	vand.u32 $0x7F, v5;
	v17 =	vmul.f32 v23, v10;
	v22 =	vmul.f32 v13, v24  }
0x64a: {  	v25 =	vmul.f32 v21, v24;
	v21 =	vadd.s32 $0x101, v0;
	v28 =	vmul.f32 v23, v24;
	s26 =	sadd.s32 $0x80000001, s24  }
0x64b: {  	v7 =	vmul.f32 v26, v3;
	v11 =	vmul.f32 v27, v3;
	vm6 =	veq.s32 v1, s26  }
0x64c: {  	v23 =	vadd.s32 $0x102, v0;
	v15 =	vmul.f32 v26, v4;
	v20 =	vmul.f32 v27, v4  }
0x64d: {  	v19 =	vor.u32 v9, v8;
	v3 =	vmul.f32 v26, v6;
	v4 =	vmul.f32 v27, v6  }
0x64e: {  	s24 =	sadd.s32 $0x1, s24;
	v6 =	vmul.f32 v13, v10;
	v8 =	vadd.s32 $0x80, v19;
	v9 =	vmul.f32 v26, v12  }
0x64f: {  	v12 =	vmul.f32 v27, v12;
	v16 =	vmul.f32 v26, v17;
	p1 =	sne.s32 s25, s24;
	vm0 =	vmmov vm6  }
.Ltmp92:
0x650: {  	v10 =	vadd.s32 $0x81, v0;
	v17 =	vmul.f32 v27, v17;
	v18 =	vmul.f32 v26, v22;
	(pc) =	sbr.rel @!p1 .LBB2_120-.Ltmp92, $4  }
0x651: {  	v13 =	vadd.s32 $0x82, v0;
	v22 =	vmul.f32 v27, v22;
	v24 =	vmul.f32 v26, v25;
	[tilespmem:v0+s0+$0x0] =	vst.idx.add.f32.msk vm6, v7  }
0x652: {  	v19 =	vadd.s32 $0x100, v19;
	v25 =	vmul.f32 v27, v25;
	v5 =	vmul.f32 v26, v6;
	[tilespmem:v0+s15+$0x0] =	vst.idx.add.f32.msk vm6, v11  }
0x653: {  	vm1 =	vmmov vm6;
	v6 =	vmul.f32 v27, v6;
	v27 =	vmul.f32 v27, v28;
	[tilespmem:v14+s0+$0x0] =	vst.idx.add.f32.msk vm6, v15  }
0x654: {  	p0 =	por $0x0, $0x0;
	vm2 =	vmmov vm6;
	vm3 =	vmmov vm6;
	v26 =	vmul.f32 v26, v28;
	[tilespmem:v14+s15+$0x0] =	vst.idx.add.f32.msk vm6, v20  }
0x655: {  	_ =	sdelay $0x4  }
0x656: {  	s26 =	sadd.s32 $0x80000001, s24;
	[tilespmem:v2+s0+$0x0] =	vst.idx.add.f32.msk vm6, v3  }
0x657: {  	vm4 =	veq.s32 v1, s26;
	[tilespmem:v2+s15+$0x0] =	vst.idx.add.f32.msk vm1, v4  }
0x658: {  	[tilespmem:v8+s0+$0x0] =	vst.idx.add.f32.msk vm2, v5  }
0x659: {  	[tilespmem:v8+s15+$0x0] =	vst.idx.add.f32.msk vm3, v6  }
0x65a: {  	[tilespmem:v10+s0+$0x0] =	vst.idx.add.f32.msk vm0, v9  }
0x65b: {  	[tilespmem:v10+s15+$0x0] =	vst.idx.add.f32.msk vm0, v12  }
0x65c: {  	[tilespmem:v13+s0+$0x0] =	vst.idx.add.f32.msk vm0, v16  }
0x65d: {  	[tilespmem:v0+s0+$0x0] =	vst.idx.add.f32.msk vm4, v7  }
0x65e: {  	[tilespmem:v13+s15+$0x0] =	vst.idx.add.f32.msk vm0, v17  }
0x65f: {  	[tilespmem:v0+s15+$0x0] =	vst.idx.add.f32.msk vm4, v11  }
0x660: {  	s24 =	sadd.s32 $0x1, s24;
	[tilespmem:v19+s0+$0x0] =	vst.idx.add.f32.msk vm0, v18  }
0x661: {  	p1 =	sne.s32 s25, s24;
	[tilespmem:v14+s0+$0x0] =	vst.idx.add.f32.msk vm4, v15  }
.Ltmp93:
0x662: {  	[tilespmem:v19+s15+$0x0] =	vst.idx.add.f32.msk vm0, v22;
	(pc) =	sbr.rel @!p1 .LBB2_122-.Ltmp93, $4  }
0x663: {  	vm1 =	vmmov vm4;
	[tilespmem:v14+s15+$0x0] =	vst.idx.add.f32.msk vm4, v20  }
0x664: {  	vm2 =	vmmov vm4;
	[tilespmem:v21+s0+$0x0] =	vst.idx.add.f32.msk vm0, v24  }
0x665: {  	vm3 =	vmmov vm4;
	[tilespmem:v21+s15+$0x0] =	vst.idx.add.f32.msk vm0, v25  }
0x666: {  	p0 =	por $0x1, $0x1;
	vm5 =	vmmov vm4;
	[tilespmem:v23+s0+$0x0] =	vst.idx.add.f32.msk vm0, v26  }
.LBB2_123:
0x667: {  	s26 =	sadd.s32 $0x80000001, s24;
	s24 =	sadd.s32 $0x1, s24;
	[tilespmem:v23+s15+$0x0] =	vst.idx.add.f32.msk vm0, v27;
	vm0 =	vmmov vm4  }
0x668: {  	p1 =	sne.s32 s25, s24;
	[tilespmem:v2+s0+$0x0] =	vst.idx.add.f32.msk vm4, v3;
	vm4 =	veq.s32 v1, s26  }
0x669: {  	[tilespmem:v2+s15+$0x0] =	vst.idx.add.f32.msk vm1, v4;
	vm1 =	vmmov vm4  }
0x66a: {  	[tilespmem:v8+s0+$0x0] =	vst.idx.add.f32.msk vm2, v5;
	vm2 =	vmmov vm4  }
0x66b: {  	[tilespmem:v8+s15+$0x0] =	vst.idx.add.f32.msk vm3, v6;
	vm3 =	vmmov vm4  }
0x66c: {  	[tilespmem:v10+s0+$0x0] =	vst.idx.add.f32.msk vm5, v9;
	vm5 =	vmmov vm4  }
0x66d: {  	[tilespmem:v10+s15+$0x0] =	vst.idx.add.f32.msk vm0, v12  }
0x66e: {  	[tilespmem:v0+s0+$0x0] =	vst.idx.add.f32.msk vm4, v7  }
0x66f: {  	[tilespmem:v0+s15+$0x0] =	vst.idx.add.f32.msk vm4, v11  }
0x670: {  	[tilespmem:v14+s0+$0x0] =	vst.idx.add.f32.msk vm4, v15  }
0x671: {  	[tilespmem:v14+s15+$0x0] =	vst.idx.add.f32.msk vm4, v20  }
0x672: {  	[tilespmem:v13+s0+$0x0] =	vst.idx.add.f32.msk vm0, v16  }
0x673: {  	[tilespmem:v13+s15+$0x0] =	vst.idx.add.f32.msk vm0, v17  }
.Ltmp94:
0x674: {  	[tilespmem:v19+s0+$0x0] =	vst.idx.add.f32.msk vm0, v18;
	(pc) =	sbr.rel @p1 .LBB2_123-.Ltmp94, $4  }
0x675: {  	[tilespmem:v19+s15+$0x0] =	vst.idx.add.f32.msk vm0, v22  }
0x676: {  	[tilespmem:v21+s0+$0x0] =	vst.idx.add.f32.msk vm0, v24  }
0x677: {  	[tilespmem:v21+s15+$0x0] =	vst.idx.add.f32.msk vm0, v25  }
0x678: {  	[tilespmem:v23+s0+$0x0] =	vst.idx.add.f32.msk vm0, v26  }
0x679: {  	vm7 =	vmmov vm0;
	vm6 =	vmmov vm4;
	vm0 =	vmmov vm5  }
.LBB2_125:
0x67a: {  	_ =	sdelay $0x4  }
0x67b: {  	[tilespmem:v23+s15+$0x0] =	vst.idx.add.f32.msk @p0 vm7, v27  }
0x67c: {  	[tilespmem:v2+s0+$0x0] =	vst.idx.add.f32.msk vm6, v3  }
0x67d: {  	[tilespmem:v2+s15+$0x0] =	vst.idx.add.f32.msk vm1, v4  }
0x67e: {  	[tilespmem:v8+s0+$0x0] =	vst.idx.add.f32.msk vm2, v5  }
0x67f: {  	[tilespmem:v8+s15+$0x0] =	vst.idx.add.f32.msk vm3, v6  }
0x680: {  	[tilespmem:v10+s0+$0x0] =	vst.idx.add.f32.msk vm0, v9  }
0x681: {  	[tilespmem:v10+s15+$0x0] =	vst.idx.add.f32.msk vm6, v12  }
0x682: {  	[tilespmem:v13+s0+$0x0] =	vst.idx.add.f32.msk vm6, v16  }
0x683: {  	[tilespmem:v13+s15+$0x0] =	vst.idx.add.f32.msk vm6, v17  }
0x684: {  	[tilespmem:v19+s0+$0x0] =	vst.idx.add.f32.msk vm6, v18  }
.Ltmp95:
0x685: {  	[tilespmem:v19+s15+$0x0] =	vst.idx.add.f32.msk vm6, v22;
	(pc) =	sbr.rel .LBB2_126-.Ltmp95, $4  }
0x686: {  	[tilespmem:v21+s0+$0x0] =	vst.idx.add.f32.msk vm6, v24  }
0x687: {  	[tilespmem:v21+s15+$0x0] =	vst.idx.add.f32.msk vm6, v25  }
0x688: {  	[tilespmem:v23+s0+$0x0] =	vst.idx.add.f32.msk vm6, v26  }
0x689: {  	vm4 =	vmmov vm6;
	[tilespmem:v23+s15+$0x0] =	vst.idx.add.f32.msk vm6, v27  }
.LBB2_90:
.Ltmp96:
0x68a: {  	(pc) =	sbr.rel .LBB2_95-.Ltmp96, $2  }
0x68b: {  	_ =	sdelay $0x2  }
0x68c: {  	_ = 	snop  }
.LBB2_100:
.Ltmp97:
0x68d: {  	(pc) =	sbr.rel .LBB2_105-.Ltmp97, $2  }
0x68e: {  	_ =	sdelay $0x2  }
0x68f: {  	_ = 	snop  }
.LBB2_110:
.Ltmp98:
0x690: {  	(pc) =	sbr.rel .LBB2_115-.Ltmp98, $2  }
0x691: {  	_ =	sdelay $0x2  }
0x692: {  	_ = 	snop  }
.LBB2_120:
.Ltmp99:
0x693: {  	(pc) =	sbr.rel .LBB2_125-.Ltmp99, $2  }
0x694: {  	_ =	sdelay $0x2  }
0x695: {  	_ = 	snop  }
.LBB2_92:
.Ltmp100:
0x696: {  	(pc) =	sbr.rel .LBB2_95-.Ltmp100, $2  }
0x697: {  	_ =	sdelay $0x2  }
0x698: {  	vm7 =	vmmov vm0;
	vm6 =	vmmov vm4;
	vm0 =	vmmov vm5  }
.LBB2_102:
.Ltmp101:
0x699: {  	(pc) =	sbr.rel .LBB2_105-.Ltmp101, $2  }
0x69a: {  	_ =	sdelay $0x2  }
0x69b: {  	vm7 =	vmmov vm0;
	vm6 =	vmmov vm4;
	vm0 =	vmmov vm5  }
.LBB2_112:
.Ltmp102:
0x69c: {  	(pc) =	sbr.rel .LBB2_115-.Ltmp102, $2  }
0x69d: {  	_ =	sdelay $0x2  }
0x69e: {  	vm7 =	vmmov vm0;
	vm6 =	vmmov vm4;
	vm0 =	vmmov vm5  }
.LBB2_122:
.Ltmp103:
0x69f: {  	(pc) =	sbr.rel .LBB2_125-.Ltmp103, $2  }
0x6a0: {  	_ =	sdelay $0x2  }
0x6a1: {  	vm7 =	vmmov vm0;
	vm6 =	vmmov vm4;
	vm0 =	vmmov vm5  }
.LBB2_127:
0x6a2: {  	_ =	swait.ge [sflag:s20], $0xC80  }
0x6a3: {  	[sflag:s20] =	ssyncset.done $0x0  }
0x6a4: {  	[sflag:s20] =	ssyncadd.s32 $0xFFFFF380  }
0x6a5: {  	_ =	swait.ge [sflag:s20], $0xC80  }
0x6a6: {  	[sflag:s20] =	ssyncset.done $0x0  }
0x6a7: {  	[sflag:s20] =	ssyncadd.s32 $0xFFFFF380  }
0x6a8: {  	_ =	swait.ge [sflag:s20], $0xC80  }
0x6a9: {  	[sflag:s20] =	ssyncset.done $0x0  }
0x6aa: {  	[sflag:s20] =	ssyncadd.s32 $0xFFFFF380  }
0x6ab: {  	_ =	swait.ge [sflag:s20], $0xC80  }
0x6ac: {  	[sflag:s20] =	ssyncset.done $0x0  }
0x6ad: {  	[sflag:s20] =	ssyncadd.s32 $0xFFFFF380  }
0x6ae: {  	_ =	swait.ge [sflag:s20], $0xC80  }
0x6af: {  	[sflag:s20] =	ssyncset.done $0x0  }
0x6b0: {  	[sflag:s20] =	ssyncadd.s32 $0xFFFFF380  }
0x6b1: {  	_ =	swait.ge [sflag:s20], $0xC80  }
0x6b2: {  	[sflag:s20] =	ssyncset.done $0x0  }
0x6b3: {  	[sflag:s20] =	ssyncadd.s32 $0xFFFFF380  }
0x6b4: {  	_ =	swait.ge [sflag:s20], $0xC80  }
0x6b5: {  	[sflag:s20] =	ssyncset.done $0x0  }
0x6b6: {  	[sflag:s20] =	ssyncadd.s32 $0xFFFFF380  }
0x6b7: {  	_ =	swait.ge [sflag:s20], $0xC80  }
0x6b8: {  	[sflag:s20] =	ssyncset.done $0x0  }
0x6b9: {  	[sflag:s20] =	ssyncadd.s32 $0xFFFFF380  }
0x6ba: {  	_ =	swait.ge [sflag:s20], $0xC80  }
.Ltmp104:
0x6bb: {  	[sflag:s20] =	ssyncset.done $0x0;
	(pc) =	sbr.rel .LBB2_128-.Ltmp104, $4  }
0x6bc: {  	[sflag:s20] =	ssyncadd.s32 $0xFFFFF380  }
0x6bd: {  	_ =	swait.ge [sflag:s20], $0xC80  }
0x6be: {  	[sflag:s20] =	ssyncset.done $0x0  }
0x6bf: {  	s23 =	simm.s32 $0x0;
	[sflag:s20] =	ssyncadd.s32 $0xFFFFF380  }
.LBB2_159:
0x6c0: {  	v1 =	vmul.f32 v26, v2  }
0x6c1: {  	v41 =	vmul.f32 v27, v2;
	v3 =	vadd.s32 $0x1, v0  }
0x6c2: {  	v7 =	vadd.s32 $0x2, v0;
	v4 =	vmul.f32 v1, v13  }
0x6c3: {  	v8 =	vand.u32 $0xFFFFFF80, v0;
	v5 =	vand.u32 $0x7F, v5;
	v6 =	vmul.f32 v41, v13  }
0x6c4: {  	v5 =	vor.u32 v5, v8;
	v42 =	vmul.f32 v1, v21;
	[tilespmem:v0+s0+$0x0] =	vst.idx.add.f32.msk $0xffff, v4  }
0x6c5: {  	v43 =	vmul.f32 v41, v21;
	v8 =	vadd.s32 $0x80, v5;
	[tilespmem:v0+s15+$0x0] =	vst.idx.add.f32.msk $0xffff, v6  }
0x6c6: {  	v44 =	vmul.f32 v26, v10;
	v1 =	vmul.f32 v1, v23;
	[tilespmem:v3+s0+$0x0] =	vst.idx.add.f32.msk $0xffff, v42  }
0x6c7: {  	v45 =	vmul.f32 v27, v10;
	v46 =	vadd.s32 $0x81, v0;
	v2 =	vmul.f32 v41, v23;
	[tilespmem:v3+s15+$0x0] =	vst.idx.add.f32.msk $0xffff, v43  }
0x6c8: {  	v47 =	vmul.f32 v44, v13;
	[tilespmem:v7+s0+$0x0] =	vst.idx.add.f32.msk $0xffff, v1  }
0x6c9: {  	v49 =	vadd.s32 $0x82, v0;
	v48 =	vmul.f32 v45, v13;
	[tilespmem:v7+s15+$0x0] =	vst.idx.add.f32.msk $0xffff, v2  }
0x6ca: {  	v50 =	vmul.f32 v44, v21;
	[tilespmem:v8+s0+$0x0] =	vst.idx.add.f32.msk $0xffff, v47  }
0x6cb: {  	v51 =	vmul.f32 v45, v21;
	v5 =	vadd.s32 $0x100, v5;
	[tilespmem:v8+s15+$0x0] =	vst.idx.add.f32.msk $0xffff, v48  }
0x6cc: {  	v53 =	vmul.f32 v26, v24;
	v52 =	vmul.f32 v44, v23;
	[tilespmem:v46+s0+$0x0] =	vst.idx.add.f32.msk $0xffff, v50  }
0x6cd: {  	v55 =	vmul.f32 v27, v24;
	v56 =	vadd.s32 $0x101, v0;
	v54 =	vmul.f32 v45, v23;
	[tilespmem:v46+s15+$0x0] =	vst.idx.add.f32.msk $0xffff, v51  }
0x6ce: {  	v57 =	vmul.f32 v53, v13;
	[tilespmem:v49+s0+$0x0] =	vst.idx.add.f32.msk $0xffff, v52  }
0x6cf: {  	v59 =	vadd.s32 $0x102, v0;
	v58 =	vmul.f32 v55, v13;
	[tilespmem:v49+s15+$0x0] =	vst.idx.add.f32.msk $0xffff, v54  }
0x6d0: {  	v60 =	vmul.f32 v53, v21;
	[tilespmem:v5+s0+$0x0] =	vst.idx.add.f32.msk $0xffff, v57  }
0x6d1: {  	v61 =	vmul.f32 v55, v21;
	[tilespmem:v5+s15+$0x0] =	vst.idx.add.f32.msk $0xffff, v58  }
0x6d2: {  	v62 =	vmul.f32 v53, v23;
	[tilespmem:v56+s0+$0x0] =	vst.idx.add.f32.msk $0xffff, v60  }
0x6d3: {  	v63 =	vmul.f32 v55, v23;
	[tilespmem:v56+s15+$0x0] =	vst.idx.add.f32.msk $0xffff, v61  }
0x6d4: {  	[tilespmem:v59+s0+$0x0] =	vst.idx.add.f32.msk $0xffff, v62  }
0x6d5: {  	[tilespmem:v59+s15+$0x0] =	vst.idx.add.f32.msk $0xffff, v63  }
.LBB2_168:
0x6d6: {  	p0 =	slt.u32 s23, $0xC4  }
.Ltmp105:
0x6d7: {  	_ = 	snop;
	(pc) =	sbr.rel @!p0 .LBB2_169-.Ltmp105, $3  }
0x6d8: {  	_ =	sdelay $0x1  }
0x6d9: {  	s24 =	sadd.s32 $0x4, s23  }
0x6da: {  	s23 =	smov.u32 s24  }
.LBB2_128:
0x6db: {  	s24 =	sshll.u32 s23, $0x4  }
0x6dc: {  	v0 =	vld [tilespmem:s24+$0xFD00]  }
0x6dd: {  	v5 =	vld [tilespmem:s24+$0x10980];
	_ =	sdelay $0x3  }
0x6de: {  	v0 =	vshll.u32 v0, $0x7  }
0x6df: {  	v0 =	vadd.s32 v5, v0  }
0x6e0: {  	(xrf1) =	vunique.msk.u32 $0xffff, v0;
	_ =	sdelay $0xd  }
0x6e1: {  	_, v1, _ =	vpop (xrf1)  }
0x6e2: {  	v2 =	vxor.u32 $0x80000000, v1  }
0x6e3: {  	(xrf0) =	vmin.scan.msk.u32 $0xffff, v2  }
0x6e4: {  	(xrf0) =	vmax.scan.msk.u32 $0xffff, v2;
	_ =	sdelay $0x4  }
0x6e5: {  	v2, _, _ =	vpop (xrf0)  }
0x6e6: {  	(v2sf) =	vpush v2, $0xF;
	v2, _, _ =	vpop (xrf0)  }
0x6e7: {  	(v2sf) =	vpush v2, $0xF;
	_ =	sdelay $0xd  }
0x6e8: {  	v10 =	vld [tilespmem:s24+$0x12280];
	s26 =	spop (v2sf)  }
0x6e9: {  	v24 =	vld [tilespmem:s24+$0x12F00];
	s25 =	spop (v2sf)  }
0x6ea: {  	v13 =	vld [tilespmem:s24+$0x13B80];
	p0 =	sne.s32 s25, s26  }
.Ltmp106:
0x6eb: {  	v21 =	vld [tilespmem:s24+$0x14800];
	(pc) =	sbr.rel @p0 .LBB2_130-.Ltmp106, $4  }
0x6ec: {  	v23 =	vld [tilespmem:s24+$0x15480]  }
0x6ed: {  	v26 =	vld [tilespmem:s24+$0x16100]  }
0x6ee: {  	v27 =	vld [tilespmem:s24+$0x16D80]  }
0x6ef: {  	v2 =	vld [tilespmem:s24+$0x11600]  }
0x6f0: {  	_ =	sdelay $0x3  }
0x6f1: {  	v1 =	vmul.f32 v26, v2  }
0x6f2: {  	v3 =	vadd.s32 $0x1, v0;
	v41 =	vmul.f32 v27, v2  }
0x6f3: {  	v7 =	vadd.s32 $0x2, v0;
	v4 =	vmul.f32 v1, v13  }
0x6f4: {  	v8 =	vand.u32 $0xFFFFFF80, v0;
	v5 =	vand.u32 $0x7F, v5;
	v6 =	vmul.f32 v41, v13  }
0x6f5: {  	v5 =	vor.u32 v5, v8;
	v42 =	vmul.f32 v1, v21;
	[tilespmem:v0+s0+$0x0] =	vst.idx.add.f32.msk $0xffff, v4  }
0x6f6: {  	v8 =	vadd.s32 $0x80, v5;
	v43 =	vmul.f32 v41, v21;
	[tilespmem:v0+s15+$0x0] =	vst.idx.add.f32.msk $0xffff, v6  }
0x6f7: {  	v44 =	vmul.f32 v26, v10;
	v1 =	vmul.f32 v1, v23;
	[tilespmem:v3+s0+$0x0] =	vst.idx.add.f32.msk $0xffff, v42  }
0x6f8: {  	v46 =	vadd.s32 $0x81, v0;
	v45 =	vmul.f32 v27, v10;
	v2 =	vmul.f32 v41, v23;
	[tilespmem:v3+s15+$0x0] =	vst.idx.add.f32.msk $0xffff, v43  }
0x6f9: {  	v47 =	vmul.f32 v44, v13;
	[tilespmem:v7+s0+$0x0] =	vst.idx.add.f32.msk $0xffff, v1  }
0x6fa: {  	v49 =	vadd.s32 $0x82, v0;
	v48 =	vmul.f32 v45, v13;
	[tilespmem:v7+s15+$0x0] =	vst.idx.add.f32.msk $0xffff, v2  }
0x6fb: {  	v50 =	vmul.f32 v44, v21;
	[tilespmem:v8+s0+$0x0] =	vst.idx.add.f32.msk $0xffff, v47  }
0x6fc: {  	v5 =	vadd.s32 $0x100, v5;
	v51 =	vmul.f32 v45, v21;
	[tilespmem:v8+s15+$0x0] =	vst.idx.add.f32.msk $0xffff, v48  }
0x6fd: {  	v53 =	vmul.f32 v26, v24;
	v52 =	vmul.f32 v44, v23;
	[tilespmem:v46+s0+$0x0] =	vst.idx.add.f32.msk $0xffff, v50  }
0x6fe: {  	v56 =	vadd.s32 $0x101, v0;
	v55 =	vmul.f32 v27, v24;
	v54 =	vmul.f32 v45, v23;
	[tilespmem:v46+s15+$0x0] =	vst.idx.add.f32.msk $0xffff, v51  }
0x6ff: {  	v57 =	vmul.f32 v53, v13;
	[tilespmem:v49+s0+$0x0] =	vst.idx.add.f32.msk $0xffff, v52  }
0x700: {  	v59 =	vadd.s32 $0x102, v0;
	v58 =	vmul.f32 v55, v13;
	[tilespmem:v49+s15+$0x0] =	vst.idx.add.f32.msk $0xffff, v54  }
0x701: {  	v60 =	vmul.f32 v53, v21;
	[tilespmem:v5+s0+$0x0] =	vst.idx.add.f32.msk $0xffff, v57  }
.Ltmp107:
0x702: {  	v61 =	vmul.f32 v55, v21;
	[tilespmem:v5+s15+$0x0] =	vst.idx.add.f32.msk $0xffff, v58;
	(pc) =	sbr.rel .LBB2_138-.Ltmp107, $4  }
0x703: {  	v62 =	vmul.f32 v53, v23;
	[tilespmem:v56+s0+$0x0] =	vst.idx.add.f32.msk $0xffff, v60  }
0x704: {  	v63 =	vmul.f32 v55, v23;
	[tilespmem:v56+s15+$0x0] =	vst.idx.add.f32.msk $0xffff, v61  }
0x705: {  	[tilespmem:v59+s0+$0x0] =	vst.idx.add.f32.msk $0xffff, v62  }
0x706: {  	[tilespmem:v59+s15+$0x0] =	vst.idx.add.f32.msk $0xffff, v63  }
.LBB2_130:
0x707: {  	s28 =	sxor.u32 $0x80000000, s26;
	s29 =	sadd.s32 $0x80000001, s25  }
0x708: {  	p0 =	sge.s32 s28, s29  }
.Ltmp108:
0x709: {  	_ = 	snop;
	(pc) =	sbr.rel @p0 .LBB2_138-.Ltmp108, $1  }
0x70a: {  	_ =	sdelay $0x3  }
0x70b: {  	v3 =	vmul.f32 v13, v2  }
0x70c: {  	v4 =	vmul.f32 v21, v2;
	v6 =	vmul.f32 v23, v2;
	v14 =	vadd.s32 $0x1, v0  }
0x70d: {  	v2 =	vadd.s32 $0x2, v0;
	v8 =	vand.u32 $0xFFFFFF80, v0;
	v12 =	vmul.f32 v21, v10  }
0x70e: {  	s26 =	sadd.s32 $0xFFFFFFFF, s26;
	v9 =	vand.u32 $0x7F, v5;
	v17 =	vmul.f32 v23, v10;
	v22 =	vmul.f32 v13, v24  }
0x70f: {  	v25 =	vmul.f32 v21, v24;
	v21 =	vadd.s32 $0x101, v0;
	v28 =	vmul.f32 v23, v24;
	s28 =	sadd.s32 $0x80000001, s26  }
0x710: {  	v7 =	vmul.f32 v26, v3;
	v11 =	vmul.f32 v27, v3;
	vm6 =	veq.s32 v1, s28  }
0x711: {  	v23 =	vadd.s32 $0x102, v0;
	v15 =	vmul.f32 v26, v4;
	v20 =	vmul.f32 v27, v4  }
0x712: {  	v19 =	vor.u32 v9, v8;
	v3 =	vmul.f32 v26, v6;
	v4 =	vmul.f32 v27, v6  }
0x713: {  	s26 =	sadd.s32 $0x1, s26;
	v6 =	vmul.f32 v13, v10;
	v8 =	vadd.s32 $0x80, v19;
	v9 =	vmul.f32 v26, v12  }
0x714: {  	v12 =	vmul.f32 v27, v12;
	v16 =	vmul.f32 v26, v17;
	p1 =	sne.s32 s25, s26;
	vm0 =	vmmov vm6  }
.Ltmp109:
0x715: {  	v10 =	vadd.s32 $0x81, v0;
	v17 =	vmul.f32 v27, v17;
	v18 =	vmul.f32 v26, v22;
	(pc) =	sbr.rel @!p1 .LBB2_132-.Ltmp109, $4  }
0x716: {  	v13 =	vadd.s32 $0x82, v0;
	v22 =	vmul.f32 v27, v22;
	v24 =	vmul.f32 v26, v25;
	[tilespmem:v0+s0+$0x0] =	vst.idx.add.f32.msk vm6, v7  }
0x717: {  	v19 =	vadd.s32 $0x100, v19;
	v25 =	vmul.f32 v27, v25;
	v5 =	vmul.f32 v26, v6;
	[tilespmem:v0+s15+$0x0] =	vst.idx.add.f32.msk vm6, v11  }
0x718: {  	vm1 =	vmmov vm6;
	v6 =	vmul.f32 v27, v6;
	v27 =	vmul.f32 v27, v28;
	[tilespmem:v14+s0+$0x0] =	vst.idx.add.f32.msk vm6, v15  }
0x719: {  	p0 =	por $0x0, $0x0;
	vm2 =	vmmov vm6;
	vm3 =	vmmov vm6;
	v26 =	vmul.f32 v26, v28;
	[tilespmem:v14+s15+$0x0] =	vst.idx.add.f32.msk vm6, v20  }
0x71a: {  	_ =	sdelay $0x4  }
0x71b: {  	s28 =	sadd.s32 $0x80000001, s26;
	[tilespmem:v2+s0+$0x0] =	vst.idx.add.f32.msk vm6, v3  }
0x71c: {  	vm4 =	veq.s32 v1, s28;
	[tilespmem:v2+s15+$0x0] =	vst.idx.add.f32.msk vm1, v4  }
0x71d: {  	[tilespmem:v8+s0+$0x0] =	vst.idx.add.f32.msk vm2, v5  }
0x71e: {  	[tilespmem:v8+s15+$0x0] =	vst.idx.add.f32.msk vm3, v6  }
0x71f: {  	[tilespmem:v10+s0+$0x0] =	vst.idx.add.f32.msk vm0, v9  }
0x720: {  	[tilespmem:v10+s15+$0x0] =	vst.idx.add.f32.msk vm0, v12  }
0x721: {  	[tilespmem:v13+s0+$0x0] =	vst.idx.add.f32.msk vm0, v16  }
0x722: {  	[tilespmem:v0+s0+$0x0] =	vst.idx.add.f32.msk vm4, v7  }
0x723: {  	[tilespmem:v13+s15+$0x0] =	vst.idx.add.f32.msk vm0, v17  }
0x724: {  	[tilespmem:v0+s15+$0x0] =	vst.idx.add.f32.msk vm4, v11  }
0x725: {  	s26 =	sadd.s32 $0x1, s26;
	[tilespmem:v19+s0+$0x0] =	vst.idx.add.f32.msk vm0, v18  }
0x726: {  	p1 =	sne.s32 s25, s26;
	[tilespmem:v14+s0+$0x0] =	vst.idx.add.f32.msk vm4, v15  }
.Ltmp110:
0x727: {  	[tilespmem:v19+s15+$0x0] =	vst.idx.add.f32.msk vm0, v22;
	(pc) =	sbr.rel @!p1 .LBB2_134-.Ltmp110, $4  }
0x728: {  	vm1 =	vmmov vm4;
	[tilespmem:v14+s15+$0x0] =	vst.idx.add.f32.msk vm4, v20  }
0x729: {  	vm2 =	vmmov vm4;
	[tilespmem:v21+s0+$0x0] =	vst.idx.add.f32.msk vm0, v24  }
0x72a: {  	vm3 =	vmmov vm4;
	[tilespmem:v21+s15+$0x0] =	vst.idx.add.f32.msk vm0, v25  }
0x72b: {  	p0 =	por $0x1, $0x1;
	vm5 =	vmmov vm4;
	[tilespmem:v23+s0+$0x0] =	vst.idx.add.f32.msk vm0, v26  }
.LBB2_135:
0x72c: {  	s28 =	sadd.s32 $0x80000001, s26;
	s26 =	sadd.s32 $0x1, s26;
	[tilespmem:v23+s15+$0x0] =	vst.idx.add.f32.msk vm0, v27;
	vm0 =	vmmov vm4  }
0x72d: {  	p1 =	sne.s32 s25, s26;
	[tilespmem:v2+s0+$0x0] =	vst.idx.add.f32.msk vm4, v3;
	vm4 =	veq.s32 v1, s28  }
0x72e: {  	[tilespmem:v2+s15+$0x0] =	vst.idx.add.f32.msk vm1, v4;
	vm1 =	vmmov vm4  }
0x72f: {  	[tilespmem:v8+s0+$0x0] =	vst.idx.add.f32.msk vm2, v5;
	vm2 =	vmmov vm4  }
0x730: {  	[tilespmem:v8+s15+$0x0] =	vst.idx.add.f32.msk vm3, v6;
	vm3 =	vmmov vm4  }
0x731: {  	[tilespmem:v10+s0+$0x0] =	vst.idx.add.f32.msk vm5, v9;
	vm5 =	vmmov vm4  }
0x732: {  	[tilespmem:v10+s15+$0x0] =	vst.idx.add.f32.msk vm0, v12  }
0x733: {  	[tilespmem:v0+s0+$0x0] =	vst.idx.add.f32.msk vm4, v7  }
0x734: {  	[tilespmem:v0+s15+$0x0] =	vst.idx.add.f32.msk vm4, v11  }
0x735: {  	[tilespmem:v14+s0+$0x0] =	vst.idx.add.f32.msk vm4, v15  }
0x736: {  	[tilespmem:v14+s15+$0x0] =	vst.idx.add.f32.msk vm4, v20  }
0x737: {  	[tilespmem:v13+s0+$0x0] =	vst.idx.add.f32.msk vm0, v16  }
0x738: {  	[tilespmem:v13+s15+$0x0] =	vst.idx.add.f32.msk vm0, v17  }
.Ltmp111:
0x739: {  	[tilespmem:v19+s0+$0x0] =	vst.idx.add.f32.msk vm0, v18;
	(pc) =	sbr.rel @p1 .LBB2_135-.Ltmp111, $4  }
0x73a: {  	[tilespmem:v19+s15+$0x0] =	vst.idx.add.f32.msk vm0, v22  }
0x73b: {  	[tilespmem:v21+s0+$0x0] =	vst.idx.add.f32.msk vm0, v24  }
0x73c: {  	[tilespmem:v21+s15+$0x0] =	vst.idx.add.f32.msk vm0, v25  }
0x73d: {  	[tilespmem:v23+s0+$0x0] =	vst.idx.add.f32.msk vm0, v26  }
0x73e: {  	vm7 =	vmmov vm0;
	vm6 =	vmmov vm4;
	vm0 =	vmmov vm5  }
.LBB2_137:
0x73f: {  	_ =	sdelay $0x4  }
0x740: {  	[tilespmem:v23+s15+$0x0] =	vst.idx.add.f32.msk @p0 vm7, v27  }
0x741: {  	[tilespmem:v2+s0+$0x0] =	vst.idx.add.f32.msk vm6, v3  }
0x742: {  	[tilespmem:v2+s15+$0x0] =	vst.idx.add.f32.msk vm1, v4  }
0x743: {  	[tilespmem:v8+s0+$0x0] =	vst.idx.add.f32.msk vm2, v5  }
0x744: {  	[tilespmem:v8+s15+$0x0] =	vst.idx.add.f32.msk vm3, v6  }
0x745: {  	[tilespmem:v10+s0+$0x0] =	vst.idx.add.f32.msk vm0, v9  }
0x746: {  	[tilespmem:v10+s15+$0x0] =	vst.idx.add.f32.msk vm6, v12  }
0x747: {  	[tilespmem:v13+s0+$0x0] =	vst.idx.add.f32.msk vm6, v16  }
0x748: {  	[tilespmem:v13+s15+$0x0] =	vst.idx.add.f32.msk vm6, v17  }
0x749: {  	[tilespmem:v19+s0+$0x0] =	vst.idx.add.f32.msk vm6, v18  }
0x74a: {  	[tilespmem:v19+s15+$0x0] =	vst.idx.add.f32.msk vm6, v22  }
0x74b: {  	[tilespmem:v21+s0+$0x0] =	vst.idx.add.f32.msk vm6, v24  }
0x74c: {  	[tilespmem:v21+s15+$0x0] =	vst.idx.add.f32.msk vm6, v25  }
0x74d: {  	[tilespmem:v23+s0+$0x0] =	vst.idx.add.f32.msk vm6, v26  }
0x74e: {  	vm4 =	vmmov vm6;
	[tilespmem:v23+s15+$0x0] =	vst.idx.add.f32.msk vm6, v27  }
.LBB2_138:
0x74f: {  	v0 =	vld [tilespmem:s24+$0xFD10]  }
0x750: {  	v5 =	vld [tilespmem:s24+$0x10990];
	_ =	sdelay $0x3  }
0x751: {  	v0 =	vshll.u32 v0, $0x7  }
0x752: {  	v0 =	vadd.s32 v5, v0  }
0x753: {  	(xrf1) =	vunique.msk.u32 $0xffff, v0;
	_ =	sdelay $0xd  }
0x754: {  	_, v1, _ =	vpop (xrf1)  }
0x755: {  	v2 =	vxor.u32 $0x80000000, v1  }
0x756: {  	(xrf0) =	vmin.scan.msk.u32 $0xffff, v2  }
0x757: {  	(xrf0) =	vmax.scan.msk.u32 $0xffff, v2;
	_ =	sdelay $0x4  }
0x758: {  	v2, _, _ =	vpop (xrf0)  }
0x759: {  	(v2sf) =	vpush v2, $0xF;
	v2, _, _ =	vpop (xrf0)  }
0x75a: {  	(v2sf) =	vpush v2, $0xF;
	_ =	sdelay $0xd  }
0x75b: {  	v10 =	vld [tilespmem:s24+$0x12290];
	s26 =	spop (v2sf)  }
0x75c: {  	v24 =	vld [tilespmem:s24+$0x12F10];
	s25 =	spop (v2sf)  }
0x75d: {  	v13 =	vld [tilespmem:s24+$0x13B90];
	p0 =	sne.s32 s25, s26  }
.Ltmp112:
0x75e: {  	v21 =	vld [tilespmem:s24+$0x14810];
	(pc) =	sbr.rel @p0 .LBB2_140-.Ltmp112, $4  }
0x75f: {  	v23 =	vld [tilespmem:s24+$0x15490]  }
0x760: {  	v26 =	vld [tilespmem:s24+$0x16110]  }
0x761: {  	v27 =	vld [tilespmem:s24+$0x16D90]  }
0x762: {  	v2 =	vld [tilespmem:s24+$0x11610]  }
0x763: {  	_ =	sdelay $0x3  }
0x764: {  	v1 =	vmul.f32 v26, v2  }
0x765: {  	v3 =	vadd.s32 $0x1, v0;
	v41 =	vmul.f32 v27, v2  }
0x766: {  	v7 =	vadd.s32 $0x2, v0;
	v4 =	vmul.f32 v1, v13  }
0x767: {  	v8 =	vand.u32 $0xFFFFFF80, v0;
	v5 =	vand.u32 $0x7F, v5;
	v6 =	vmul.f32 v41, v13  }
0x768: {  	v5 =	vor.u32 v5, v8;
	v42 =	vmul.f32 v1, v21;
	[tilespmem:v0+s0+$0x0] =	vst.idx.add.f32.msk $0xffff, v4  }
0x769: {  	v8 =	vadd.s32 $0x80, v5;
	v43 =	vmul.f32 v41, v21;
	[tilespmem:v0+s15+$0x0] =	vst.idx.add.f32.msk $0xffff, v6  }
0x76a: {  	v44 =	vmul.f32 v26, v10;
	v1 =	vmul.f32 v1, v23;
	[tilespmem:v3+s0+$0x0] =	vst.idx.add.f32.msk $0xffff, v42  }
0x76b: {  	v46 =	vadd.s32 $0x81, v0;
	v45 =	vmul.f32 v27, v10;
	v2 =	vmul.f32 v41, v23;
	[tilespmem:v3+s15+$0x0] =	vst.idx.add.f32.msk $0xffff, v43  }
0x76c: {  	v47 =	vmul.f32 v44, v13;
	[tilespmem:v7+s0+$0x0] =	vst.idx.add.f32.msk $0xffff, v1  }
0x76d: {  	v49 =	vadd.s32 $0x82, v0;
	v48 =	vmul.f32 v45, v13;
	[tilespmem:v7+s15+$0x0] =	vst.idx.add.f32.msk $0xffff, v2  }
0x76e: {  	v50 =	vmul.f32 v44, v21;
	[tilespmem:v8+s0+$0x0] =	vst.idx.add.f32.msk $0xffff, v47  }
0x76f: {  	v5 =	vadd.s32 $0x100, v5;
	v51 =	vmul.f32 v45, v21;
	[tilespmem:v8+s15+$0x0] =	vst.idx.add.f32.msk $0xffff, v48  }
0x770: {  	v53 =	vmul.f32 v26, v24;
	v52 =	vmul.f32 v44, v23;
	[tilespmem:v46+s0+$0x0] =	vst.idx.add.f32.msk $0xffff, v50  }
0x771: {  	v56 =	vadd.s32 $0x101, v0;
	v55 =	vmul.f32 v27, v24;
	v54 =	vmul.f32 v45, v23;
	[tilespmem:v46+s15+$0x0] =	vst.idx.add.f32.msk $0xffff, v51  }
0x772: {  	v57 =	vmul.f32 v53, v13;
	[tilespmem:v49+s0+$0x0] =	vst.idx.add.f32.msk $0xffff, v52  }
0x773: {  	v59 =	vadd.s32 $0x102, v0;
	v58 =	vmul.f32 v55, v13;
	[tilespmem:v49+s15+$0x0] =	vst.idx.add.f32.msk $0xffff, v54  }
0x774: {  	v60 =	vmul.f32 v53, v21;
	[tilespmem:v5+s0+$0x0] =	vst.idx.add.f32.msk $0xffff, v57  }
.Ltmp113:
0x775: {  	v61 =	vmul.f32 v55, v21;
	[tilespmem:v5+s15+$0x0] =	vst.idx.add.f32.msk $0xffff, v58;
	(pc) =	sbr.rel .LBB2_148-.Ltmp113, $4  }
0x776: {  	v62 =	vmul.f32 v53, v23;
	[tilespmem:v56+s0+$0x0] =	vst.idx.add.f32.msk $0xffff, v60  }
0x777: {  	v63 =	vmul.f32 v55, v23;
	[tilespmem:v56+s15+$0x0] =	vst.idx.add.f32.msk $0xffff, v61  }
0x778: {  	[tilespmem:v59+s0+$0x0] =	vst.idx.add.f32.msk $0xffff, v62  }
0x779: {  	[tilespmem:v59+s15+$0x0] =	vst.idx.add.f32.msk $0xffff, v63  }
.LBB2_140:
0x77a: {  	s28 =	sxor.u32 $0x80000000, s26;
	s29 =	sadd.s32 $0x80000001, s25  }
0x77b: {  	p0 =	sge.s32 s28, s29  }
.Ltmp114:
0x77c: {  	_ = 	snop;
	(pc) =	sbr.rel @p0 .LBB2_148-.Ltmp114, $1  }
0x77d: {  	_ =	sdelay $0x3  }
0x77e: {  	v3 =	vmul.f32 v13, v2  }
0x77f: {  	v4 =	vmul.f32 v21, v2;
	v6 =	vmul.f32 v23, v2;
	v14 =	vadd.s32 $0x1, v0  }
0x780: {  	v2 =	vadd.s32 $0x2, v0;
	v8 =	vand.u32 $0xFFFFFF80, v0;
	v12 =	vmul.f32 v21, v10  }
0x781: {  	s26 =	sadd.s32 $0xFFFFFFFF, s26;
	v9 =	vand.u32 $0x7F, v5;
	v17 =	vmul.f32 v23, v10;
	v22 =	vmul.f32 v13, v24  }
0x782: {  	v25 =	vmul.f32 v21, v24;
	v21 =	vadd.s32 $0x101, v0;
	v28 =	vmul.f32 v23, v24;
	s28 =	sadd.s32 $0x80000001, s26  }
0x783: {  	v7 =	vmul.f32 v26, v3;
	v11 =	vmul.f32 v27, v3;
	vm6 =	veq.s32 v1, s28  }
0x784: {  	v23 =	vadd.s32 $0x102, v0;
	v15 =	vmul.f32 v26, v4;
	v20 =	vmul.f32 v27, v4  }
0x785: {  	v19 =	vor.u32 v9, v8;
	v3 =	vmul.f32 v26, v6;
	v4 =	vmul.f32 v27, v6  }
0x786: {  	s26 =	sadd.s32 $0x1, s26;
	v6 =	vmul.f32 v13, v10;
	v8 =	vadd.s32 $0x80, v19;
	v9 =	vmul.f32 v26, v12  }
0x787: {  	v12 =	vmul.f32 v27, v12;
	v16 =	vmul.f32 v26, v17;
	p1 =	sne.s32 s25, s26;
	vm0 =	vmmov vm6  }
.Ltmp115:
0x788: {  	v10 =	vadd.s32 $0x81, v0;
	v17 =	vmul.f32 v27, v17;
	v18 =	vmul.f32 v26, v22;
	(pc) =	sbr.rel @!p1 .LBB2_142-.Ltmp115, $4  }
0x789: {  	v13 =	vadd.s32 $0x82, v0;
	v22 =	vmul.f32 v27, v22;
	v24 =	vmul.f32 v26, v25;
	[tilespmem:v0+s0+$0x0] =	vst.idx.add.f32.msk vm6, v7  }
0x78a: {  	v19 =	vadd.s32 $0x100, v19;
	v25 =	vmul.f32 v27, v25;
	v5 =	vmul.f32 v26, v6;
	[tilespmem:v0+s15+$0x0] =	vst.idx.add.f32.msk vm6, v11  }
0x78b: {  	vm1 =	vmmov vm6;
	v6 =	vmul.f32 v27, v6;
	v27 =	vmul.f32 v27, v28;
	[tilespmem:v14+s0+$0x0] =	vst.idx.add.f32.msk vm6, v15  }
0x78c: {  	p0 =	por $0x0, $0x0;
	vm2 =	vmmov vm6;
	vm3 =	vmmov vm6;
	v26 =	vmul.f32 v26, v28;
	[tilespmem:v14+s15+$0x0] =	vst.idx.add.f32.msk vm6, v20  }
0x78d: {  	_ =	sdelay $0x4  }
0x78e: {  	s28 =	sadd.s32 $0x80000001, s26;
	[tilespmem:v2+s0+$0x0] =	vst.idx.add.f32.msk vm6, v3  }
0x78f: {  	vm4 =	veq.s32 v1, s28;
	[tilespmem:v2+s15+$0x0] =	vst.idx.add.f32.msk vm1, v4  }
0x790: {  	[tilespmem:v8+s0+$0x0] =	vst.idx.add.f32.msk vm2, v5  }
0x791: {  	[tilespmem:v8+s15+$0x0] =	vst.idx.add.f32.msk vm3, v6  }
0x792: {  	[tilespmem:v10+s0+$0x0] =	vst.idx.add.f32.msk vm0, v9  }
0x793: {  	[tilespmem:v10+s15+$0x0] =	vst.idx.add.f32.msk vm0, v12  }
0x794: {  	[tilespmem:v13+s0+$0x0] =	vst.idx.add.f32.msk vm0, v16  }
0x795: {  	[tilespmem:v0+s0+$0x0] =	vst.idx.add.f32.msk vm4, v7  }
0x796: {  	[tilespmem:v13+s15+$0x0] =	vst.idx.add.f32.msk vm0, v17  }
0x797: {  	[tilespmem:v0+s15+$0x0] =	vst.idx.add.f32.msk vm4, v11  }
0x798: {  	s26 =	sadd.s32 $0x1, s26;
	[tilespmem:v19+s0+$0x0] =	vst.idx.add.f32.msk vm0, v18  }
0x799: {  	p1 =	sne.s32 s25, s26;
	[tilespmem:v14+s0+$0x0] =	vst.idx.add.f32.msk vm4, v15  }
.Ltmp116:
0x79a: {  	[tilespmem:v19+s15+$0x0] =	vst.idx.add.f32.msk vm0, v22;
	(pc) =	sbr.rel @!p1 .LBB2_144-.Ltmp116, $4  }
0x79b: {  	vm1 =	vmmov vm4;
	[tilespmem:v14+s15+$0x0] =	vst.idx.add.f32.msk vm4, v20  }
0x79c: {  	vm2 =	vmmov vm4;
	[tilespmem:v21+s0+$0x0] =	vst.idx.add.f32.msk vm0, v24  }
0x79d: {  	vm3 =	vmmov vm4;
	[tilespmem:v21+s15+$0x0] =	vst.idx.add.f32.msk vm0, v25  }
0x79e: {  	p0 =	por $0x1, $0x1;
	vm5 =	vmmov vm4;
	[tilespmem:v23+s0+$0x0] =	vst.idx.add.f32.msk vm0, v26  }
.LBB2_145:
0x79f: {  	s28 =	sadd.s32 $0x80000001, s26;
	s26 =	sadd.s32 $0x1, s26;
	[tilespmem:v23+s15+$0x0] =	vst.idx.add.f32.msk vm0, v27;
	vm0 =	vmmov vm4  }
0x7a0: {  	p1 =	sne.s32 s25, s26;
	[tilespmem:v2+s0+$0x0] =	vst.idx.add.f32.msk vm4, v3;
	vm4 =	veq.s32 v1, s28  }
0x7a1: {  	[tilespmem:v2+s15+$0x0] =	vst.idx.add.f32.msk vm1, v4;
	vm1 =	vmmov vm4  }
0x7a2: {  	[tilespmem:v8+s0+$0x0] =	vst.idx.add.f32.msk vm2, v5;
	vm2 =	vmmov vm4  }
0x7a3: {  	[tilespmem:v8+s15+$0x0] =	vst.idx.add.f32.msk vm3, v6;
	vm3 =	vmmov vm4  }
0x7a4: {  	[tilespmem:v10+s0+$0x0] =	vst.idx.add.f32.msk vm5, v9;
	vm5 =	vmmov vm4  }
0x7a5: {  	[tilespmem:v10+s15+$0x0] =	vst.idx.add.f32.msk vm0, v12  }
0x7a6: {  	[tilespmem:v0+s0+$0x0] =	vst.idx.add.f32.msk vm4, v7  }
0x7a7: {  	[tilespmem:v0+s15+$0x0] =	vst.idx.add.f32.msk vm4, v11  }
0x7a8: {  	[tilespmem:v14+s0+$0x0] =	vst.idx.add.f32.msk vm4, v15  }
0x7a9: {  	[tilespmem:v14+s15+$0x0] =	vst.idx.add.f32.msk vm4, v20  }
0x7aa: {  	[tilespmem:v13+s0+$0x0] =	vst.idx.add.f32.msk vm0, v16  }
0x7ab: {  	[tilespmem:v13+s15+$0x0] =	vst.idx.add.f32.msk vm0, v17  }
.Ltmp117:
0x7ac: {  	[tilespmem:v19+s0+$0x0] =	vst.idx.add.f32.msk vm0, v18;
	(pc) =	sbr.rel @p1 .LBB2_145-.Ltmp117, $4  }
0x7ad: {  	[tilespmem:v19+s15+$0x0] =	vst.idx.add.f32.msk vm0, v22  }
0x7ae: {  	[tilespmem:v21+s0+$0x0] =	vst.idx.add.f32.msk vm0, v24  }
0x7af: {  	[tilespmem:v21+s15+$0x0] =	vst.idx.add.f32.msk vm0, v25  }
0x7b0: {  	[tilespmem:v23+s0+$0x0] =	vst.idx.add.f32.msk vm0, v26  }
0x7b1: {  	vm7 =	vmmov vm0;
	vm6 =	vmmov vm4;
	vm0 =	vmmov vm5  }
.LBB2_147:
0x7b2: {  	_ =	sdelay $0x4  }
0x7b3: {  	[tilespmem:v23+s15+$0x0] =	vst.idx.add.f32.msk @p0 vm7, v27  }
0x7b4: {  	[tilespmem:v2+s0+$0x0] =	vst.idx.add.f32.msk vm6, v3  }
0x7b5: {  	[tilespmem:v2+s15+$0x0] =	vst.idx.add.f32.msk vm1, v4  }
0x7b6: {  	[tilespmem:v8+s0+$0x0] =	vst.idx.add.f32.msk vm2, v5  }
0x7b7: {  	[tilespmem:v8+s15+$0x0] =	vst.idx.add.f32.msk vm3, v6  }
0x7b8: {  	[tilespmem:v10+s0+$0x0] =	vst.idx.add.f32.msk vm0, v9  }
0x7b9: {  	[tilespmem:v10+s15+$0x0] =	vst.idx.add.f32.msk vm6, v12  }
0x7ba: {  	[tilespmem:v13+s0+$0x0] =	vst.idx.add.f32.msk vm6, v16  }
0x7bb: {  	[tilespmem:v13+s15+$0x0] =	vst.idx.add.f32.msk vm6, v17  }
0x7bc: {  	[tilespmem:v19+s0+$0x0] =	vst.idx.add.f32.msk vm6, v18  }
0x7bd: {  	[tilespmem:v19+s15+$0x0] =	vst.idx.add.f32.msk vm6, v22  }
0x7be: {  	[tilespmem:v21+s0+$0x0] =	vst.idx.add.f32.msk vm6, v24  }
0x7bf: {  	[tilespmem:v21+s15+$0x0] =	vst.idx.add.f32.msk vm6, v25  }
0x7c0: {  	[tilespmem:v23+s0+$0x0] =	vst.idx.add.f32.msk vm6, v26  }
0x7c1: {  	vm4 =	vmmov vm6;
	[tilespmem:v23+s15+$0x0] =	vst.idx.add.f32.msk vm6, v27  }
.LBB2_148:
0x7c2: {  	v0 =	vld [tilespmem:s24+$0xFD20]  }
0x7c3: {  	v5 =	vld [tilespmem:s24+$0x109A0];
	_ =	sdelay $0x3  }
0x7c4: {  	v0 =	vshll.u32 v0, $0x7  }
0x7c5: {  	v0 =	vadd.s32 v5, v0  }
0x7c6: {  	(xrf1) =	vunique.msk.u32 $0xffff, v0;
	_ =	sdelay $0xd  }
0x7c7: {  	_, v1, _ =	vpop (xrf1)  }
0x7c8: {  	v2 =	vxor.u32 $0x80000000, v1  }
0x7c9: {  	(xrf0) =	vmin.scan.msk.u32 $0xffff, v2  }
0x7ca: {  	(xrf0) =	vmax.scan.msk.u32 $0xffff, v2;
	_ =	sdelay $0x4  }
0x7cb: {  	v2, _, _ =	vpop (xrf0)  }
0x7cc: {  	(v2sf) =	vpush v2, $0xF;
	v2, _, _ =	vpop (xrf0)  }
0x7cd: {  	(v2sf) =	vpush v2, $0xF;
	_ =	sdelay $0xd  }
0x7ce: {  	v10 =	vld [tilespmem:s24+$0x122A0];
	s26 =	spop (v2sf)  }
0x7cf: {  	v24 =	vld [tilespmem:s24+$0x12F20];
	s25 =	spop (v2sf)  }
0x7d0: {  	v13 =	vld [tilespmem:s24+$0x13BA0];
	p0 =	sne.s32 s25, s26  }
.Ltmp118:
0x7d1: {  	v21 =	vld [tilespmem:s24+$0x14820];
	(pc) =	sbr.rel @p0 .LBB2_150-.Ltmp118, $4  }
0x7d2: {  	v23 =	vld [tilespmem:s24+$0x154A0]  }
0x7d3: {  	v26 =	vld [tilespmem:s24+$0x16120]  }
0x7d4: {  	v27 =	vld [tilespmem:s24+$0x16DA0]  }
0x7d5: {  	v2 =	vld [tilespmem:s24+$0x11620]  }
0x7d6: {  	_ =	sdelay $0x3  }
0x7d7: {  	v1 =	vmul.f32 v26, v2  }
0x7d8: {  	v3 =	vadd.s32 $0x1, v0;
	v41 =	vmul.f32 v27, v2  }
0x7d9: {  	v7 =	vadd.s32 $0x2, v0;
	v4 =	vmul.f32 v1, v13  }
0x7da: {  	v8 =	vand.u32 $0xFFFFFF80, v0;
	v5 =	vand.u32 $0x7F, v5;
	v6 =	vmul.f32 v41, v13  }
0x7db: {  	v5 =	vor.u32 v5, v8;
	v42 =	vmul.f32 v1, v21;
	[tilespmem:v0+s0+$0x0] =	vst.idx.add.f32.msk $0xffff, v4  }
0x7dc: {  	v8 =	vadd.s32 $0x80, v5;
	v43 =	vmul.f32 v41, v21;
	[tilespmem:v0+s15+$0x0] =	vst.idx.add.f32.msk $0xffff, v6  }
0x7dd: {  	v44 =	vmul.f32 v26, v10;
	v1 =	vmul.f32 v1, v23;
	[tilespmem:v3+s0+$0x0] =	vst.idx.add.f32.msk $0xffff, v42  }
0x7de: {  	v46 =	vadd.s32 $0x81, v0;
	v45 =	vmul.f32 v27, v10;
	v2 =	vmul.f32 v41, v23;
	[tilespmem:v3+s15+$0x0] =	vst.idx.add.f32.msk $0xffff, v43  }
0x7df: {  	v47 =	vmul.f32 v44, v13;
	[tilespmem:v7+s0+$0x0] =	vst.idx.add.f32.msk $0xffff, v1  }
0x7e0: {  	v49 =	vadd.s32 $0x82, v0;
	v48 =	vmul.f32 v45, v13;
	[tilespmem:v7+s15+$0x0] =	vst.idx.add.f32.msk $0xffff, v2  }
0x7e1: {  	v50 =	vmul.f32 v44, v21;
	[tilespmem:v8+s0+$0x0] =	vst.idx.add.f32.msk $0xffff, v47  }
0x7e2: {  	v5 =	vadd.s32 $0x100, v5;
	v51 =	vmul.f32 v45, v21;
	[tilespmem:v8+s15+$0x0] =	vst.idx.add.f32.msk $0xffff, v48  }
0x7e3: {  	v53 =	vmul.f32 v26, v24;
	v52 =	vmul.f32 v44, v23;
	[tilespmem:v46+s0+$0x0] =	vst.idx.add.f32.msk $0xffff, v50  }
0x7e4: {  	v56 =	vadd.s32 $0x101, v0;
	v55 =	vmul.f32 v27, v24;
	v54 =	vmul.f32 v45, v23;
	[tilespmem:v46+s15+$0x0] =	vst.idx.add.f32.msk $0xffff, v51  }
0x7e5: {  	v57 =	vmul.f32 v53, v13;
	[tilespmem:v49+s0+$0x0] =	vst.idx.add.f32.msk $0xffff, v52  }
0x7e6: {  	v59 =	vadd.s32 $0x102, v0;
	v58 =	vmul.f32 v55, v13;
	[tilespmem:v49+s15+$0x0] =	vst.idx.add.f32.msk $0xffff, v54  }
0x7e7: {  	v60 =	vmul.f32 v53, v21;
	[tilespmem:v5+s0+$0x0] =	vst.idx.add.f32.msk $0xffff, v57  }
.Ltmp119:
0x7e8: {  	v61 =	vmul.f32 v55, v21;
	[tilespmem:v5+s15+$0x0] =	vst.idx.add.f32.msk $0xffff, v58;
	(pc) =	sbr.rel .LBB2_158-.Ltmp119, $4  }
0x7e9: {  	v62 =	vmul.f32 v53, v23;
	[tilespmem:v56+s0+$0x0] =	vst.idx.add.f32.msk $0xffff, v60  }
0x7ea: {  	v63 =	vmul.f32 v55, v23;
	[tilespmem:v56+s15+$0x0] =	vst.idx.add.f32.msk $0xffff, v61  }
0x7eb: {  	[tilespmem:v59+s0+$0x0] =	vst.idx.add.f32.msk $0xffff, v62  }
0x7ec: {  	[tilespmem:v59+s15+$0x0] =	vst.idx.add.f32.msk $0xffff, v63  }
.LBB2_150:
0x7ed: {  	s28 =	sxor.u32 $0x80000000, s26;
	s29 =	sadd.s32 $0x80000001, s25  }
0x7ee: {  	p0 =	sge.s32 s28, s29  }
.Ltmp120:
0x7ef: {  	_ = 	snop;
	(pc) =	sbr.rel @p0 .LBB2_158-.Ltmp120, $1  }
0x7f0: {  	_ =	sdelay $0x3  }
0x7f1: {  	v3 =	vmul.f32 v13, v2  }
0x7f2: {  	v4 =	vmul.f32 v21, v2;
	v6 =	vmul.f32 v23, v2;
	v14 =	vadd.s32 $0x1, v0  }
0x7f3: {  	v2 =	vadd.s32 $0x2, v0;
	v8 =	vand.u32 $0xFFFFFF80, v0;
	v12 =	vmul.f32 v21, v10  }
0x7f4: {  	s26 =	sadd.s32 $0xFFFFFFFF, s26;
	v9 =	vand.u32 $0x7F, v5;
	v17 =	vmul.f32 v23, v10;
	v22 =	vmul.f32 v13, v24  }
0x7f5: {  	v25 =	vmul.f32 v21, v24;
	v21 =	vadd.s32 $0x101, v0;
	v28 =	vmul.f32 v23, v24;
	s28 =	sadd.s32 $0x80000001, s26  }
0x7f6: {  	v7 =	vmul.f32 v26, v3;
	v11 =	vmul.f32 v27, v3;
	vm6 =	veq.s32 v1, s28  }
0x7f7: {  	v23 =	vadd.s32 $0x102, v0;
	v15 =	vmul.f32 v26, v4;
	v20 =	vmul.f32 v27, v4  }
0x7f8: {  	v19 =	vor.u32 v9, v8;
	v3 =	vmul.f32 v26, v6;
	v4 =	vmul.f32 v27, v6  }
0x7f9: {  	s26 =	sadd.s32 $0x1, s26;
	v6 =	vmul.f32 v13, v10;
	v8 =	vadd.s32 $0x80, v19;
	v9 =	vmul.f32 v26, v12  }
0x7fa: {  	v12 =	vmul.f32 v27, v12;
	v16 =	vmul.f32 v26, v17;
	p1 =	sne.s32 s25, s26;
	vm0 =	vmmov vm6  }
.Ltmp121:
0x7fb: {  	v10 =	vadd.s32 $0x81, v0;
	v17 =	vmul.f32 v27, v17;
	v18 =	vmul.f32 v26, v22;
	(pc) =	sbr.rel @!p1 .LBB2_152-.Ltmp121, $4  }
0x7fc: {  	v13 =	vadd.s32 $0x82, v0;
	v22 =	vmul.f32 v27, v22;
	v24 =	vmul.f32 v26, v25;
	[tilespmem:v0+s0+$0x0] =	vst.idx.add.f32.msk vm6, v7  }
0x7fd: {  	v19 =	vadd.s32 $0x100, v19;
	v25 =	vmul.f32 v27, v25;
	v5 =	vmul.f32 v26, v6;
	[tilespmem:v0+s15+$0x0] =	vst.idx.add.f32.msk vm6, v11  }
0x7fe: {  	vm1 =	vmmov vm6;
	v6 =	vmul.f32 v27, v6;
	v27 =	vmul.f32 v27, v28;
	[tilespmem:v14+s0+$0x0] =	vst.idx.add.f32.msk vm6, v15  }
0x7ff: {  	p0 =	por $0x0, $0x0;
	vm2 =	vmmov vm6;
	vm3 =	vmmov vm6;
	v26 =	vmul.f32 v26, v28;
	[tilespmem:v14+s15+$0x0] =	vst.idx.add.f32.msk vm6, v20  }
0x800: {  	_ =	sdelay $0x4  }
0x801: {  	s28 =	sadd.s32 $0x80000001, s26;
	[tilespmem:v2+s0+$0x0] =	vst.idx.add.f32.msk vm6, v3  }
0x802: {  	vm4 =	veq.s32 v1, s28;
	[tilespmem:v2+s15+$0x0] =	vst.idx.add.f32.msk vm1, v4  }
0x803: {  	[tilespmem:v8+s0+$0x0] =	vst.idx.add.f32.msk vm2, v5  }
0x804: {  	[tilespmem:v8+s15+$0x0] =	vst.idx.add.f32.msk vm3, v6  }
0x805: {  	[tilespmem:v10+s0+$0x0] =	vst.idx.add.f32.msk vm0, v9  }
0x806: {  	[tilespmem:v10+s15+$0x0] =	vst.idx.add.f32.msk vm0, v12  }
0x807: {  	[tilespmem:v13+s0+$0x0] =	vst.idx.add.f32.msk vm0, v16  }
0x808: {  	[tilespmem:v0+s0+$0x0] =	vst.idx.add.f32.msk vm4, v7  }
0x809: {  	[tilespmem:v13+s15+$0x0] =	vst.idx.add.f32.msk vm0, v17  }
0x80a: {  	[tilespmem:v0+s15+$0x0] =	vst.idx.add.f32.msk vm4, v11  }
0x80b: {  	s26 =	sadd.s32 $0x1, s26;
	[tilespmem:v19+s0+$0x0] =	vst.idx.add.f32.msk vm0, v18  }
0x80c: {  	p1 =	sne.s32 s25, s26;
	[tilespmem:v14+s0+$0x0] =	vst.idx.add.f32.msk vm4, v15  }
.Ltmp122:
0x80d: {  	[tilespmem:v19+s15+$0x0] =	vst.idx.add.f32.msk vm0, v22;
	(pc) =	sbr.rel @!p1 .LBB2_154-.Ltmp122, $4  }
0x80e: {  	vm1 =	vmmov vm4;
	[tilespmem:v14+s15+$0x0] =	vst.idx.add.f32.msk vm4, v20  }
0x80f: {  	vm2 =	vmmov vm4;
	[tilespmem:v21+s0+$0x0] =	vst.idx.add.f32.msk vm0, v24  }
0x810: {  	vm3 =	vmmov vm4;
	[tilespmem:v21+s15+$0x0] =	vst.idx.add.f32.msk vm0, v25  }
0x811: {  	p0 =	por $0x1, $0x1;
	vm5 =	vmmov vm4;
	[tilespmem:v23+s0+$0x0] =	vst.idx.add.f32.msk vm0, v26  }
.LBB2_155:
0x812: {  	s28 =	sadd.s32 $0x80000001, s26;
	s26 =	sadd.s32 $0x1, s26;
	[tilespmem:v23+s15+$0x0] =	vst.idx.add.f32.msk vm0, v27;
	vm0 =	vmmov vm4  }
0x813: {  	p1 =	sne.s32 s25, s26;
	[tilespmem:v2+s0+$0x0] =	vst.idx.add.f32.msk vm4, v3;
	vm4 =	veq.s32 v1, s28  }
0x814: {  	[tilespmem:v2+s15+$0x0] =	vst.idx.add.f32.msk vm1, v4;
	vm1 =	vmmov vm4  }
0x815: {  	[tilespmem:v8+s0+$0x0] =	vst.idx.add.f32.msk vm2, v5;
	vm2 =	vmmov vm4  }
0x816: {  	[tilespmem:v8+s15+$0x0] =	vst.idx.add.f32.msk vm3, v6;
	vm3 =	vmmov vm4  }
0x817: {  	[tilespmem:v10+s0+$0x0] =	vst.idx.add.f32.msk vm5, v9;
	vm5 =	vmmov vm4  }
0x818: {  	[tilespmem:v10+s15+$0x0] =	vst.idx.add.f32.msk vm0, v12  }
0x819: {  	[tilespmem:v0+s0+$0x0] =	vst.idx.add.f32.msk vm4, v7  }
0x81a: {  	[tilespmem:v0+s15+$0x0] =	vst.idx.add.f32.msk vm4, v11  }
0x81b: {  	[tilespmem:v14+s0+$0x0] =	vst.idx.add.f32.msk vm4, v15  }
0x81c: {  	[tilespmem:v14+s15+$0x0] =	vst.idx.add.f32.msk vm4, v20  }
0x81d: {  	[tilespmem:v13+s0+$0x0] =	vst.idx.add.f32.msk vm0, v16  }
0x81e: {  	[tilespmem:v13+s15+$0x0] =	vst.idx.add.f32.msk vm0, v17  }
.Ltmp123:
0x81f: {  	[tilespmem:v19+s0+$0x0] =	vst.idx.add.f32.msk vm0, v18;
	(pc) =	sbr.rel @p1 .LBB2_155-.Ltmp123, $4  }
0x820: {  	[tilespmem:v19+s15+$0x0] =	vst.idx.add.f32.msk vm0, v22  }
0x821: {  	[tilespmem:v21+s0+$0x0] =	vst.idx.add.f32.msk vm0, v24  }
0x822: {  	[tilespmem:v21+s15+$0x0] =	vst.idx.add.f32.msk vm0, v25  }
0x823: {  	[tilespmem:v23+s0+$0x0] =	vst.idx.add.f32.msk vm0, v26  }
0x824: {  	vm7 =	vmmov vm0;
	vm6 =	vmmov vm4;
	vm0 =	vmmov vm5  }
.LBB2_157:
0x825: {  	_ =	sdelay $0x4  }
0x826: {  	[tilespmem:v23+s15+$0x0] =	vst.idx.add.f32.msk @p0 vm7, v27  }
0x827: {  	[tilespmem:v2+s0+$0x0] =	vst.idx.add.f32.msk vm6, v3  }
0x828: {  	[tilespmem:v2+s15+$0x0] =	vst.idx.add.f32.msk vm1, v4  }
0x829: {  	[tilespmem:v8+s0+$0x0] =	vst.idx.add.f32.msk vm2, v5  }
0x82a: {  	[tilespmem:v8+s15+$0x0] =	vst.idx.add.f32.msk vm3, v6  }
0x82b: {  	[tilespmem:v10+s0+$0x0] =	vst.idx.add.f32.msk vm0, v9  }
0x82c: {  	[tilespmem:v10+s15+$0x0] =	vst.idx.add.f32.msk vm6, v12  }
0x82d: {  	[tilespmem:v13+s0+$0x0] =	vst.idx.add.f32.msk vm6, v16  }
0x82e: {  	[tilespmem:v13+s15+$0x0] =	vst.idx.add.f32.msk vm6, v17  }
0x82f: {  	[tilespmem:v19+s0+$0x0] =	vst.idx.add.f32.msk vm6, v18  }
0x830: {  	[tilespmem:v19+s15+$0x0] =	vst.idx.add.f32.msk vm6, v22  }
0x831: {  	[tilespmem:v21+s0+$0x0] =	vst.idx.add.f32.msk vm6, v24  }
0x832: {  	[tilespmem:v21+s15+$0x0] =	vst.idx.add.f32.msk vm6, v25  }
0x833: {  	[tilespmem:v23+s0+$0x0] =	vst.idx.add.f32.msk vm6, v26  }
0x834: {  	vm4 =	vmmov vm6;
	[tilespmem:v23+s15+$0x0] =	vst.idx.add.f32.msk vm6, v27  }
.LBB2_158:
0x835: {  	v0 =	vld [tilespmem:s24+$0xFD30]  }
0x836: {  	v5 =	vld [tilespmem:s24+$0x109B0];
	_ =	sdelay $0x3  }
0x837: {  	v0 =	vshll.u32 v0, $0x7  }
0x838: {  	v0 =	vadd.s32 v5, v0  }
0x839: {  	(xrf1) =	vunique.msk.u32 $0xffff, v0;
	_ =	sdelay $0xd  }
0x83a: {  	_, v1, _ =	vpop (xrf1)  }
0x83b: {  	v2 =	vxor.u32 $0x80000000, v1  }
0x83c: {  	(xrf0) =	vmin.scan.msk.u32 $0xffff, v2  }
0x83d: {  	(xrf0) =	vmax.scan.msk.u32 $0xffff, v2;
	_ =	sdelay $0x4  }
0x83e: {  	v2, _, _ =	vpop (xrf0)  }
0x83f: {  	(v2sf) =	vpush v2, $0xF;
	v2, _, _ =	vpop (xrf0)  }
0x840: {  	(v2sf) =	vpush v2, $0xF;
	_ =	sdelay $0xd  }
0x841: {  	v10 =	vld [tilespmem:s24+$0x122B0];
	s26 =	spop (v2sf)  }
0x842: {  	v24 =	vld [tilespmem:s24+$0x12F30];
	s25 =	spop (v2sf)  }
0x843: {  	v26 =	vld [tilespmem:s24+$0x16130];
	p0 =	sne.s32 s25, s26  }
.Ltmp124:
0x844: {  	v2 =	vld [tilespmem:s24+$0x11630];
	(pc) =	sbr.rel @!p0 .LBB2_159-.Ltmp124, $4  }
0x845: {  	v27 =	vld [tilespmem:s24+$0x16DB0]  }
0x846: {  	v13 =	vld [tilespmem:s24+$0x13BB0]  }
0x847: {  	v21 =	vld [tilespmem:s24+$0x14830]  }
0x848: {  	v23 =	vld [tilespmem:s24+$0x154B0]  }
0x849: {  	s24 =	sxor.u32 $0x80000000, s26;
	s28 =	sadd.s32 $0x80000001, s25  }
0x84a: {  	p0 =	sge.s32 s24, s28  }
.Ltmp125:
0x84b: {  	_ = 	snop;
	(pc) =	sbr.rel @p0 .LBB2_168-.Ltmp125, $1  }
0x84c: {  	_ =	sdelay $0x3  }
0x84d: {  	v3 =	vmul.f32 v13, v2  }
0x84e: {  	v4 =	vmul.f32 v21, v2;
	v6 =	vmul.f32 v23, v2;
	v14 =	vadd.s32 $0x1, v0  }
0x84f: {  	v2 =	vadd.s32 $0x2, v0;
	v8 =	vand.u32 $0xFFFFFF80, v0;
	v12 =	vmul.f32 v21, v10  }
0x850: {  	s24 =	sadd.s32 $0xFFFFFFFF, s26;
	v9 =	vand.u32 $0x7F, v5;
	v17 =	vmul.f32 v23, v10;
	v22 =	vmul.f32 v13, v24  }
0x851: {  	v25 =	vmul.f32 v21, v24;
	v21 =	vadd.s32 $0x101, v0;
	v28 =	vmul.f32 v23, v24;
	s26 =	sadd.s32 $0x80000001, s24  }
0x852: {  	v7 =	vmul.f32 v26, v3;
	v11 =	vmul.f32 v27, v3;
	vm6 =	veq.s32 v1, s26  }
0x853: {  	v23 =	vadd.s32 $0x102, v0;
	v15 =	vmul.f32 v26, v4;
	v20 =	vmul.f32 v27, v4  }
0x854: {  	v19 =	vor.u32 v9, v8;
	v3 =	vmul.f32 v26, v6;
	v4 =	vmul.f32 v27, v6  }
0x855: {  	s24 =	sadd.s32 $0x1, s24;
	v6 =	vmul.f32 v13, v10;
	v8 =	vadd.s32 $0x80, v19;
	v9 =	vmul.f32 v26, v12  }
0x856: {  	v12 =	vmul.f32 v27, v12;
	v16 =	vmul.f32 v26, v17;
	p1 =	sne.s32 s25, s24;
	vm0 =	vmmov vm6  }
.Ltmp126:
0x857: {  	v10 =	vadd.s32 $0x81, v0;
	v17 =	vmul.f32 v27, v17;
	v18 =	vmul.f32 v26, v22;
	(pc) =	sbr.rel @!p1 .LBB2_162-.Ltmp126, $4  }
0x858: {  	v13 =	vadd.s32 $0x82, v0;
	v22 =	vmul.f32 v27, v22;
	v24 =	vmul.f32 v26, v25;
	[tilespmem:v0+s0+$0x0] =	vst.idx.add.f32.msk vm6, v7  }
0x859: {  	v19 =	vadd.s32 $0x100, v19;
	v25 =	vmul.f32 v27, v25;
	v5 =	vmul.f32 v26, v6;
	[tilespmem:v0+s15+$0x0] =	vst.idx.add.f32.msk vm6, v11  }
0x85a: {  	vm1 =	vmmov vm6;
	v6 =	vmul.f32 v27, v6;
	v27 =	vmul.f32 v27, v28;
	[tilespmem:v14+s0+$0x0] =	vst.idx.add.f32.msk vm6, v15  }
0x85b: {  	p0 =	por $0x0, $0x0;
	vm2 =	vmmov vm6;
	vm3 =	vmmov vm6;
	v26 =	vmul.f32 v26, v28;
	[tilespmem:v14+s15+$0x0] =	vst.idx.add.f32.msk vm6, v20  }
0x85c: {  	_ =	sdelay $0x4  }
0x85d: {  	s26 =	sadd.s32 $0x80000001, s24;
	[tilespmem:v2+s0+$0x0] =	vst.idx.add.f32.msk vm6, v3  }
0x85e: {  	vm4 =	veq.s32 v1, s26;
	[tilespmem:v2+s15+$0x0] =	vst.idx.add.f32.msk vm1, v4  }
0x85f: {  	[tilespmem:v8+s0+$0x0] =	vst.idx.add.f32.msk vm2, v5  }
0x860: {  	[tilespmem:v8+s15+$0x0] =	vst.idx.add.f32.msk vm3, v6  }
0x861: {  	[tilespmem:v10+s0+$0x0] =	vst.idx.add.f32.msk vm0, v9  }
0x862: {  	[tilespmem:v10+s15+$0x0] =	vst.idx.add.f32.msk vm0, v12  }
0x863: {  	[tilespmem:v13+s0+$0x0] =	vst.idx.add.f32.msk vm0, v16  }
0x864: {  	[tilespmem:v0+s0+$0x0] =	vst.idx.add.f32.msk vm4, v7  }
0x865: {  	[tilespmem:v13+s15+$0x0] =	vst.idx.add.f32.msk vm0, v17  }
0x866: {  	[tilespmem:v0+s15+$0x0] =	vst.idx.add.f32.msk vm4, v11  }
0x867: {  	s24 =	sadd.s32 $0x1, s24;
	[tilespmem:v19+s0+$0x0] =	vst.idx.add.f32.msk vm0, v18  }
0x868: {  	p1 =	sne.s32 s25, s24;
	[tilespmem:v14+s0+$0x0] =	vst.idx.add.f32.msk vm4, v15  }
.Ltmp127:
0x869: {  	[tilespmem:v19+s15+$0x0] =	vst.idx.add.f32.msk vm0, v22;
	(pc) =	sbr.rel @!p1 .LBB2_164-.Ltmp127, $4  }
0x86a: {  	vm1 =	vmmov vm4;
	[tilespmem:v14+s15+$0x0] =	vst.idx.add.f32.msk vm4, v20  }
0x86b: {  	vm2 =	vmmov vm4;
	[tilespmem:v21+s0+$0x0] =	vst.idx.add.f32.msk vm0, v24  }
0x86c: {  	vm3 =	vmmov vm4;
	[tilespmem:v21+s15+$0x0] =	vst.idx.add.f32.msk vm0, v25  }
0x86d: {  	p0 =	por $0x1, $0x1;
	vm5 =	vmmov vm4;
	[tilespmem:v23+s0+$0x0] =	vst.idx.add.f32.msk vm0, v26  }
.LBB2_165:
0x86e: {  	s26 =	sadd.s32 $0x80000001, s24;
	s24 =	sadd.s32 $0x1, s24;
	[tilespmem:v23+s15+$0x0] =	vst.idx.add.f32.msk vm0, v27;
	vm0 =	vmmov vm4  }
0x86f: {  	p1 =	sne.s32 s25, s24;
	[tilespmem:v2+s0+$0x0] =	vst.idx.add.f32.msk vm4, v3;
	vm4 =	veq.s32 v1, s26  }
0x870: {  	[tilespmem:v2+s15+$0x0] =	vst.idx.add.f32.msk vm1, v4;
	vm1 =	vmmov vm4  }
0x871: {  	[tilespmem:v8+s0+$0x0] =	vst.idx.add.f32.msk vm2, v5;
	vm2 =	vmmov vm4  }
0x872: {  	[tilespmem:v8+s15+$0x0] =	vst.idx.add.f32.msk vm3, v6;
	vm3 =	vmmov vm4  }
0x873: {  	[tilespmem:v10+s0+$0x0] =	vst.idx.add.f32.msk vm5, v9;
	vm5 =	vmmov vm4  }
0x874: {  	[tilespmem:v10+s15+$0x0] =	vst.idx.add.f32.msk vm0, v12  }
0x875: {  	[tilespmem:v0+s0+$0x0] =	vst.idx.add.f32.msk vm4, v7  }
0x876: {  	[tilespmem:v0+s15+$0x0] =	vst.idx.add.f32.msk vm4, v11  }
0x877: {  	[tilespmem:v14+s0+$0x0] =	vst.idx.add.f32.msk vm4, v15  }
0x878: {  	[tilespmem:v14+s15+$0x0] =	vst.idx.add.f32.msk vm4, v20  }
0x879: {  	[tilespmem:v13+s0+$0x0] =	vst.idx.add.f32.msk vm0, v16  }
0x87a: {  	[tilespmem:v13+s15+$0x0] =	vst.idx.add.f32.msk vm0, v17  }
.Ltmp128:
0x87b: {  	[tilespmem:v19+s0+$0x0] =	vst.idx.add.f32.msk vm0, v18;
	(pc) =	sbr.rel @p1 .LBB2_165-.Ltmp128, $4  }
0x87c: {  	[tilespmem:v19+s15+$0x0] =	vst.idx.add.f32.msk vm0, v22  }
0x87d: {  	[tilespmem:v21+s0+$0x0] =	vst.idx.add.f32.msk vm0, v24  }
0x87e: {  	[tilespmem:v21+s15+$0x0] =	vst.idx.add.f32.msk vm0, v25  }
0x87f: {  	[tilespmem:v23+s0+$0x0] =	vst.idx.add.f32.msk vm0, v26  }
0x880: {  	vm7 =	vmmov vm0;
	vm6 =	vmmov vm4;
	vm0 =	vmmov vm5  }
.LBB2_167:
0x881: {  	_ =	sdelay $0x4  }
0x882: {  	[tilespmem:v23+s15+$0x0] =	vst.idx.add.f32.msk @p0 vm7, v27  }
0x883: {  	[tilespmem:v2+s0+$0x0] =	vst.idx.add.f32.msk vm6, v3  }
0x884: {  	[tilespmem:v2+s15+$0x0] =	vst.idx.add.f32.msk vm1, v4  }
0x885: {  	[tilespmem:v8+s0+$0x0] =	vst.idx.add.f32.msk vm2, v5  }
0x886: {  	[tilespmem:v8+s15+$0x0] =	vst.idx.add.f32.msk vm3, v6  }
0x887: {  	[tilespmem:v10+s0+$0x0] =	vst.idx.add.f32.msk vm0, v9  }
0x888: {  	[tilespmem:v10+s15+$0x0] =	vst.idx.add.f32.msk vm6, v12  }
0x889: {  	[tilespmem:v13+s0+$0x0] =	vst.idx.add.f32.msk vm6, v16  }
0x88a: {  	[tilespmem:v13+s15+$0x0] =	vst.idx.add.f32.msk vm6, v17  }
0x88b: {  	[tilespmem:v19+s0+$0x0] =	vst.idx.add.f32.msk vm6, v18  }
.Ltmp129:
0x88c: {  	[tilespmem:v19+s15+$0x0] =	vst.idx.add.f32.msk vm6, v22;
	(pc) =	sbr.rel .LBB2_168-.Ltmp129, $4  }
0x88d: {  	[tilespmem:v21+s0+$0x0] =	vst.idx.add.f32.msk vm6, v24  }
0x88e: {  	[tilespmem:v21+s15+$0x0] =	vst.idx.add.f32.msk vm6, v25  }
0x88f: {  	[tilespmem:v23+s0+$0x0] =	vst.idx.add.f32.msk vm6, v26  }
0x890: {  	vm4 =	vmmov vm6;
	[tilespmem:v23+s15+$0x0] =	vst.idx.add.f32.msk vm6, v27  }
.LBB2_132:
.Ltmp130:
0x891: {  	(pc) =	sbr.rel .LBB2_137-.Ltmp130, $2  }
0x892: {  	_ =	sdelay $0x2  }
0x893: {  	_ = 	snop  }
.LBB2_142:
.Ltmp131:
0x894: {  	(pc) =	sbr.rel .LBB2_147-.Ltmp131, $2  }
0x895: {  	_ =	sdelay $0x2  }
0x896: {  	_ = 	snop  }
.LBB2_152:
.Ltmp132:
0x897: {  	(pc) =	sbr.rel .LBB2_157-.Ltmp132, $2  }
0x898: {  	_ =	sdelay $0x2  }
0x899: {  	_ = 	snop  }
.LBB2_162:
.Ltmp133:
0x89a: {  	(pc) =	sbr.rel .LBB2_167-.Ltmp133, $2  }
0x89b: {  	_ =	sdelay $0x2  }
0x89c: {  	_ = 	snop  }
.LBB2_134:
.Ltmp134:
0x89d: {  	(pc) =	sbr.rel .LBB2_137-.Ltmp134, $2  }
0x89e: {  	_ =	sdelay $0x2  }
0x89f: {  	vm7 =	vmmov vm0;
	vm6 =	vmmov vm4;
	vm0 =	vmmov vm5  }
.LBB2_144:
.Ltmp135:
0x8a0: {  	(pc) =	sbr.rel .LBB2_147-.Ltmp135, $2  }
0x8a1: {  	_ =	sdelay $0x2  }
0x8a2: {  	vm7 =	vmmov vm0;
	vm6 =	vmmov vm4;
	vm0 =	vmmov vm5  }
.LBB2_154:
.Ltmp136:
0x8a3: {  	(pc) =	sbr.rel .LBB2_157-.Ltmp136, $2  }
0x8a4: {  	_ =	sdelay $0x2  }
0x8a5: {  	vm7 =	vmmov vm0;
	vm6 =	vmmov vm4;
	vm0 =	vmmov vm5  }
.LBB2_164:
.Ltmp137:
0x8a6: {  	(pc) =	sbr.rel .LBB2_167-.Ltmp137, $2  }
0x8a7: {  	_ =	sdelay $0x2  }
0x8a8: {  	vm7 =	vmmov vm0;
	vm6 =	vmmov vm4;
	vm0 =	vmmov vm5  }
.LBB2_170:
0x8a9: {  	_ =	sfence.sel $0x180000  }
0x8aa: {  	[bflag:$0x0] =	sbarrier.arrive $0xFFFF  }
0x8ab: {  	_ =	strace $0x90000047  }
0x8ac: {  	s0 =	stileid.u32;
	[bflag:$0x2] =	sbarrier.arrive $0xFFFF  }
0x8ad: {  	p0 =	sne.s32 s0, $0x0;
	s0 =	rddreg [dreg:$0x2]  }
0x8ae: {  	s0 =	sadd.s32 @!p0 $0x100000, s0  }
0x8af: {  	[sflag:s0] =	ssyncadd.tile.s32 @!p0 $0x1;
	_ =	shalt  }
.Lfunc_end2:
_tile_overlayer_lowered:
.L_overlay_start_2:
0x8b0: {  	(tag) =	ssettag $0x2  }
0x8b1: {  	s0 =	rddreg [dreg:$0x0];
	s2 =	stileid.u32  }
0x8b2: {  	s1 =	rddreg [dreg:$0x1];
	p0 =	sne.s32 s2, $0x0  }
0x8b3: {  	s3 =	rddreg [dreg:$0x2];
	[bflag:$0x3] =	sbarrier.arrive $0xFFFF;
	s2 =	simm.s32 @!p0 $0x1C03  }
0x8b4: {  	[timem:s3], [sflag:s2] =	dma.local @!p0 [hbm:s0], s1  }
0x8b5: {  	s0 =	simm.s32 @!p0 $0x3  }
0x8b6: {  	_ =	swait.ge @!p0 [sflag:s0], s1  }
0x8b7: {  	s1 =	ssub.s32 @!p0 $0x0, s1;
	[sflag:s0] =	ssyncset.done @!p0 $0x0  }
0x8b8: {  	[sflag:s0] =	ssyncadd.s32 @!p0 s1  }
0x8b9: {  	[bflag:$0x3] =	sbarrier.arrive $0xFFFF  }
0x8ba: {  	_ =	shalt  }

</sc_bundles>
